<compile_context>
chip_gen: v7x
topology: tpu7x:2x2x1
jax: 0.10.2.dev20260603
libtpu: 0.0.44.dev20260713+nightly
codegen_flags: <defaults>
</compile_context>

<pallas_src>
import functools
import jax
import jax.numpy as jnp
from jax import lax
from jax.experimental import pallas as pl
from jax.experimental.pallas import tpu as pltpu
from jax.experimental.pallas import tpu_sc as plsc

N_NODES = 50000
N_EDGES = 800000
IN_CH = 128
EDGE_DIM = 16
HIDDEN = 64
HH = 32
NUM_GRAPHS = 128

NC = 2
NS = 16
PER_TILE = N_EDGES // NS
CH = 80
NCHUNK = PER_TILE // CH
ROWS_A = 3128
ROWS_LAST = N_NODES - (NS - 1) * ROWS_A



def _sc_pass_body(h0, h1, ea0, ea1, src, dst, perm, zrows,
                  agg0, agg1, acc, sidx, didx, pidx, gbuf, eabuf, sem):
  c = lax.axis_index("c")
  s = lax.axis_index("s")

  def do_half(h_ref, ea_ref, agg_ref):
    @pl.when(s < NS - 1)
    def _():
      pltpu.sync_copy(zrows.at[pl.ds(0, ROWS_A)], acc.at[pl.ds(s * ROWS_A, ROWS_A)])

    @pl.when(s == NS - 1)
    def _():
      pltpu.sync_copy(zrows.at[pl.ds(0, ROWS_LAST)],
                      acc.at[pl.ds((NS - 1) * ROWS_A, ROWS_LAST)])

    plsc.subcore_barrier()

    base = s * PER_TILE

    @pl.loop(0, NCHUNK)
    def _chunk(i):
      e0 = base + i * CH
      pltpu.sync_copy(src.at[pl.ds(e0, CH)], sidx)
      pltpu.sync_copy(dst.at[pl.ds(e0, CH)], didx)
      pltpu.sync_copy(perm.at[pl.ds(e0, CH)], pidx)
      pltpu.async_copy(ea_ref.at[pidx], eabuf, sem).wait()
      pltpu.async_copy(h_ref.at[sidx], gbuf, sem).wait()

      @pl.loop(0, CH, unroll=4)
      def _row(r):
        a = gbuf[r, pl.ds(0, 16)] + eabuf[r, pl.ds(0, 16)]
        gbuf[r, pl.ds(0, 16)] = jnp.maximum(a, 0.0)
        b = gbuf[r, pl.ds(16, 16)] + eabuf[r, pl.ds(16, 16)]
        gbuf[r, pl.ds(16, 16)] = jnp.maximum(b, 0.0)

      pltpu.sync_copy(gbuf, acc.at[didx], add=True)

    plsc.subcore_barrier()

    @pl.when(s < NS - 1)
    def _():
      pltpu.sync_copy(acc.at[pl.ds(s * ROWS_A, ROWS_A)],
                      agg_ref.at[pl.ds(s * ROWS_A, ROWS_A)])

    @pl.when(s == NS - 1)
    def _():
      pltpu.sync_copy(acc.at[pl.ds((NS - 1) * ROWS_A, ROWS_LAST)],
                      agg_ref.at[pl.ds((NS - 1) * ROWS_A, ROWS_LAST)])

  @pl.when(c == 0)
  def _():
    do_half(h0, ea0, agg0)

  @pl.when(c == 1)
  def _():
    do_half(h1, ea1, agg1)


@functools.cache
def _get_sc_pass():
  return pl.kernel(
      _sc_pass_body,
      out_type=(jax.ShapeDtypeStruct((N_NODES, HH), jnp.float32),
                jax.ShapeDtypeStruct((N_NODES, HH), jnp.float32)),
      mesh=plsc.VectorSubcoreMesh(core_axis_name="c", subcore_axis_name="s",
                                  num_cores=NC, num_subcores=NS),
      compiler_params=pltpu.CompilerParams(use_tc_tiling_on_sc=False),
      scratch_types=[
          pltpu.VMEM_SHARED((N_NODES, HH), jnp.float32),
          pltpu.VMEM((CH,), jnp.int32),
          pltpu.VMEM((CH,), jnp.int32),
          pltpu.VMEM((CH,), jnp.int32),
          pltpu.VMEM((CH, HH), jnp.float32),
          pltpu.VMEM((CH, HH), jnp.float32),
          pltpu.SemaphoreType.DMA,
      ],
  )


def _sc_pass(*args):
  return _get_sc_pass()(*args)



BN_ENC = 2000
BE = 8000
BM = 2000


def _enc_body(x_ref, w_ref, b_ref, h0_ref, h1_ref):
  h = jnp.dot(x_ref[...], w_ref[...], preferred_element_type=jnp.float32)
  h = h + b_ref[...]
  h0_ref[...] = h[:, :HH]
  h1_ref[...] = h[:, HH:]


def _enc(x, w, b):
  return pl.pallas_call(
      _enc_body,
      grid=(N_NODES // BN_ENC,),
      in_specs=[
          pl.BlockSpec((BN_ENC, IN_CH), lambda i: (i, 0)),
          pl.BlockSpec((IN_CH, HIDDEN), lambda i: (0, 0)),
          pl.BlockSpec((1, HIDDEN), lambda i: (0, 0)),
      ],
      out_specs=[
          pl.BlockSpec((BN_ENC, HH), lambda i: (i, 0)),
          pl.BlockSpec((BN_ENC, HH), lambda i: (i, 0)),
      ],
      out_shape=[
          jax.ShapeDtypeStruct((N_NODES, HH), jnp.float32),
          jax.ShapeDtypeStruct((N_NODES, HH), jnp.float32),
      ],
  )(x, w, b)


def _ea_body(e_ref, w_ref, b_ref, o0_ref, o1_ref):
  o = jnp.dot(e_ref[...], w_ref[...], preferred_element_type=jnp.float32)
  o = o + b_ref[...]
  o0_ref[...] = o[:, :HH]
  o1_ref[...] = o[:, HH:]


def _ea_embed(edge_attr, w, b):
  return pl.pallas_call(
      _ea_body,
      grid=(N_EDGES // BE,),
      in_specs=[
          pl.BlockSpec((BE, EDGE_DIM), lambda i: (i, 0)),
          pl.BlockSpec((EDGE_DIM, HIDDEN), lambda i: (0, 0)),
          pl.BlockSpec((1, HIDDEN), lambda i: (0, 0)),
      ],
      out_specs=[
          pl.BlockSpec((BE, HH), lambda i: (i, 0)),
          pl.BlockSpec((BE, HH), lambda i: (i, 0)),
      ],
      out_shape=[
          jax.ShapeDtypeStruct((N_EDGES, HH), jnp.float32),
          jax.ShapeDtypeStruct((N_EDGES, HH), jnp.float32),
      ],
  )(edge_attr, w, b)


def _onehot(batch_row):
  gid = lax.broadcasted_iota(jnp.int32, (1, NUM_GRAPHS), 1)
  return (batch_row[:, None] == gid).astype(jnp.float32)


def _m0_body(h0, h1, a0, a1, bt, eps_ref,
             w1l, b1l, w2l, b2l, w1g, b1g, w2g, b2g,
             hl0, hl1, hg0, hg1, pool):
  i = pl.program_id(0)
  h = jnp.concatenate([h0[...], h1[...]], axis=1)
  agg = jnp.concatenate([a0[...], a1[...]], axis=1)
  oh = _onehot(bt[0, 0, :])

  pcs = []
  for (k, w1, b1, w2, b2, ho0, ho1) in (
      (0, w1l, b1l, w2l, b2l, hl0, hl1),
      (1, w1g, b1g, w2g, b2g, hg0, hg1)):
    z = (1.0 + eps_ref[k]) * h + agg
    t = jnp.maximum(jnp.dot(z, w1[...], preferred_element_type=jnp.float32)
                    + b1[...], 0.0)
    z2 = jnp.dot(t, w2[...], preferred_element_type=jnp.float32) + b2[...]
    hn = jnp.maximum(z2, 0.0)
    ho0[...] = hn[:, :HH]
    ho1[...] = hn[:, HH:]
    pcs.append(lax.dot_general(oh, hn, (((0,), (0,)), ((), ())),
                               precision=lax.Precision.HIGHEST,
                               preferred_element_type=jnp.float32))

  pc = jnp.concatenate(pcs, axis=1)

  @pl.when(i == 0)
  def _():
    pool[...] = pc

  @pl.when(i > 0)
  def _():
    pool[...] += pc


def _mlp0(h0, h1, a0, a1, batch3, eps2, wl, wg):
  wspec = [
      pl.BlockSpec((HIDDEN, HIDDEN), lambda i: (0, 0)),
      pl.BlockSpec((1, HIDDEN), lambda i: (0, 0)),
      pl.BlockSpec((HIDDEN, HIDDEN), lambda i: (0, 0)),
      pl.BlockSpec((1, HIDDEN), lambda i: (0, 0)),
  ]
  return pl.pallas_call(
      _m0_body,
      grid=(N_NODES // BM,),
      in_specs=[
          pl.BlockSpec((BM, HH), lambda i: (i, 0)),
          pl.BlockSpec((BM, HH), lambda i: (i, 0)),
          pl.BlockSpec((BM, HH), lambda i: (i, 0)),
          pl.BlockSpec((BM, HH), lambda i: (i, 0)),
          pl.BlockSpec((1, 1, BM), lambda i: (i, 0, 0)),
          pl.BlockSpec(memory_space=pltpu.SMEM),
      ] + wspec + wspec,
      out_specs=[
          pl.BlockSpec((BM, HH), lambda i: (i, 0)),
          pl.BlockSpec((BM, HH), lambda i: (i, 0)),
          pl.BlockSpec((BM, HH), lambda i: (i, 0)),
          pl.BlockSpec((BM, HH), lambda i: (i, 0)),
          pl.BlockSpec((NUM_GRAPHS, 2 * HIDDEN), lambda i: (0, 0)),
      ],
      out_shape=[
          jax.ShapeDtypeStruct((N_NODES, HH), jnp.float32),
          jax.ShapeDtypeStruct((N_NODES, HH), jnp.float32),
          jax.ShapeDtypeStruct((N_NODES, HH), jnp.float32),
          jax.ShapeDtypeStruct((N_NODES, HH), jnp.float32),
          jax.ShapeDtypeStruct((NUM_GRAPHS, 2 * HIDDEN), jnp.float32),
      ],
  )(h0, h1, a0, a1, batch3, eps2, *wl, *wg)


def _m1_body(hl0, hl1, al0, al1, hg0, hg1, ag0, ag1, bt, eps_ref,
             w1l, b1l, w2l, b2l, w1g, b1g, w2g, b2g, pool):
  i = pl.program_id(0)
  oh = _onehot(bt[0, 0, :])

  pcs = []
  for (k, h0, h1, a0, a1, w1, b1, w2, b2) in (
      (0, hl0, hl1, al0, al1, w1l, b1l, w2l, b2l),
      (1, hg0, hg1, ag0, ag1, w1g, b1g, w2g, b2g)):
    h = jnp.concatenate([h0[...], h1[...]], axis=1)
    agg = jnp.concatenate([a0[...], a1[...]], axis=1)
    z = (1.0 + eps_ref[k]) * h + agg
    t = jnp.maximum(jnp.dot(z, w1[...], preferred_element_type=jnp.float32)
                    + b1[...], 0.0)
    z2 = jnp.dot(t, w2[...], preferred_element_type=jnp.float32) + b2[...]
    pcs.append(lax.dot_general(oh, z2, (((0,), (0,)), ((), ())),
                               precision=lax.Precision.HIGHEST,
                               preferred_element_type=jnp.float32))

  pc = jnp.concatenate(pcs, axis=1)

  @pl.when(i == 0)
  def _():
    pool[...] = pc

  @pl.when(i > 0)
  def _():
    pool[...] += pc


def _mlp1(hl0, hl1, al0, al1, hg0, hg1, ag0, ag1, batch3, eps2, wl, wg):
  wspec = [
      pl.BlockSpec((HIDDEN, HIDDEN), lambda i: (0, 0)),
      pl.BlockSpec((1, HIDDEN), lambda i: (0, 0)),
      pl.BlockSpec((HIDDEN, HIDDEN), lambda i: (0, 0)),
      pl.BlockSpec((1, HIDDEN), lambda i: (0, 0)),
  ]
  return pl.pallas_call(
      _m1_body,
      grid=(N_NODES // BM,),
      in_specs=[pl.BlockSpec((BM, HH), lambda i: (i, 0))] * 8 + [
          pl.BlockSpec((1, 1, BM), lambda i: (i, 0, 0)),
          pl.BlockSpec(memory_space=pltpu.SMEM),
      ] + wspec + wspec,
      out_specs=pl.BlockSpec((NUM_GRAPHS, 2 * HIDDEN), lambda i: (0, 0)),
      out_shape=jax.ShapeDtypeStruct((NUM_GRAPHS, 2 * HIDDEN), jnp.float32),
  )(hl0, hl1, al0, al1, hg0, hg1, ag0, ag1, batch3, eps2, *wl, *wg)


def _bn(x, g, b, eps=1e-5):
  mu = jnp.mean(x, axis=0, keepdims=True)
  var = jnp.mean((x - mu) * (x - mu), axis=0, keepdims=True)
  return (x - mu) / jnp.sqrt(var + eps) * g + b


def _head_body(pool0, pool1,
               w1g, b1g, g1g, be1g, w2g, b2g, g2g, be2g,
               w1l, b1l, g1l, be1l, w2l, b2l, g2l, be2l,
               wc, bc, out_ref, xl_ref, xg_ref):
  x_loc = jnp.concatenate([pool0[:, :HIDDEN], pool1[:, :HIDDEN]], axis=1)
  x_glob = jnp.concatenate([pool0[:, HIDDEN:], pool1[:, HIDDEN:]], axis=1)

  xg = jnp.dot(x_glob, w1g[...], preferred_element_type=jnp.float32) + b1g[...]
  xg = _bn(xg, g1g[...], be1g[...])
  xg = jnp.dot(xg, w2g[...], preferred_element_type=jnp.float32) + b2g[...]
  xg = _bn(xg, g2g[...], be2g[...])
  xg = jnp.maximum(xg, 0.0)

  xl = jnp.dot(x_loc, w1l[...], preferred_element_type=jnp.float32) + b1l[...]
  xl = _bn(xl, g1l[...], be1l[...])
  xl = jnp.dot(xl, w2l[...], preferred_element_type=jnp.float32) + b2l[...]
  xl = _bn(xl, g2l[...], be2l[...])
  xl = jnp.maximum(xl, 0.0)

  out_ref[...] = jnp.dot(xl + xg, wc[...],
                         preferred_element_type=jnp.float32) + bc[...]
  xl_ref[...] = xl
  xg_ref[...] = xg


def _head(pool0, pool1, hw):
  return pl.pallas_call(
      _head_body,
      in_specs=[pl.BlockSpec(a.shape, lambda: tuple(0 for _ in a.shape))
                for a in (pool0, pool1) + tuple(hw)],
      out_specs=[
          pl.BlockSpec((NUM_GRAPHS, 10), lambda: (0, 0)),
          pl.BlockSpec((NUM_GRAPHS, HIDDEN), lambda: (0, 0)),
          pl.BlockSpec((NUM_GRAPHS, HIDDEN), lambda: (0, 0)),
      ],
      out_shape=[
          jax.ShapeDtypeStruct((NUM_GRAPHS, 10), jnp.float32),
          jax.ShapeDtypeStruct((NUM_GRAPHS, HIDDEN), jnp.float32),
          jax.ShapeDtypeStruct((NUM_GRAPHS, HIDDEN), jnp.float32),
      ],
  )(pool0, pool1, *hw)



def kernel(x, edge_index, edge_attr, batch, params):
  p = params
  src = edge_index[0].astype(jnp.int32)
  dst = edge_index[1].astype(jnp.int32)
  perm = jnp.argsort(dst, stable=True).astype(jnp.int32)
  src = src[perm]
  dst = dst[perm]
  batch3 = batch.astype(jnp.int32).reshape(N_NODES // BM, 1, BM)
  zrows = jnp.zeros((ROWS_A, HH), jnp.float32)

  def row(v):
    return v.reshape(1, -1)

  h0, h1 = _enc(x, p['W_enc'], row(p['b_enc']))
  ea0, ea1 = _ea_embed(edge_attr, p['W_emb'], row(p['b_emb']))

  a0, a1 = _sc_pass(h0, h1, ea0, ea1, src, dst, perm, zrows)

  Ll0, Lg0 = p['gnn_loc'][0], p['gnn_glob'][0]
  Ll1, Lg1 = p['gnn_loc'][1], p['gnn_glob'][1]
  eps2 = jnp.stack([Ll0['eps'], Lg0['eps']])
  wl = (Ll0['W1'], row(Ll0['b1']), Ll0['W2'], row(Ll0['b2']))
  wg = (Lg0['W1'], row(Lg0['b1']), Lg0['W2'], row(Lg0['b2']))
  hl0, hl1, hg0, hg1, pool0 = _mlp0(
      h0, h1, a0, a1, batch3, eps2, wl, wg)

  al0, al1 = _sc_pass(hl0, hl1, ea0, ea1, src, dst, perm, zrows)
  ag0, ag1 = _sc_pass(hg0, hg1, ea0, ea1, src, dst, perm, zrows)

  eps2b = jnp.stack([Ll1['eps'], Lg1['eps']])
  pool1 = _mlp1(hl0, hl1, al0, al1, hg0, hg1, ag0, ag1, batch3, eps2b,
                (Ll1['W1'], row(Ll1['b1']), Ll1['W2'], row(Ll1['b2'])),
                (Lg1['W1'], row(Lg1['b1']), Lg1['W2'], row(Lg1['b2'])))

  hw = (p['W_out1_glob'], row(p['b_out1_glob']),
        row(p['bn1_g_glob']), row(p['bn1_b_glob']),
        p['W_out2_glob'], row(p['b_out2_glob']),
        row(p['bn2_g_glob']), row(p['bn2_b_glob']),
        p['W_out1_loc'], row(p['b_out1_loc']),
        row(p['bn1_g_loc']), row(p['bn1_b_loc']),
        p['W_out2_loc'], row(p['b_out2_loc']),
        row(p['bn2_g_loc']), row(p['bn2_b_loc']),
        p['W_clf'], row(p['b_clf']))

  out, xl, xg = _head(pool0, pool1, hw)
  return (out, xl, xg)

# --- scband reference (transcript-rebuilt; emitter-appended) ---
"""Pipeline reference for scband-gnn-net-graph-16896401342921 (READ-ONLY COPY).

The authoritative reference and input builder live on the scoring server;
editing this copy changes nothing except your own understanding.
"""

import jax, jax.numpy as jnp
import numpy as np

N_NODES = 50000
N_EDGES = 800000
IN_CH = 128
EDGE_DIM = 16
HIDDEN = 64
DEPTH = 2
OUT_CH = 10
NUM_GRAPHS = 128


def _glorot(key, shape):
    fan_in, fan_out = shape[0], shape[1]
    lim = jnp.sqrt(6.0 / (fan_in + fan_out))
    return jax.random.uniform(key, shape, minval=-lim, maxval=lim, dtype=jnp.float32)


def _make_params(key):
    ks = iter(jax.random.split(key, 64))
    p = {}
    p['W_enc'] = _glorot(next(ks), (IN_CH, HIDDEN)); p['b_enc'] = jnp.zeros((HIDDEN,), jnp.float32)
    p['W_emb'] = _glorot(next(ks), (EDGE_DIM, HIDDEN)); p['b_emb'] = jnp.zeros((HIDDEN,), jnp.float32)
    for tag in ('loc', 'glob'):
        layers = []
        for _ in range(DEPTH):
            layers.append({
                'eps': jnp.zeros((), jnp.float32),
                'W1': _glorot(next(ks), (HIDDEN, HIDDEN)), 'b1': jnp.zeros((HIDDEN,), jnp.float32),
                'W2': _glorot(next(ks), (HIDDEN, HIDDEN)), 'b2': jnp.zeros((HIDDEN,), jnp.float32),
            })
        p['gnn_' + tag] = layers
    for tag in ('glob', 'loc'):
        p['W_out1_' + tag] = _glorot(next(ks), (HIDDEN * DEPTH, HIDDEN)); p['b_out1_' + tag] = jnp.zeros((HIDDEN,), jnp.float32)
        p['W_out2_' + tag] = _glorot(next(ks), (HIDDEN, 64)); p['b_out2_' + tag] = jnp.zeros((64,), jnp.float32)
        p['bn1_g_' + tag] = jnp.ones((HIDDEN,), jnp.float32); p['bn1_b_' + tag] = jnp.zeros((HIDDEN,), jnp.float32)
        p['bn2_g_' + tag] = jnp.ones((64,), jnp.float32); p['bn2_b_' + tag] = jnp.zeros((64,), jnp.float32)
    p['W_clf'] = _glorot(next(ks), (64, OUT_CH)); p['b_clf'] = jnp.zeros((OUT_CH,), jnp.float32)
    return p


def _bn(x, g, b, eps=1e-5):
    mu = x.mean(axis=0)
    var = x.var(axis=0)
    return (x - mu) / jnp.sqrt(var + eps) * g + b


def _gine_net(x, edge_index, edge_attr, layers):
    # GINEConv stack with per-layer output concatenation (output dim = hidden * max_depth)
    src, dst = edge_index[0], edge_index[1]
    outs = []
    h = x
    for i, L in enumerate(layers):
        msg = jax.nn.relu(h[src] + edge_attr)
        agg = jax.ops.segment_sum(msg, dst, num_segments=h.shape[0])
        z = (1.0 + L['eps']) * h + agg
        z = jax.nn.relu(z @ L['W1'] + L['b1']) @ L['W2'] + L['b2']
        if i < len(layers) - 1:
            h = jax.nn.relu(z)
        else:
            h = z
        outs.append(h)
    return jnp.concatenate(outs, axis=1)


def _forward(x, edge_attr, edge_index, batch, params):
    p = params
    h = x @ p['W_enc'] + p['b_enc']
    ea = edge_attr @ p['W_emb'] + p['b_emb']
    x_loc = _gine_net(h, edge_index, ea, p['gnn_loc'])
    x_glob = _gine_net(h, edge_index, ea, p['gnn_glob'])
    x_loc = jax.ops.segment_sum(x_loc, batch, num_segments=NUM_GRAPHS)
    x_glob = jax.ops.segment_sum(x_glob, batch, num_segments=NUM_GRAPHS)
    xg = x_glob @ p['W_out1_glob'] + p['b_out1_glob']
    xg = _bn(xg, p['bn1_g_glob'], p['bn1_b_glob'])
    xg = xg @ p['W_out2_glob'] + p['b_out2_glob']
    xg = _bn(xg, p['bn2_g_glob'], p['bn2_b_glob'])
    xg = jax.nn.relu(xg)
    xl = x_loc @ p['W_out1_loc'] + p['b_out1_loc']
    xl = _bn(xl, p['bn1_g_loc'], p['bn1_b_loc'])
    xl = xl @ p['W_out2_loc'] + p['b_out2_loc']
    xl = _bn(xl, p['bn2_g_loc'], p['bn2_b_loc'])
    xl = jax.nn.relu(xl)
    out = (xl + xg) @ p['W_clf'] + p['b_clf']
    return (out, xl, xg)


def setup_inputs(seed: int = 0) -> dict:
    key = jax.random.key(seed)
    k1, k2, k3, k4, k5 = jax.random.split(key, 5)
    x = jax.random.normal(k1, (N_NODES, IN_CH), dtype=jnp.float32)
    edge_index = jax.random.randint(k2, (2, N_EDGES), 0, N_NODES, dtype=jnp.int64 if jax.config.jax_enable_x64 else jnp.int32)
    edge_attr = jax.random.normal(k3, (N_EDGES, EDGE_DIM), dtype=jnp.float32)
    batch = jnp.sort(jax.random.randint(k4, (N_NODES,), 0, NUM_GRAPHS, dtype=jnp.int64 if jax.config.jax_enable_x64 else jnp.int32))
    params = _make_params(k5)
    return {'x': x, 'edge_index': edge_index, 'edge_attr': edge_attr, 'batch': batch, 'params': params}


def reference(x, edge_index, edge_attr, batch, params):
    return _forward(x, edge_attr, edge_index, batch, params)

if __name__ == "__main__":
    import jax
    _d = setup_inputs()
    print(jax.jit(kernel)(*tuple(_d.values())))

</pallas_src>

<mosaic_0001>
#map = affine_map<(d0, d1) -> (0, 0)>
#map1 = affine_map<(d0, d1) -> (0)>
module attributes {stable_mosaic.version = 14 : i64} {
  func.func @_sc_pass_body(%arg0: i32, %arg1: i32, %arg2: memref<50000x32xf32, #tpu.memory_space<hbm>>, %arg3: memref<50000x32xf32, #tpu.memory_space<hbm>>, %arg4: memref<800000x32xf32, #tpu.memory_space<hbm>>, %arg5: memref<800000x32xf32, #tpu.memory_space<hbm>>, %arg6: memref<800000xi32, #tpu.memory_space<hbm>>, %arg7: memref<800000xi32, #tpu.memory_space<hbm>>, %arg8: memref<800000xi32, #tpu.memory_space<hbm>>, %arg9: memref<3128x32xf32, #tpu.memory_space<hbm>>, %arg10: memref<50000x32xf32, #tpu.memory_space<hbm>>, %arg11: memref<50000x32xf32, #tpu.memory_space<hbm>>, %arg12: memref<50000x32xf32, #tpu.memory_space<vmem_shared>>, %arg13: memref<80xi32, #tpu.memory_space<vmem>>, %arg14: memref<80xi32, #tpu.memory_space<vmem>>, %arg15: memref<80xi32, #tpu.memory_space<vmem>>, %arg16: memref<80x32xf32, #tpu.memory_space<vmem>>, %arg17: memref<80x32xf32, #tpu.memory_space<vmem>>, %arg18: memref<!tpu.dma_semaphore, #tpu.memory_space<semaphore_mem>>) attributes {dimension_semantics = [#tpu.dimension_semantics<core_parallel>, #tpu.dimension_semantics<subcore_parallel>], iteration_bounds = array<i64: 2, 16>, scalar_prefetch = 0 : i64, scratch_operands = 7 : i64, tpu.core_type = #tpu.core_type<sc_vector_subcore>, window_params = [{transform_indices = #map}, {transform_indices = #map}, {transform_indices = #map}, {transform_indices = #map}, {transform_indices = #map1}, {transform_indices = #map1}, {transform_indices = #map1}, {transform_indices = #map}, {transform_indices = #map}, {transform_indices = #map}]} {
    %eq3A = arith.constant 0 : i32
    %eq3A_0 = arith.cmpi eq, %arg0, %eq3A : i32
    %convert_element_type3A = arith.extui %eq3A_0 : i1 to i32
    %cond3A = arith.constant 0 : i32
    %cond3A_1 = arith.cmpi ne, %convert_element_type3A, %cond3A : i32
    scf.if %cond3A_1 {
      %lt3A = arith.constant 15 : i32
      %lt3A_7 = arith.cmpi slt, %arg1, %lt3A : i32
      %convert_element_type3A_8 = arith.extui %lt3A_7 : i1 to i32
      %cond3A_9 = arith.constant 0 : i32
      %cond3A_10 = arith.cmpi ne, %convert_element_type3A_8, %cond3A_9 : i32
      scf.if %cond3A_10 {
        %mul3A_32 = arith.constant 3128 : i32
        %mul3A_33 = arith.muli %arg1, %mul3A_32 : i32
        "tpu.region"() ({
          %run_scoped3A = tpu.sem_alloc : memref<!tpu.dma_semaphore, #tpu.memory_space<semaphore_mem>>
          %dma_start3A = arith.constant 0 : i32
          %dma_start3A_34 = tpu.memref_slice %arg12[%mul3A_33, %dma_start3A] : memref<50000x32xf32, #tpu.memory_space<vmem_shared>> -> memref<3128x32xf32, #tpu.memory_space<vmem_shared>>
          %dma_start3A_35 = arith.constant 0 : i32
          %dma_start3A_36 = arith.constant 0 : i32
          %dma_start3A_37 = tpu.memref_slice %arg9[%dma_start3A_35, %dma_start3A_36] : memref<3128x32xf32, #tpu.memory_space<hbm>> -> memref<3128x32xf32, #tpu.memory_space<hbm>>
          tpu.enqueue_dma source(%dma_start3A_37 : memref<3128x32xf32, #tpu.memory_space<hbm>>) target(%dma_start3A_34 : memref<3128x32xf32, #tpu.memory_space<vmem_shared>>) target_semaphore(%run_scoped3A : memref<!tpu.dma_semaphore, #tpu.memory_space<semaphore_mem>>)
          %dma_wait3A = arith.constant 0 : i32
          %dma_wait3A_38 = tpu.memref_slice %arg12[%mul3A_33, %dma_wait3A] : memref<50000x32xf32, #tpu.memory_space<vmem_shared>> -> memref<3128x32xf32, #tpu.memory_space<vmem_shared>>
          %dma_wait3A_39 = arith.constant 0 : i32
          %dma_wait3A_40 = arith.constant 0 : i32
          %dma_wait3A_41 = tpu.memref_slice %arg9[%dma_wait3A_39, %dma_wait3A_40] : memref<3128x32xf32, #tpu.memory_space<hbm>> -> memref<3128x32xf32, #tpu.memory_space<hbm>>
          tpu.wait_dma2 semaphore(%run_scoped3A : memref<!tpu.dma_semaphore, #tpu.memory_space<semaphore_mem>>) src(%dma_wait3A_41 : memref<3128x32xf32, #tpu.memory_space<hbm>>) dst(%dma_wait3A_38 : memref<3128x32xf32, #tpu.memory_space<vmem_shared>>)
          tpu.yield
        }) : () -> ()
      } else {
      }
      %eq3A_11 = arith.constant 15 : i32
      %eq3A_12 = arith.cmpi eq, %arg1, %eq3A_11 : i32
      %convert_element_type3A_13 = arith.extui %eq3A_12 : i1 to i32
      %cond3A_14 = arith.constant 0 : i32
      %cond3A_15 = arith.cmpi ne, %convert_element_type3A_13, %cond3A_14 : i32
      scf.if %cond3A_15 {
        "tpu.region"() ({
          %run_scoped3A = tpu.sem_alloc : memref<!tpu.dma_semaphore, #tpu.memory_space<semaphore_mem>>
          %dma_start3A = arith.constant 46920 : i32
          %dma_start3A_32 = arith.constant 0 : i32
          %dma_start3A_33 = tpu.memref_slice %arg12[%dma_start3A, %dma_start3A_32] : memref<50000x32xf32, #tpu.memory_space<vmem_shared>> -> memref<3080x32xf32, #tpu.memory_space<vmem_shared>>
          %dma_start3A_34 = arith.constant 0 : i32
          %dma_start3A_35 = arith.constant 0 : i32
          %dma_start3A_36 = tpu.memref_slice %arg9[%dma_start3A_34, %dma_start3A_35] : memref<3128x32xf32, #tpu.memory_space<hbm>> -> memref<3080x32xf32, #tpu.memory_space<hbm>>
          tpu.enqueue_dma source(%dma_start3A_36 : memref<3080x32xf32, #tpu.memory_space<hbm>>) target(%dma_start3A_33 : memref<3080x32xf32, #tpu.memory_space<vmem_shared>>) target_semaphore(%run_scoped3A : memref<!tpu.dma_semaphore, #tpu.memory_space<semaphore_mem>>)
          %dma_wait3A = arith.constant 46920 : i32
          %dma_wait3A_37 = arith.constant 0 : i32
          %dma_wait3A_38 = tpu.memref_slice %arg12[%dma_wait3A, %dma_wait3A_37] : memref<50000x32xf32, #tpu.memory_space<vmem_shared>> -> memref<3080x32xf32, #tpu.memory_space<vmem_shared>>
          %dma_wait3A_39 = arith.constant 0 : i32
          %dma_wait3A_40 = arith.constant 0 : i32
          %dma_wait3A_41 = tpu.memref_slice %arg9[%dma_wait3A_39, %dma_wait3A_40] : memref<3128x32xf32, #tpu.memory_space<hbm>> -> memref<3080x32xf32, #tpu.memory_space<hbm>>
          tpu.wait_dma2 semaphore(%run_scoped3A : memref<!tpu.dma_semaphore, #tpu.memory_space<semaphore_mem>>) src(%dma_wait3A_41 : memref<3080x32xf32, #tpu.memory_space<hbm>>) dst(%dma_wait3A_38 : memref<3080x32xf32, #tpu.memory_space<vmem_shared>>)
          tpu.yield
        }) : () -> ()
      } else {
      }
      %barrier3A = arith.constant 0 : index
      tpu.barrier barrier_id(%barrier3A)
      %mul3A = arith.constant 50000 : i32
      %mul3A_16 = arith.muli %arg1, %mul3A : i32
      %scan3A = arith.constant 0 : i32
      %scan3A_17 = arith.constant 625 : i32
      %scan3A_18 = arith.addi %scan3A, %scan3A_17 : i32
      %scan3A_19 = arith.constant 1 : i32
      scf.for %scan3A_32 = %scan3A to %scan3A_18 step %scan3A_19  : i32 {
        %mul3A_33 = arith.constant 1 : i32
        %mul3A_34 = arith.muli %scan3A_32, %mul3A_33 : i32
        %add3A = arith.constant 0 : i32
        %add3A_35 = arith.addi %add3A, %mul3A_34 : i32
        %mul3A_36 = arith.constant 80 : i32
        %mul3A_37 = arith.muli %add3A_35, %mul3A_36 : i32
        %add3A_38 = arith.addi %mul3A_16, %mul3A_37 : i32
        "tpu.region"() ({
          %run_scoped3A = tpu.sem_alloc : memref<!tpu.dma_semaphore, #tpu.memory_space<semaphore_mem>>
          %dma_start3A_54 = tpu.memref_slice %arg6[%add3A_38] : memref<800000xi32, #tpu.memory_space<hbm>> -> memref<80xi32, #tpu.memory_space<hbm>>
          %dma_start3A_55 = tpu.memref_slice %arg6[%add3A_38] : memref<800000xi32, #tpu.memory_space<hbm>> -> memref<80xi32, #tpu.memory_space<hbm>>
          tpu.enqueue_dma source(%dma_start3A_55 : memref<80xi32, #tpu.memory_space<hbm>>) target(%arg13 : memref<80xi32, #tpu.memory_space<vmem>>) target_semaphore(%run_scoped3A : memref<!tpu.dma_semaphore, #tpu.memory_space<semaphore_mem>>)
          %dma_wait3A_56 = tpu.memref_slice %arg6[%add3A_38] : memref<800000xi32, #tpu.memory_space<hbm>> -> memref<80xi32, #tpu.memory_space<hbm>>
          %dma_wait3A_57 = tpu.memref_slice %arg6[%add3A_38] : memref<800000xi32, #tpu.memory_space<hbm>> -> memref<80xi32, #tpu.memory_space<hbm>>
          tpu.wait_dma2 semaphore(%run_scoped3A : memref<!tpu.dma_semaphore, #tpu.memory_space<semaphore_mem>>) src(%dma_wait3A_57 : memref<80xi32, #tpu.memory_space<hbm>>) dst(%arg13 : memref<80xi32, #tpu.memory_space<vmem>>)
          tpu.yield
        }) : () -> ()
        "tpu.region"() ({
          %run_scoped3A = tpu.sem_alloc : memref<!tpu.dma_semaphore, #tpu.memory_space<semaphore_mem>>
          %dma_start3A_54 = tpu.memref_slice %arg7[%add3A_38] : memref<800000xi32, #tpu.memory_space<hbm>> -> memref<80xi32, #tpu.memory_space<hbm>>
          %dma_start3A_55 = tpu.memref_slice %arg7[%add3A_38] : memref<800000xi32, #tpu.memory_space<hbm>> -> memref<80xi32, #tpu.memory_space<hbm>>
          tpu.enqueue_dma source(%dma_start3A_55 : memref<80xi32, #tpu.memory_space<hbm>>) target(%arg14 : memref<80xi32, #tpu.memory_space<vmem>>) target_semaphore(%run_scoped3A : memref<!tpu.dma_semaphore, #tpu.memory_space<semaphore_mem>>)
          %dma_wait3A_56 = tpu.memref_slice %arg7[%add3A_38] : memref<800000xi32, #tpu.memory_space<hbm>> -> memref<80xi32, #tpu.memory_space<hbm>>
          %dma_wait3A_57 = tpu.memref_slice %arg7[%add3A_38] : memref<800000xi32, #tpu.memory_space<hbm>> -> memref<80xi32, #tpu.memory_space<hbm>>
          tpu.wait_dma2 semaphore(%run_scoped3A : memref<!tpu.dma_semaphore, #tpu.memory_space<semaphore_mem>>) src(%dma_wait3A_57 : memref<80xi32, #tpu.memory_space<hbm>>) dst(%arg14 : memref<80xi32, #tpu.memory_space<vmem>>)
          tpu.yield
        }) : () -> ()
        "tpu.region"() ({
          %run_scoped3A = tpu.sem_alloc : memref<!tpu.dma_semaphore, #tpu.memory_space<semaphore_mem>>
          %dma_start3A_54 = tpu.memref_slice %arg8[%add3A_38] : memref<800000xi32, #tpu.memory_space<hbm>> -> memref<80xi32, #tpu.memory_space<hbm>>
          %dma_start3A_55 = tpu.memref_slice %arg8[%add3A_38] : memref<800000xi32, #tpu.memory_space<hbm>> -> memref<80xi32, #tpu.memory_space<hbm>>
          tpu.enqueue_dma source(%dma_start3A_55 : memref<80xi32, #tpu.memory_space<hbm>>) target(%arg15 : memref<80xi32, #tpu.memory_space<vmem>>) target_semaphore(%run_scoped3A : memref<!tpu.dma_semaphore, #tpu.memory_space<semaphore_mem>>)
          %dma_wait3A_56 = tpu.memref_slice %arg8[%add3A_38] : memref<800000xi32, #tpu.memory_space<hbm>> -> memref<80xi32, #tpu.memory_space<hbm>>
          %dma_wait3A_57 = tpu.memref_slice %arg8[%add3A_38] : memref<800000xi32, #tpu.memory_space<hbm>> -> memref<80xi32, #tpu.memory_space<hbm>>
          tpu.wait_dma2 semaphore(%run_scoped3A : memref<!tpu.dma_semaphore, #tpu.memory_space<semaphore_mem>>) src(%dma_wait3A_57 : memref<80xi32, #tpu.memory_space<hbm>>) dst(%arg15 : memref<80xi32, #tpu.memory_space<vmem>>)
          tpu.yield
        }) : () -> ()
        %dma_start3A = arith.constant 0 : i32
        %dma_start3A_39 = arith.constant 0 : i32
        %dma_start3A_40 = tpu.memref_slice %arg4[%dma_start3A, %dma_start3A_39] : memref<800000x32xf32, #tpu.memory_space<hbm>> -> memref<800000x32xf32, #tpu.memory_space<hbm>>
        tpu.enqueue_indirect_dma source(%dma_start3A_40 : memref<800000x32xf32, #tpu.memory_space<hbm>>) target(%arg17 : memref<80x32xf32, #tpu.memory_space<vmem>>) offsets(%arg15 : memref<80xi32, #tpu.memory_space<vmem>>) semaphore(%arg18 : memref<!tpu.dma_semaphore, #tpu.memory_space<semaphore_mem>>)
        %dma_wait3A = arith.constant 0 : i32
        %dma_wait3A_41 = arith.constant 0 : i32
        %dma_wait3A_42 = tpu.memref_slice %arg4[%dma_wait3A, %dma_wait3A_41] : memref<800000x32xf32, #tpu.memory_space<hbm>> -> memref<800000x32xf32, #tpu.memory_space<hbm>>
        tpu.wait_indirect_dma semaphore(%arg18 : memref<!tpu.dma_semaphore, #tpu.memory_space<semaphore_mem>>) src(%dma_wait3A_42 : memref<800000x32xf32, #tpu.memory_space<hbm>>) dst(%arg17 : memref<80x32xf32, #tpu.memory_space<vmem>>)
        %dma_start3A_43 = arith.constant 0 : i32
        %dma_start3A_44 = arith.constant 0 : i32
        %dma_start3A_45 = tpu.memref_slice %arg2[%dma_start3A_43, %dma_start3A_44] : memref<50000x32xf32, #tpu.memory_space<hbm>> -> memref<50000x32xf32, #tpu.memory_space<hbm>>
        tpu.enqueue_indirect_dma source(%dma_start3A_45 : memref<50000x32xf32, #tpu.memory_space<hbm>>) target(%arg16 : memref<80x32xf32, #tpu.memory_space<vmem>>) offsets(%arg13 : memref<80xi32, #tpu.memory_space<vmem>>) semaphore(%arg18 : memref<!tpu.dma_semaphore, #tpu.memory_space<semaphore_mem>>)
        %dma_wait3A_46 = arith.constant 0 : i32
        %dma_wait3A_47 = arith.constant 0 : i32
        %dma_wait3A_48 = tpu.memref_slice %arg2[%dma_wait3A_46, %dma_wait3A_47] : memref<50000x32xf32, #tpu.memory_space<hbm>> -> memref<50000x32xf32, #tpu.memory_space<hbm>>
        tpu.wait_indirect_dma semaphore(%arg18 : memref<!tpu.dma_semaphore, #tpu.memory_space<semaphore_mem>>) src(%dma_wait3A_48 : memref<50000x32xf32, #tpu.memory_space<hbm>>) dst(%arg16 : memref<80x32xf32, #tpu.memory_space<vmem>>)
        %scan3A_49 = arith.constant 0 : i32
        %scan3A_50 = arith.constant 80 : i32
        %scan3A_51 = arith.addi %scan3A_49, %scan3A_50 : i32
        %scan3A_52 = arith.constant 4 : i32
        scf.for %scan3A_54 = %scan3A_49 to %scan3A_51 step %scan3A_52  : i32 {
          %mul3A_55 = arith.constant 1 : i32
          %mul3A_56 = arith.muli %scan3A_54, %mul3A_55 : i32
          %add3A_57 = arith.constant 0 : i32
          %add3A_58 = arith.addi %add3A_57, %mul3A_56 : i32
          %get3A = arith.index_cast %add3A_58 : i32 to index
          %get3A_59 = arith.constant 0 : index
          %get3A_60 = tpu.vector_load %arg16[%get3A, %get3A_59] {strides = array<i32>} : memref<80x32xf32, #tpu.memory_space<vmem>>, vector<1x16xf32>,
          %get3A_61 = vector.shape_cast %get3A_60 : vector<1x16xf32> to vector<16xf32>
          %get3A_62 = arith.index_cast %add3A_58 : i32 to index
          %get3A_63 = arith.constant 0 : index
          %get3A_64 = tpu.vector_load %arg17[%get3A_62, %get3A_63] {strides = array<i32>} : memref<80x32xf32, #tpu.memory_space<vmem>>, vector<1x16xf32>,
          %get3A_65 = vector.shape_cast %get3A_64 : vector<1x16xf32> to vector<16xf32>
          %add3A_66 = arith.addf %get3A_61, %get3A_65 : vector<16xf32>
          %max3A = arith.constant 0.000000e+00 : f32
          %max3A_67 = vector.broadcast %max3A : f32 to vector<16xf32>
          %max3A_68 = arith.maximumf %add3A_66, %max3A_67 : vector<16xf32>
          %swap3A = arith.index_cast %add3A_58 : i32 to index
          %swap3A_69 = arith.constant 0 : index
          %swap3A_70 = tpu.vector_load %arg16[%swap3A, %swap3A_69] {strides = array<i32>} : memref<80x32xf32, #tpu.memory_space<vmem>>, vector<1x16xf32>,
          %swap3A_71 = vector.shape_cast %swap3A_70 : vector<1x16xf32> to vector<16xf32>
          %swap3A_72 = vector.shape_cast %max3A_68 : vector<16xf32> to vector<1x16xf32>
          tpu.vector_store %arg16[%swap3A, %swap3A_69], %swap3A_72 {strides = array<i32>} : memref<80x32xf32, #tpu.memory_space<vmem>>, vector<1x16xf32>,
          %get3A_73 = arith.index_cast %add3A_58 : i32 to index
          %get3A_74 = arith.constant 16 : index
          %get3A_75 = tpu.vector_load %arg16[%get3A_73, %get3A_74] {strides = array<i32>} : memref<80x32xf32, #tpu.memory_space<vmem>>, vector<1x16xf32>,
          %get3A_76 = vector.shape_cast %get3A_75 : vector<1x16xf32> to vector<16xf32>
          %get3A_77 = arith.index_cast %add3A_58 : i32 to index
          %get3A_78 = arith.constant 16 : index
          %get3A_79 = tpu.vector_load %arg17[%get3A_77, %get3A_78] {strides = array<i32>} : memref<80x32xf32, #tpu.memory_space<vmem>>, vector<1x16xf32>,
          %get3A_80 = vector.shape_cast %get3A_79 : vector<1x16xf32> to vector<16xf32>
          %add3A_81 = arith.addf %get3A_76, %get3A_80 : vector<16xf32>
          %max3A_82 = arith.constant 0.000000e+00 : f32
          %max3A_83 = vector.broadcast %max3A_82 : f32 to vector<16xf32>
          %max3A_84 = arith.maximumf %add3A_81, %max3A_83 : vector<16xf32>
          %swap3A_85 = arith.index_cast %add3A_58 : i32 to index
          %swap3A_86 = arith.constant 16 : index
          %swap3A_87 = tpu.vector_load %arg16[%swap3A_85, %swap3A_86] {strides = array<i32>} : memref<80x32xf32, #tpu.memory_space<vmem>>, vector<1x16xf32>,
          %swap3A_88 = vector.shape_cast %swap3A_87 : vector<1x16xf32> to vector<16xf32>
          %swap3A_89 = vector.shape_cast %max3A_84 : vector<16xf32> to vector<1x16xf32>
          tpu.vector_store %arg16[%swap3A_85, %swap3A_86], %swap3A_89 {strides = array<i32>} : memref<80x32xf32, #tpu.memory_space<vmem>>, vector<1x16xf32>,
          %scan3A_90 = arith.constant 1 : i32
          %scan3A_91 = arith.addi %scan3A_54, %scan3A_90 : i32
          %mul3A_92 = arith.constant 1 : i32
          %mul3A_93 = arith.muli %scan3A_91, %mul3A_92 : i32
          %add3A_94 = arith.constant 0 : i32
          %add3A_95 = arith.addi %add3A_94, %mul3A_93 : i32
          %get3A_96 = arith.index_cast %add3A_95 : i32 to index
          %get3A_97 = arith.constant 0 : index
          %get3A_98 = tpu.vector_load %arg16[%get3A_96, %get3A_97] {strides = array<i32>} : memref<80x32xf32, #tpu.memory_space<vmem>>, vector<1x16xf32>,
          %get3A_99 = vector.shape_cast %get3A_98 : vector<1x16xf32> to vector<16xf32>
          %get3A_100 = arith.index_cast %add3A_95 : i32 to index
          %get3A_101 = arith.constant 0 : index
          %get3A_102 = tpu.vector_load %arg17[%get3A_100, %get3A_101] {strides = array<i32>} : memref<80x32xf32, #tpu.memory_space<vmem>>, vector<1x16xf32>,
          %get3A_103 = vector.shape_cast %get3A_102 : vector<1x16xf32> to vector<16xf32>
          %add3A_104 = arith.addf %get3A_99, %get3A_103 : vector<16xf32>
          %max3A_105 = arith.constant 0.000000e+00 : f32
          %max3A_106 = vector.broadcast %max3A_105 : f32 to vector<16xf32>
          %max3A_107 = arith.maximumf %add3A_104, %max3A_106 : vector<16xf32>
          %swap3A_108 = arith.index_cast %add3A_95 : i32 to index
          %swap3A_109 = arith.constant 0 : index
          %swap3A_110 = tpu.vector_load %arg16[%swap3A_108, %swap3A_109] {strides = array<i32>} : memref<80x32xf32, #tpu.memory_space<vmem>>, vector<1x16xf32>,
          %swap3A_111 = vector.shape_cast %swap3A_110 : vector<1x16xf32> to vector<16xf32>
          %swap3A_112 = vector.shape_cast %max3A_107 : vector<16xf32> to vector<1x16xf32>
          tpu.vector_store %arg16[%swap3A_108, %swap3A_109], %swap3A_112 {strides = array<i32>} : memref<80x32xf32, #tpu.memory_space<vmem>>, vector<1x16xf32>,
          %get3A_113 = arith.index_cast %add3A_95 : i32 to index
          %get3A_114 = arith.constant 16 : index
          %get3A_115 = tpu.vector_load %arg16[%get3A_113, %get3A_114] {strides = array<i32>} : memref<80x32xf32, #tpu.memory_space<vmem>>, vector<1x16xf32>,
          %get3A_116 = vector.shape_cast %get3A_115 : vector<1x16xf32> to vector<16xf32>
          %get3A_117 = arith.index_cast %add3A_95 : i32 to index
          %get3A_118 = arith.constant 16 : index
          %get3A_119 = tpu.vector_load %arg17[%get3A_117, %get3A_118] {strides = array<i32>} : memref<80x32xf32, #tpu.memory_space<vmem>>, vector<1x16xf32>,
          %get3A_120 = vector.shape_cast %get3A_119 : vector<1x16xf32> to vector<16xf32>
          %add3A_121 = arith.addf %get3A_116, %get3A_120 : vector<16xf32>
          %max3A_122 = arith.constant 0.000000e+00 : f32
          %max3A_123 = vector.broadcast %max3A_122 : f32 to vector<16xf32>
          %max3A_124 = arith.maximumf %add3A_121, %max3A_123 : vector<16xf32>
          %swap3A_125 = arith.index_cast %add3A_95 : i32 to index
          %swap3A_126 = arith.constant 16 : index
          %swap3A_127 = tpu.vector_load %arg16[%swap3A_125, %swap3A_126] {strides = array<i32>} : memref<80x32xf32, #tpu.memory_space<vmem>>, vector<1x16xf32>,
          %swap3A_128 = vector.shape_cast %swap3A_127 : vector<1x16xf32> to vector<16xf32>
          %swap3A_129 = vector.shape_cast %max3A_124 : vector<16xf32> to vector<1x16xf32>
          tpu.vector_store %arg16[%swap3A_125, %swap3A_126], %swap3A_129 {strides = array<i32>} : memref<80x32xf32, #tpu.memory_space<vmem>>, vector<1x16xf32>,
          %scan3A_130 = arith.constant 2 : i32
          %scan3A_131 = arith.addi %scan3A_54, %scan3A_130 : i32
          %mul3A_132 = arith.constant 1 : i32
          %mul3A_133 = arith.muli %scan3A_131, %mul3A_132 : i32
          %add3A_134 = arith.constant 0 : i32
          %add3A_135 = arith.addi %add3A_134, %mul3A_133 : i32
          %get3A_136 = arith.index_cast %add3A_135 : i32 to index
          %get3A_137 = arith.constant 0 : index
          %get3A_138 = tpu.vector_load %arg16[%get3A_136, %get3A_137] {strides = array<i32>} : memref<80x32xf32, #tpu.memory_space<vmem>>, vector<1x16xf32>,
          %get3A_139 = vector.shape_cast %get3A_138 : vector<1x16xf32> to vector<16xf32>
          %get3A_140 = arith.index_cast %add3A_135 : i32 to index
          %get3A_141 = arith.constant 0 : index
          %get3A_142 = tpu.vector_load %arg17[%get3A_140, %get3A_141] {strides = array<i32>} : memref<80x32xf32, #tpu.memory_space<vmem>>, vector<1x16xf32>,
          %get3A_143 = vector.shape_cast %get3A_142 : vector<1x16xf32> to vector<16xf32>
          %add3A_144 = arith.addf %get3A_139, %get3A_143 : vector<16xf32>
          %max3A_145 = arith.constant 0.000000e+00 : f32
          %max3A_146 = vector.broadcast %max3A_145 : f32 to vector<16xf32>
          %max3A_147 = arith.maximumf %add3A_144, %max3A_146 : vector<16xf32>
          %swap3A_148 = arith.index_cast %add3A_135 : i32 to index
          %swap3A_149 = arith.constant 0 : index
          %swap3A_150 = tpu.vector_load %arg16[%swap3A_148, %swap3A_149] {strides = array<i32>} : memref<80x32xf32, #tpu.memory_space<vmem>>, vector<1x16xf32>,
          %swap3A_151 = vector.shape_cast %swap3A_150 : vector<1x16xf32> to vector<16xf32>
          %swap3A_152 = vector.shape_cast %max3A_147 : vector<16xf32> to vector<1x16xf32>
          tpu.vector_store %arg16[%swap3A_148, %swap3A_149], %swap3A_152 {strides = array<i32>} : memref<80x32xf32, #tpu.memory_space<vmem>>, vector<1x16xf32>,
          %get3A_153 = arith.index_cast %add3A_135 : i32 to index
          %get3A_154 = arith.constant 16 : index
          %get3A_155 = tpu.vector_load %arg16[%get3A_153, %get3A_154] {strides = array<i32>} : memref<80x32xf32, #tpu.memory_space<vmem>>, vector<1x16xf32>,
          %get3A_156 = vector.shape_cast %get3A_155 : vector<1x16xf32> to vector<16xf32>
          %get3A_157 = arith.index_cast %add3A_135 : i32 to index
          %get3A_158 = arith.constant 16 : index
          %get3A_159 = tpu.vector_load %arg17[%get3A_157, %get3A_158] {strides = array<i32>} : memref<80x32xf32, #tpu.memory_space<vmem>>, vector<1x16xf32>,
          %get3A_160 = vector.shape_cast %get3A_159 : vector<1x16xf32> to vector<16xf32>
          %add3A_161 = arith.addf %get3A_156, %get3A_160 : vector<16xf32>
          %max3A_162 = arith.constant 0.000000e+00 : f32
          %max3A_163 = vector.broadcast %max3A_162 : f32 to vector<16xf32>
          %max3A_164 = arith.maximumf %add3A_161, %max3A_163 : vector<16xf32>
          %swap3A_165 = arith.index_cast %add3A_135 : i32 to index
          %swap3A_166 = arith.constant 16 : index
          %swap3A_167 = tpu.vector_load %arg16[%swap3A_165, %swap3A_166] {strides = array<i32>} : memref<80x32xf32, #tpu.memory_space<vmem>>, vector<1x16xf32>,
          %swap3A_168 = vector.shape_cast %swap3A_167 : vector<1x16xf32> to vector<16xf32>
          %swap3A_169 = vector.shape_cast %max3A_164 : vector<16xf32> to vector<1x16xf32>
          tpu.vector_store %arg16[%swap3A_165, %swap3A_166], %swap3A_169 {strides = array<i32>} : memref<80x32xf32, #tpu.memory_space<vmem>>, vector<1x16xf32>,
          %scan3A_170 = arith.constant 3 : i32
          %scan3A_171 = arith.addi %scan3A_54, %scan3A_170 : i32
          %mul3A_172 = arith.constant 1 : i32
          %mul3A_173 = arith.muli %scan3A_171, %mul3A_172 : i32
          %add3A_174 = arith.constant 0 : i32
          %add3A_175 = arith.addi %add3A_174, %mul3A_173 : i32
          %get3A_176 = arith.index_cast %add3A_175 : i32 to index
          %get3A_177 = arith.constant 0 : index
          %get3A_178 = tpu.vector_load %arg16[%get3A_176, %get3A_177] {strides = array<i32>} : memref<80x32xf32, #tpu.memory_space<vmem>>, vector<1x16xf32>,
          %get3A_179 = vector.shape_cast %get3A_178 : vector<1x16xf32> to vector<16xf32>
          %get3A_180 = arith.index_cast %add3A_175 : i32 to index
          %get3A_181 = arith.constant 0 : index
          %get3A_182 = tpu.vector_load %arg17[%get3A_180, %get3A_181] {strides = array<i32>} : memref<80x32xf32, #tpu.memory_space<vmem>>, vector<1x16xf32>,
          %get3A_183 = vector.shape_cast %get3A_182 : vector<1x16xf32> to vector<16xf32>
          %add3A_184 = arith.addf %get3A_179, %get3A_183 : vector<16xf32>
          %max3A_185 = arith.constant 0.000000e+00 : f32
          %max3A_186 = vector.broadcast %max3A_185 : f32 to vector<16xf32>
          %max3A_187 = arith.maximumf %add3A_184, %max3A_186 : vector<16xf32>
          %swap3A_188 = arith.index_cast %add3A_175 : i32 to index
          %swap3A_189 = arith.constant 0 : index
          %swap3A_190 = tpu.vector_load %arg16[%swap3A_188, %swap3A_189] {strides = array<i32>} : memref<80x32xf32, #tpu.memory_space<vmem>>, vector<1x16xf32>,
          %swap3A_191 = vector.shape_cast %swap3A_190 : vector<1x16xf32> to vector<16xf32>
          %swap3A_192 = vector.shape_cast %max3A_187 : vector<16xf32> to vector<1x16xf32>
          tpu.vector_store %arg16[%swap3A_188, %swap3A_189], %swap3A_192 {strides = array<i32>} : memref<80x32xf32, #tpu.memory_space<vmem>>, vector<1x16xf32>,
          %get3A_193 = arith.index_cast %add3A_175 : i32 to index
          %get3A_194 = arith.constant 16 : index
          %get3A_195 = tpu.vector_load %arg16[%get3A_193, %get3A_194] {strides = array<i32>} : memref<80x32xf32, #tpu.memory_space<vmem>>, vector<1x16xf32>,
          %get3A_196 = vector.shape_cast %get3A_195 : vector<1x16xf32> to vector<16xf32>
          %get3A_197 = arith.index_cast %add3A_175 : i32 to index
          %get3A_198 = arith.constant 16 : index
          %get3A_199 = tpu.vector_load %arg17[%get3A_197, %get3A_198] {strides = array<i32>} : memref<80x32xf32, #tpu.memory_space<vmem>>, vector<1x16xf32>,
          %get3A_200 = vector.shape_cast %get3A_199 : vector<1x16xf32> to vector<16xf32>
          %add3A_201 = arith.addf %get3A_196, %get3A_200 : vector<16xf32>
          %max3A_202 = arith.constant 0.000000e+00 : f32
          %max3A_203 = vector.broadcast %max3A_202 : f32 to vector<16xf32>
          %max3A_204 = arith.maximumf %add3A_201, %max3A_203 : vector<16xf32>
          %swap3A_205 = arith.index_cast %add3A_175 : i32 to index
          %swap3A_206 = arith.constant 16 : index
          %swap3A_207 = tpu.vector_load %arg16[%swap3A_205, %swap3A_206] {strides = array<i32>} : memref<80x32xf32, #tpu.memory_space<vmem>>, vector<1x16xf32>,
          %swap3A_208 = vector.shape_cast %swap3A_207 : vector<1x16xf32> to vector<16xf32>
          %swap3A_209 = vector.shape_cast %max3A_204 : vector<16xf32> to vector<1x16xf32>
          tpu.vector_store %arg16[%swap3A_205, %swap3A_206], %swap3A_209 {strides = array<i32>} : memref<80x32xf32, #tpu.memory_space<vmem>>, vector<1x16xf32>,
        }
        %scan3A_53 = arith.constant 80 : i32
        "tpu.region"() ({
          %run_scoped3A = tpu.sem_alloc : memref<!tpu.dma_semaphore, #tpu.memory_space<semaphore_mem>>
          %dma_start3A_54 = arith.constant 0 : i32
          %dma_start3A_55 = arith.constant 0 : i32
          %dma_start3A_56 = tpu.memref_slice %arg12[%dma_start3A_54, %dma_start3A_55] : memref<50000x32xf32, #tpu.memory_space<vmem_shared>> -> memref<50000x32xf32, #tpu.memory_space<vmem_shared>>
          tpu.enqueue_indirect_dma source(%arg16 : memref<80x32xf32, #tpu.memory_space<vmem>>) target(%dma_start3A_56 : memref<50000x32xf32, #tpu.memory_space<vmem_shared>>) offsets(%arg14 : memref<80xi32, #tpu.memory_space<vmem>>) semaphore(%run_scoped3A : memref<!tpu.dma_semaphore, #tpu.memory_space<semaphore_mem>>) {add = true}
          %dma_wait3A_57 = arith.constant 0 : i32
          %dma_wait3A_58 = arith.constant 0 : i32
          %dma_wait3A_59 = tpu.memref_slice %arg12[%dma_wait3A_57, %dma_wait3A_58] : memref<50000x32xf32, #tpu.memory_space<vmem_shared>> -> memref<50000x32xf32, #tpu.memory_space<vmem_shared>>
          tpu.wait_indirect_dma semaphore(%run_scoped3A : memref<!tpu.dma_semaphore, #tpu.memory_space<semaphore_mem>>) src(%arg16 : memref<80x32xf32, #tpu.memory_space<vmem>>) dst(%dma_wait3A_59 : memref<50000x32xf32, #tpu.memory_space<vmem_shared>>)
          tpu.yield
        }) : () -> ()
      }
      %scan3A_20 = arith.constant 625 : i32
      %barrier3A_21 = arith.constant 0 : index
      tpu.barrier barrier_id(%barrier3A_21)
      %lt3A_22 = arith.constant 15 : i32
      %lt3A_23 = arith.cmpi slt, %arg1, %lt3A_22 : i32
      %convert_element_type3A_24 = arith.extui %lt3A_23 : i1 to i32
      %cond3A_25 = arith.constant 0 : i32
      %cond3A_26 = arith.cmpi ne, %convert_element_type3A_24, %cond3A_25 : i32
      scf.if %cond3A_26 {
        %mul3A_32 = arith.constant 3128 : i32
        %mul3A_33 = arith.muli %arg1, %mul3A_32 : i32
        %mul3A_34 = arith.constant 3128 : i32
        %mul3A_35 = arith.muli %arg1, %mul3A_34 : i32
        "tpu.region"() ({
          %run_scoped3A = tpu.sem_alloc : memref<!tpu.dma_semaphore, #tpu.memory_space<semaphore_mem>>
          %dma_start3A = arith.constant 0 : i32
          %dma_start3A_36 = tpu.memref_slice %arg10[%mul3A_35, %dma_start3A] : memref<50000x32xf32, #tpu.memory_space<hbm>> -> memref<3128x32xf32, #tpu.memory_space<hbm>>
          %dma_start3A_37 = arith.constant 0 : i32
          %dma_start3A_38 = tpu.memref_slice %arg12[%mul3A_33, %dma_start3A_37] : memref<50000x32xf32, #tpu.memory_space<vmem_shared>> -> memref<3128x32xf32, #tpu.memory_space<vmem_shared>>
          tpu.enqueue_dma source(%dma_start3A_38 : memref<3128x32xf32, #tpu.memory_space<vmem_shared>>) target(%dma_start3A_36 : memref<3128x32xf32, #tpu.memory_space<hbm>>) target_semaphore(%run_scoped3A : memref<!tpu.dma_semaphore, #tpu.memory_space<semaphore_mem>>)
          %dma_wait3A = arith.constant 0 : i32
          %dma_wait3A_39 = tpu.memref_slice %arg10[%mul3A_35, %dma_wait3A] : memref<50000x32xf32, #tpu.memory_space<hbm>> -> memref<3128x32xf32, #tpu.memory_space<hbm>>
          %dma_wait3A_40 = arith.constant 0 : i32
          %dma_wait3A_41 = tpu.memref_slice %arg12[%mul3A_33, %dma_wait3A_40] : memref<50000x32xf32, #tpu.memory_space<vmem_shared>> -> memref<3128x32xf32, #tpu.memory_space<vmem_shared>>
          tpu.wait_dma2 semaphore(%run_scoped3A : memref<!tpu.dma_semaphore, #tpu.memory_space<semaphore_mem>>) src(%dma_wait3A_41 : memref<3128x32xf32, #tpu.memory_space<vmem_shared>>) dst(%dma_wait3A_39 : memref<3128x32xf32, #tpu.memory_space<hbm>>)
          tpu.yield
        }) : () -> ()
      } else {
      }
      %eq3A_27 = arith.constant 15 : i32
      %eq3A_28 = arith.cmpi eq, %arg1, %eq3A_27 : i32
      %convert_element_type3A_29 = arith.extui %eq3A_28 : i1 to i32
      %cond3A_30 = arith.constant 0 : i32
      %cond3A_31 = arith.cmpi ne, %convert_element_type3A_29, %cond3A_30 : i32
      scf.if %cond3A_31 {
        "tpu.region"() ({
          %run_scoped3A = tpu.sem_alloc : memref<!tpu.dma_semaphore, #tpu.memory_space<semaphore_mem>>
          %dma_start3A = arith.constant 46920 : i32
          %dma_start3A_32 = arith.constant 0 : i32
          %dma_start3A_33 = tpu.memref_slice %arg10[%dma_start3A, %dma_start3A_32] : memref<50000x32xf32, #tpu.memory_space<hbm>> -> memref<3080x32xf32, #tpu.memory_space<hbm>>
          %dma_start3A_34 = arith.constant 46920 : i32
          %dma_start3A_35 = arith.constant 0 : i32
          %dma_start3A_36 = tpu.memref_slice %arg12[%dma_start3A_34, %dma_start3A_35] : memref<50000x32xf32, #tpu.memory_space<vmem_shared>> -> memref<3080x32xf32, #tpu.memory_space<vmem_shared>>
          tpu.enqueue_dma source(%dma_start3A_36 : memref<3080x32xf32, #tpu.memory_space<vmem_shared>>) target(%dma_start3A_33 : memref<3080x32xf32, #tpu.memory_space<hbm>>) target_semaphore(%run_scoped3A : memref<!tpu.dma_semaphore, #tpu.memory_space<semaphore_mem>>)
          %dma_wait3A = arith.constant 46920 : i32
          %dma_wait3A_37 = arith.constant 0 : i32
          %dma_wait3A_38 = tpu.memref_slice %arg10[%dma_wait3A, %dma_wait3A_37] : memref<50000x32xf32, #tpu.memory_space<hbm>> -> memref<3080x32xf32, #tpu.memory_space<hbm>>
          %dma_wait3A_39 = arith.constant 46920 : i32
          %dma_wait3A_40 = arith.constant 0 : i32
          %dma_wait3A_41 = tpu.memref_slice %arg12[%dma_wait3A_39, %dma_wait3A_40] : memref<50000x32xf32, #tpu.memory_space<vmem_shared>> -> memref<3080x32xf32, #tpu.memory_space<vmem_shared>>
          tpu.wait_dma2 semaphore(%run_scoped3A : memref<!tpu.dma_semaphore, #tpu.memory_space<semaphore_mem>>) src(%dma_wait3A_41 : memref<3080x32xf32, #tpu.memory_space<vmem_shared>>) dst(%dma_wait3A_38 : memref<3080x32xf32, #tpu.memory_space<hbm>>)
          tpu.yield
        }) : () -> ()
      } else {
      }
    } else {
    }
    %eq3A_2 = arith.constant 1 : i32
    %eq3A_3 = arith.cmpi eq, %arg0, %eq3A_2 : i32
    %convert_element_type3A_4 = arith.extui %eq3A_3 : i1 to i32
    %cond3A_5 = arith.constant 0 : i32
    %cond3A_6 = arith.cmpi ne, %convert_element_type3A_4, %cond3A_5 : i32
    scf.if %cond3A_6 {
      %lt3A = arith.constant 15 : i32
      %lt3A_7 = arith.cmpi slt, %arg1, %lt3A : i32
      %convert_element_type3A_8 = arith.extui %lt3A_7 : i1 to i32
      %cond3A_9 = arith.constant 0 : i32
      %cond3A_10 = arith.cmpi ne, %convert_element_type3A_8, %cond3A_9 : i32
      scf.if %cond3A_10 {
        %mul3A_32 = arith.constant 3128 : i32
        %mul3A_33 = arith.muli %arg1, %mul3A_32 : i32
        "tpu.region"() ({
          %run_scoped3A = tpu.sem_alloc : memref<!tpu.dma_semaphore, #tpu.memory_space<semaphore_mem>>
          %dma_start3A = arith.constant 0 : i32
          %dma_start3A_34 = tpu.memref_slice %arg12[%mul3A_33, %dma_start3A] : memref<50000x32xf32, #tpu.memory_space<vmem_shared>> -> memref<3128x32xf32, #tpu.memory_space<vmem_shared>>
          %dma_start3A_35 = arith.constant 0 : i32
          %dma_start3A_36 = arith.constant 0 : i32
          %dma_start3A_37 = tpu.memref_slice %arg9[%dma_start3A_35, %dma_start3A_36] : memref<3128x32xf32, #tpu.memory_space<hbm>> -> memref<3128x32xf32, #tpu.memory_space<hbm>>
          tpu.enqueue_dma source(%dma_start3A_37 : memref<3128x32xf32, #tpu.memory_space<hbm>>) target(%dma_start3A_34 : memref<3128x32xf32, #tpu.memory_space<vmem_shared>>) target_semaphore(%run_scoped3A : memref<!tpu.dma_semaphore, #tpu.memory_space<semaphore_mem>>)
          %dma_wait3A = arith.constant 0 : i32
          %dma_wait3A_38 = tpu.memref_slice %arg12[%mul3A_33, %dma_wait3A] : memref<50000x32xf32, #tpu.memory_space<vmem_shared>> -> memref<3128x32xf32, #tpu.memory_space<vmem_shared>>
          %dma_wait3A_39 = arith.constant 0 : i32
          %dma_wait3A_40 = arith.constant 0 : i32
          %dma_wait3A_41 = tpu.memref_slice %arg9[%dma_wait3A_39, %dma_wait3A_40] : memref<3128x32xf32, #tpu.memory_space<hbm>> -> memref<3128x32xf32, #tpu.memory_space<hbm>>
          tpu.wait_dma2 semaphore(%run_scoped3A : memref<!tpu.dma_semaphore, #tpu.memory_space<semaphore_mem>>) src(%dma_wait3A_41 : memref<3128x32xf32, #tpu.memory_space<hbm>>) dst(%dma_wait3A_38 : memref<3128x32xf32, #tpu.memory_space<vmem_shared>>)
          tpu.yield
        }) : () -> ()
      } else {
      }
      %eq3A_11 = arith.constant 15 : i32
      %eq3A_12 = arith.cmpi eq, %arg1, %eq3A_11 : i32
      %convert_element_type3A_13 = arith.extui %eq3A_12 : i1 to i32
      %cond3A_14 = arith.constant 0 : i32
      %cond3A_15 = arith.cmpi ne, %convert_element_type3A_13, %cond3A_14 : i32
      scf.if %cond3A_15 {
        "tpu.region"() ({
          %run_scoped3A = tpu.sem_alloc : memref<!tpu.dma_semaphore, #tpu.memory_space<semaphore_mem>>
          %dma_start3A = arith.constant 46920 : i32
          %dma_start3A_32 = arith.constant 0 : i32
          %dma_start3A_33 = tpu.memref_slice %arg12[%dma_start3A, %dma_start3A_32] : memref<50000x32xf32, #tpu.memory_space<vmem_shared>> -> memref<3080x32xf32, #tpu.memory_space<vmem_shared>>
          %dma_start3A_34 = arith.constant 0 : i32
          %dma_start3A_35 = arith.constant 0 : i32
          %dma_start3A_36 = tpu.memref_slice %arg9[%dma_start3A_34, %dma_start3A_35] : memref<3128x32xf32, #tpu.memory_space<hbm>> -> memref<3080x32xf32, #tpu.memory_space<hbm>>
          tpu.enqueue_dma source(%dma_start3A_36 : memref<3080x32xf32, #tpu.memory_space<hbm>>) target(%dma_start3A_33 : memref<3080x32xf32, #tpu.memory_space<vmem_shared>>) target_semaphore(%run_scoped3A : memref<!tpu.dma_semaphore, #tpu.memory_space<semaphore_mem>>)
          %dma_wait3A = arith.constant 46920 : i32
          %dma_wait3A_37 = arith.constant 0 : i32
          %dma_wait3A_38 = tpu.memref_slice %arg12[%dma_wait3A, %dma_wait3A_37] : memref<50000x32xf32, #tpu.memory_space<vmem_shared>> -> memref<3080x32xf32, #tpu.memory_space<vmem_shared>>
          %dma_wait3A_39 = arith.constant 0 : i32
          %dma_wait3A_40 = arith.constant 0 : i32
          %dma_wait3A_41 = tpu.memref_slice %arg9[%dma_wait3A_39, %dma_wait3A_40] : memref<3128x32xf32, #tpu.memory_space<hbm>> -> memref<3080x32xf32, #tpu.memory_space<hbm>>
          tpu.wait_dma2 semaphore(%run_scoped3A : memref<!tpu.dma_semaphore, #tpu.memory_space<semaphore_mem>>) src(%dma_wait3A_41 : memref<3080x32xf32, #tpu.memory_space<hbm>>) dst(%dma_wait3A_38 : memref<3080x32xf32, #tpu.memory_space<vmem_shared>>)
          tpu.yield
        }) : () -> ()
      } else {
      }
      %barrier3A = arith.constant 0 : index
      tpu.barrier barrier_id(%barrier3A)
      %mul3A = arith.constant 50000 : i32
      %mul3A_16 = arith.muli %arg1, %mul3A : i32
      %scan3A = arith.constant 0 : i32
      %scan3A_17 = arith.constant 625 : i32
      %scan3A_18 = arith.addi %scan3A, %scan3A_17 : i32
      %scan3A_19 = arith.constant 1 : i32
      scf.for %scan3A_32 = %scan3A to %scan3A_18 step %scan3A_19  : i32 {
        %mul3A_33 = arith.constant 1 : i32
        %mul3A_34 = arith.muli %scan3A_32, %mul3A_33 : i32
        %add3A = arith.constant 0 : i32
        %add3A_35 = arith.addi %add3A, %mul3A_34 : i32
        %mul3A_36 = arith.constant 80 : i32
        %mul3A_37 = arith.muli %add3A_35, %mul3A_36 : i32
        %add3A_38 = arith.addi %mul3A_16, %mul3A_37 : i32
        "tpu.region"() ({
          %run_scoped3A = tpu.sem_alloc : memref<!tpu.dma_semaphore, #tpu.memory_space<semaphore_mem>>
          %dma_start3A_54 = tpu.memref_slice %arg6[%add3A_38] : memref<800000xi32, #tpu.memory_space<hbm>> -> memref<80xi32, #tpu.memory_space<hbm>>
          %dma_start3A_55 = tpu.memref_slice %arg6[%add3A_38] : memref<800000xi32, #tpu.memory_space<hbm>> -> memref<80xi32, #tpu.memory_space<hbm>>
          tpu.enqueue_dma source(%dma_start3A_55 : memref<80xi32, #tpu.memory_space<hbm>>) target(%arg13 : memref<80xi32, #tpu.memory_space<vmem>>) target_semaphore(%run_scoped3A : memref<!tpu.dma_semaphore, #tpu.memory_space<semaphore_mem>>)
          %dma_wait3A_56 = tpu.memref_slice %arg6[%add3A_38] : memref<800000xi32, #tpu.memory_space<hbm>> -> memref<80xi32, #tpu.memory_space<hbm>>
          %dma_wait3A_57 = tpu.memref_slice %arg6[%add3A_38] : memref<800000xi32, #tpu.memory_space<hbm>> -> memref<80xi32, #tpu.memory_space<hbm>>
          tpu.wait_dma2 semaphore(%run_scoped3A : memref<!tpu.dma_semaphore, #tpu.memory_space<semaphore_mem>>) src(%dma_wait3A_57 : memref<80xi32, #tpu.memory_space<hbm>>) dst(%arg13 : memref<80xi32, #tpu.memory_space<vmem>>)
          tpu.yield
        }) : () -> ()
        "tpu.region"() ({
          %run_scoped3A = tpu.sem_alloc : memref<!tpu.dma_semaphore, #tpu.memory_space<semaphore_mem>>
          %dma_start3A_54 = tpu.memref_slice %arg7[%add3A_38] : memref<800000xi32, #tpu.memory_space<hbm>> -> memref<80xi32, #tpu.memory_space<hbm>>
          %dma_start3A_55 = tpu.memref_slice %arg7[%add3A_38] : memref<800000xi32, #tpu.memory_space<hbm>> -> memref<80xi32, #tpu.memory_space<hbm>>
          tpu.enqueue_dma source(%dma_start3A_55 : memref<80xi32, #tpu.memory_space<hbm>>) target(%arg14 : memref<80xi32, #tpu.memory_space<vmem>>) target_semaphore(%run_scoped3A : memref<!tpu.dma_semaphore, #tpu.memory_space<semaphore_mem>>)
          %dma_wait3A_56 = tpu.memref_slice %arg7[%add3A_38] : memref<800000xi32, #tpu.memory_space<hbm>> -> memref<80xi32, #tpu.memory_space<hbm>>
          %dma_wait3A_57 = tpu.memref_slice %arg7[%add3A_38] : memref<800000xi32, #tpu.memory_space<hbm>> -> memref<80xi32, #tpu.memory_space<hbm>>
          tpu.wait_dma2 semaphore(%run_scoped3A : memref<!tpu.dma_semaphore, #tpu.memory_space<semaphore_mem>>) src(%dma_wait3A_57 : memref<80xi32, #tpu.memory_space<hbm>>) dst(%arg14 : memref<80xi32, #tpu.memory_space<vmem>>)
          tpu.yield
        }) : () -> ()
        "tpu.region"() ({
          %run_scoped3A = tpu.sem_alloc : memref<!tpu.dma_semaphore, #tpu.memory_space<semaphore_mem>>
          %dma_start3A_54 = tpu.memref_slice %arg8[%add3A_38] : memref<800000xi32, #tpu.memory_space<hbm>> -> memref<80xi32, #tpu.memory_space<hbm>>
          %dma_start3A_55 = tpu.memref_slice %arg8[%add3A_38] : memref<800000xi32, #tpu.memory_space<hbm>> -> memref<80xi32, #tpu.memory_space<hbm>>
          tpu.enqueue_dma source(%dma_start3A_55 : memref<80xi32, #tpu.memory_space<hbm>>) target(%arg15 : memref<80xi32, #tpu.memory_space<vmem>>) target_semaphore(%run_scoped3A : memref<!tpu.dma_semaphore, #tpu.memory_space<semaphore_mem>>)
          %dma_wait3A_56 = tpu.memref_slice %arg8[%add3A_38] : memref<800000xi32, #tpu.memory_space<hbm>> -> memref<80xi32, #tpu.memory_space<hbm>>
          %dma_wait3A_57 = tpu.memref_slice %arg8[%add3A_38] : memref<800000xi32, #tpu.memory_space<hbm>> -> memref<80xi32, #tpu.memory_space<hbm>>
          tpu.wait_dma2 semaphore(%run_scoped3A : memref<!tpu.dma_semaphore, #tpu.memory_space<semaphore_mem>>) src(%dma_wait3A_57 : memref<80xi32, #tpu.memory_space<hbm>>) dst(%arg15 : memref<80xi32, #tpu.memory_space<vmem>>)
          tpu.yield
        }) : () -> ()
        %dma_start3A = arith.constant 0 : i32
        %dma_start3A_39 = arith.constant 0 : i32
        %dma_start3A_40 = tpu.memref_slice %arg5[%dma_start3A, %dma_start3A_39] : memref<800000x32xf32, #tpu.memory_space<hbm>> -> memref<800000x32xf32, #tpu.memory_space<hbm>>
        tpu.enqueue_indirect_dma source(%dma_start3A_40 : memref<800000x32xf32, #tpu.memory_space<hbm>>) target(%arg17 : memref<80x32xf32, #tpu.memory_space<vmem>>) offsets(%arg15 : memref<80xi32, #tpu.memory_space<vmem>>) semaphore(%arg18 : memref<!tpu.dma_semaphore, #tpu.memory_space<semaphore_mem>>)
        %dma_wait3A = arith.constant 0 : i32
        %dma_wait3A_41 = arith.constant 0 : i32
        %dma_wait3A_42 = tpu.memref_slice %arg5[%dma_wait3A, %dma_wait3A_41] : memref<800000x32xf32, #tpu.memory_space<hbm>> -> memref<800000x32xf32, #tpu.memory_space<hbm>>
        tpu.wait_indirect_dma semaphore(%arg18 : memref<!tpu.dma_semaphore, #tpu.memory_space<semaphore_mem>>) src(%dma_wait3A_42 : memref<800000x32xf32, #tpu.memory_space<hbm>>) dst(%arg17 : memref<80x32xf32, #tpu.memory_space<vmem>>)
        %dma_start3A_43 = arith.constant 0 : i32
        %dma_start3A_44 = arith.constant 0 : i32
        %dma_start3A_45 = tpu.memref_slice %arg3[%dma_start3A_43, %dma_start3A_44] : memref<50000x32xf32, #tpu.memory_space<hbm>> -> memref<50000x32xf32, #tpu.memory_space<hbm>>
        tpu.enqueue_indirect_dma source(%dma_start3A_45 : memref<50000x32xf32, #tpu.memory_space<hbm>>) target(%arg16 : memref<80x32xf32, #tpu.memory_space<vmem>>) offsets(%arg13 : memref<80xi32, #tpu.memory_space<vmem>>) semaphore(%arg18 : memref<!tpu.dma_semaphore, #tpu.memory_space<semaphore_mem>>)
        %dma_wait3A_46 = arith.constant 0 : i32
        %dma_wait3A_47 = arith.constant 0 : i32
        %dma_wait3A_48 = tpu.memref_slice %arg3[%dma_wait3A_46, %dma_wait3A_47] : memref<50000x32xf32, #tpu.memory_space<hbm>> -> memref<50000x32xf32, #tpu.memory_space<hbm>>
        tpu.wait_indirect_dma semaphore(%arg18 : memref<!tpu.dma_semaphore, #tpu.memory_space<semaphore_mem>>) src(%dma_wait3A_48 : memref<50000x32xf32, #tpu.memory_space<hbm>>) dst(%arg16 : memref<80x32xf32, #tpu.memory_space<vmem>>)
        %scan3A_49 = arith.constant 0 : i32
        %scan3A_50 = arith.constant 80 : i32
        %scan3A_51 = arith.addi %scan3A_49, %scan3A_50 : i32
        %scan3A_52 = arith.constant 4 : i32
        scf.for %scan3A_54 = %scan3A_49 to %scan3A_51 step %scan3A_52  : i32 {
          %mul3A_55 = arith.constant 1 : i32
          %mul3A_56 = arith.muli %scan3A_54, %mul3A_55 : i32
          %add3A_57 = arith.constant 0 : i32
          %add3A_58 = arith.addi %add3A_57, %mul3A_56 : i32
          %get3A = arith.index_cast %add3A_58 : i32 to index
          %get3A_59 = arith.constant 0 : index
          %get3A_60 = tpu.vector_load %arg16[%get3A, %get3A_59] {strides = array<i32>} : memref<80x32xf32, #tpu.memory_space<vmem>>, vector<1x16xf32>,
          %get3A_61 = vector.shape_cast %get3A_60 : vector<1x16xf32> to vector<16xf32>
          %get3A_62 = arith.index_cast %add3A_58 : i32 to index
          %get3A_63 = arith.constant 0 : index
          %get3A_64 = tpu.vector_load %arg17[%get3A_62, %get3A_63] {strides = array<i32>} : memref<80x32xf32, #tpu.memory_space<vmem>>, vector<1x16xf32>,
          %get3A_65 = vector.shape_cast %get3A_64 : vector<1x16xf32> to vector<16xf32>
          %add3A_66 = arith.addf %get3A_61, %get3A_65 : vector<16xf32>
          %max3A = arith.constant 0.000000e+00 : f32
          %max3A_67 = vector.broadcast %max3A : f32 to vector<16xf32>
          %max3A_68 = arith.maximumf %add3A_66, %max3A_67 : vector<16xf32>
          %swap3A = arith.index_cast %add3A_58 : i32 to index
          %swap3A_69 = arith.constant 0 : index
          %swap3A_70 = tpu.vector_load %arg16[%swap3A, %swap3A_69] {strides = array<i32>} : memref<80x32xf32, #tpu.memory_space<vmem>>, vector<1x16xf32>,
          %swap3A_71 = vector.shape_cast %swap3A_70 : vector<1x16xf32> to vector<16xf32>
          %swap3A_72 = vector.shape_cast %max3A_68 : vector<16xf32> to vector<1x16xf32>
          tpu.vector_store %arg16[%swap3A, %swap3A_69], %swap3A_72 {strides = array<i32>} : memref<80x32xf32, #tpu.memory_space<vmem>>, vector<1x16xf32>,
          %get3A_73 = arith.index_cast %add3A_58 : i32 to index
          %get3A_74 = arith.constant 16 : index
          %get3A_75 = tpu.vector_load %arg16[%get3A_73, %get3A_74] {strides = array<i32>} : memref<80x32xf32, #tpu.memory_space<vmem>>, vector<1x16xf32>,
          %get3A_76 = vector.shape_cast %get3A_75 : vector<1x16xf32> to vector<16xf32>
          %get3A_77 = arith.index_cast %add3A_58 : i32 to index
          %get3A_78 = arith.constant 16 : index
          %get3A_79 = tpu.vector_load %arg17[%get3A_77, %get3A_78] {strides = array<i32>} : memref<80x32xf32, #tpu.memory_space<vmem>>, vector<1x16xf32>,
          %get3A_80 = vector.shape_cast %get3A_79 : vector<1x16xf32> to vector<16xf32>
          %add3A_81 = arith.addf %get3A_76, %get3A_80 : vector<16xf32>
          %max3A_82 = arith.constant 0.000000e+00 : f32
          %max3A_83 = vector.broadcast %max3A_82 : f32 to vector<16xf32>
          %max3A_84 = arith.maximumf %add3A_81, %max3A_83 : vector<16xf32>
          %swap3A_85 = arith.index_cast %add3A_58 : i32 to index
          %swap3A_86 = arith.constant 16 : index
          %swap3A_87 = tpu.vector_load %arg16[%swap3A_85, %swap3A_86] {strides = array<i32>} : memref<80x32xf32, #tpu.memory_space<vmem>>, vector<1x16xf32>,
          %swap3A_88 = vector.shape_cast %swap3A_87 : vector<1x16xf32> to vector<16xf32>
          %swap3A_89 = vector.shape_cast %max3A_84 : vector<16xf32> to vector<1x16xf32>
          tpu.vector_store %arg16[%swap3A_85, %swap3A_86], %swap3A_89 {strides = array<i32>} : memref<80x32xf32, #tpu.memory_space<vmem>>, vector<1x16xf32>,
          %scan3A_90 = arith.constant 1 : i32
          %scan3A_91 = arith.addi %scan3A_54, %scan3A_90 : i32
          %mul3A_92 = arith.constant 1 : i32
          %mul3A_93 = arith.muli %scan3A_91, %mul3A_92 : i32
          %add3A_94 = arith.constant 0 : i32
          %add3A_95 = arith.addi %add3A_94, %mul3A_93 : i32
          %get3A_96 = arith.index_cast %add3A_95 : i32 to index
          %get3A_97 = arith.constant 0 : index
          %get3A_98 = tpu.vector_load %arg16[%get3A_96, %get3A_97] {strides = array<i32>} : memref<80x32xf32, #tpu.memory_space<vmem>>, vector<1x16xf32>,
          %get3A_99 = vector.shape_cast %get3A_98 : vector<1x16xf32> to vector<16xf32>
          %get3A_100 = arith.index_cast %add3A_95 : i32 to index
          %get3A_101 = arith.constant 0 : index
          %get3A_102 = tpu.vector_load %arg17[%get3A_100, %get3A_101] {strides = array<i32>} : memref<80x32xf32, #tpu.memory_space<vmem>>, vector<1x16xf32>,
          %get3A_103 = vector.shape_cast %get3A_102 : vector<1x16xf32> to vector<16xf32>
          %add3A_104 = arith.addf %get3A_99, %get3A_103 : vector<16xf32>
          %max3A_105 = arith.constant 0.000000e+00 : f32
          %max3A_106 = vector.broadcast %max3A_105 : f32 to vector<16xf32>
          %max3A_107 = arith.maximumf %add3A_104, %max3A_106 : vector<16xf32>
          %swap3A_108 = arith.index_cast %add3A_95 : i32 to index
          %swap3A_109 = arith.constant 0 : index
          %swap3A_110 = tpu.vector_load %arg16[%swap3A_108, %swap3A_109] {strides = array<i32>} : memref<80x32xf32, #tpu.memory_space<vmem>>, vector<1x16xf32>,
          %swap3A_111 = vector.shape_cast %swap3A_110 : vector<1x16xf32> to vector<16xf32>
          %swap3A_112 = vector.shape_cast %max3A_107 : vector<16xf32> to vector<1x16xf32>
          tpu.vector_store %arg16[%swap3A_108, %swap3A_109], %swap3A_112 {strides = array<i32>} : memref<80x32xf32, #tpu.memory_space<vmem>>, vector<1x16xf32>,
          %get3A_113 = arith.index_cast %add3A_95 : i32 to index
          %get3A_114 = arith.constant 16 : index
          %get3A_115 = tpu.vector_load %arg16[%get3A_113, %get3A_114] {strides = array<i32>} : memref<80x32xf32, #tpu.memory_space<vmem>>, vector<1x16xf32>,
          %get3A_116 = vector.shape_cast %get3A_115 : vector<1x16xf32> to vector<16xf32>
          %get3A_117 = arith.index_cast %add3A_95 : i32 to index
          %get3A_118 = arith.constant 16 : index
          %get3A_119 = tpu.vector_load %arg17[%get3A_117, %get3A_118] {strides = array<i32>} : memref<80x32xf32, #tpu.memory_space<vmem>>, vector<1x16xf32>,
          %get3A_120 = vector.shape_cast %get3A_119 : vector<1x16xf32> to vector<16xf32>
          %add3A_121 = arith.addf %get3A_116, %get3A_120 : vector<16xf32>
          %max3A_122 = arith.constant 0.000000e+00 : f32
          %max3A_123 = vector.broadcast %max3A_122 : f32 to vector<16xf32>
          %max3A_124 = arith.maximumf %add3A_121, %max3A_123 : vector<16xf32>
          %swap3A_125 = arith.index_cast %add3A_95 : i32 to index
          %swap3A_126 = arith.constant 16 : index
          %swap3A_127 = tpu.vector_load %arg16[%swap3A_125, %swap3A_126] {strides = array<i32>} : memref<80x32xf32, #tpu.memory_space<vmem>>, vector<1x16xf32>,
          %swap3A_128 = vector.shape_cast %swap3A_127 : vector<1x16xf32> to vector<16xf32>
          %swap3A_129 = vector.shape_cast %max3A_124 : vector<16xf32> to vector<1x16xf32>
          tpu.vector_store %arg16[%swap3A_125, %swap3A_126], %swap3A_129 {strides = array<i32>} : memref<80x32xf32, #tpu.memory_space<vmem>>, vector<1x16xf32>,
          %scan3A_130 = arith.constant 2 : i32
          %scan3A_131 = arith.addi %scan3A_54, %scan3A_130 : i32
          %mul3A_132 = arith.constant 1 : i32
          %mul3A_133 = arith.muli %scan3A_131, %mul3A_132 : i32
          %add3A_134 = arith.constant 0 : i32
          %add3A_135 = arith.addi %add3A_134, %mul3A_133 : i32
          %get3A_136 = arith.index_cast %add3A_135 : i32 to index
          %get3A_137 = arith.constant 0 : index
          %get3A_138 = tpu.vector_load %arg16[%get3A_136, %get3A_137] {strides = array<i32>} : memref<80x32xf32, #tpu.memory_space<vmem>>, vector<1x16xf32>,
          %get3A_139 = vector.shape_cast %get3A_138 : vector<1x16xf32> to vector<16xf32>
          %get3A_140 = arith.index_cast %add3A_135 : i32 to index
          %get3A_141 = arith.constant 0 : index
          %get3A_142 = tpu.vector_load %arg17[%get3A_140, %get3A_141] {strides = array<i32>} : memref<80x32xf32, #tpu.memory_space<vmem>>, vector<1x16xf32>,
          %get3A_143 = vector.shape_cast %get3A_142 : vector<1x16xf32> to vector<16xf32>
          %add3A_144 = arith.addf %get3A_139, %get3A_143 : vector<16xf32>
          %max3A_145 = arith.constant 0.000000e+00 : f32
          %max3A_146 = vector.broadcast %max3A_145 : f32 to vector<16xf32>
          %max3A_147 = arith.maximumf %add3A_144, %max3A_146 : vector<16xf32>
          %swap3A_148 = arith.index_cast %add3A_135 : i32 to index
          %swap3A_149 = arith.constant 0 : index
          %swap3A_150 = tpu.vector_load %arg16[%swap3A_148, %swap3A_149] {strides = array<i32>} : memref<80x32xf32, #tpu.memory_space<vmem>>, vector<1x16xf32>,
          %swap3A_151 = vector.shape_cast %swap3A_150 : vector<1x16xf32> to vector<16xf32>
          %swap3A_152 = vector.shape_cast %max3A_147 : vector<16xf32> to vector<1x16xf32>
          tpu.vector_store %arg16[%swap3A_148, %swap3A_149], %swap3A_152 {strides = array<i32>} : memref<80x32xf32, #tpu.memory_space<vmem>>, vector<1x16xf32>,
          %get3A_153 = arith.index_cast %add3A_135 : i32 to index
          %get3A_154 = arith.constant 16 : index
          %get3A_155 = tpu.vector_load %arg16[%get3A_153, %get3A_154] {strides = array<i32>} : memref<80x32xf32, #tpu.memory_space<vmem>>, vector<1x16xf32>,
          %get3A_156 = vector.shape_cast %get3A_155 : vector<1x16xf32> to vector<16xf32>
          %get3A_157 = arith.index_cast %add3A_135 : i32 to index
          %get3A_158 = arith.constant 16 : index
          %get3A_159 = tpu.vector_load %arg17[%get3A_157, %get3A_158] {strides = array<i32>} : memref<80x32xf32, #tpu.memory_space<vmem>>, vector<1x16xf32>,
          %get3A_160 = vector.shape_cast %get3A_159 : vector<1x16xf32> to vector<16xf32>
          %add3A_161 = arith.addf %get3A_156, %get3A_160 : vector<16xf32>
          %max3A_162 = arith.constant 0.000000e+00 : f32
          %max3A_163 = vector.broadcast %max3A_162 : f32 to vector<16xf32>
          %max3A_164 = arith.maximumf %add3A_161, %max3A_163 : vector<16xf32>
          %swap3A_165 = arith.index_cast %add3A_135 : i32 to index
          %swap3A_166 = arith.constant 16 : index
          %swap3A_167 = tpu.vector_load %arg16[%swap3A_165, %swap3A_166] {strides = array<i32>} : memref<80x32xf32, #tpu.memory_space<vmem>>, vector<1x16xf32>,
          %swap3A_168 = vector.shape_cast %swap3A_167 : vector<1x16xf32> to vector<16xf32>
          %swap3A_169 = vector.shape_cast %max3A_164 : vector<16xf32> to vector<1x16xf32>
          tpu.vector_store %arg16[%swap3A_165, %swap3A_166], %swap3A_169 {strides = array<i32>} : memref<80x32xf32, #tpu.memory_space<vmem>>, vector<1x16xf32>,
          %scan3A_170 = arith.constant 3 : i32
          %scan3A_171 = arith.addi %scan3A_54, %scan3A_170 : i32
          %mul3A_172 = arith.constant 1 : i32
          %mul3A_173 = arith.muli %scan3A_171, %mul3A_172 : i32
          %add3A_174 = arith.constant 0 : i32
          %add3A_175 = arith.addi %add3A_174, %mul3A_173 : i32
          %get3A_176 = arith.index_cast %add3A_175 : i32 to index
          %get3A_177 = arith.constant 0 : index
          %get3A_178 = tpu.vector_load %arg16[%get3A_176, %get3A_177] {strides = array<i32>} : memref<80x32xf32, #tpu.memory_space<vmem>>, vector<1x16xf32>,
          %get3A_179 = vector.shape_cast %get3A_178 : vector<1x16xf32> to vector<16xf32>
          %get3A_180 = arith.index_cast %add3A_175 : i32 to index
          %get3A_181 = arith.constant 0 : index
          %get3A_182 = tpu.vector_load %arg17[%get3A_180, %get3A_181] {strides = array<i32>} : memref<80x32xf32, #tpu.memory_space<vmem>>, vector<1x16xf32>,
          %get3A_183 = vector.shape_cast %get3A_182 : vector<1x16xf32> to vector<16xf32>
          %add3A_184 = arith.addf %get3A_179, %get3A_183 : vector<16xf32>
          %max3A_185 = arith.constant 0.000000e+00 : f32
          %max3A_186 = vector.broadcast %max3A_185 : f32 to vector<16xf32>
          %max3A_187 = arith.maximumf %add3A_184, %max3A_186 : vector<16xf32>
          %swap3A_188 = arith.index_cast %add3A_175 : i32 to index
          %swap3A_189 = arith.constant 0 : index
          %swap3A_190 = tpu.vector_load %arg16[%swap3A_188, %swap3A_189] {strides = array<i32>} : memref<80x32xf32, #tpu.memory_space<vmem>>, vector<1x16xf32>,
          %swap3A_191 = vector.shape_cast %swap3A_190 : vector<1x16xf32> to vector<16xf32>
          %swap3A_192 = vector.shape_cast %max3A_187 : vector<16xf32> to vector<1x16xf32>
          tpu.vector_store %arg16[%swap3A_188, %swap3A_189], %swap3A_192 {strides = array<i32>} : memref<80x32xf32, #tpu.memory_space<vmem>>, vector<1x16xf32>,
          %get3A_193 = arith.index_cast %add3A_175 : i32 to index
          %get3A_194 = arith.constant 16 : index
          %get3A_195 = tpu.vector_load %arg16[%get3A_193, %get3A_194] {strides = array<i32>} : memref<80x32xf32, #tpu.memory_space<vmem>>, vector<1x16xf32>,
          %get3A_196 = vector.shape_cast %get3A_195 : vector<1x16xf32> to vector<16xf32>
          %get3A_197 = arith.index_cast %add3A_175 : i32 to index
          %get3A_198 = arith.constant 16 : index
          %get3A_199 = tpu.vector_load %arg17[%get3A_197, %get3A_198] {strides = array<i32>} : memref<80x32xf32, #tpu.memory_space<vmem>>, vector<1x16xf32>,
          %get3A_200 = vector.shape_cast %get3A_199 : vector<1x16xf32> to vector<16xf32>
          %add3A_201 = arith.addf %get3A_196, %get3A_200 : vector<16xf32>
          %max3A_202 = arith.constant 0.000000e+00 : f32
          %max3A_203 = vector.broadcast %max3A_202 : f32 to vector<16xf32>
          %max3A_204 = arith.maximumf %add3A_201, %max3A_203 : vector<16xf32>
          %swap3A_205 = arith.index_cast %add3A_175 : i32 to index
          %swap3A_206 = arith.constant 16 : index
          %swap3A_207 = tpu.vector_load %arg16[%swap3A_205, %swap3A_206] {strides = array<i32>} : memref<80x32xf32, #tpu.memory_space<vmem>>, vector<1x16xf32>,
          %swap3A_208 = vector.shape_cast %swap3A_207 : vector<1x16xf32> to vector<16xf32>
          %swap3A_209 = vector.shape_cast %max3A_204 : vector<16xf32> to vector<1x16xf32>
          tpu.vector_store %arg16[%swap3A_205, %swap3A_206], %swap3A_209 {strides = array<i32>} : memref<80x32xf32, #tpu.memory_space<vmem>>, vector<1x16xf32>,
        }
        %scan3A_53 = arith.constant 80 : i32
        "tpu.region"() ({
          %run_scoped3A = tpu.sem_alloc : memref<!tpu.dma_semaphore, #tpu.memory_space<semaphore_mem>>
          %dma_start3A_54 = arith.constant 0 : i32
          %dma_start3A_55 = arith.constant 0 : i32
          %dma_start3A_56 = tpu.memref_slice %arg12[%dma_start3A_54, %dma_start3A_55] : memref<50000x32xf32, #tpu.memory_space<vmem_shared>> -> memref<50000x32xf32, #tpu.memory_space<vmem_shared>>
          tpu.enqueue_indirect_dma source(%arg16 : memref<80x32xf32, #tpu.memory_space<vmem>>) target(%dma_start3A_56 : memref<50000x32xf32, #tpu.memory_space<vmem_shared>>) offsets(%arg14 : memref<80xi32, #tpu.memory_space<vmem>>) semaphore(%run_scoped3A : memref<!tpu.dma_semaphore, #tpu.memory_space<semaphore_mem>>) {add = true}
          %dma_wait3A_57 = arith.constant 0 : i32
          %dma_wait3A_58 = arith.constant 0 : i32
          %dma_wait3A_59 = tpu.memref_slice %arg12[%dma_wait3A_57, %dma_wait3A_58] : memref<50000x32xf32, #tpu.memory_space<vmem_shared>> -> memref<50000x32xf32, #tpu.memory_space<vmem_shared>>
          tpu.wait_indirect_dma semaphore(%run_scoped3A : memref<!tpu.dma_semaphore, #tpu.memory_space<semaphore_mem>>) src(%arg16 : memref<80x32xf32, #tpu.memory_space<vmem>>) dst(%dma_wait3A_59 : memref<50000x32xf32, #tpu.memory_space<vmem_shared>>)
          tpu.yield
        }) : () -> ()
      }
      %scan3A_20 = arith.constant 625 : i32
      %barrier3A_21 = arith.constant 0 : index
      tpu.barrier barrier_id(%barrier3A_21)
      %lt3A_22 = arith.constant 15 : i32
      %lt3A_23 = arith.cmpi slt, %arg1, %lt3A_22 : i32
      %convert_element_type3A_24 = arith.extui %lt3A_23 : i1 to i32
      %cond3A_25 = arith.constant 0 : i32
      %cond3A_26 = arith.cmpi ne, %convert_element_type3A_24, %cond3A_25 : i32
      scf.if %cond3A_26 {
        %mul3A_32 = arith.constant 3128 : i32
        %mul3A_33 = arith.muli %arg1, %mul3A_32 : i32
        %mul3A_34 = arith.constant 3128 : i32
        %mul3A_35 = arith.muli %arg1, %mul3A_34 : i32
        "tpu.region"() ({
          %run_scoped3A = tpu.sem_alloc : memref<!tpu.dma_semaphore, #tpu.memory_space<semaphore_mem>>
          %dma_start3A = arith.constant 0 : i32
          %dma_start3A_36 = tpu.memref_slice %arg11[%mul3A_35, %dma_start3A] : memref<50000x32xf32, #tpu.memory_space<hbm>> -> memref<3128x32xf32, #tpu.memory_space<hbm>>
          %dma_start3A_37 = arith.constant 0 : i32
          %dma_start3A_38 = tpu.memref_slice %arg12[%mul3A_33, %dma_start3A_37] : memref<50000x32xf32, #tpu.memory_space<vmem_shared>> -> memref<3128x32xf32, #tpu.memory_space<vmem_shared>>
          tpu.enqueue_dma source(%dma_start3A_38 : memref<3128x32xf32, #tpu.memory_space<vmem_shared>>) target(%dma_start3A_36 : memref<3128x32xf32, #tpu.memory_space<hbm>>) target_semaphore(%run_scoped3A : memref<!tpu.dma_semaphore, #tpu.memory_space<semaphore_mem>>)
          %dma_wait3A = arith.constant 0 : i32
          %dma_wait3A_39 = tpu.memref_slice %arg11[%mul3A_35, %dma_wait3A] : memref<50000x32xf32, #tpu.memory_space<hbm>> -> memref<3128x32xf32, #tpu.memory_space<hbm>>
          %dma_wait3A_40 = arith.constant 0 : i32
          %dma_wait3A_41 = tpu.memref_slice %arg12[%mul3A_33, %dma_wait3A_40] : memref<50000x32xf32, #tpu.memory_space<vmem_shared>> -> memref<3128x32xf32, #tpu.memory_space<vmem_shared>>
          tpu.wait_dma2 semaphore(%run_scoped3A : memref<!tpu.dma_semaphore, #tpu.memory_space<semaphore_mem>>) src(%dma_wait3A_41 : memref<3128x32xf32, #tpu.memory_space<vmem_shared>>) dst(%dma_wait3A_39 : memref<3128x32xf32, #tpu.memory_space<hbm>>)
          tpu.yield
        }) : () -> ()
      } else {
      }
      %eq3A_27 = arith.constant 15 : i32
      %eq3A_28 = arith.cmpi eq, %arg1, %eq3A_27 : i32
      %convert_element_type3A_29 = arith.extui %eq3A_28 : i1 to i32
      %cond3A_30 = arith.constant 0 : i32
      %cond3A_31 = arith.cmpi ne, %convert_element_type3A_29, %cond3A_30 : i32
      scf.if %cond3A_31 {
        "tpu.region"() ({
          %run_scoped3A = tpu.sem_alloc : memref<!tpu.dma_semaphore, #tpu.memory_space<semaphore_mem>>
          %dma_start3A = arith.constant 46920 : i32
          %dma_start3A_32 = arith.constant 0 : i32
          %dma_start3A_33 = tpu.memref_slice %arg11[%dma_start3A, %dma_start3A_32] : memref<50000x32xf32, #tpu.memory_space<hbm>> -> memref<3080x32xf32, #tpu.memory_space<hbm>>
          %dma_start3A_34 = arith.constant 46920 : i32
          %dma_start3A_35 = arith.constant 0 : i32
          %dma_start3A_36 = tpu.memref_slice %arg12[%dma_start3A_34, %dma_start3A_35] : memref<50000x32xf32, #tpu.memory_space<vmem_shared>> -> memref<3080x32xf32, #tpu.memory_space<vmem_shared>>
          tpu.enqueue_dma source(%dma_start3A_36 : memref<3080x32xf32, #tpu.memory_space<vmem_shared>>) target(%dma_start3A_33 : memref<3080x32xf32, #tpu.memory_space<hbm>>) target_semaphore(%run_scoped3A : memref<!tpu.dma_semaphore, #tpu.memory_space<semaphore_mem>>)
          %dma_wait3A = arith.constant 46920 : i32
          %dma_wait3A_37 = arith.constant 0 : i32
          %dma_wait3A_38 = tpu.memref_slice %arg11[%dma_wait3A, %dma_wait3A_37] : memref<50000x32xf32, #tpu.memory_space<hbm>> -> memref<3080x32xf32, #tpu.memory_space<hbm>>
          %dma_wait3A_39 = arith.constant 46920 : i32
          %dma_wait3A_40 = arith.constant 0 : i32
          %dma_wait3A_41 = tpu.memref_slice %arg12[%dma_wait3A_39, %dma_wait3A_40] : memref<50000x32xf32, #tpu.memory_space<vmem_shared>> -> memref<3080x32xf32, #tpu.memory_space<vmem_shared>>
          tpu.wait_dma2 semaphore(%run_scoped3A : memref<!tpu.dma_semaphore, #tpu.memory_space<semaphore_mem>>) src(%dma_wait3A_41 : memref<3080x32xf32, #tpu.memory_space<vmem_shared>>) dst(%dma_wait3A_38 : memref<3080x32xf32, #tpu.memory_space<hbm>>)
          tpu.yield
        }) : () -> ()
      } else {
      }
    } else {
    }
    return
  }
}

#map = affine_map<(d0, d1) -> (0, 0)>
#map1 = affine_map<(d0, d1) -> (0)>
module attributes {stable_mosaic.version = 14 : i64} {
  func.func @_sc_pass_body(%arg0: i32, %arg1: i32, %arg2: memref<50000x32xf32, #tpu.memory_space<hbm>>, %arg3: memref<50000x32xf32, #tpu.memory_space<hbm>>, %arg4: memref<800000x32xf32, #tpu.memory_space<hbm>>, %arg5: memref<800000x32xf32, #tpu.memory_space<hbm>>, %arg6: memref<800000xi32, #tpu.memory_space<hbm>>, %arg7: memref<800000xi32, #tpu.memory_space<hbm>>, %arg8: memref<800000xi32, #tpu.memory_space<hbm>>, %arg9: memref<3128x32xf32, #tpu.memory_space<hbm>>, %arg10: memref<50000x32xf32, #tpu.memory_space<hbm>>, %arg11: memref<50000x32xf32, #tpu.memory_space<hbm>>, %arg12: memref<50000x32xf32, #tpu.memory_space<vmem_shared>>, %arg13: memref<80xi32, #tpu.memory_space<vmem>>, %arg14: memref<80xi32, #tpu.memory_space<vmem>>, %arg15: memref<80xi32, #tpu.memory_space<vmem>>, %arg16: memref<80x32xf32, #tpu.memory_space<vmem>>, %arg17: memref<80x32xf32, #tpu.memory_space<vmem>>, %arg18: memref<!tpu.dma_semaphore, #tpu.memory_space<semaphore_mem>>) attributes {dimension_semantics = [#tpu.dimension_semantics<core_parallel>, #tpu.dimension_semantics<subcore_parallel>], iteration_bounds = array<i64: 2, 16>, scalar_prefetch = 0 : i64, scratch_operands = 7 : i64, tpu.core_type = #tpu.core_type<sc_vector_subcore>, window_params = [{transform_indices = #map}, {transform_indices = #map}, {transform_indices = #map}, {transform_indices = #map}, {transform_indices = #map1}, {transform_indices = #map1}, {transform_indices = #map1}, {transform_indices = #map}, {transform_indices = #map}, {transform_indices = #map}]} {
    %eq3A = arith.constant 0 : i32
    %eq3A_0 = arith.cmpi eq, %arg0, %eq3A : i32
    %convert_element_type3A = arith.extui %eq3A_0 : i1 to i32
    %cond3A = arith.constant 0 : i32
    %cond3A_1 = arith.cmpi ne, %convert_element_type3A, %cond3A : i32
    scf.if %cond3A_1 {
      %lt3A = arith.constant 15 : i32
      %lt3A_7 = arith.cmpi slt, %arg1, %lt3A : i32
      %convert_element_type3A_8 = arith.extui %lt3A_7 : i1 to i32
      %cond3A_9 = arith.constant 0 : i32
      %cond3A_10 = arith.cmpi ne, %convert_element_type3A_8, %cond3A_9 : i32
      scf.if %cond3A_10 {
        %mul3A_32 = arith.constant 3128 : i32
        %mul3A_33 = arith.muli %arg1, %mul3A_32 : i32
        "tpu.region"() ({
          %run_scoped3A = tpu.sem_alloc : memref<!tpu.dma_semaphore, #tpu.memory_space<semaphore_mem>>
          %dma_start3A = arith.constant 0 : i32
          %dma_start3A_34 = tpu.memref_slice %arg12[%mul3A_33, %dma_start3A] : memref<50000x32xf32, #tpu.memory_space<vmem_shared>> -> memref<3128x32xf32, #tpu.memory_space<vmem_shared>>
          %dma_start3A_35 = arith.constant 0 : i32
          %dma_start3A_36 = arith.constant 0 : i32
          %dma_start3A_37 = tpu.memref_slice %arg9[%dma_start3A_35, %dma_start3A_36] : memref<3128x32xf32, #tpu.memory_space<hbm>> -> memref<3128x32xf32, #tpu.memory_space<hbm>>
          tpu.enqueue_dma source(%dma_start3A_37 : memref<3128x32xf32, #tpu.memory_space<hbm>>) target(%dma_start3A_34 : memref<3128x32xf32, #tpu.memory_space<vmem_shared>>) target_semaphore(%run_scoped3A : memref<!tpu.dma_semaphore, #tpu.memory_space<semaphore_mem>>)
          %dma_wait3A = arith.constant 0 : i32
          %dma_wait3A_38 = tpu.memref_slice %arg12[%mul3A_33, %dma_wait3A] : memref<50000x32xf32, #tpu.memory_space<vmem_shared>> -> memref<3128x32xf32, #tpu.memory_space<vmem_shared>>
          %dma_wait3A_39 = arith.constant 0 : i32
          %dma_wait3A_40 = arith.constant 0 : i32
          %dma_wait3A_41 = tpu.memref_slice %arg9[%dma_wait3A_39, %dma_wait3A_40] : memref<3128x32xf32, #tpu.memory_space<hbm>> -> memref<3128x32xf32, #tpu.memory_space<hbm>>
          tpu.wait_dma2 semaphore(%run_scoped3A : memref<!tpu.dma_semaphore, #tpu.memory_space<semaphore_mem>>) src(%dma_wait3A_41 : memref<3128x32xf32, #tpu.memory_space<hbm>>) dst(%dma_wait3A_38 : memref<3128x32xf32, #tpu.memory_space<vmem_shared>>)
          tpu.yield
        }) : () -> ()
      } else {
      }
      %eq3A_11 = arith.constant 15 : i32
      %eq3A_12 = arith.cmpi eq, %arg1, %eq3A_11 : i32
      %convert_element_type3A_13 = arith.extui %eq3A_12 : i1 to i32
      %cond3A_14 = arith.constant 0 : i32
      %cond3A_15 = arith.cmpi ne, %convert_element_type3A_13, %cond3A_14 : i32
      scf.if %cond3A_15 {
        "tpu.region"() ({
          %run_scoped3A = tpu.sem_alloc : memref<!tpu.dma_semaphore, #tpu.memory_space<semaphore_mem>>
          %dma_start3A = arith.constant 46920 : i32
          %dma_start3A_32 = arith.constant 0 : i32
          %dma_start3A_33 = tpu.memref_slice %arg12[%dma_start3A, %dma_start3A_32] : memref<50000x32xf32, #tpu.memory_space<vmem_shared>> -> memref<3080x32xf32, #tpu.memory_space<vmem_shared>>
          %dma_start3A_34 = arith.constant 0 : i32
          %dma_start3A_35 = arith.constant 0 : i32
          %dma_start3A_36 = tpu.memref_slice %arg9[%dma_start3A_34, %dma_start3A_35] : memref<3128x32xf32, #tpu.memory_space<hbm>> -> memref<3080x32xf32, #tpu.memory_space<hbm>>
          tpu.enqueue_dma source(%dma_start3A_36 : memref<3080x32xf32, #tpu.memory_space<hbm>>) target(%dma_start3A_33 : memref<3080x32xf32, #tpu.memory_space<vmem_shared>>) target_semaphore(%run_scoped3A : memref<!tpu.dma_semaphore, #tpu.memory_space<semaphore_mem>>)
          %dma_wait3A = arith.constant 46920 : i32
          %dma_wait3A_37 = arith.constant 0 : i32
          %dma_wait3A_38 = tpu.memref_slice %arg12[%dma_wait3A, %dma_wait3A_37] : memref<50000x32xf32, #tpu.memory_space<vmem_shared>> -> memref<3080x32xf32, #tpu.memory_space<vmem_shared>>
          %dma_wait3A_39 = arith.constant 0 : i32
          %dma_wait3A_40 = arith.constant 0 : i32
          %dma_wait3A_41 = tpu.memref_slice %arg9[%dma_wait3A_39, %dma_wait3A_40] : memref<3128x32xf32, #tpu.memory_space<hbm>> -> memref<3080x32xf32, #tpu.memory_space<hbm>>
          tpu.wait_dma2 semaphore(%run_scoped3A : memref<!tpu.dma_semaphore, #tpu.memory_space<semaphore_mem>>) src(%dma_wait3A_41 : memref<3080x32xf32, #tpu.memory_space<hbm>>) dst(%dma_wait3A_38 : memref<3080x32xf32, #tpu.memory_space<vmem_shared>>)
          tpu.yield
        }) : () -> ()
      } else {
      }
      %barrier3A = arith.constant 0 : index
      tpu.barrier barrier_id(%barrier3A)
      %mul3A = arith.constant 50000 : i32
      %mul3A_16 = arith.muli %arg1, %mul3A : i32
      %scan3A = arith.constant 0 : i32
      %scan3A_17 = arith.constant 625 : i32
      %scan3A_18 = arith.addi %scan3A, %scan3A_17 : i32
      %scan3A_19 = arith.constant 1 : i32
      scf.for %scan3A_32 = %scan3A to %scan3A_18 step %scan3A_19  : i32 {
        %mul3A_33 = arith.constant 1 : i32
        %mul3A_34 = arith.muli %scan3A_32, %mul3A_33 : i32
        %add3A = arith.constant 0 : i32
        %add3A_35 = arith.addi %add3A, %mul3A_34 : i32
        %mul3A_36 = arith.constant 80 : i32
        %mul3A_37 = arith.muli %add3A_35, %mul3A_36 : i32
        %add3A_38 = arith.addi %mul3A_16, %mul3A_37 : i32
        "tpu.region"() ({
          %run_scoped3A = tpu.sem_alloc : memref<!tpu.dma_semaphore, #tpu.memory_space<semaphore_mem>>
          %dma_start3A_54 = tpu.memref_slice %arg6[%add3A_38] : memref<800000xi32, #tpu.memory_space<hbm>> -> memref<80xi32, #tpu.memory_space<hbm>>
          %dma_start3A_55 = tpu.memref_slice %arg6[%add3A_38] : memref<800000xi32, #tpu.memory_space<hbm>> -> memref<80xi32, #tpu.memory_space<hbm>>
          tpu.enqueue_dma source(%dma_start3A_55 : memref<80xi32, #tpu.memory_space<hbm>>) target(%arg13 : memref<80xi32, #tpu.memory_space<vmem>>) target_semaphore(%run_scoped3A : memref<!tpu.dma_semaphore, #tpu.memory_space<semaphore_mem>>)
          %dma_wait3A_56 = tpu.memref_slice %arg6[%add3A_38] : memref<800000xi32, #tpu.memory_space<hbm>> -> memref<80xi32, #tpu.memory_space<hbm>>
          %dma_wait3A_57 = tpu.memref_slice %arg6[%add3A_38] : memref<800000xi32, #tpu.memory_space<hbm>> -> memref<80xi32, #tpu.memory_space<hbm>>
          tpu.wait_dma2 semaphore(%run_scoped3A : memref<!tpu.dma_semaphore, #tpu.memory_space<semaphore_mem>>) src(%dma_wait3A_57 : memref<80xi32, #tpu.memory_space<hbm>>) dst(%arg13 : memref<80xi32, #tpu.memory_space<vmem>>)
          tpu.yield
        }) : () -> ()
        "tpu.region"() ({
          %run_scoped3A = tpu.sem_alloc : memref<!tpu.dma_semaphore, #tpu.memory_space<semaphore_mem>>
          %dma_start3A_54 = tpu.memref_slice %arg7[%add3A_38] : memref<800000xi32, #tpu.memory_space<hbm>> -> memref<80xi32, #tpu.memory_space<hbm>>
          %dma_start3A_55 = tpu.memref_slice %arg7[%add3A_38] : memref<800000xi32, #tpu.memory_space<hbm>> -> memref<80xi32, #tpu.memory_space<hbm>>
          tpu.enqueue_dma source(%dma_start3A_55 : memref<80xi32, #tpu.memory_space<hbm>>) target(%arg14 : memref<80xi32, #tpu.memory_space<vmem>>) target_semaphore(%run_scoped3A : memref<!tpu.dma_semaphore, #tpu.memory_space<semaphore_mem>>)
          %dma_wait3A_56 = tpu.memref_slice %arg7[%add3A_38] : memref<800000xi32, #tpu.memory_space<hbm>> -> memref<80xi32, #tpu.memory_space<hbm>>
          %dma_wait3A_57 = tpu.memref_slice %arg7[%add3A_38] : memref<800000xi32, #tpu.memory_space<hbm>> -> memref<80xi32, #tpu.memory_space<hbm>>
          tpu.wait_dma2 semaphore(%run_scoped3A : memref<!tpu.dma_semaphore, #tpu.memory_space<semaphore_mem>>) src(%dma_wait3A_57 : memref<80xi32, #tpu.memory_space<hbm>>) dst(%arg14 : memref<80xi32, #tpu.memory_space<vmem>>)
          tpu.yield
        }) : () -> ()
        "tpu.region"() ({
          %run_scoped3A = tpu.sem_alloc : memref<!tpu.dma_semaphore, #tpu.memory_space<semaphore_mem>>
          %dma_start3A_54 = tpu.memref_slice %arg8[%add3A_38] : memref<800000xi32, #tpu.memory_space<hbm>> -> memref<80xi32, #tpu.memory_space<hbm>>
          %dma_start3A_55 = tpu.memref_slice %arg8[%add3A_38] : memref<800000xi32, #tpu.memory_space<hbm>> -> memref<80xi32, #tpu.memory_space<hbm>>
          tpu.enqueue_dma source(%dma_start3A_55 : memref<80xi32, #tpu.memory_space<hbm>>) target(%arg15 : memref<80xi32, #tpu.memory_space<vmem>>) target_semaphore(%run_scoped3A : memref<!tpu.dma_semaphore, #tpu.memory_space<semaphore_mem>>)
          %dma_wait3A_56 = tpu.memref_slice %arg8[%add3A_38] : memref<800000xi32, #tpu.memory_space<hbm>> -> memref<80xi32, #tpu.memory_space<hbm>>
          %dma_wait3A_57 = tpu.memref_slice %arg8[%add3A_38] : memref<800000xi32, #tpu.memory_space<hbm>> -> memref<80xi32, #tpu.memory_space<hbm>>
          tpu.wait_dma2 semaphore(%run_scoped3A : memref<!tpu.dma_semaphore, #tpu.memory_space<semaphore_mem>>) src(%dma_wait3A_57 : memref<80xi32, #tpu.memory_space<hbm>>) dst(%arg15 : memref<80xi32, #tpu.memory_space<vmem>>)
          tpu.yield
        }) : () -> ()
        %dma_start3A = arith.constant 0 : i32
        %dma_start3A_39 = arith.constant 0 : i32
        %dma_start3A_40 = tpu.memref_slice %arg4[%dma_start3A, %dma_start3A_39] : memref<800000x32xf32, #tpu.memory_space<hbm>> -> memref<800000x32xf32, #tpu.memory_space<hbm>>
        tpu.enqueue_indirect_dma source(%dma_start3A_40 : memref<800000x32xf32, #tpu.memory_space<hbm>>) target(%arg17 : memref<80x32xf32, #tpu.memory_space<vmem>>) offsets(%arg15 : memref<80xi32, #tpu.memory_space<vmem>>) semaphore(%arg18 : memref<!tpu.dma_semaphore, #tpu.memory_space<semaphore_mem>>)
        %dma_wait3A = arith.constant 0 : i32
        %dma_wait3A_41 = arith.constant 0 : i32
        %dma_wait3A_42 = tpu.memref_slice %arg4[%dma_wait3A, %dma_wait3A_41] : memref<800000x32xf32, #tpu.memory_space<hbm>> -> memref<800000x32xf32, #tpu.memory_space<hbm>>
        tpu.wait_indirect_dma semaphore(%arg18 : memref<!tpu.dma_semaphore, #tpu.memory_space<semaphore_mem>>) src(%dma_wait3A_42 : memref<800000x32xf32, #tpu.memory_space<hbm>>) dst(%arg17 : memref<80x32xf32, #tpu.memory_space<vmem>>)
        %dma_start3A_43 = arith.constant 0 : i32
        %dma_start3A_44 = arith.constant 0 : i32
        %dma_start3A_45 = tpu.memref_slice %arg2[%dma_start3A_43, %dma_start3A_44] : memref<50000x32xf32, #tpu.memory_space<hbm>> -> memref<50000x32xf32, #tpu.memory_space<hbm>>
        tpu.enqueue_indirect_dma source(%dma_start3A_45 : memref<50000x32xf32, #tpu.memory_space<hbm>>) target(%arg16 : memref<80x32xf32, #tpu.memory_space<vmem>>) offsets(%arg13 : memref<80xi32, #tpu.memory_space<vmem>>) semaphore(%arg18 : memref<!tpu.dma_semaphore, #tpu.memory_space<semaphore_mem>>)
        %dma_wait3A_46 = arith.constant 0 : i32
        %dma_wait3A_47 = arith.constant 0 : i32
        %dma_wait3A_48 = tpu.memref_slice %arg2[%dma_wait3A_46, %dma_wait3A_47] : memref<50000x32xf32, #tpu.memory_space<hbm>> -> memref<50000x32xf32, #tpu.memory_space<hbm>>
        tpu.wait_indirect_dma semaphore(%arg18 : memref<!tpu.dma_semaphore, #tpu.memory_space<semaphore_mem>>) src(%dma_wait3A_48 : memref<50000x32xf32, #tpu.memory_space<hbm>>) dst(%arg16 : memref<80x32xf32, #tpu.memory_space<vmem>>)
        %scan3A_49 = arith.constant 0 : i32
        %scan3A_50 = arith.constant 80 : i32
        %scan3A_51 = arith.addi %scan3A_49, %scan3A_50 : i32
        %scan3A_52 = arith.constant 4 : i32
        scf.for %scan3A_54 = %scan3A_49 to %scan3A_51 step %scan3A_52  : i32 {
          %mul3A_55 = arith.constant 1 : i32
          %mul3A_56 = arith.muli %scan3A_54, %mul3A_55 : i32
          %add3A_57 = arith.constant 0 : i32
          %add3A_58 = arith.addi %add3A_57, %mul3A_56 : i32
          %get3A = arith.index_cast %add3A_58 : i32 to index
          %get3A_59 = arith.constant 0 : index
          %get3A_60 = tpu.vector_load %arg16[%get3A, %get3A_59] {strides = array<i32>} : memref<80x32xf32, #tpu.memory_space<vmem>>, vector<1x16xf32>,
          %get3A_61 = vector.shape_cast %get3A_60 : vector<1x16xf32> to vector<16xf32>
          %get3A_62 = arith.index_cast %add3A_58 : i32 to index
          %get3A_63 = arith.constant 0 : index
          %get3A_64 = tpu.vector_load %arg17[%get3A_62, %get3A_63] {strides = array<i32>} : memref<80x32xf32, #tpu.memory_space<vmem>>, vector<1x16xf32>,
          %get3A_65 = vector.shape_cast %get3A_64 : vector<1x16xf32> to vector<16xf32>
          %add3A_66 = arith.addf %get3A_61, %get3A_65 : vector<16xf32>
          %max3A = arith.constant 0.000000e+00 : f32
          %max3A_67 = vector.broadcast %max3A : f32 to vector<16xf32>
          %max3A_68 = arith.maximumf %add3A_66, %max3A_67 : vector<16xf32>
          %swap3A = arith.index_cast %add3A_58 : i32 to index
          %swap3A_69 = arith.constant 0 : index
          %swap3A_70 = tpu.vector_load %arg16[%swap3A, %swap3A_69] {strides = array<i32>} : memref<80x32xf32, #tpu.memory_space<vmem>>, vector<1x16xf32>,
          %swap3A_71 = vector.shape_cast %swap3A_70 : vector<1x16xf32> to vector<16xf32>
          %swap3A_72 = vector.shape_cast %max3A_68 : vector<16xf32> to vector<1x16xf32>
          tpu.vector_store %arg16[%swap3A, %swap3A_69], %swap3A_72 {strides = array<i32>} : memref<80x32xf32, #tpu.memory_space<vmem>>, vector<1x16xf32>,
          %get3A_73 = arith.index_cast %add3A_58 : i32 to index
          %get3A_74 = arith.constant 16 : index
          %get3A_75 = tpu.vector_load %arg16[%get3A_73, %get3A_74] {strides = array<i32>} : memref<80x32xf32, #tpu.memory_space<vmem>>, vector<1x16xf32>,
          %get3A_76 = vector.shape_cast %get3A_75 : vector<1x16xf32> to vector<16xf32>
          %get3A_77 = arith.index_cast %add3A_58 : i32 to index
          %get3A_78 = arith.constant 16 : index
          %get3A_79 = tpu.vector_load %arg17[%get3A_77, %get3A_78] {strides = array<i32>} : memref<80x32xf32, #tpu.memory_space<vmem>>, vector<1x16xf32>,
          %get3A_80 = vector.shape_cast %get3A_79 : vector<1x16xf32> to vector<16xf32>
          %add3A_81 = arith.addf %get3A_76, %get3A_80 : vector<16xf32>
          %max3A_82 = arith.constant 0.000000e+00 : f32
          %max3A_83 = vector.broadcast %max3A_82 : f32 to vector<16xf32>
          %max3A_84 = arith.maximumf %add3A_81, %max3A_83 : vector<16xf32>
          %swap3A_85 = arith.index_cast %add3A_58 : i32 to index
          %swap3A_86 = arith.constant 16 : index
          %swap3A_87 = tpu.vector_load %arg16[%swap3A_85, %swap3A_86] {strides = array<i32>} : memref<80x32xf32, #tpu.memory_space<vmem>>, vector<1x16xf32>,
          %swap3A_88 = vector.shape_cast %swap3A_87 : vector<1x16xf32> to vector<16xf32>
          %swap3A_89 = vector.shape_cast %max3A_84 : vector<16xf32> to vector<1x16xf32>
          tpu.vector_store %arg16[%swap3A_85, %swap3A_86], %swap3A_89 {strides = array<i32>} : memref<80x32xf32, #tpu.memory_space<vmem>>, vector<1x16xf32>,
          %scan3A_90 = arith.constant 1 : i32
          %scan3A_91 = arith.addi %scan3A_54, %scan3A_90 : i32
          %mul3A_92 = arith.constant 1 : i32
          %mul3A_93 = arith.muli %scan3A_91, %mul3A_92 : i32
          %add3A_94 = arith.constant 0 : i32
          %add3A_95 = arith.addi %add3A_94, %mul3A_93 : i32
          %get3A_96 = arith.index_cast %add3A_95 : i32 to index
          %get3A_97 = arith.constant 0 : index
          %get3A_98 = tpu.vector_load %arg16[%get3A_96, %get3A_97] {strides = array<i32>} : memref<80x32xf32, #tpu.memory_space<vmem>>, vector<1x16xf32>,
          %get3A_99 = vector.shape_cast %get3A_98 : vector<1x16xf32> to vector<16xf32>
          %get3A_100 = arith.index_cast %add3A_95 : i32 to index
          %get3A_101 = arith.constant 0 : index
          %get3A_102 = tpu.vector_load %arg17[%get3A_100, %get3A_101] {strides = array<i32>} : memref<80x32xf32, #tpu.memory_space<vmem>>, vector<1x16xf32>,
          %get3A_103 = vector.shape_cast %get3A_102 : vector<1x16xf32> to vector<16xf32>
          %add3A_104 = arith.addf %get3A_99, %get3A_103 : vector<16xf32>
          %max3A_105 = arith.constant 0.000000e+00 : f32
          %max3A_106 = vector.broadcast %max3A_105 : f32 to vector<16xf32>
          %max3A_107 = arith.maximumf %add3A_104, %max3A_106 : vector<16xf32>
          %swap3A_108 = arith.index_cast %add3A_95 : i32 to index
          %swap3A_109 = arith.constant 0 : index
          %swap3A_110 = tpu.vector_load %arg16[%swap3A_108, %swap3A_109] {strides = array<i32>} : memref<80x32xf32, #tpu.memory_space<vmem>>, vector<1x16xf32>,
          %swap3A_111 = vector.shape_cast %swap3A_110 : vector<1x16xf32> to vector<16xf32>
          %swap3A_112 = vector.shape_cast %max3A_107 : vector<16xf32> to vector<1x16xf32>
          tpu.vector_store %arg16[%swap3A_108, %swap3A_109], %swap3A_112 {strides = array<i32>} : memref<80x32xf32, #tpu.memory_space<vmem>>, vector<1x16xf32>,
          %get3A_113 = arith.index_cast %add3A_95 : i32 to index
          %get3A_114 = arith.constant 16 : index
          %get3A_115 = tpu.vector_load %arg16[%get3A_113, %get3A_114] {strides = array<i32>} : memref<80x32xf32, #tpu.memory_space<vmem>>, vector<1x16xf32>,
          %get3A_116 = vector.shape_cast %get3A_115 : vector<1x16xf32> to vector<16xf32>
          %get3A_117 = arith.index_cast %add3A_95 : i32 to index
          %get3A_118 = arith.constant 16 : index
          %get3A_119 = tpu.vector_load %arg17[%get3A_117, %get3A_118] {strides = array<i32>} : memref<80x32xf32, #tpu.memory_space<vmem>>, vector<1x16xf32>,
          %get3A_120 = vector.shape_cast %get3A_119 : vector<1x16xf32> to vector<16xf32>
          %add3A_121 = arith.addf %get3A_116, %get3A_120 : vector<16xf32>
          %max3A_122 = arith.constant 0.000000e+00 : f32
          %max3A_123 = vector.broadcast %max3A_122 : f32 to vector<16xf32>
          %max3A_124 = arith.maximumf %add3A_121, %max3A_123 : vector<16xf32>
          %swap3A_125 = arith.index_cast %add3A_95 : i32 to index
          %swap3A_126 = arith.constant 16 : index
          %swap3A_127 = tpu.vector_load %arg16[%swap3A_125, %swap3A_126] {strides = array<i32>} : memref<80x32xf32, #tpu.memory_space<vmem>>, vector<1x16xf32>,
          %swap3A_128 = vector.shape_cast %swap3A_127 : vector<1x16xf32> to vector<16xf32>
          %swap3A_129 = vector.shape_cast %max3A_124 : vector<16xf32> to vector<1x16xf32>
          tpu.vector_store %arg16[%swap3A_125, %swap3A_126], %swap3A_129 {strides = array<i32>} : memref<80x32xf32, #tpu.memory_space<vmem>>, vector<1x16xf32>,
          %scan3A_130 = arith.constant 2 : i32
          %scan3A_131 = arith.addi %scan3A_54, %scan3A_130 : i32
          %mul3A_132 = arith.constant 1 : i32
          %mul3A_133 = arith.muli %scan3A_131, %mul3A_132 : i32
          %add3A_134 = arith.constant 0 : i32
          %add3A_135 = arith.addi %add3A_134, %mul3A_133 : i32
          %get3A_136 = arith.index_cast %add3A_135 : i32 to index
          %get3A_137 = arith.constant 0 : index
          %get3A_138 = tpu.vector_load %arg16[%get3A_136, %get3A_137] {strides = array<i32>} : memref<80x32xf32, #tpu.memory_space<vmem>>, vector<1x16xf32>,
          %get3A_139 = vector.shape_cast %get3A_138 : vector<1x16xf32> to vector<16xf32>
          %get3A_140 = arith.index_cast %add3A_135 : i32 to index
          %get3A_141 = arith.constant 0 : index
          %get3A_142 = tpu.vector_load %arg17[%get3A_140, %get3A_141] {strides = array<i32>} : memref<80x32xf32, #tpu.memory_space<vmem>>, vector<1x16xf32>,
          %get3A_143 = vector.shape_cast %get3A_142 : vector<1x16xf32> to vector<16xf32>
          %add3A_144 = arith.addf %get3A_139, %get3A_143 : vector<16xf32>
          %max3A_145 = arith.constant 0.000000e+00 : f32
          %max3A_146 = vector.broadcast %max3A_145 : f32 to vector<16xf32>
          %max3A_147 = arith.maximumf %add3A_144, %max3A_146 : vector<16xf32>
          %swap3A_148 = arith.index_cast %add3A_135 : i32 to index
          %swap3A_149 = arith.constant 0 : index
          %swap3A_150 = tpu.vector_load %arg16[%swap3A_148, %swap3A_149] {strides = array<i32>} : memref<80x32xf32, #tpu.memory_space<vmem>>, vector<1x16xf32>,
          %swap3A_151 = vector.shape_cast %swap3A_150 : vector<1x16xf32> to vector<16xf32>
          %swap3A_152 = vector.shape_cast %max3A_147 : vector<16xf32> to vector<1x16xf32>
          tpu.vector_store %arg16[%swap3A_148, %swap3A_149], %swap3A_152 {strides = array<i32>} : memref<80x32xf32, #tpu.memory_space<vmem>>, vector<1x16xf32>,
          %get3A_153 = arith.index_cast %add3A_135 : i32 to index
          %get3A_154 = arith.constant 16 : index
          %get3A_155 = tpu.vector_load %arg16[%get3A_153, %get3A_154] {strides = array<i32>} : memref<80x32xf32, #tpu.memory_space<vmem>>, vector<1x16xf32>,
          %get3A_156 = vector.shape_cast %get3A_155 : vector<1x16xf32> to vector<16xf32>
          %get3A_157 = arith.index_cast %add3A_135 : i32 to index
          %get3A_158 = arith.constant 16 : index
          %get3A_159 = tpu.vector_load %arg17[%get3A_157, %get3A_158] {strides = array<i32>} : memref<80x32xf32, #tpu.memory_space<vmem>>, vector<1x16xf32>,
          %get3A_160 = vector.shape_cast %get3A_159 : vector<1x16xf32> to vector<16xf32>
          %add3A_161 = arith.addf %get3A_156, %get3A_160 : vector<16xf32>
          %max3A_162 = arith.constant 0.000000e+00 : f32
          %max3A_163 = vector.broadcast %max3A_162 : f32 to vector<16xf32>
          %max3A_164 = arith.maximumf %add3A_161, %max3A_163 : vector<16xf32>
          %swap3A_165 = arith.index_cast %add3A_135 : i32 to index
          %swap3A_166 = arith.constant 16 : index
          %swap3A_167 = tpu.vector_load %arg16[%swap3A_165, %swap3A_166] {strides = array<i32>} : memref<80x32xf32, #tpu.memory_space<vmem>>, vector<1x16xf32>,
          %swap3A_168 = vector.shape_cast %swap3A_167 : vector<1x16xf32> to vector<16xf32>
          %swap3A_169 = vector.shape_cast %max3A_164 : vector<16xf32> to vector<1x16xf32>
          tpu.vector_store %arg16[%swap3A_165, %swap3A_166], %swap3A_169 {strides = array<i32>} : memref<80x32xf32, #tpu.memory_space<vmem>>, vector<1x16xf32>,
          %scan3A_170 = arith.constant 3 : i32
          %scan3A_171 = arith.addi %scan3A_54, %scan3A_170 : i32
          %mul3A_172 = arith.constant 1 : i32
          %mul3A_173 = arith.muli %scan3A_171, %mul3A_172 : i32
          %add3A_174 = arith.constant 0 : i32
          %add3A_175 = arith.addi %add3A_174, %mul3A_173 : i32
          %get3A_176 = arith.index_cast %add3A_175 : i32 to index
          %get3A_177 = arith.constant 0 : index
          %get3A_178 = tpu.vector_load %arg16[%get3A_176, %get3A_177] {strides = array<i32>} : memref<80x32xf32, #tpu.memory_space<vmem>>, vector<1x16xf32>,
          %get3A_179 = vector.shape_cast %get3A_178 : vector<1x16xf32> to vector<16xf32>
          %get3A_180 = arith.index_cast %add3A_175 : i32 to index
          %get3A_181 = arith.constant 0 : index
          %get3A_182 = tpu.vector_load %arg17[%get3A_180, %get3A_181] {strides = array<i32>} : memref<80x32xf32, #tpu.memory_space<vmem>>, vector<1x16xf32>,
          %get3A_183 = vector.shape_cast %get3A_182 : vector<1x16xf32> to vector<16xf32>
          %add3A_184 = arith.addf %get3A_179, %get3A_183 : vector<16xf32>
          %max3A_185 = arith.constant 0.000000e+00 : f32
          %max3A_186 = vector.broadcast %max3A_185 : f32 to vector<16xf32>
          %max3A_187 = arith.maximumf %add3A_184, %max3A_186 : vector<16xf32>
          %swap3A_188 = arith.index_cast %add3A_175 : i32 to index
          %swap3A_189 = arith.constant 0 : index
          %swap3A_190 = tpu.vector_load %arg16[%swap3A_188, %swap3A_189] {strides = array<i32>} : memref<80x32xf32, #tpu.memory_space<vmem>>, vector<1x16xf32>,
          %swap3A_191 = vector.shape_cast %swap3A_190 : vector<1x16xf32> to vector<16xf32>
          %swap3A_192 = vector.shape_cast %max3A_187 : vector<16xf32> to vector<1x16xf32>
          tpu.vector_store %arg16[%swap3A_188, %swap3A_189], %swap3A_192 {strides = array<i32>} : memref<80x32xf32, #tpu.memory_space<vmem>>, vector<1x16xf32>,
          %get3A_193 = arith.index_cast %add3A_175 : i32 to index
          %get3A_194 = arith.constant 16 : index
          %get3A_195 = tpu.vector_load %arg16[%get3A_193, %get3A_194] {strides = array<i32>} : memref<80x32xf32, #tpu.memory_space<vmem>>, vector<1x16xf32>,
          %get3A_196 = vector.shape_cast %get3A_195 : vector<1x16xf32> to vector<16xf32>
          %get3A_197 = arith.index_cast %add3A_175 : i32 to index
          %get3A_198 = arith.constant 16 : index
          %get3A_199 = tpu.vector_load %arg17[%get3A_197, %get3A_198] {strides = array<i32>} : memref<80x32xf32, #tpu.memory_space<vmem>>, vector<1x16xf32>,
          %get3A_200 = vector.shape_cast %get3A_199 : vector<1x16xf32> to vector<16xf32>
          %add3A_201 = arith.addf %get3A_196, %get3A_200 : vector<16xf32>
          %max3A_202 = arith.constant 0.000000e+00 : f32
          %max3A_203 = vector.broadcast %max3A_202 : f32 to vector<16xf32>
          %max3A_204 = arith.maximumf %add3A_201, %max3A_203 : vector<16xf32>
          %swap3A_205 = arith.index_cast %add3A_175 : i32 to index
          %swap3A_206 = arith.constant 16 : index
          %swap3A_207 = tpu.vector_load %arg16[%swap3A_205, %swap3A_206] {strides = array<i32>} : memref<80x32xf32, #tpu.memory_space<vmem>>, vector<1x16xf32>,
          %swap3A_208 = vector.shape_cast %swap3A_207 : vector<1x16xf32> to vector<16xf32>
          %swap3A_209 = vector.shape_cast %max3A_204 : vector<16xf32> to vector<1x16xf32>
          tpu.vector_store %arg16[%swap3A_205, %swap3A_206], %swap3A_209 {strides = array<i32>} : memref<80x32xf32, #tpu.memory_space<vmem>>, vector<1x16xf32>,
        }
        %scan3A_53 = arith.constant 80 : i32
        "tpu.region"() ({
          %run_scoped3A = tpu.sem_alloc : memref<!tpu.dma_semaphore, #tpu.memory_space<semaphore_mem>>
          %dma_start3A_54 = arith.constant 0 : i32
          %dma_start3A_55 = arith.constant 0 : i32
          %dma_start3A_56 = tpu.memref_slice %arg12[%dma_start3A_54, %dma_start3A_55] : memref<50000x32xf32, #tpu.memory_space<vmem_shared>> -> memref<50000x32xf32, #tpu.memory_space<vmem_shared>>
          tpu.enqueue_indirect_dma source(%arg16 : memref<80x32xf32, #tpu.memory_space<vmem>>) target(%dma_start3A_56 : memref<50000x32xf32, #tpu.memory_space<vmem_shared>>) offsets(%arg14 : memref<80xi32, #tpu.memory_space<vmem>>) semaphore(%run_scoped3A : memref<!tpu.dma_semaphore, #tpu.memory_space<semaphore_mem>>) {add = true}
          %dma_wait3A_57 = arith.constant 0 : i32
          %dma_wait3A_58 = arith.constant 0 : i32
          %dma_wait3A_59 = tpu.memref_slice %arg12[%dma_wait3A_57, %dma_wait3A_58] : memref<50000x32xf32, #tpu.memory_space<vmem_shared>> -> memref<50000x32xf32, #tpu.memory_space<vmem_shared>>
          tpu.wait_indirect_dma semaphore(%run_scoped3A : memref<!tpu.dma_semaphore, #tpu.memory_space<semaphore_mem>>) src(%arg16 : memref<80x32xf32, #tpu.memory_space<vmem>>) dst(%dma_wait3A_59 : memref<50000x32xf32, #tpu.memory_space<vmem_shared>>)
          tpu.yield
        }) : () -> ()
      }
      %scan3A_20 = arith.constant 625 : i32
      %barrier3A_21 = arith.constant 0 : index
      tpu.barrier barrier_id(%barrier3A_21)
      %lt3A_22 = arith.constant 15 : i32
      %lt3A_23 = arith.cmpi slt, %arg1, %lt3A_22 : i32
      %convert_element_type3A_24 = arith.extui %lt3A_23 : i1 to i32
      %cond3A_25 = arith.constant 0 : i32
      %cond3A_26 = arith.cmpi ne, %convert_element_type3A_24, %cond3A_25 : i32
      scf.if %cond3A_26 {
        %mul3A_32 = arith.constant 3128 : i32
        %mul3A_33 = arith.muli %arg1, %mul3A_32 : i32
        %mul3A_34 = arith.constant 3128 : i32
        %mul3A_35 = arith.muli %arg1, %mul3A_34 : i32
        "tpu.region"() ({
          %run_scoped3A = tpu.sem_alloc : memref<!tpu.dma_semaphore, #tpu.memory_space<semaphore_mem>>
          %dma_start3A = arith.constant 0 : i32
          %dma_start3A_36 = tpu.memref_slice %arg10[%mul3A_35, %dma_start3A] : memref<50000x32xf32, #tpu.memory_space<hbm>> -> memref<3128x32xf32, #tpu.memory_space<hbm>>
          %dma_start3A_37 = arith.constant 0 : i32
          %dma_start3A_38 = tpu.memref_slice %arg12[%mul3A_33, %dma_start3A_37] : memref<50000x32xf32, #tpu.memory_space<vmem_shared>> -> memref<3128x32xf32, #tpu.memory_space<vmem_shared>>
          tpu.enqueue_dma source(%dma_start3A_38 : memref<3128x32xf32, #tpu.memory_space<vmem_shared>>) target(%dma_start3A_36 : memref<3128x32xf32, #tpu.memory_space<hbm>>) target_semaphore(%run_scoped3A : memref<!tpu.dma_semaphore, #tpu.memory_space<semaphore_mem>>)
          %dma_wait3A = arith.constant 0 : i32
          %dma_wait3A_39 = tpu.memref_slice %arg10[%mul3A_35, %dma_wait3A] : memref<50000x32xf32, #tpu.memory_space<hbm>> -> memref<3128x32xf32, #tpu.memory_space<hbm>>
          %dma_wait3A_40 = arith.constant 0 : i32
          %dma_wait3A_41 = tpu.memref_slice %arg12[%mul3A_33, %dma_wait3A_40] : memref<50000x32xf32, #tpu.memory_space<vmem_shared>> -> memref<3128x32xf32, #tpu.memory_space<vmem_shared>>
          tpu.wait_dma2 semaphore(%run_scoped3A : memref<!tpu.dma_semaphore, #tpu.memory_space<semaphore_mem>>) src(%dma_wait3A_41 : memref<3128x32xf32, #tpu.memory_space<vmem_shared>>) dst(%dma_wait3A_39 : memref<3128x32xf32, #tpu.memory_space<hbm>>)
          tpu.yield
        }) : () -> ()
      } else {
      }
      %eq3A_27 = arith.constant 15 : i32
      %eq3A_28 = arith.cmpi eq, %arg1, %eq3A_27 : i32
      %convert_element_type3A_29 = arith.extui %eq3A_28 : i1 to i32
      %cond3A_30 = arith.constant 0 : i32
      %cond3A_31 = arith.cmpi ne, %convert_element_type3A_29, %cond3A_30 : i32
      scf.if %cond3A_31 {
        "tpu.region"() ({
          %run_scoped3A = tpu.sem_alloc : memref<!tpu.dma_semaphore, #tpu.memory_space<semaphore_mem>>
          %dma_start3A = arith.constant 46920 : i32
          %dma_start3A_32 = arith.constant 0 : i32
          %dma_start3A_33 = tpu.memref_slice %arg10[%dma_start3A, %dma_start3A_32] : memref<50000x32xf32, #tpu.memory_space<hbm>> -> memref<3080x32xf32, #tpu.memory_space<hbm>>
          %dma_start3A_34 = arith.constant 46920 : i32
          %dma_start3A_35 = arith.constant 0 : i32
          %dma_start3A_36 = tpu.memref_slice %arg12[%dma_start3A_34, %dma_start3A_35] : memref<50000x32xf32, #tpu.memory_space<vmem_shared>> -> memref<3080x32xf32, #tpu.memory_space<vmem_shared>>
          tpu.enqueue_dma source(%dma_start3A_36 : memref<3080x32xf32, #tpu.memory_space<vmem_shared>>) target(%dma_start3A_33 : memref<3080x32xf32, #tpu.memory_space<hbm>>) target_semaphore(%run_scoped3A : memref<!tpu.dma_semaphore, #tpu.memory_space<semaphore_mem>>)
          %dma_wait3A = arith.constant 46920 : i32
          %dma_wait3A_37 = arith.constant 0 : i32
          %dma_wait3A_38 = tpu.memref_slice %arg10[%dma_wait3A, %dma_wait3A_37] : memref<50000x32xf32, #tpu.memory_space<hbm>> -> memref<3080x32xf32, #tpu.memory_space<hbm>>
          %dma_wait3A_39 = arith.constant 46920 : i32
          %dma_wait3A_40 = arith.constant 0 : i32
          %dma_wait3A_41 = tpu.memref_slice %arg12[%dma_wait3A_39, %dma_wait3A_40] : memref<50000x32xf32, #tpu.memory_space<vmem_shared>> -> memref<3080x32xf32, #tpu.memory_space<vmem_shared>>
          tpu.wait_dma2 semaphore(%run_scoped3A : memref<!tpu.dma_semaphore, #tpu.memory_space<semaphore_mem>>) src(%dma_wait3A_41 : memref<3080x32xf32, #tpu.memory_space<vmem_shared>>) dst(%dma_wait3A_38 : memref<3080x32xf32, #tpu.memory_space<hbm>>)
          tpu.yield
        }) : () -> ()
      } else {
      }
    } else {
    }
    %eq3A_2 = arith.constant 1 : i32
    %eq3A_3 = arith.cmpi eq, %arg0, %eq3A_2 : i32
    %convert_element_type3A_4 = arith.extui %eq3A_3 : i1 to i32
    %cond3A_5 = arith.constant 0 : i32
    %cond3A_6 = arith.cmpi ne, %convert_element_type3A_4, %cond3A_5 : i32
    scf.if %cond3A_6 {
      %lt3A = arith.constant 15 : i32
      %lt3A_7 = arith.cmpi slt, %arg1, %lt3A : i32
      %convert_element_type3A_8 = arith.extui %lt3A_7 : i1 to i32
      %cond3A_9 = arith.constant 0 : i32
      %cond3A_10 = arith.cmpi ne, %convert_element_type3A_8, %cond3A_9 : i32
      scf.if %cond3A_10 {
        %mul3A_32 = arith.constant 3128 : i32
        %mul3A_33 = arith.muli %arg1, %mul3A_32 : i32
        "tpu.region"() ({
          %run_scoped3A = tpu.sem_alloc : memref<!tpu.dma_semaphore, #tpu.memory_space<semaphore_mem>>
          %dma_start3A = arith.constant 0 : i32
          %dma_start3A_34 = tpu.memref_slice %arg12[%mul3A_33, %dma_start3A] : memref<50000x32xf32, #tpu.memory_space<vmem_shared>> -> memref<3128x32xf32, #tpu.memory_space<vmem_shared>>
          %dma_start3A_35 = arith.constant 0 : i32
          %dma_start3A_36 = arith.constant 0 : i32
          %dma_start3A_37 = tpu.memref_slice %arg9[%dma_start3A_35, %dma_start3A_36] : memref<3128x32xf32, #tpu.memory_space<hbm>> -> memref<3128x32xf32, #tpu.memory_space<hbm>>
          tpu.enqueue_dma source(%dma_start3A_37 : memref<3128x32xf32, #tpu.memory_space<hbm>>) target(%dma_start3A_34 : memref<3128x32xf32, #tpu.memory_space<vmem_shared>>) target_semaphore(%run_scoped3A : memref<!tpu.dma_semaphore, #tpu.memory_space<semaphore_mem>>)
          %dma_wait3A = arith.constant 0 : i32
          %dma_wait3A_38 = tpu.memref_slice %arg12[%mul3A_33, %dma_wait3A] : memref<50000x32xf32, #tpu.memory_space<vmem_shared>> -> memref<3128x32xf32, #tpu.memory_space<vmem_shared>>
          %dma_wait3A_39 = arith.constant 0 : i32
          %dma_wait3A_40 = arith.constant 0 : i32
          %dma_wait3A_41 = tpu.memref_slice %arg9[%dma_wait3A_39, %dma_wait3A_40] : memref<3128x32xf32, #tpu.memory_space<hbm>> -> memref<3128x32xf32, #tpu.memory_space<hbm>>
          tpu.wait_dma2 semaphore(%run_scoped3A : memref<!tpu.dma_semaphore, #tpu.memory_space<semaphore_mem>>) src(%dma_wait3A_41 : memref<3128x32xf32, #tpu.memory_space<hbm>>) dst(%dma_wait3A_38 : memref<3128x32xf32, #tpu.memory_space<vmem_shared>>)
          tpu.yield
        }) : () -> ()
      } else {
      }
      %eq3A_11 = arith.constant 15 : i32
      %eq3A_12 = arith.cmpi eq, %arg1, %eq3A_11 : i32
      %convert_element_type3A_13 = arith.extui %eq3A_12 : i1 to i32
      %cond3A_14 = arith.constant 0 : i32
      %cond3A_15 = arith.cmpi ne, %convert_element_type3A_13, %cond3A_14 : i32
      scf.if %cond3A_15 {
        "tpu.region"() ({
          %run_scoped3A = tpu.sem_alloc : memref<!tpu.dma_semaphore, #tpu.memory_space<semaphore_mem>>
          %dma_start3A = arith.constant 46920 : i32
          %dma_start3A_32 = arith.constant 0 : i32
          %dma_start3A_33 = tpu.memref_slice %arg12[%dma_start3A, %dma_start3A_32] : memref<50000x32xf32, #tpu.memory_space<vmem_shared>> -> memref<3080x32xf32, #tpu.memory_space<vmem_shared>>
          %dma_start3A_34 = arith.constant 0 : i32
          %dma_start3A_35 = arith.constant 0 : i32
          %dma_start3A_36 = tpu.memref_slice %arg9[%dma_start3A_34, %dma_start3A_35] : memref<3128x32xf32, #tpu.memory_space<hbm>> -> memref<3080x32xf32, #tpu.memory_space<hbm>>
          tpu.enqueue_dma source(%dma_start3A_36 : memref<3080x32xf32, #tpu.memory_space<hbm>>) target(%dma_start3A_33 : memref<3080x32xf32, #tpu.memory_space<vmem_shared>>) target_semaphore(%run_scoped3A : memref<!tpu.dma_semaphore, #tpu.memory_space<semaphore_mem>>)
          %dma_wait3A = arith.constant 46920 : i32
          %dma_wait3A_37 = arith.constant 0 : i32
          %dma_wait3A_38 = tpu.memref_slice %arg12[%dma_wait3A, %dma_wait3A_37] : memref<50000x32xf32, #tpu.memory_space<vmem_shared>> -> memref<3080x32xf32, #tpu.memory_space<vmem_shared>>
          %dma_wait3A_39 = arith.constant 0 : i32
          %dma_wait3A_40 = arith.constant 0 : i32
          %dma_wait3A_41 = tpu.memref_slice %arg9[%dma_wait3A_39, %dma_wait3A_40] : memref<3128x32xf32, #tpu.memory_space<hbm>> -> memref<3080x32xf32, #tpu.memory_space<hbm>>
          tpu.wait_dma2 semaphore(%run_scoped3A : memref<!tpu.dma_semaphore, #tpu.memory_space<semaphore_mem>>) src(%dma_wait3A_41 : memref<3080x32xf32, #tpu.memory_space<hbm>>) dst(%dma_wait3A_38 : memref<3080x32xf32, #tpu.memory_space<vmem_shared>>)
          tpu.yield
        }) : () -> ()
      } else {
      }
      %barrier3A = arith.constant 0 : index
      tpu.barrier barrier_id(%barrier3A)
      %mul3A = arith.constant 50000 : i32
      %mul3A_16 = arith.muli %arg1, %mul3A : i32
      %scan3A = arith.constant 0 : i32
      %scan3A_17 = arith.constant 625 : i32
      %scan3A_18 = arith.addi %scan3A, %scan3A_17 : i32
      %scan3A_19 = arith.constant 1 : i32
      scf.for %scan3A_32 = %scan3A to %scan3A_18 step %scan3A_19  : i32 {
        %mul3A_33 = arith.constant 1 : i32
        %mul3A_34 = arith.muli %scan3A_32, %mul3A_33 : i32
        %add3A = arith.constant 0 : i32
        %add3A_35 = arith.addi %add3A, %mul3A_34 : i32
        %mul3A_36 = arith.constant 80 : i32
        %mul3A_37 = arith.muli %add3A_35, %mul3A_36 : i32
        %add3A_38 = arith.addi %mul3A_16, %mul3A_37 : i32
        "tpu.region"() ({
          %run_scoped3A = tpu.sem_alloc : memref<!tpu.dma_semaphore, #tpu.memory_space<semaphore_mem>>
          %dma_start3A_54 = tpu.memref_slice %arg6[%add3A_38] : memref<800000xi32, #tpu.memory_space<hbm>> -> memref<80xi32, #tpu.memory_space<hbm>>
          %dma_start3A_55 = tpu.memref_slice %arg6[%add3A_38] : memref<800000xi32, #tpu.memory_space<hbm>> -> memref<80xi32, #tpu.memory_space<hbm>>
          tpu.enqueue_dma source(%dma_start3A_55 : memref<80xi32, #tpu.memory_space<hbm>>) target(%arg13 : memref<80xi32, #tpu.memory_space<vmem>>) target_semaphore(%run_scoped3A : memref<!tpu.dma_semaphore, #tpu.memory_space<semaphore_mem>>)
          %dma_wait3A_56 = tpu.memref_slice %arg6[%add3A_38] : memref<800000xi32, #tpu.memory_space<hbm>> -> memref<80xi32, #tpu.memory_space<hbm>>
          %dma_wait3A_57 = tpu.memref_slice %arg6[%add3A_38] : memref<800000xi32, #tpu.memory_space<hbm>> -> memref<80xi32, #tpu.memory_space<hbm>>
          tpu.wait_dma2 semaphore(%run_scoped3A : memref<!tpu.dma_semaphore, #tpu.memory_space<semaphore_mem>>) src(%dma_wait3A_57 : memref<80xi32, #tpu.memory_space<hbm>>) dst(%arg13 : memref<80xi32, #tpu.memory_space<vmem>>)
          tpu.yield
        }) : () -> ()
        "tpu.region"() ({
          %run_scoped3A = tpu.sem_alloc : memref<!tpu.dma_semaphore, #tpu.memory_space<semaphore_mem>>
          %dma_start3A_54 = tpu.memref_slice %arg7[%add3A_38] : memref<800000xi32, #tpu.memory_space<hbm>> -> memref<80xi32, #tpu.memory_space<hbm>>
          %dma_start3A_55 = tpu.memref_slice %arg7[%add3A_38] : memref<800000xi32, #tpu.memory_space<hbm>> -> memref<80xi32, #tpu.memory_space<hbm>>
          tpu.enqueue_dma source(%dma_start3A_55 : memref<80xi32, #tpu.memory_space<hbm>>) target(%arg14 : memref<80xi32, #tpu.memory_space<vmem>>) target_semaphore(%run_scoped3A : memref<!tpu.dma_semaphore, #tpu.memory_space<semaphore_mem>>)
          %dma_wait3A_56 = tpu.memref_slice %arg7[%add3A_38] : memref<800000xi32, #tpu.memory_space<hbm>> -> memref<80xi32, #tpu.memory_space<hbm>>
          %dma_wait3A_57 = tpu.memref_slice %arg7[%add3A_38] : memref<800000xi32, #tpu.memory_space<hbm>> -> memref<80xi32, #tpu.memory_space<hbm>>
          tpu.wait_dma2 semaphore(%run_scoped3A : memref<!tpu.dma_semaphore, #tpu.memory_space<semaphore_mem>>) src(%dma_wait3A_57 : memref<80xi32, #tpu.memory_space<hbm>>) dst(%arg14 : memref<80xi32, #tpu.memory_space<vmem>>)
          tpu.yield
        }) : () -> ()
        "tpu.region"() ({
          %run_scoped3A = tpu.sem_alloc : memref<!tpu.dma_semaphore, #tpu.memory_space<semaphore_mem>>
          %dma_start3A_54 = tpu.memref_slice %arg8[%add3A_38] : memref<800000xi32, #tpu.memory_space<hbm>> -> memref<80xi32, #tpu.memory_space<hbm>>
          %dma_start3A_55 = tpu.memref_slice %arg8[%add3A_38] : memref<800000xi32, #tpu.memory_space<hbm>> -> memref<80xi32, #tpu.memory_space<hbm>>
          tpu.enqueue_dma source(%dma_start3A_55 : memref<80xi32, #tpu.memory_space<hbm>>) target(%arg15 : memref<80xi32, #tpu.memory_space<vmem>>) target_semaphore(%run_scoped3A : memref<!tpu.dma_semaphore, #tpu.memory_space<semaphore_mem>>)
          %dma_wait3A_56 = tpu.memref_slice %arg8[%add3A_38] : memref<800000xi32, #tpu.memory_space<hbm>> -> memref<80xi32, #tpu.memory_space<hbm>>
          %dma_wait3A_57 = tpu.memref_slice %arg8[%add3A_38] : memref<800000xi32, #tpu.memory_space<hbm>> -> memref<80xi32, #tpu.memory_space<hbm>>
          tpu.wait_dma2 semaphore(%run_scoped3A : memref<!tpu.dma_semaphore, #tpu.memory_space<semaphore_mem>>) src(%dma_wait3A_57 : memref<80xi32, #tpu.memory_space<hbm>>) dst(%arg15 : memref<80xi32, #tpu.memory_space<vmem>>)
          tpu.yield
        }) : () -> ()
        %dma_start3A = arith.constant 0 : i32
        %dma_start3A_39 = arith.constant 0 : i32
        %dma_start3A_40 = tpu.memref_slice %arg5[%dma_start3A, %dma_start3A_39] : memref<800000x32xf32, #tpu.memory_space<hbm>> -> memref<800000x32xf32, #tpu.memory_space<hbm>>
        tpu.enqueue_indirect_dma source(%dma_start3A_40 : memref<800000x32xf32, #tpu.memory_space<hbm>>) target(%arg17 : memref<80x32xf32, #tpu.memory_space<vmem>>) offsets(%arg15 : memref<80xi32, #tpu.memory_space<vmem>>) semaphore(%arg18 : memref<!tpu.dma_semaphore, #tpu.memory_space<semaphore_mem>>)
        %dma_wait3A = arith.constant 0 : i32
        %dma_wait3A_41 = arith.constant 0 : i32
        %dma_wait3A_42 = tpu.memref_slice %arg5[%dma_wait3A, %dma_wait3A_41] : memref<800000x32xf32, #tpu.memory_space<hbm>> -> memref<800000x32xf32, #tpu.memory_space<hbm>>
        tpu.wait_indirect_dma semaphore(%arg18 : memref<!tpu.dma_semaphore, #tpu.memory_space<semaphore_mem>>) src(%dma_wait3A_42 : memref<800000x32xf32, #tpu.memory_space<hbm>>) dst(%arg17 : memref<80x32xf32, #tpu.memory_space<vmem>>)
        %dma_start3A_43 = arith.constant 0 : i32
        %dma_start3A_44 = arith.constant 0 : i32
        %dma_start3A_45 = tpu.memref_slice %arg3[%dma_start3A_43, %dma_start3A_44] : memref<50000x32xf32, #tpu.memory_space<hbm>> -> memref<50000x32xf32, #tpu.memory_space<hbm>>
        tpu.enqueue_indirect_dma source(%dma_start3A_45 : memref<50000x32xf32, #tpu.memory_space<hbm>>) target(%arg16 : memref<80x32xf32, #tpu.memory_space<vmem>>) offsets(%arg13 : memref<80xi32, #tpu.memory_space<vmem>>) semaphore(%arg18 : memref<!tpu.dma_semaphore, #tpu.memory_space<semaphore_mem>>)
        %dma_wait3A_46 = arith.constant 0 : i32
        %dma_wait3A_47 = arith.constant 0 : i32
        %dma_wait3A_48 = tpu.memref_slice %arg3[%dma_wait3A_46, %dma_wait3A_47] : memref<50000x32xf32, #tpu.memory_space<hbm>> -> memref<50000x32xf32, #tpu.memory_space<hbm>>
        tpu.wait_indirect_dma semaphore(%arg18 : memref<!tpu.dma_semaphore, #tpu.memory_space<semaphore_mem>>) src(%dma_wait3A_48 : memref<50000x32xf32, #tpu.memory_space<hbm>>) dst(%arg16 : memref<80x32xf32, #tpu.memory_space<vmem>>)
        %scan3A_49 = arith.constant 0 : i32
        %scan3A_50 = arith.constant 80 : i32
        %scan3A_51 = arith.addi %scan3A_49, %scan3A_50 : i32
        %scan3A_52 = arith.constant 4 : i32
        scf.for %scan3A_54 = %scan3A_49 to %scan3A_51 step %scan3A_52  : i32 {
          %mul3A_55 = arith.constant 1 : i32
          %mul3A_56 = arith.muli %scan3A_54, %mul3A_55 : i32
          %add3A_57 = arith.constant 0 : i32
          %add3A_58 = arith.addi %add3A_57, %mul3A_56 : i32
          %get3A = arith.index_cast %add3A_58 : i32 to index
          %get3A_59 = arith.constant 0 : index
          %get3A_60 = tpu.vector_load %arg16[%get3A, %get3A_59] {strides = array<i32>} : memref<80x32xf32, #tpu.memory_space<vmem>>, vector<1x16xf32>,
          %get3A_61 = vector.shape_cast %get3A_60 : vector<1x16xf32> to vector<16xf32>
          %get3A_62 = arith.index_cast %add3A_58 : i32 to index
          %get3A_63 = arith.constant 0 : index
          %get3A_64 = tpu.vector_load %arg17[%get3A_62, %get3A_63] {strides = array<i32>} : memref<80x32xf32, #tpu.memory_space<vmem>>, vector<1x16xf32>,
          %get3A_65 = vector.shape_cast %get3A_64 : vector<1x16xf32> to vector<16xf32>
          %add3A_66 = arith.addf %get3A_61, %get3A_65 : vector<16xf32>
          %max3A = arith.constant 0.000000e+00 : f32
          %max3A_67 = vector.broadcast %max3A : f32 to vector<16xf32>
          %max3A_68 = arith.maximumf %add3A_66, %max3A_67 : vector<16xf32>
          %swap3A = arith.index_cast %add3A_58 : i32 to index
          %swap3A_69 = arith.constant 0 : index
          %swap3A_70 = tpu.vector_load %arg16[%swap3A, %swap3A_69] {strides = array<i32>} : memref<80x32xf32, #tpu.memory_space<vmem>>, vector<1x16xf32>,
          %swap3A_71 = vector.shape_cast %swap3A_70 : vector<1x16xf32> to vector<16xf32>
          %swap3A_72 = vector.shape_cast %max3A_68 : vector<16xf32> to vector<1x16xf32>
          tpu.vector_store %arg16[%swap3A, %swap3A_69], %swap3A_72 {strides = array<i32>} : memref<80x32xf32, #tpu.memory_space<vmem>>, vector<1x16xf32>,
          %get3A_73 = arith.index_cast %add3A_58 : i32 to index
          %get3A_74 = arith.constant 16 : index
          %get3A_75 = tpu.vector_load %arg16[%get3A_73, %get3A_74] {strides = array<i32>} : memref<80x32xf32, #tpu.memory_space<vmem>>, vector<1x16xf32>,
          %get3A_76 = vector.shape_cast %get3A_75 : vector<1x16xf32> to vector<16xf32>
          %get3A_77 = arith.index_cast %add3A_58 : i32 to index
          %get3A_78 = arith.constant 16 : index
          %get3A_79 = tpu.vector_load %arg17[%get3A_77, %get3A_78] {strides = array<i32>} : memref<80x32xf32, #tpu.memory_space<vmem>>, vector<1x16xf32>,
          %get3A_80 = vector.shape_cast %get3A_79 : vector<1x16xf32> to vector<16xf32>
          %add3A_81 = arith.addf %get3A_76, %get3A_80 : vector<16xf32>
          %max3A_82 = arith.constant 0.000000e+00 : f32
          %max3A_83 = vector.broadcast %max3A_82 : f32 to vector<16xf32>
          %max3A_84 = arith.maximumf %add3A_81, %max3A_83 : vector<16xf32>
          %swap3A_85 = arith.index_cast %add3A_58 : i32 to index
          %swap3A_86 = arith.constant 16 : index
          %swap3A_87 = tpu.vector_load %arg16[%swap3A_85, %swap3A_86] {strides = array<i32>} : memref<80x32xf32, #tpu.memory_space<vmem>>, vector<1x16xf32>,
          %swap3A_88 = vector.shape_cast %swap3A_87 : vector<1x16xf32> to vector<16xf32>
          %swap3A_89 = vector.shape_cast %max3A_84 : vector<16xf32> to vector<1x16xf32>
          tpu.vector_store %arg16[%swap3A_85, %swap3A_86], %swap3A_89 {strides = array<i32>} : memref<80x32xf32, #tpu.memory_space<vmem>>, vector<1x16xf32>,
          %scan3A_90 = arith.constant 1 : i32
          %scan3A_91 = arith.addi %scan3A_54, %scan3A_90 : i32
          %mul3A_92 = arith.constant 1 : i32
          %mul3A_93 = arith.muli %scan3A_91, %mul3A_92 : i32
          %add3A_94 = arith.constant 0 : i32
          %add3A_95 = arith.addi %add3A_94, %mul3A_93 : i32
          %get3A_96 = arith.index_cast %add3A_95 : i32 to index
          %get3A_97 = arith.constant 0 : index
          %get3A_98 = tpu.vector_load %arg16[%get3A_96, %get3A_97] {strides = array<i32>} : memref<80x32xf32, #tpu.memory_space<vmem>>, vector<1x16xf32>,
          %get3A_99 = vector.shape_cast %get3A_98 : vector<1x16xf32> to vector<16xf32>
          %get3A_100 = arith.index_cast %add3A_95 : i32 to index
          %get3A_101 = arith.constant 0 : index
          %get3A_102 = tpu.vector_load %arg17[%get3A_100, %get3A_101] {strides = array<i32>} : memref<80x32xf32, #tpu.memory_space<vmem>>, vector<1x16xf32>,
          %get3A_103 = vector.shape_cast %get3A_102 : vector<1x16xf32> to vector<16xf32>
          %add3A_104 = arith.addf %get3A_99, %get3A_103 : vector<16xf32>
          %max3A_105 = arith.constant 0.000000e+00 : f32
          %max3A_106 = vector.broadcast %max3A_105 : f32 to vector<16xf32>
          %max3A_107 = arith.maximumf %add3A_104, %max3A_106 : vector<16xf32>
          %swap3A_108 = arith.index_cast %add3A_95 : i32 to index
          %swap3A_109 = arith.constant 0 : index
          %swap3A_110 = tpu.vector_load %arg16[%swap3A_108, %swap3A_109] {strides = array<i32>} : memref<80x32xf32, #tpu.memory_space<vmem>>, vector<1x16xf32>,
          %swap3A_111 = vector.shape_cast %swap3A_110 : vector<1x16xf32> to vector<16xf32>
          %swap3A_112 = vector.shape_cast %max3A_107 : vector<16xf32> to vector<1x16xf32>
          tpu.vector_store %arg16[%swap3A_108, %swap3A_109], %swap3A_112 {strides = array<i32>} : memref<80x32xf32, #tpu.memory_space<vmem>>, vector<1x16xf32>,
          %get3A_113 = arith.index_cast %add3A_95 : i32 to index
          %get3A_114 = arith.constant 16 : index
          %get3A_115 = tpu.vector_load %arg16[%get3A_113, %get3A_114] {strides = array<i32>} : memref<80x32xf32, #tpu.memory_space<vmem>>, vector<1x16xf32>,
          %get3A_116 = vector.shape_cast %get3A_115 : vector<1x16xf32> to vector<16xf32>
          %get3A_117 = arith.index_cast %add3A_95 : i32 to index
          %get3A_118 = arith.constant 16 : index
          %get3A_119 = tpu.vector_load %arg17[%get3A_117, %get3A_118] {strides = array<i32>} : memref<80x32xf32, #tpu.memory_space<vmem>>, vector<1x16xf32>,
          %get3A_120 = vector.shape_cast %get3A_119 : vector<1x16xf32> to vector<16xf32>
          %add3A_121 = arith.addf %get3A_116, %get3A_120 : vector<16xf32>
          %max3A_122 = arith.constant 0.000000e+00 : f32
          %max3A_123 = vector.broadcast %max3A_122 : f32 to vector<16xf32>
          %max3A_124 = arith.maximumf %add3A_121, %max3A_123 : vector<16xf32>
          %swap3A_125 = arith.index_cast %add3A_95 : i32 to index
          %swap3A_126 = arith.constant 16 : index
          %swap3A_127 = tpu.vector_load %arg16[%swap3A_125, %swap3A_126] {strides = array<i32>} : memref<80x32xf32, #tpu.memory_space<vmem>>, vector<1x16xf32>,
          %swap3A_128 = vector.shape_cast %swap3A_127 : vector<1x16xf32> to vector<16xf32>
          %swap3A_129 = vector.shape_cast %max3A_124 : vector<16xf32> to vector<1x16xf32>
          tpu.vector_store %arg16[%swap3A_125, %swap3A_126], %swap3A_129 {strides = array<i32>} : memref<80x32xf32, #tpu.memory_space<vmem>>, vector<1x16xf32>,
          %scan3A_130 = arith.constant 2 : i32
          %scan3A_131 = arith.addi %scan3A_54, %scan3A_130 : i32
          %mul3A_132 = arith.constant 1 : i32
          %mul3A_133 = arith.muli %scan3A_131, %mul3A_132 : i32
          %add3A_134 = arith.constant 0 : i32
          %add3A_135 = arith.addi %add3A_134, %mul3A_133 : i32
          %get3A_136 = arith.index_cast %add3A_135 : i32 to index
          %get3A_137 = arith.constant 0 : index
          %get3A_138 = tpu.vector_load %arg16[%get3A_136, %get3A_137] {strides = array<i32>} : memref<80x32xf32, #tpu.memory_space<vmem>>, vector<1x16xf32>,
          %get3A_139 = vector.shape_cast %get3A_138 : vector<1x16xf32> to vector<16xf32>
          %get3A_140 = arith.index_cast %add3A_135 : i32 to index
          %get3A_141 = arith.constant 0 : index
          %get3A_142 = tpu.vector_load %arg17[%get3A_140, %get3A_141] {strides = array<i32>} : memref<80x32xf32, #tpu.memory_space<vmem>>, vector<1x16xf32>,
          %get3A_143 = vector.shape_cast %get3A_142 : vector<1x16xf32> to vector<16xf32>
          %add3A_144 = arith.addf %get3A_139, %get3A_143 : vector<16xf32>
          %max3A_145 = arith.constant 0.000000e+00 : f32
          %max3A_146 = vector.broadcast %max3A_145 : f32 to vector<16xf32>
          %max3A_147 = arith.maximumf %add3A_144, %max3A_146 : vector<16xf32>
          %swap3A_148 = arith.index_cast %add3A_135 : i32 to index
          %swap3A_149 = arith.constant 0 : index
          %swap3A_150 = tpu.vector_load %arg16[%swap3A_148, %swap3A_149] {strides = array<i32>} : memref<80x32xf32, #tpu.memory_space<vmem>>, vector<1x16xf32>,
          %swap3A_151 = vector.shape_cast %swap3A_150 : vector<1x16xf32> to vector<16xf32>
          %swap3A_152 = vector.shape_cast %max3A_147 : vector<16xf32> to vector<1x16xf32>
          tpu.vector_store %arg16[%swap3A_148, %swap3A_149], %swap3A_152 {strides = array<i32>} : memref<80x32xf32, #tpu.memory_space<vmem>>, vector<1x16xf32>,
          %get3A_153 = arith.index_cast %add3A_135 : i32 to index
          %get3A_154 = arith.constant 16 : index
          %get3A_155 = tpu.vector_load %arg16[%get3A_153, %get3A_154] {strides = array<i32>} : memref<80x32xf32, #tpu.memory_space<vmem>>, vector<1x16xf32>,
          %get3A_156 = vector.shape_cast %get3A_155 : vector<1x16xf32> to vector<16xf32>
          %get3A_157 = arith.index_cast %add3A_135 : i32 to index
          %get3A_158 = arith.constant 16 : index
          %get3A_159 = tpu.vector_load %arg17[%get3A_157, %get3A_158] {strides = array<i32>} : memref<80x32xf32, #tpu.memory_space<vmem>>, vector<1x16xf32>,
          %get3A_160 = vector.shape_cast %get3A_159 : vector<1x16xf32> to vector<16xf32>
          %add3A_161 = arith.addf %get3A_156, %get3A_160 : vector<16xf32>
          %max3A_162 = arith.constant 0.000000e+00 : f32
          %max3A_163 = vector.broadcast %max3A_162 : f32 to vector<16xf32>
          %max3A_164 = arith.maximumf %add3A_161, %max3A_163 : vector<16xf32>
          %swap3A_165 = arith.index_cast %add3A_135 : i32 to index
          %swap3A_166 = arith.constant 16 : index
          %swap3A_167 = tpu.vector_load %arg16[%swap3A_165, %swap3A_166] {strides = array<i32>} : memref<80x32xf32, #tpu.memory_space<vmem>>, vector<1x16xf32>,
          %swap3A_168 = vector.shape_cast %swap3A_167 : vector<1x16xf32> to vector<16xf32>
          %swap3A_169 = vector.shape_cast %max3A_164 : vector<16xf32> to vector<1x16xf32>
          tpu.vector_store %arg16[%swap3A_165, %swap3A_166], %swap3A_169 {strides = array<i32>} : memref<80x32xf32, #tpu.memory_space<vmem>>, vector<1x16xf32>,
          %scan3A_170 = arith.constant 3 : i32
          %scan3A_171 = arith.addi %scan3A_54, %scan3A_170 : i32
          %mul3A_172 = arith.constant 1 : i32
          %mul3A_173 = arith.muli %scan3A_171, %mul3A_172 : i32
          %add3A_174 = arith.constant 0 : i32
          %add3A_175 = arith.addi %add3A_174, %mul3A_173 : i32
          %get3A_176 = arith.index_cast %add3A_175 : i32 to index
          %get3A_177 = arith.constant 0 : index
          %get3A_178 = tpu.vector_load %arg16[%get3A_176, %get3A_177] {strides = array<i32>} : memref<80x32xf32, #tpu.memory_space<vmem>>, vector<1x16xf32>,
          %get3A_179 = vector.shape_cast %get3A_178 : vector<1x16xf32> to vector<16xf32>
          %get3A_180 = arith.index_cast %add3A_175 : i32 to index
          %get3A_181 = arith.constant 0 : index
          %get3A_182 = tpu.vector_load %arg17[%get3A_180, %get3A_181] {strides = array<i32>} : memref<80x32xf32, #tpu.memory_space<vmem>>, vector<1x16xf32>,
          %get3A_183 = vector.shape_cast %get3A_182 : vector<1x16xf32> to vector<16xf32>
          %add3A_184 = arith.addf %get3A_179, %get3A_183 : vector<16xf32>
          %max3A_185 = arith.constant 0.000000e+00 : f32
          %max3A_186 = vector.broadcast %max3A_185 : f32 to vector<16xf32>
          %max3A_187 = arith.maximumf %add3A_184, %max3A_186 : vector<16xf32>
          %swap3A_188 = arith.index_cast %add3A_175 : i32 to index
          %swap3A_189 = arith.constant 0 : index
          %swap3A_190 = tpu.vector_load %arg16[%swap3A_188, %swap3A_189] {strides = array<i32>} : memref<80x32xf32, #tpu.memory_space<vmem>>, vector<1x16xf32>,
          %swap3A_191 = vector.shape_cast %swap3A_190 : vector<1x16xf32> to vector<16xf32>
          %swap3A_192 = vector.shape_cast %max3A_187 : vector<16xf32> to vector<1x16xf32>
          tpu.vector_store %arg16[%swap3A_188, %swap3A_189], %swap3A_192 {strides = array<i32>} : memref<80x32xf32, #tpu.memory_space<vmem>>, vector<1x16xf32>,
          %get3A_193 = arith.index_cast %add3A_175 : i32 to index
          %get3A_194 = arith.constant 16 : index
          %get3A_195 = tpu.vector_load %arg16[%get3A_193, %get3A_194] {strides = array<i32>} : memref<80x32xf32, #tpu.memory_space<vmem>>, vector<1x16xf32>,
          %get3A_196 = vector.shape_cast %get3A_195 : vector<1x16xf32> to vector<16xf32>
          %get3A_197 = arith.index_cast %add3A_175 : i32 to index
          %get3A_198 = arith.constant 16 : index
          %get3A_199 = tpu.vector_load %arg17[%get3A_197, %get3A_198] {strides = array<i32>} : memref<80x32xf32, #tpu.memory_space<vmem>>, vector<1x16xf32>,
          %get3A_200 = vector.shape_cast %get3A_199 : vector<1x16xf32> to vector<16xf32>
          %add3A_201 = arith.addf %get3A_196, %get3A_200 : vector<16xf32>
          %max3A_202 = arith.constant 0.000000e+00 : f32
          %max3A_203 = vector.broadcast %max3A_202 : f32 to vector<16xf32>
          %max3A_204 = arith.maximumf %add3A_201, %max3A_203 : vector<16xf32>
          %swap3A_205 = arith.index_cast %add3A_175 : i32 to index
          %swap3A_206 = arith.constant 16 : index
          %swap3A_207 = tpu.vector_load %arg16[%swap3A_205, %swap3A_206] {strides = array<i32>} : memref<80x32xf32, #tpu.memory_space<vmem>>, vector<1x16xf32>,
          %swap3A_208 = vector.shape_cast %swap3A_207 : vector<1x16xf32> to vector<16xf32>
          %swap3A_209 = vector.shape_cast %max3A_204 : vector<16xf32> to vector<1x16xf32>
          tpu.vector_store %arg16[%swap3A_205, %swap3A_206], %swap3A_209 {strides = array<i32>} : memref<80x32xf32, #tpu.memory_space<vmem>>, vector<1x16xf32>,
        }
        %scan3A_53 = arith.constant 80 : i32
        "tpu.region"() ({
          %run_scoped3A = tpu.sem_alloc : memref<!tpu.dma_semaphore, #tpu.memory_space<semaphore_mem>>
          %dma_start3A_54 = arith.constant 0 : i32
          %dma_start3A_55 = arith.constant 0 : i32
          %dma_start3A_56 = tpu.memref_slice %arg12[%dma_start3A_54, %dma_start3A_55] : memref<50000x32xf32, #tpu.memory_space<vmem_shared>> -> memref<50000x32xf32, #tpu.memory_space<vmem_shared>>
          tpu.enqueue_indirect_dma source(%arg16 : memref<80x32xf32, #tpu.memory_space<vmem>>) target(%dma_start3A_56 : memref<50000x32xf32, #tpu.memory_space<vmem_shared>>) offsets(%arg14 : memref<80xi32, #tpu.memory_space<vmem>>) semaphore(%run_scoped3A : memref<!tpu.dma_semaphore, #tpu.memory_space<semaphore_mem>>) {add = true}
          %dma_wait3A_57 = arith.constant 0 : i32
          %dma_wait3A_58 = arith.constant 0 : i32
          %dma_wait3A_59 = tpu.memref_slice %arg12[%dma_wait3A_57, %dma_wait3A_58] : memref<50000x32xf32, #tpu.memory_space<vmem_shared>> -> memref<50000x32xf32, #tpu.memory_space<vmem_shared>>
          tpu.wait_indirect_dma semaphore(%run_scoped3A : memref<!tpu.dma_semaphore, #tpu.memory_space<semaphore_mem>>) src(%arg16 : memref<80x32xf32, #tpu.memory_space<vmem>>) dst(%dma_wait3A_59 : memref<50000x32xf32, #tpu.memory_space<vmem_shared>>)
          tpu.yield
        }) : () -> ()
      }
      %scan3A_20 = arith.constant 625 : i32
      %barrier3A_21 = arith.constant 0 : index
      tpu.barrier barrier_id(%barrier3A_21)
      %lt3A_22 = arith.constant 15 : i32
      %lt3A_23 = arith.cmpi slt, %arg1, %lt3A_22 : i32
      %convert_element_type3A_24 = arith.extui %lt3A_23 : i1 to i32
      %cond3A_25 = arith.constant 0 : i32
      %cond3A_26 = arith.cmpi ne, %convert_element_type3A_24, %cond3A_25 : i32
      scf.if %cond3A_26 {
        %mul3A_32 = arith.constant 3128 : i32
        %mul3A_33 = arith.muli %arg1, %mul3A_32 : i32
        %mul3A_34 = arith.constant 3128 : i32
        %mul3A_35 = arith.muli %arg1, %mul3A_34 : i32
        "tpu.region"() ({
          %run_scoped3A = tpu.sem_alloc : memref<!tpu.dma_semaphore, #tpu.memory_space<semaphore_mem>>
          %dma_start3A = arith.constant 0 : i32
          %dma_start3A_36 = tpu.memref_slice %arg11[%mul3A_35, %dma_start3A] : memref<50000x32xf32, #tpu.memory_space<hbm>> -> memref<3128x32xf32, #tpu.memory_space<hbm>>
          %dma_start3A_37 = arith.constant 0 : i32
          %dma_start3A_38 = tpu.memref_slice %arg12[%mul3A_33, %dma_start3A_37] : memref<50000x32xf32, #tpu.memory_space<vmem_shared>> -> memref<3128x32xf32, #tpu.memory_space<vmem_shared>>
          tpu.enqueue_dma source(%dma_start3A_38 : memref<3128x32xf32, #tpu.memory_space<vmem_shared>>) target(%dma_start3A_36 : memref<3128x32xf32, #tpu.memory_space<hbm>>) target_semaphore(%run_scoped3A : memref<!tpu.dma_semaphore, #tpu.memory_space<semaphore_mem>>)
          %dma_wait3A = arith.constant 0 : i32
          %dma_wait3A_39 = tpu.memref_slice %arg11[%mul3A_35, %dma_wait3A] : memref<50000x32xf32, #tpu.memory_space<hbm>> -> memref<3128x32xf32, #tpu.memory_space<hbm>>
          %dma_wait3A_40 = arith.constant 0 : i32
          %dma_wait3A_41 = tpu.memref_slice %arg12[%mul3A_33, %dma_wait3A_40] : memref<50000x32xf32, #tpu.memory_space<vmem_shared>> -> memref<3128x32xf32, #tpu.memory_space<vmem_shared>>
          tpu.wait_dma2 semaphore(%run_scoped3A : memref<!tpu.dma_semaphore, #tpu.memory_space<semaphore_mem>>) src(%dma_wait3A_41 : memref<3128x32xf32, #tpu.memory_space<vmem_shared>>) dst(%dma_wait3A_39 : memref<3128x32xf32, #tpu.memory_space<hbm>>)
          tpu.yield
        }) : () -> ()
      } else {
      }
      %eq3A_27 = arith.constant 15 : i32
      %eq3A_28 = arith.cmpi eq, %arg1, %eq3A_27 : i32
      %convert_element_type3A_29 = arith.extui %eq3A_28 : i1 to i32
      %cond3A_30 = arith.constant 0 : i32
      %cond3A_31 = arith.cmpi ne, %convert_element_type3A_29, %cond3A_30 : i32
      scf.if %cond3A_31 {
        "tpu.region"() ({
          %run_scoped3A = tpu.sem_alloc : memref<!tpu.dma_semaphore, #tpu.memory_space<semaphore_mem>>
          %dma_start3A = arith.constant 46920 : i32
          %dma_start3A_32 = arith.constant 0 : i32
          %dma_start3A_33 = tpu.memref_slice %arg11[%dma_start3A, %dma_start3A_32] : memref<50000x32xf32, #tpu.memory_space<hbm>> -> memref<3080x32xf32, #tpu.memory_space<hbm>>
          %dma_start3A_34 = arith.constant 46920 : i32
          %dma_start3A_35 = arith.constant 0 : i32
          %dma_start3A_36 = tpu.memref_slice %arg12[%dma_start3A_34, %dma_start3A_35] : memref<50000x32xf32, #tpu.memory_space<vmem_shared>> -> memref<3080x32xf32, #tpu.memory_space<vmem_shared>>
          tpu.enqueue_dma source(%dma_start3A_36 : memref<3080x32xf32, #tpu.memory_space<vmem_shared>>) target(%dma_start3A_33 : memref<3080x32xf32, #tpu.memory_space<hbm>>) target_semaphore(%run_scoped3A : memref<!tpu.dma_semaphore, #tpu.memory_space<semaphore_mem>>)
          %dma_wait3A = arith.constant 46920 : i32
          %dma_wait3A_37 = arith.constant 0 : i32
          %dma_wait3A_38 = tpu.memref_slice %arg11[%dma_wait3A, %dma_wait3A_37] : memref<50000x32xf32, #tpu.memory_space<hbm>> -> memref<3080x32xf32, #tpu.memory_space<hbm>>
          %dma_wait3A_39 = arith.constant 46920 : i32
          %dma_wait3A_40 = arith.constant 0 : i32
          %dma_wait3A_41 = tpu.memref_slice %arg12[%dma_wait3A_39, %dma_wait3A_40] : memref<50000x32xf32, #tpu.memory_space<vmem_shared>> -> memref<3080x32xf32, #tpu.memory_space<vmem_shared>>
          tpu.wait_dma2 semaphore(%run_scoped3A : memref<!tpu.dma_semaphore, #tpu.memory_space<semaphore_mem>>) src(%dma_wait3A_41 : memref<3080x32xf32, #tpu.memory_space<vmem_shared>>) dst(%dma_wait3A_38 : memref<3080x32xf32, #tpu.memory_space<hbm>>)
          tpu.yield
        }) : () -> ()
      } else {
      }
    } else {
    }
    return
  }
}

#map = affine_map<(d0, d1) -> (0, 0)>
#map1 = affine_map<(d0, d1) -> (0)>
module attributes {stable_mosaic.version = 14 : i64} {
  func.func @_sc_pass_body(%arg0: i32, %arg1: i32, %arg2: memref<50000x32xf32, #tpu.memory_space<hbm>>, %arg3: memref<50000x32xf32, #tpu.memory_space<hbm>>, %arg4: memref<800000x32xf32, #tpu.memory_space<hbm>>, %arg5: memref<800000x32xf32, #tpu.memory_space<hbm>>, %arg6: memref<800000xi32, #tpu.memory_space<hbm>>, %arg7: memref<800000xi32, #tpu.memory_space<hbm>>, %arg8: memref<800000xi32, #tpu.memory_space<hbm>>, %arg9: memref<3128x32xf32, #tpu.memory_space<hbm>>, %arg10: memref<50000x32xf32, #tpu.memory_space<hbm>>, %arg11: memref<50000x32xf32, #tpu.memory_space<hbm>>, %arg12: memref<50000x32xf32, #tpu.memory_space<vmem_shared>>, %arg13: memref<80xi32, #tpu.memory_space<vmem>>, %arg14: memref<80xi32, #tpu.memory_space<vmem>>, %arg15: memref<80xi32, #tpu.memory_space<vmem>>, %arg16: memref<80x32xf32, #tpu.memory_space<vmem>>, %arg17: memref<80x32xf32, #tpu.memory_space<vmem>>, %arg18: memref<!tpu.dma_semaphore, #tpu.memory_space<semaphore_mem>>) attributes {dimension_semantics = [#tpu.dimension_semantics<core_parallel>, #tpu.dimension_semantics<subcore_parallel>], iteration_bounds = array<i64: 2, 16>, scalar_prefetch = 0 : i64, scratch_operands = 7 : i64, tpu.core_type = #tpu.core_type<sc_vector_subcore>, window_params = [{transform_indices = #map}, {transform_indices = #map}, {transform_indices = #map}, {transform_indices = #map}, {transform_indices = #map1}, {transform_indices = #map1}, {transform_indices = #map1}, {transform_indices = #map}, {transform_indices = #map}, {transform_indices = #map}]} {
    %eq3A = arith.constant 0 : i32
    %eq3A_0 = arith.cmpi eq, %arg0, %eq3A : i32
    %convert_element_type3A = arith.extui %eq3A_0 : i1 to i32
    %cond3A = arith.constant 0 : i32
    %cond3A_1 = arith.cmpi ne, %convert_element_type3A, %cond3A : i32
    scf.if %cond3A_1 {
      %lt3A = arith.constant 15 : i32
      %lt3A_7 = arith.cmpi slt, %arg1, %lt3A : i32
      %convert_element_type3A_8 = arith.extui %lt3A_7 : i1 to i32
      %cond3A_9 = arith.constant 0 : i32
      %cond3A_10 = arith.cmpi ne, %convert_element_type3A_8, %cond3A_9 : i32
      scf.if %cond3A_10 {
        %mul3A_32 = arith.constant 3128 : i32
        %mul3A_33 = arith.muli %arg1, %mul3A_32 : i32
        "tpu.region"() ({
          %run_scoped3A = tpu.sem_alloc : memref<!tpu.dma_semaphore, #tpu.memory_space<semaphore_mem>>
          %dma_start3A = arith.constant 0 : i32
          %dma_start3A_34 = tpu.memref_slice %arg12[%mul3A_33, %dma_start3A] : memref<50000x32xf32, #tpu.memory_space<vmem_shared>> -> memref<3128x32xf32, #tpu.memory_space<vmem_shared>>
          %dma_start3A_35 = arith.constant 0 : i32
          %dma_start3A_36 = arith.constant 0 : i32
          %dma_start3A_37 = tpu.memref_slice %arg9[%dma_start3A_35, %dma_start3A_36] : memref<3128x32xf32, #tpu.memory_space<hbm>> -> memref<3128x32xf32, #tpu.memory_space<hbm>>
          tpu.enqueue_dma source(%dma_start3A_37 : memref<3128x32xf32, #tpu.memory_space<hbm>>) target(%dma_start3A_34 : memref<3128x32xf32, #tpu.memory_space<vmem_shared>>) target_semaphore(%run_scoped3A : memref<!tpu.dma_semaphore, #tpu.memory_space<semaphore_mem>>)
          %dma_wait3A = arith.constant 0 : i32
          %dma_wait3A_38 = tpu.memref_slice %arg12[%mul3A_33, %dma_wait3A] : memref<50000x32xf32, #tpu.memory_space<vmem_shared>> -> memref<3128x32xf32, #tpu.memory_space<vmem_shared>>
          %dma_wait3A_39 = arith.constant 0 : i32
          %dma_wait3A_40 = arith.constant 0 : i32
          %dma_wait3A_41 = tpu.memref_slice %arg9[%dma_wait3A_39, %dma_wait3A_40] : memref<3128x32xf32, #tpu.memory_space<hbm>> -> memref<3128x32xf32, #tpu.memory_space<hbm>>
          tpu.wait_dma2 semaphore(%run_scoped3A : memref<!tpu.dma_semaphore, #tpu.memory_space<semaphore_mem>>) src(%dma_wait3A_41 : memref<3128x32xf32, #tpu.memory_space<hbm>>) dst(%dma_wait3A_38 : memref<3128x32xf32, #tpu.memory_space<vmem_shared>>)
          tpu.yield
        }) : () -> ()
      } else {
      }
      %eq3A_11 = arith.constant 15 : i32
      %eq3A_12 = arith.cmpi eq, %arg1, %eq3A_11 : i32
      %convert_element_type3A_13 = arith.extui %eq3A_12 : i1 to i32
      %cond3A_14 = arith.constant 0 : i32
      %cond3A_15 = arith.cmpi ne, %convert_element_type3A_13, %cond3A_14 : i32
      scf.if %cond3A_15 {
        "tpu.region"() ({
          %run_scoped3A = tpu.sem_alloc : memref<!tpu.dma_semaphore, #tpu.memory_space<semaphore_mem>>
          %dma_start3A = arith.constant 46920 : i32
          %dma_start3A_32 = arith.constant 0 : i32
          %dma_start3A_33 = tpu.memref_slice %arg12[%dma_start3A, %dma_start3A_32] : memref<50000x32xf32, #tpu.memory_space<vmem_shared>> -> memref<3080x32xf32, #tpu.memory_space<vmem_shared>>
          %dma_start3A_34 = arith.constant 0 : i32
          %dma_start3A_35 = arith.constant 0 : i32
          %dma_start3A_36 = tpu.memref_slice %arg9[%dma_start3A_34, %dma_start3A_35] : memref<3128x32xf32, #tpu.memory_space<hbm>> -> memref<3080x32xf32, #tpu.memory_space<hbm>>
          tpu.enqueue_dma source(%dma_start3A_36 : memref<3080x32xf32, #tpu.memory_space<hbm>>) target(%dma_start3A_33 : memref<3080x32xf32, #tpu.memory_space<vmem_shared>>) target_semaphore(%run_scoped3A : memref<!tpu.dma_semaphore, #tpu.memory_space<semaphore_mem>>)
          %dma_wait3A = arith.constant 46920 : i32
          %dma_wait3A_37 = arith.constant 0 : i32
          %dma_wait3A_38 = tpu.memref_slice %arg12[%dma_wait3A, %dma_wait3A_37] : memref<50000x32xf32, #tpu.memory_space<vmem_shared>> -> memref<3080x32xf32, #tpu.memory_space<vmem_shared>>
          %dma_wait3A_39 = arith.constant 0 : i32
          %dma_wait3A_40 = arith.constant 0 : i32
          %dma_wait3A_41 = tpu.memref_slice %arg9[%dma_wait3A_39, %dma_wait3A_40] : memref<3128x32xf32, #tpu.memory_space<hbm>> -> memref<3080x32xf32, #tpu.memory_space<hbm>>
          tpu.wait_dma2 semaphore(%run_scoped3A : memref<!tpu.dma_semaphore, #tpu.memory_space<semaphore_mem>>) src(%dma_wait3A_41 : memref<3080x32xf32, #tpu.memory_space<hbm>>) dst(%dma_wait3A_38 : memref<3080x32xf32, #tpu.memory_space<vmem_shared>>)
          tpu.yield
        }) : () -> ()
      } else {
      }
      %barrier3A = arith.constant 0 : index
      tpu.barrier barrier_id(%barrier3A)
      %mul3A = arith.constant 50000 : i32
      %mul3A_16 = arith.muli %arg1, %mul3A : i32
      %scan3A = arith.constant 0 : i32
      %scan3A_17 = arith.constant 625 : i32
      %scan3A_18 = arith.addi %scan3A, %scan3A_17 : i32
      %scan3A_19 = arith.constant 1 : i32
      scf.for %scan3A_32 = %scan3A to %scan3A_18 step %scan3A_19  : i32 {
        %mul3A_33 = arith.constant 1 : i32
        %mul3A_34 = arith.muli %scan3A_32, %mul3A_33 : i32
        %add3A = arith.constant 0 : i32
        %add3A_35 = arith.addi %add3A, %mul3A_34 : i32
        %mul3A_36 = arith.constant 80 : i32
        %mul3A_37 = arith.muli %add3A_35, %mul3A_36 : i32
        %add3A_38 = arith.addi %mul3A_16, %mul3A_37 : i32
        "tpu.region"() ({
          %run_scoped3A = tpu.sem_alloc : memref<!tpu.dma_semaphore, #tpu.memory_space<semaphore_mem>>
          %dma_start3A_54 = tpu.memref_slice %arg6[%add3A_38] : memref<800000xi32, #tpu.memory_space<hbm>> -> memref<80xi32, #tpu.memory_space<hbm>>
          %dma_start3A_55 = tpu.memref_slice %arg6[%add3A_38] : memref<800000xi32, #tpu.memory_space<hbm>> -> memref<80xi32, #tpu.memory_space<hbm>>
          tpu.enqueue_dma source(%dma_start3A_55 : memref<80xi32, #tpu.memory_space<hbm>>) target(%arg13 : memref<80xi32, #tpu.memory_space<vmem>>) target_semaphore(%run_scoped3A : memref<!tpu.dma_semaphore, #tpu.memory_space<semaphore_mem>>)
          %dma_wait3A_56 = tpu.memref_slice %arg6[%add3A_38] : memref<800000xi32, #tpu.memory_space<hbm>> -> memref<80xi32, #tpu.memory_space<hbm>>
          %dma_wait3A_57 = tpu.memref_slice %arg6[%add3A_38] : memref<800000xi32, #tpu.memory_space<hbm>> -> memref<80xi32, #tpu.memory_space<hbm>>
          tpu.wait_dma2 semaphore(%run_scoped3A : memref<!tpu.dma_semaphore, #tpu.memory_space<semaphore_mem>>) src(%dma_wait3A_57 : memref<80xi32, #tpu.memory_space<hbm>>) dst(%arg13 : memref<80xi32, #tpu.memory_space<vmem>>)
          tpu.yield
        }) : () -> ()
        "tpu.region"() ({
          %run_scoped3A = tpu.sem_alloc : memref<!tpu.dma_semaphore, #tpu.memory_space<semaphore_mem>>
          %dma_start3A_54 = tpu.memref_slice %arg7[%add3A_38] : memref<800000xi32, #tpu.memory_space<hbm>> -> memref<80xi32, #tpu.memory_space<hbm>>
          %dma_start3A_55 = tpu.memref_slice %arg7[%add3A_38] : memref<800000xi32, #tpu.memory_space<hbm>> -> memref<80xi32, #tpu.memory_space<hbm>>
          tpu.enqueue_dma source(%dma_start3A_55 : memref<80xi32, #tpu.memory_space<hbm>>) target(%arg14 : memref<80xi32, #tpu.memory_space<vmem>>) target_semaphore(%run_scoped3A : memref<!tpu.dma_semaphore, #tpu.memory_space<semaphore_mem>>)
          %dma_wait3A_56 = tpu.memref_slice %arg7[%add3A_38] : memref<800000xi32, #tpu.memory_space<hbm>> -> memref<80xi32, #tpu.memory_space<hbm>>
          %dma_wait3A_57 = tpu.memref_slice %arg7[%add3A_38] : memref<800000xi32, #tpu.memory_space<hbm>> -> memref<80xi32, #tpu.memory_space<hbm>>
          tpu.wait_dma2 semaphore(%run_scoped3A : memref<!tpu.dma_semaphore, #tpu.memory_space<semaphore_mem>>) src(%dma_wait3A_57 : memref<80xi32, #tpu.memory_space<hbm>>) dst(%arg14 : memref<80xi32, #tpu.memory_space<vmem>>)
          tpu.yield
        }) : () -> ()
        "tpu.region"() ({
          %run_scoped3A = tpu.sem_alloc : memref<!tpu.dma_semaphore, #tpu.memory_space<semaphore_mem>>
          %dma_start3A_54 = tpu.memref_slice %arg8[%add3A_38] : memref<800000xi32, #tpu.memory_space<hbm>> -> memref<80xi32, #tpu.memory_space<hbm>>
          %dma_start3A_55 = tpu.memref_slice %arg8[%add3A_38] : memref<800000xi32, #tpu.memory_space<hbm>> -> memref<80xi32, #tpu.memory_space<hbm>>
          tpu.enqueue_dma source(%dma_start3A_55 : memref<80xi32, #tpu.memory_space<hbm>>) target(%arg15 : memref<80xi32, #tpu.memory_space<vmem>>) target_semaphore(%run_scoped3A : memref<!tpu.dma_semaphore, #tpu.memory_space<semaphore_mem>>)
          %dma_wait3A_56 = tpu.memref_slice %arg8[%add3A_38] : memref<800000xi32, #tpu.memory_space<hbm>> -> memref<80xi32, #tpu.memory_space<hbm>>
          %dma_wait3A_57 = tpu.memref_slice %arg8[%add3A_38] : memref<800000xi32, #tpu.memory_space<hbm>> -> memref<80xi32, #tpu.memory_space<hbm>>
          tpu.wait_dma2 semaphore(%run_scoped3A : memref<!tpu.dma_semaphore, #tpu.memory_space<semaphore_mem>>) src(%dma_wait3A_57 : memref<80xi32, #tpu.memory_space<hbm>>) dst(%arg15 : memref<80xi32, #tpu.memory_space<vmem>>)
          tpu.yield
        }) : () -> ()
        %dma_start3A = arith.constant 0 : i32
        %dma_start3A_39 = arith.constant 0 : i32
        %dma_start3A_40 = tpu.memref_slice %arg4[%dma_start3A, %dma_start3A_39] : memref<800000x32xf32, #tpu.memory_space<hbm>> -> memref<800000x32xf32, #tpu.memory_space<hbm>>
        tpu.enqueue_indirect_dma source(%dma_start3A_40 : memref<800000x32xf32, #tpu.memory_space<hbm>>) target(%arg17 : memref<80x32xf32, #tpu.memory_space<vmem>>) offsets(%arg15 : memref<80xi32, #tpu.memory_space<vmem>>) semaphore(%arg18 : memref<!tpu.dma_semaphore, #tpu.memory_space<semaphore_mem>>)
        %dma_wait3A = arith.constant 0 : i32
        %dma_wait3A_41 = arith.constant 0 : i32
        %dma_wait3A_42 = tpu.memref_slice %arg4[%dma_wait3A, %dma_wait3A_41] : memref<800000x32xf32, #tpu.memory_space<hbm>> -> memref<800000x32xf32, #tpu.memory_space<hbm>>
        tpu.wait_indirect_dma semaphore(%arg18 : memref<!tpu.dma_semaphore, #tpu.memory_space<semaphore_mem>>) src(%dma_wait3A_42 : memref<800000x32xf32, #tpu.memory_space<hbm>>) dst(%arg17 : memref<80x32xf32, #tpu.memory_space<vmem>>)
        %dma_start3A_43 = arith.constant 0 : i32
        %dma_start3A_44 = arith.constant 0 : i32
        %dma_start3A_45 = tpu.memref_slice %arg2[%dma_start3A_43, %dma_start3A_44] : memref<50000x32xf32, #tpu.memory_space<hbm>> -> memref<50000x32xf32, #tpu.memory_space<hbm>>
        tpu.enqueue_indirect_dma source(%dma_start3A_45 : memref<50000x32xf32, #tpu.memory_space<hbm>>) target(%arg16 : memref<80x32xf32, #tpu.memory_space<vmem>>) offsets(%arg13 : memref<80xi32, #tpu.memory_space<vmem>>) semaphore(%arg18 : memref<!tpu.dma_semaphore, #tpu.memory_space<semaphore_mem>>)
        %dma_wait3A_46 = arith.constant 0 : i32
        %dma_wait3A_47 = arith.constant 0 : i32
        %dma_wait3A_48 = tpu.memref_slice %arg2[%dma_wait3A_46, %dma_wait3A_47] : memref<50000x32xf32, #tpu.memory_space<hbm>> -> memref<50000x32xf32, #tpu.memory_space<hbm>>
        tpu.wait_indirect_dma semaphore(%arg18 : memref<!tpu.dma_semaphore, #tpu.memory_space<semaphore_mem>>) src(%dma_wait3A_48 : memref<50000x32xf32, #tpu.memory_space<hbm>>) dst(%arg16 : memref<80x32xf32, #tpu.memory_space<vmem>>)
        %scan3A_49 = arith.constant 0 : i32
        %scan3A_50 = arith.constant 80 : i32
        %scan3A_51 = arith.addi %scan3A_49, %scan3A_50 : i32
        %scan3A_52 = arith.constant 4 : i32
        scf.for %scan3A_54 = %scan3A_49 to %scan3A_51 step %scan3A_52  : i32 {
          %mul3A_55 = arith.constant 1 : i32
          %mul3A_56 = arith.muli %scan3A_54, %mul3A_55 : i32
          %add3A_57 = arith.constant 0 : i32
          %add3A_58 = arith.addi %add3A_57, %mul3A_56 : i32
          %get3A = arith.index_cast %add3A_58 : i32 to index
          %get3A_59 = arith.constant 0 : index
          %get3A_60 = tpu.vector_load %arg16[%get3A, %get3A_59] {strides = array<i32>} : memref<80x32xf32, #tpu.memory_space<vmem>>, vector<1x16xf32>,
          %get3A_61 = vector.shape_cast %get3A_60 : vector<1x16xf32> to vector<16xf32>
          %get3A_62 = arith.index_cast %add3A_58 : i32 to index
          %get3A_63 = arith.constant 0 : index
          %get3A_64 = tpu.vector_load %arg17[%get3A_62, %get3A_63] {strides = array<i32>} : memref<80x32xf32, #tpu.memory_space<vmem>>, vector<1x16xf32>,
          %get3A_65 = vector.shape_cast %get3A_64 : vector<1x16xf32> to vector<16xf32>
          %add3A_66 = arith.addf %get3A_61, %get3A_65 : vector<16xf32>
          %max3A = arith.constant 0.000000e+00 : f32
          %max3A_67 = vector.broadcast %max3A : f32 to vector<16xf32>
          %max3A_68 = arith.maximumf %add3A_66, %max3A_67 : vector<16xf32>
          %swap3A = arith.index_cast %add3A_58 : i32 to index
          %swap3A_69 = arith.constant 0 : index
          %swap3A_70 = tpu.vector_load %arg16[%swap3A, %swap3A_69] {strides = array<i32>} : memref<80x32xf32, #tpu.memory_space<vmem>>, vector<1x16xf32>,
          %swap3A_71 = vector.shape_cast %swap3A_70 : vector<1x16xf32> to vector<16xf32>
          %swap3A_72 = vector.shape_cast %max3A_68 : vector<16xf32> to vector<1x16xf32>
          tpu.vector_store %arg16[%swap3A, %swap3A_69], %swap3A_72 {strides = array<i32>} : memref<80x32xf32, #tpu.memory_space<vmem>>, vector<1x16xf32>,
          %get3A_73 = arith.index_cast %add3A_58 : i32 to index
          %get3A_74 = arith.constant 16 : index
          %get3A_75 = tpu.vector_load %arg16[%get3A_73, %get3A_74] {strides = array<i32>} : memref<80x32xf32, #tpu.memory_space<vmem>>, vector<1x16xf32>,
          %get3A_76 = vector.shape_cast %get3A_75 : vector<1x16xf32> to vector<16xf32>
          %get3A_77 = arith.index_cast %add3A_58 : i32 to index
          %get3A_78 = arith.constant 16 : index
          %get3A_79 = tpu.vector_load %arg17[%get3A_77, %get3A_78] {strides = array<i32>} : memref<80x32xf32, #tpu.memory_space<vmem>>, vector<1x16xf32>,
          %get3A_80 = vector.shape_cast %get3A_79 : vector<1x16xf32> to vector<16xf32>
          %add3A_81 = arith.addf %get3A_76, %get3A_80 : vector<16xf32>
          %max3A_82 = arith.constant 0.000000e+00 : f32
          %max3A_83 = vector.broadcast %max3A_82 : f32 to vector<16xf32>
          %max3A_84 = arith.maximumf %add3A_81, %max3A_83 : vector<16xf32>
          %swap3A_85 = arith.index_cast %add3A_58 : i32 to index
          %swap3A_86 = arith.constant 16 : index
          %swap3A_87 = tpu.vector_load %arg16[%swap3A_85, %swap3A_86] {strides = array<i32>} : memref<80x32xf32, #tpu.memory_space<vmem>>, vector<1x16xf32>,
          %swap3A_88 = vector.shape_cast %swap3A_87 : vector<1x16xf32> to vector<16xf32>
          %swap3A_89 = vector.shape_cast %max3A_84 : vector<16xf32> to vector<1x16xf32>
          tpu.vector_store %arg16[%swap3A_85, %swap3A_86], %swap3A_89 {strides = array<i32>} : memref<80x32xf32, #tpu.memory_space<vmem>>, vector<1x16xf32>,
          %scan3A_90 = arith.constant 1 : i32
          %scan3A_91 = arith.addi %scan3A_54, %scan3A_90 : i32
          %mul3A_92 = arith.constant 1 : i32
          %mul3A_93 = arith.muli %scan3A_91, %mul3A_92 : i32
          %add3A_94 = arith.constant 0 : i32
          %add3A_95 = arith.addi %add3A_94, %mul3A_93 : i32
          %get3A_96 = arith.index_cast %add3A_95 : i32 to index
          %get3A_97 = arith.constant 0 : index
          %get3A_98 = tpu.vector_load %arg16[%get3A_96, %get3A_97] {strides = array<i32>} : memref<80x32xf32, #tpu.memory_space<vmem>>, vector<1x16xf32>,
          %get3A_99 = vector.shape_cast %get3A_98 : vector<1x16xf32> to vector<16xf32>
          %get3A_100 = arith.index_cast %add3A_95 : i32 to index
          %get3A_101 = arith.constant 0 : index
          %get3A_102 = tpu.vector_load %arg17[%get3A_100, %get3A_101] {strides = array<i32>} : memref<80x32xf32, #tpu.memory_space<vmem>>, vector<1x16xf32>,
          %get3A_103 = vector.shape_cast %get3A_102 : vector<1x16xf32> to vector<16xf32>
          %add3A_104 = arith.addf %get3A_99, %get3A_103 : vector<16xf32>
          %max3A_105 = arith.constant 0.000000e+00 : f32
          %max3A_106 = vector.broadcast %max3A_105 : f32 to vector<16xf32>
          %max3A_107 = arith.maximumf %add3A_104, %max3A_106 : vector<16xf32>
          %swap3A_108 = arith.index_cast %add3A_95 : i32 to index
          %swap3A_109 = arith.constant 0 : index
          %swap3A_110 = tpu.vector_load %arg16[%swap3A_108, %swap3A_109] {strides = array<i32>} : memref<80x32xf32, #tpu.memory_space<vmem>>, vector<1x16xf32>,
          %swap3A_111 = vector.shape_cast %swap3A_110 : vector<1x16xf32> to vector<16xf32>
          %swap3A_112 = vector.shape_cast %max3A_107 : vector<16xf32> to vector<1x16xf32>
          tpu.vector_store %arg16[%swap3A_108, %swap3A_109], %swap3A_112 {strides = array<i32>} : memref<80x32xf32, #tpu.memory_space<vmem>>, vector<1x16xf32>,
          %get3A_113 = arith.index_cast %add3A_95 : i32 to index
          %get3A_114 = arith.constant 16 : index
          %get3A_115 = tpu.vector_load %arg16[%get3A_113, %get3A_114] {strides = array<i32>} : memref<80x32xf32, #tpu.memory_space<vmem>>, vector<1x16xf32>,
          %get3A_116 = vector.shape_cast %get3A_115 : vector<1x16xf32> to vector<16xf32>
          %get3A_117 = arith.index_cast %add3A_95 : i32 to index
          %get3A_118 = arith.constant 16 : index
          %get3A_119 = tpu.vector_load %arg17[%get3A_117, %get3A_118] {strides = array<i32>} : memref<80x32xf32, #tpu.memory_space<vmem>>, vector<1x16xf32>,
          %get3A_120 = vector.shape_cast %get3A_119 : vector<1x16xf32> to vector<16xf32>
          %add3A_121 = arith.addf %get3A_116, %get3A_120 : vector<16xf32>
          %max3A_122 = arith.constant 0.000000e+00 : f32
          %max3A_123 = vector.broadcast %max3A_122 : f32 to vector<16xf32>
          %max3A_124 = arith.maximumf %add3A_121, %max3A_123 : vector<16xf32>
          %swap3A_125 = arith.index_cast %add3A_95 : i32 to index
          %swap3A_126 = arith.constant 16 : index
          %swap3A_127 = tpu.vector_load %arg16[%swap3A_125, %swap3A_126] {strides = array<i32>} : memref<80x32xf32, #tpu.memory_space<vmem>>, vector<1x16xf32>,
          %swap3A_128 = vector.shape_cast %swap3A_127 : vector<1x16xf32> to vector<16xf32>
          %swap3A_129 = vector.shape_cast %max3A_124 : vector<16xf32> to vector<1x16xf32>
          tpu.vector_store %arg16[%swap3A_125, %swap3A_126], %swap3A_129 {strides = array<i32>} : memref<80x32xf32, #tpu.memory_space<vmem>>, vector<1x16xf32>,
          %scan3A_130 = arith.constant 2 : i32
          %scan3A_131 = arith.addi %scan3A_54, %scan3A_130 : i32
          %mul3A_132 = arith.constant 1 : i32
          %mul3A_133 = arith.muli %scan3A_131, %mul3A_132 : i32
          %add3A_134 = arith.constant 0 : i32
          %add3A_135 = arith.addi %add3A_134, %mul3A_133 : i32
          %get3A_136 = arith.index_cast %add3A_135 : i32 to index
          %get3A_137 = arith.constant 0 : index
          %get3A_138 = tpu.vector_load %arg16[%get3A_136, %get3A_137] {strides = array<i32>} : memref<80x32xf32, #tpu.memory_space<vmem>>, vector<1x16xf32>,
          %get3A_139 = vector.shape_cast %get3A_138 : vector<1x16xf32> to vector<16xf32>
          %get3A_140 = arith.index_cast %add3A_135 : i32 to index
          %get3A_141 = arith.constant 0 : index
          %get3A_142 = tpu.vector_load %arg17[%get3A_140, %get3A_141] {strides = array<i32>} : memref<80x32xf32, #tpu.memory_space<vmem>>, vector<1x16xf32>,
          %get3A_143 = vector.shape_cast %get3A_142 : vector<1x16xf32> to vector<16xf32>
          %add3A_144 = arith.addf %get3A_139, %get3A_143 : vector<16xf32>
          %max3A_145 = arith.constant 0.000000e+00 : f32
          %max3A_146 = vector.broadcast %max3A_145 : f32 to vector<16xf32>
          %max3A_147 = arith.maximumf %add3A_144, %max3A_146 : vector<16xf32>
          %swap3A_148 = arith.index_cast %add3A_135 : i32 to index
          %swap3A_149 = arith.constant 0 : index
          %swap3A_150 = tpu.vector_load %arg16[%swap3A_148, %swap3A_149] {strides = array<i32>} : memref<80x32xf32, #tpu.memory_space<vmem>>, vector<1x16xf32>,
          %swap3A_151 = vector.shape_cast %swap3A_150 : vector<1x16xf32> to vector<16xf32>
          %swap3A_152 = vector.shape_cast %max3A_147 : vector<16xf32> to vector<1x16xf32>
          tpu.vector_store %arg16[%swap3A_148, %swap3A_149], %swap3A_152 {strides = array<i32>} : memref<80x32xf32, #tpu.memory_space<vmem>>, vector<1x16xf32>,
          %get3A_153 = arith.index_cast %add3A_135 : i32 to index
          %get3A_154 = arith.constant 16 : index
          %get3A_155 = tpu.vector_load %arg16[%get3A_153, %get3A_154] {strides = array<i32>} : memref<80x32xf32, #tpu.memory_space<vmem>>, vector<1x16xf32>,
          %get3A_156 = vector.shape_cast %get3A_155 : vector<1x16xf32> to vector<16xf32>
          %get3A_157 = arith.index_cast %add3A_135 : i32 to index
          %get3A_158 = arith.constant 16 : index
          %get3A_159 = tpu.vector_load %arg17[%get3A_157, %get3A_158] {strides = array<i32>} : memref<80x32xf32, #tpu.memory_space<vmem>>, vector<1x16xf32>,
          %get3A_160 = vector.shape_cast %get3A_159 : vector<1x16xf32> to vector<16xf32>
          %add3A_161 = arith.addf %get3A_156, %get3A_160 : vector<16xf32>
          %max3A_162 = arith.constant 0.000000e+00 : f32
          %max3A_163 = vector.broadcast %max3A_162 : f32 to vector<16xf32>
          %max3A_164 = arith.maximumf %add3A_161, %max3A_163 : vector<16xf32>
          %swap3A_165 = arith.index_cast %add3A_135 : i32 to index
          %swap3A_166 = arith.constant 16 : index
          %swap3A_167 = tpu.vector_load %arg16[%swap3A_165, %swap3A_166] {strides = array<i32>} : memref<80x32xf32, #tpu.memory_space<vmem>>, vector<1x16xf32>,
          %swap3A_168 = vector.shape_cast %swap3A_167 : vector<1x16xf32> to vector<16xf32>
          %swap3A_169 = vector.shape_cast %max3A_164 : vector<16xf32> to vector<1x16xf32>
          tpu.vector_store %arg16[%swap3A_165, %swap3A_166], %swap3A_169 {strides = array<i32>} : memref<80x32xf32, #tpu.memory_space<vmem>>, vector<1x16xf32>,
          %scan3A_170 = arith.constant 3 : i32
          %scan3A_171 = arith.addi %scan3A_54, %scan3A_170 : i32
          %mul3A_172 = arith.constant 1 : i32
          %mul3A_173 = arith.muli %scan3A_171, %mul3A_172 : i32
          %add3A_174 = arith.constant 0 : i32
          %add3A_175 = arith.addi %add3A_174, %mul3A_173 : i32
          %get3A_176 = arith.index_cast %add3A_175 : i32 to index
          %get3A_177 = arith.constant 0 : index
          %get3A_178 = tpu.vector_load %arg16[%get3A_176, %get3A_177] {strides = array<i32>} : memref<80x32xf32, #tpu.memory_space<vmem>>, vector<1x16xf32>,
          %get3A_179 = vector.shape_cast %get3A_178 : vector<1x16xf32> to vector<16xf32>
          %get3A_180 = arith.index_cast %add3A_175 : i32 to index
          %get3A_181 = arith.constant 0 : index
          %get3A_182 = tpu.vector_load %arg17[%get3A_180, %get3A_181] {strides = array<i32>} : memref<80x32xf32, #tpu.memory_space<vmem>>, vector<1x16xf32>,
          %get3A_183 = vector.shape_cast %get3A_182 : vector<1x16xf32> to vector<16xf32>
          %add3A_184 = arith.addf %get3A_179, %get3A_183 : vector<16xf32>
          %max3A_185 = arith.constant 0.000000e+00 : f32
          %max3A_186 = vector.broadcast %max3A_185 : f32 to vector<16xf32>
          %max3A_187 = arith.maximumf %add3A_184, %max3A_186 : vector<16xf32>
          %swap3A_188 = arith.index_cast %add3A_175 : i32 to index
          %swap3A_189 = arith.constant 0 : index
          %swap3A_190 = tpu.vector_load %arg16[%swap3A_188, %swap3A_189] {strides = array<i32>} : memref<80x32xf32, #tpu.memory_space<vmem>>, vector<1x16xf32>,
          %swap3A_191 = vector.shape_cast %swap3A_190 : vector<1x16xf32> to vector<16xf32>
          %swap3A_192 = vector.shape_cast %max3A_187 : vector<16xf32> to vector<1x16xf32>
          tpu.vector_store %arg16[%swap3A_188, %swap3A_189], %swap3A_192 {strides = array<i32>} : memref<80x32xf32, #tpu.memory_space<vmem>>, vector<1x16xf32>,
          %get3A_193 = arith.index_cast %add3A_175 : i32 to index
          %get3A_194 = arith.constant 16 : index
          %get3A_195 = tpu.vector_load %arg16[%get3A_193, %get3A_194] {strides = array<i32>} : memref<80x32xf32, #tpu.memory_space<vmem>>, vector<1x16xf32>,
          %get3A_196 = vector.shape_cast %get3A_195 : vector<1x16xf32> to vector<16xf32>
          %get3A_197 = arith.index_cast %add3A_175 : i32 to index
          %get3A_198 = arith.constant 16 : index
          %get3A_199 = tpu.vector_load %arg17[%get3A_197, %get3A_198] {strides = array<i32>} : memref<80x32xf32, #tpu.memory_space<vmem>>, vector<1x16xf32>,
          %get3A_200 = vector.shape_cast %get3A_199 : vector<1x16xf32> to vector<16xf32>
          %add3A_201 = arith.addf %get3A_196, %get3A_200 : vector<16xf32>
          %max3A_202 = arith.constant 0.000000e+00 : f32
          %max3A_203 = vector.broadcast %max3A_202 : f32 to vector<16xf32>
          %max3A_204 = arith.maximumf %add3A_201, %max3A_203 : vector<16xf32>
          %swap3A_205 = arith.index_cast %add3A_175 : i32 to index
          %swap3A_206 = arith.constant 16 : index
          %swap3A_207 = tpu.vector_load %arg16[%swap3A_205, %swap3A_206] {strides = array<i32>} : memref<80x32xf32, #tpu.memory_space<vmem>>, vector<1x16xf32>,
          %swap3A_208 = vector.shape_cast %swap3A_207 : vector<1x16xf32> to vector<16xf32>
          %swap3A_209 = vector.shape_cast %max3A_204 : vector<16xf32> to vector<1x16xf32>
          tpu.vector_store %arg16[%swap3A_205, %swap3A_206], %swap3A_209 {strides = array<i32>} : memref<80x32xf32, #tpu.memory_space<vmem>>, vector<1x16xf32>,
        }
        %scan3A_53 = arith.constant 80 : i32
        "tpu.region"() ({
          %run_scoped3A = tpu.sem_alloc : memref<!tpu.dma_semaphore, #tpu.memory_space<semaphore_mem>>
          %dma_start3A_54 = arith.constant 0 : i32
          %dma_start3A_55 = arith.constant 0 : i32
          %dma_start3A_56 = tpu.memref_slice %arg12[%dma_start3A_54, %dma_start3A_55] : memref<50000x32xf32, #tpu.memory_space<vmem_shared>> -> memref<50000x32xf32, #tpu.memory_space<vmem_shared>>
          tpu.enqueue_indirect_dma source(%arg16 : memref<80x32xf32, #tpu.memory_space<vmem>>) target(%dma_start3A_56 : memref<50000x32xf32, #tpu.memory_space<vmem_shared>>) offsets(%arg14 : memref<80xi32, #tpu.memory_space<vmem>>) semaphore(%run_scoped3A : memref<!tpu.dma_semaphore, #tpu.memory_space<semaphore_mem>>) {add = true}
          %dma_wait3A_57 = arith.constant 0 : i32
          %dma_wait3A_58 = arith.constant 0 : i32
          %dma_wait3A_59 = tpu.memref_slice %arg12[%dma_wait3A_57, %dma_wait3A_58] : memref<50000x32xf32, #tpu.memory_space<vmem_shared>> -> memref<50000x32xf32, #tpu.memory_space<vmem_shared>>
          tpu.wait_indirect_dma semaphore(%run_scoped3A : memref<!tpu.dma_semaphore, #tpu.memory_space<semaphore_mem>>) src(%arg16 : memref<80x32xf32, #tpu.memory_space<vmem>>) dst(%dma_wait3A_59 : memref<50000x32xf32, #tpu.memory_space<vmem_shared>>)
          tpu.yield
        }) : () -> ()
      }
      %scan3A_20 = arith.constant 625 : i32
      %barrier3A_21 = arith.constant 0 : index
      tpu.barrier barrier_id(%barrier3A_21)
      %lt3A_22 = arith.constant 15 : i32
      %lt3A_23 = arith.cmpi slt, %arg1, %lt3A_22 : i32
      %convert_element_type3A_24 = arith.extui %lt3A_23 : i1 to i32
      %cond3A_25 = arith.constant 0 : i32
      %cond3A_26 = arith.cmpi ne, %convert_element_type3A_24, %cond3A_25 : i32
      scf.if %cond3A_26 {
        %mul3A_32 = arith.constant 3128 : i32
        %mul3A_33 = arith.muli %arg1, %mul3A_32 : i32
        %mul3A_34 = arith.constant 3128 : i32
        %mul3A_35 = arith.muli %arg1, %mul3A_34 : i32
        "tpu.region"() ({
          %run_scoped3A = tpu.sem_alloc : memref<!tpu.dma_semaphore, #tpu.memory_space<semaphore_mem>>
          %dma_start3A = arith.constant 0 : i32
          %dma_start3A_36 = tpu.memref_slice %arg10[%mul3A_35, %dma_start3A] : memref<50000x32xf32, #tpu.memory_space<hbm>> -> memref<3128x32xf32, #tpu.memory_space<hbm>>
          %dma_start3A_37 = arith.constant 0 : i32
          %dma_start3A_38 = tpu.memref_slice %arg12[%mul3A_33, %dma_start3A_37] : memref<50000x32xf32, #tpu.memory_space<vmem_shared>> -> memref<3128x32xf32, #tpu.memory_space<vmem_shared>>
          tpu.enqueue_dma source(%dma_start3A_38 : memref<3128x32xf32, #tpu.memory_space<vmem_shared>>) target(%dma_start3A_36 : memref<3128x32xf32, #tpu.memory_space<hbm>>) target_semaphore(%run_scoped3A : memref<!tpu.dma_semaphore, #tpu.memory_space<semaphore_mem>>)
          %dma_wait3A = arith.constant 0 : i32
          %dma_wait3A_39 = tpu.memref_slice %arg10[%mul3A_35, %dma_wait3A] : memref<50000x32xf32, #tpu.memory_space<hbm>> -> memref<3128x32xf32, #tpu.memory_space<hbm>>
          %dma_wait3A_40 = arith.constant 0 : i32
          %dma_wait3A_41 = tpu.memref_slice %arg12[%mul3A_33, %dma_wait3A_40] : memref<50000x32xf32, #tpu.memory_space<vmem_shared>> -> memref<3128x32xf32, #tpu.memory_space<vmem_shared>>
          tpu.wait_dma2 semaphore(%run_scoped3A : memref<!tpu.dma_semaphore, #tpu.memory_space<semaphore_mem>>) src(%dma_wait3A_41 : memref<3128x32xf32, #tpu.memory_space<vmem_shared>>) dst(%dma_wait3A_39 : memref<3128x32xf32, #tpu.memory_space<hbm>>)
          tpu.yield
        }) : () -> ()
      } else {
      }
      %eq3A_27 = arith.constant 15 : i32
      %eq3A_28 = arith.cmpi eq, %arg1, %eq3A_27 : i32
      %convert_element_type3A_29 = arith.extui %eq3A_28 : i1 to i32
      %cond3A_30 = arith.constant 0 : i32
      %cond3A_31 = arith.cmpi ne, %convert_element_type3A_29, %cond3A_30 : i32
      scf.if %cond3A_31 {
        "tpu.region"() ({
          %run_scoped3A = tpu.sem_alloc : memref<!tpu.dma_semaphore, #tpu.memory_space<semaphore_mem>>
          %dma_start3A = arith.constant 46920 : i32
          %dma_start3A_32 = arith.constant 0 : i32
          %dma_start3A_33 = tpu.memref_slice %arg10[%dma_start3A, %dma_start3A_32] : memref<50000x32xf32, #tpu.memory_space<hbm>> -> memref<3080x32xf32, #tpu.memory_space<hbm>>
          %dma_start3A_34 = arith.constant 46920 : i32
          %dma_start3A_35 = arith.constant 0 : i32
          %dma_start3A_36 = tpu.memref_slice %arg12[%dma_start3A_34, %dma_start3A_35] : memref<50000x32xf32, #tpu.memory_space<vmem_shared>> -> memref<3080x32xf32, #tpu.memory_space<vmem_shared>>
          tpu.enqueue_dma source(%dma_start3A_36 : memref<3080x32xf32, #tpu.memory_space<vmem_shared>>) target(%dma_start3A_33 : memref<3080x32xf32, #tpu.memory_space<hbm>>) target_semaphore(%run_scoped3A : memref<!tpu.dma_semaphore, #tpu.memory_space<semaphore_mem>>)
          %dma_wait3A = arith.constant 46920 : i32
          %dma_wait3A_37 = arith.constant 0 : i32
          %dma_wait3A_38 = tpu.memref_slice %arg10[%dma_wait3A, %dma_wait3A_37] : memref<50000x32xf32, #tpu.memory_space<hbm>> -> memref<3080x32xf32, #tpu.memory_space<hbm>>
          %dma_wait3A_39 = arith.constant 46920 : i32
          %dma_wait3A_40 = arith.constant 0 : i32
          %dma_wait3A_41 = tpu.memref_slice %arg12[%dma_wait3A_39, %dma_wait3A_40] : memref<50000x32xf32, #tpu.memory_space<vmem_shared>> -> memref<3080x32xf32, #tpu.memory_space<vmem_shared>>
          tpu.wait_dma2 semaphore(%run_scoped3A : memref<!tpu.dma_semaphore, #tpu.memory_space<semaphore_mem>>) src(%dma_wait3A_41 : memref<3080x32xf32, #tpu.memory_space<vmem_shared>>) dst(%dma_wait3A_38 : memref<3080x32xf32, #tpu.memory_space<hbm>>)
          tpu.yield
        }) : () -> ()
      } else {
      }
    } else {
    }
    %eq3A_2 = arith.constant 1 : i32
    %eq3A_3 = arith.cmpi eq, %arg0, %eq3A_2 : i32
    %convert_element_type3A_4 = arith.extui %eq3A_3 : i1 to i32
    %cond3A_5 = arith.constant 0 : i32
    %cond3A_6 = arith.cmpi ne, %convert_element_type3A_4, %cond3A_5 : i32
    scf.if %cond3A_6 {
      %lt3A = arith.constant 15 : i32
      %lt3A_7 = arith.cmpi slt, %arg1, %lt3A : i32
      %convert_element_type3A_8 = arith.extui %lt3A_7 : i1 to i32
      %cond3A_9 = arith.constant 0 : i32
      %cond3A_10 = arith.cmpi ne, %convert_element_type3A_8, %cond3A_9 : i32
      scf.if %cond3A_10 {
        %mul3A_32 = arith.constant 3128 : i32
        %mul3A_33 = arith.muli %arg1, %mul3A_32 : i32
        "tpu.region"() ({
          %run_scoped3A = tpu.sem_alloc : memref<!tpu.dma_semaphore, #tpu.memory_space<semaphore_mem>>
          %dma_start3A = arith.constant 0 : i32
          %dma_start3A_34 = tpu.memref_slice %arg12[%mul3A_33, %dma_start3A] : memref<50000x32xf32, #tpu.memory_space<vmem_shared>> -> memref<3128x32xf32, #tpu.memory_space<vmem_shared>>
          %dma_start3A_35 = arith.constant 0 : i32
          %dma_start3A_36 = arith.constant 0 : i32
          %dma_start3A_37 = tpu.memref_slice %arg9[%dma_start3A_35, %dma_start3A_36] : memref<3128x32xf32, #tpu.memory_space<hbm>> -> memref<3128x32xf32, #tpu.memory_space<hbm>>
          tpu.enqueue_dma source(%dma_start3A_37 : memref<3128x32xf32, #tpu.memory_space<hbm>>) target(%dma_start3A_34 : memref<3128x32xf32, #tpu.memory_space<vmem_shared>>) target_semaphore(%run_scoped3A : memref<!tpu.dma_semaphore, #tpu.memory_space<semaphore_mem>>)
          %dma_wait3A = arith.constant 0 : i32
          %dma_wait3A_38 = tpu.memref_slice %arg12[%mul3A_33, %dma_wait3A] : memref<50000x32xf32, #tpu.memory_space<vmem_shared>> -> memref<3128x32xf32, #tpu.memory_space<vmem_shared>>
          %dma_wait3A_39 = arith.constant 0 : i32
          %dma_wait3A_40 = arith.constant 0 : i32
          %dma_wait3A_41 = tpu.memref_slice %arg9[%dma_wait3A_39, %dma_wait3A_40] : memref<3128x32xf32, #tpu.memory_space<hbm>> -> memref<3128x32xf32, #tpu.memory_space<hbm>>
          tpu.wait_dma2 semaphore(%run_scoped3A : memref<!tpu.dma_semaphore, #tpu.memory_space<semaphore_mem>>) src(%dma_wait3A_41 : memref<3128x32xf32, #tpu.memory_space<hbm>>) dst(%dma_wait3A_38 : memref<3128x32xf32, #tpu.memory_space<vmem_shared>>)
          tpu.yield
        }) : () -> ()
      } else {
      }
      %eq3A_11 = arith.constant 15 : i32
      %eq3A_12 = arith.cmpi eq, %arg1, %eq3A_11 : i32
      %convert_element_type3A_13 = arith.extui %eq3A_12 : i1 to i32
      %cond3A_14 = arith.constant 0 : i32
      %cond3A_15 = arith.cmpi ne, %convert_element_type3A_13, %cond3A_14 : i32
      scf.if %cond3A_15 {
        "tpu.region"() ({
          %run_scoped3A = tpu.sem_alloc : memref<!tpu.dma_semaphore, #tpu.memory_space<semaphore_mem>>
          %dma_start3A = arith.constant 46920 : i32
          %dma_start3A_32 = arith.constant 0 : i32
          %dma_start3A_33 = tpu.memref_slice %arg12[%dma_start3A, %dma_start3A_32] : memref<50000x32xf32, #tpu.memory_space<vmem_shared>> -> memref<3080x32xf32, #tpu.memory_space<vmem_shared>>
          %dma_start3A_34 = arith.constant 0 : i32
          %dma_start3A_35 = arith.constant 0 : i32
          %dma_start3A_36 = tpu.memref_slice %arg9[%dma_start3A_34, %dma_start3A_35] : memref<3128x32xf32, #tpu.memory_space<hbm>> -> memref<3080x32xf32, #tpu.memory_space<hbm>>
          tpu.enqueue_dma source(%dma_start3A_36 : memref<3080x32xf32, #tpu.memory_space<hbm>>) target(%dma_start3A_33 : memref<3080x32xf32, #tpu.memory_space<vmem_shared>>) target_semaphore(%run_scoped3A : memref<!tpu.dma_semaphore, #tpu.memory_space<semaphore_mem>>)
          %dma_wait3A = arith.constant 46920 : i32
          %dma_wait3A_37 = arith.constant 0 : i32
          %dma_wait3A_38 = tpu.memref_slice %arg12[%dma_wait3A, %dma_wait3A_37] : memref<50000x32xf32, #tpu.memory_space<vmem_shared>> -> memref<3080x32xf32, #tpu.memory_space<vmem_shared>>
          %dma_wait3A_39 = arith.constant 0 : i32
          %dma_wait3A_40 = arith.constant 0 : i32
          %dma_wait3A_41 = tpu.memref_slice %arg9[%dma_wait3A_39, %dma_wait3A_40] : memref<3128x32xf32, #tpu.memory_space<hbm>> -> memref<3080x32xf32, #tpu.memory_space<hbm>>
          tpu.wait_dma2 semaphore(%run_scoped3A : memref<!tpu.dma_semaphore, #tpu.memory_space<semaphore_mem>>) src(%dma_wait3A_41 : memref<3080x32xf32, #tpu.memory_space<hbm>>) dst(%dma_wait3A_38 : memref<3080x32xf32, #tpu.memory_space<vmem_shared>>)
          tpu.yield
        }) : () -> ()
      } else {
      }
      %barrier3A = arith.constant 0 : index
      tpu.barrier barrier_id(%barrier3A)
      %mul3A = arith.constant 50000 : i32
      %mul3A_16 = arith.muli %arg1, %mul3A : i32
      %scan3A = arith.constant 0 : i32
      %scan3A_17 = arith.constant 625 : i32
      %scan3A_18 = arith.addi %scan3A, %scan3A_17 : i32
      %scan3A_19 = arith.constant 1 : i32
      scf.for %scan3A_32 = %scan3A to %scan3A_18 step %scan3A_19  : i32 {
        %mul3A_33 = arith.constant 1 : i32
        %mul3A_34 = arith.muli %scan3A_32, %mul3A_33 : i32
        %add3A = arith.constant 0 : i32
        %add3A_35 = arith.addi %add3A, %mul3A_34 : i32
        %mul3A_36 = arith.constant 80 : i32
        %mul3A_37 = arith.muli %add3A_35, %mul3A_36 : i32
        %add3A_38 = arith.addi %mul3A_16, %mul3A_37 : i32
        "tpu.region"() ({
          %run_scoped3A = tpu.sem_alloc : memref<!tpu.dma_semaphore, #tpu.memory_space<semaphore_mem>>
          %dma_start3A_54 = tpu.memref_slice %arg6[%add3A_38] : memref<800000xi32, #tpu.memory_space<hbm>> -> memref<80xi32, #tpu.memory_space<hbm>>
          %dma_start3A_55 = tpu.memref_slice %arg6[%add3A_38] : memref<800000xi32, #tpu.memory_space<hbm>> -> memref<80xi32, #tpu.memory_space<hbm>>
          tpu.enqueue_dma source(%dma_start3A_55 : memref<80xi32, #tpu.memory_space<hbm>>) target(%arg13 : memref<80xi32, #tpu.memory_space<vmem>>) target_semaphore(%run_scoped3A : memref<!tpu.dma_semaphore, #tpu.memory_space<semaphore_mem>>)
          %dma_wait3A_56 = tpu.memref_slice %arg6[%add3A_38] : memref<800000xi32, #tpu.memory_space<hbm>> -> memref<80xi32, #tpu.memory_space<hbm>>
          %dma_wait3A_57 = tpu.memref_slice %arg6[%add3A_38] : memref<800000xi32, #tpu.memory_space<hbm>> -> memref<80xi32, #tpu.memory_space<hbm>>
          tpu.wait_dma2 semaphore(%run_scoped3A : memref<!tpu.dma_semaphore, #tpu.memory_space<semaphore_mem>>) src(%dma_wait3A_57 : memref<80xi32, #tpu.memory_space<hbm>>) dst(%arg13 : memref<80xi32, #tpu.memory_space<vmem>>)
          tpu.yield
        }) : () -> ()
        "tpu.region"() ({
          %run_scoped3A = tpu.sem_alloc : memref<!tpu.dma_semaphore, #tpu.memory_space<semaphore_mem>>
          %dma_start3A_54 = tpu.memref_slice %arg7[%add3A_38] : memref<800000xi32, #tpu.memory_space<hbm>> -> memref<80xi32, #tpu.memory_space<hbm>>
          %dma_start3A_55 = tpu.memref_slice %arg7[%add3A_38] : memref<800000xi32, #tpu.memory_space<hbm>> -> memref<80xi32, #tpu.memory_space<hbm>>
          tpu.enqueue_dma source(%dma_start3A_55 : memref<80xi32, #tpu.memory_space<hbm>>) target(%arg14 : memref<80xi32, #tpu.memory_space<vmem>>) target_semaphore(%run_scoped3A : memref<!tpu.dma_semaphore, #tpu.memory_space<semaphore_mem>>)
          %dma_wait3A_56 = tpu.memref_slice %arg7[%add3A_38] : memref<800000xi32, #tpu.memory_space<hbm>> -> memref<80xi32, #tpu.memory_space<hbm>>
          %dma_wait3A_57 = tpu.memref_slice %arg7[%add3A_38] : memref<800000xi32, #tpu.memory_space<hbm>> -> memref<80xi32, #tpu.memory_space<hbm>>
          tpu.wait_dma2 semaphore(%run_scoped3A : memref<!tpu.dma_semaphore, #tpu.memory_space<semaphore_mem>>) src(%dma_wait3A_57 : memref<80xi32, #tpu.memory_space<hbm>>) dst(%arg14 : memref<80xi32, #tpu.memory_space<vmem>>)
          tpu.yield
        }) : () -> ()
        "tpu.region"() ({
          %run_scoped3A = tpu.sem_alloc : memref<!tpu.dma_semaphore, #tpu.memory_space<semaphore_mem>>
          %dma_start3A_54 = tpu.memref_slice %arg8[%add3A_38] : memref<800000xi32, #tpu.memory_space<hbm>> -> memref<80xi32, #tpu.memory_space<hbm>>
          %dma_start3A_55 = tpu.memref_slice %arg8[%add3A_38] : memref<800000xi32, #tpu.memory_space<hbm>> -> memref<80xi32, #tpu.memory_space<hbm>>
          tpu.enqueue_dma source(%dma_start3A_55 : memref<80xi32, #tpu.memory_space<hbm>>) target(%arg15 : memref<80xi32, #tpu.memory_space<vmem>>) target_semaphore(%run_scoped3A : memref<!tpu.dma_semaphore, #tpu.memory_space<semaphore_mem>>)
          %dma_wait3A_56 = tpu.memref_slice %arg8[%add3A_38] : memref<800000xi32, #tpu.memory_space<hbm>> -> memref<80xi32, #tpu.memory_space<hbm>>
          %dma_wait3A_57 = tpu.memref_slice %arg8[%add3A_38] : memref<800000xi32, #tpu.memory_space<hbm>> -> memref<80xi32, #tpu.memory_space<hbm>>
          tpu.wait_dma2 semaphore(%run_scoped3A : memref<!tpu.dma_semaphore, #tpu.memory_space<semaphore_mem>>) src(%dma_wait3A_57 : memref<80xi32, #tpu.memory_space<hbm>>) dst(%arg15 : memref<80xi32, #tpu.memory_space<vmem>>)
          tpu.yield
        }) : () -> ()
        %dma_start3A = arith.constant 0 : i32
        %dma_start3A_39 = arith.constant 0 : i32
        %dma_start3A_40 = tpu.memref_slice %arg5[%dma_start3A, %dma_start3A_39] : memref<800000x32xf32, #tpu.memory_space<hbm>> -> memref<800000x32xf32, #tpu.memory_space<hbm>>
        tpu.enqueue_indirect_dma source(%dma_start3A_40 : memref<800000x32xf32, #tpu.memory_space<hbm>>) target(%arg17 : memref<80x32xf32, #tpu.memory_space<vmem>>) offsets(%arg15 : memref<80xi32, #tpu.memory_space<vmem>>) semaphore(%arg18 : memref<!tpu.dma_semaphore, #tpu.memory_space<semaphore_mem>>)
        %dma_wait3A = arith.constant 0 : i32
        %dma_wait3A_41 = arith.constant 0 : i32
        %dma_wait3A_42 = tpu.memref_slice %arg5[%dma_wait3A, %dma_wait3A_41] : memref<800000x32xf32, #tpu.memory_space<hbm>> -> memref<800000x32xf32, #tpu.memory_space<hbm>>
        tpu.wait_indirect_dma semaphore(%arg18 : memref<!tpu.dma_semaphore, #tpu.memory_space<semaphore_mem>>) src(%dma_wait3A_42 : memref<800000x32xf32, #tpu.memory_space<hbm>>) dst(%arg17 : memref<80x32xf32, #tpu.memory_space<vmem>>)
        %dma_start3A_43 = arith.constant 0 : i32
        %dma_start3A_44 = arith.constant 0 : i32
        %dma_start3A_45 = tpu.memref_slice %arg3[%dma_start3A_43, %dma_start3A_44] : memref<50000x32xf32, #tpu.memory_space<hbm>> -> memref<50000x32xf32, #tpu.memory_space<hbm>>
        tpu.enqueue_indirect_dma source(%dma_start3A_45 : memref<50000x32xf32, #tpu.memory_space<hbm>>) target(%arg16 : memref<80x32xf32, #tpu.memory_space<vmem>>) offsets(%arg13 : memref<80xi32, #tpu.memory_space<vmem>>) semaphore(%arg18 : memref<!tpu.dma_semaphore, #tpu.memory_space<semaphore_mem>>)
        %dma_wait3A_46 = arith.constant 0 : i32
        %dma_wait3A_47 = arith.constant 0 : i32
        %dma_wait3A_48 = tpu.memref_slice %arg3[%dma_wait3A_46, %dma_wait3A_47] : memref<50000x32xf32, #tpu.memory_space<hbm>> -> memref<50000x32xf32, #tpu.memory_space<hbm>>
        tpu.wait_indirect_dma semaphore(%arg18 : memref<!tpu.dma_semaphore, #tpu.memory_space<semaphore_mem>>) src(%dma_wait3A_48 : memref<50000x32xf32, #tpu.memory_space<hbm>>) dst(%arg16 : memref<80x32xf32, #tpu.memory_space<vmem>>)
        %scan3A_49 = arith.constant 0 : i32
        %scan3A_50 = arith.constant 80 : i32
        %scan3A_51 = arith.addi %scan3A_49, %scan3A_50 : i32
        %scan3A_52 = arith.constant 4 : i32
        scf.for %scan3A_54 = %scan3A_49 to %scan3A_51 step %scan3A_52  : i32 {
          %mul3A_55 = arith.constant 1 : i32
          %mul3A_56 = arith.muli %scan3A_54, %mul3A_55 : i32
          %add3A_57 = arith.constant 0 : i32
          %add3A_58 = arith.addi %add3A_57, %mul3A_56 : i32
          %get3A = arith.index_cast %add3A_58 : i32 to index
          %get3A_59 = arith.constant 0 : index
          %get3A_60 = tpu.vector_load %arg16[%get3A, %get3A_59] {strides = array<i32>} : memref<80x32xf32, #tpu.memory_space<vmem>>, vector<1x16xf32>,
          %get3A_61 = vector.shape_cast %get3A_60 : vector<1x16xf32> to vector<16xf32>
          %get3A_62 = arith.index_cast %add3A_58 : i32 to index
          %get3A_63 = arith.constant 0 : index
          %get3A_64 = tpu.vector_load %arg17[%get3A_62, %get3A_63] {strides = array<i32>} : memref<80x32xf32, #tpu.memory_space<vmem>>, vector<1x16xf32>,
          %get3A_65 = vector.shape_cast %get3A_64 : vector<1x16xf32> to vector<16xf32>
          %add3A_66 = arith.addf %get3A_61, %get3A_65 : vector<16xf32>
          %max3A = arith.constant 0.000000e+00 : f32
          %max3A_67 = vector.broadcast %max3A : f32 to vector<16xf32>
          %max3A_68 = arith.maximumf %add3A_66, %max3A_67 : vector<16xf32>
          %swap3A = arith.index_cast %add3A_58 : i32 to index
          %swap3A_69 = arith.constant 0 : index
          %swap3A_70 = tpu.vector_load %arg16[%swap3A, %swap3A_69] {strides = array<i32>} : memref<80x32xf32, #tpu.memory_space<vmem>>, vector<1x16xf32>,
          %swap3A_71 = vector.shape_cast %swap3A_70 : vector<1x16xf32> to vector<16xf32>
          %swap3A_72 = vector.shape_cast %max3A_68 : vector<16xf32> to vector<1x16xf32>
          tpu.vector_store %arg16[%swap3A, %swap3A_69], %swap3A_72 {strides = array<i32>} : memref<80x32xf32, #tpu.memory_space<vmem>>, vector<1x16xf32>,
          %get3A_73 = arith.index_cast %add3A_58 : i32 to index
          %get3A_74 = arith.constant 16 : index
          %get3A_75 = tpu.vector_load %arg16[%get3A_73, %get3A_74] {strides = array<i32>} : memref<80x32xf32, #tpu.memory_space<vmem>>, vector<1x16xf32>,
          %get3A_76 = vector.shape_cast %get3A_75 : vector<1x16xf32> to vector<16xf32>
          %get3A_77 = arith.index_cast %add3A_58 : i32 to index
          %get3A_78 = arith.constant 16 : index
          %get3A_79 = tpu.vector_load %arg17[%get3A_77, %get3A_78] {strides = array<i32>} : memref<80x32xf32, #tpu.memory_space<vmem>>, vector<1x16xf32>,
          %get3A_80 = vector.shape_cast %get3A_79 : vector<1x16xf32> to vector<16xf32>
          %add3A_81 = arith.addf %get3A_76, %get3A_80 : vector<16xf32>
          %max3A_82 = arith.constant 0.000000e+00 : f32
          %max3A_83 = vector.broadcast %max3A_82 : f32 to vector<16xf32>
          %max3A_84 = arith.maximumf %add3A_81, %max3A_83 : vector<16xf32>
          %swap3A_85 = arith.index_cast %add3A_58 : i32 to index
          %swap3A_86 = arith.constant 16 : index
          %swap3A_87 = tpu.vector_load %arg16[%swap3A_85, %swap3A_86] {strides = array<i32>} : memref<80x32xf32, #tpu.memory_space<vmem>>, vector<1x16xf32>,
          %swap3A_88 = vector.shape_cast %swap3A_87 : vector<1x16xf32> to vector<16xf32>
          %swap3A_89 = vector.shape_cast %max3A_84 : vector<16xf32> to vector<1x16xf32>
          tpu.vector_store %arg16[%swap3A_85, %swap3A_86], %swap3A_89 {strides = array<i32>} : memref<80x32xf32, #tpu.memory_space<vmem>>, vector<1x16xf32>,
          %scan3A_90 = arith.constant 1 : i32
          %scan3A_91 = arith.addi %scan3A_54, %scan3A_90 : i32
          %mul3A_92 = arith.constant 1 : i32
          %mul3A_93 = arith.muli %scan3A_91, %mul3A_92 : i32
          %add3A_94 = arith.constant 0 : i32
          %add3A_95 = arith.addi %add3A_94, %mul3A_93 : i32
          %get3A_96 = arith.index_cast %add3A_95 : i32 to index
          %get3A_97 = arith.constant 0 : index
          %get3A_98 = tpu.vector_load %arg16[%get3A_96, %get3A_97] {strides = array<i32>} : memref<80x32xf32, #tpu.memory_space<vmem>>, vector<1x16xf32>,
          %get3A_99 = vector.shape_cast %get3A_98 : vector<1x16xf32> to vector<16xf32>
          %get3A_100 = arith.index_cast %add3A_95 : i32 to index
          %get3A_101 = arith.constant 0 : index
          %get3A_102 = tpu.vector_load %arg17[%get3A_100, %get3A_101] {strides = array<i32>} : memref<80x32xf32, #tpu.memory_space<vmem>>, vector<1x16xf32>,
          %get3A_103 = vector.shape_cast %get3A_102 : vector<1x16xf32> to vector<16xf32>
          %add3A_104 = arith.addf %get3A_99, %get3A_103 : vector<16xf32>
          %max3A_105 = arith.constant 0.000000e+00 : f32
          %max3A_106 = vector.broadcast %max3A_105 : f32 to vector<16xf32>
          %max3A_107 = arith.maximumf %add3A_104, %max3A_106 : vector<16xf32>
          %swap3A_108 = arith.index_cast %add3A_95 : i32 to index
          %swap3A_109 = arith.constant 0 : index
          %swap3A_110 = tpu.vector_load %arg16[%swap3A_108, %swap3A_109] {strides = array<i32>} : memref<80x32xf32, #tpu.memory_space<vmem>>, vector<1x16xf32>,
          %swap3A_111 = vector.shape_cast %swap3A_110 : vector<1x16xf32> to vector<16xf32>
          %swap3A_112 = vector.shape_cast %max3A_107 : vector<16xf32> to vector<1x16xf32>
          tpu.vector_store %arg16[%swap3A_108, %swap3A_109], %swap3A_112 {strides = array<i32>} : memref<80x32xf32, #tpu.memory_space<vmem>>, vector<1x16xf32>,
          %get3A_113 = arith.index_cast %add3A_95 : i32 to index
          %get3A_114 = arith.constant 16 : index
          %get3A_115 = tpu.vector_load %arg16[%get3A_113, %get3A_114] {strides = array<i32>} : memref<80x32xf32, #tpu.memory_space<vmem>>, vector<1x16xf32>,
          %get3A_116 = vector.shape_cast %get3A_115 : vector<1x16xf32> to vector<16xf32>
          %get3A_117 = arith.index_cast %add3A_95 : i32 to index
          %get3A_118 = arith.constant 16 : index
          %get3A_119 = tpu.vector_load %arg17[%get3A_117, %get3A_118] {strides = array<i32>} : memref<80x32xf32, #tpu.memory_space<vmem>>, vector<1x16xf32>,
          %get3A_120 = vector.shape_cast %get3A_119 : vector<1x16xf32> to vector<16xf32>
          %add3A_121 = arith.addf %get3A_116, %get3A_120 : vector<16xf32>
          %max3A_122 = arith.constant 0.000000e+00 : f32
          %max3A_123 = vector.broadcast %max3A_122 : f32 to vector<16xf32>
          %max3A_124 = arith.maximumf %add3A_121, %max3A_123 : vector<16xf32>
          %swap3A_125 = arith.index_cast %add3A_95 : i32 to index
          %swap3A_126 = arith.constant 16 : index
          %swap3A_127 = tpu.vector_load %arg16[%swap3A_125, %swap3A_126] {strides = array<i32>} : memref<80x32xf32, #tpu.memory_space<vmem>>, vector<1x16xf32>,
          %swap3A_128 = vector.shape_cast %swap3A_127 : vector<1x16xf32> to vector<16xf32>
          %swap3A_129 = vector.shape_cast %max3A_124 : vector<16xf32> to vector<1x16xf32>
          tpu.vector_store %arg16[%swap3A_125, %swap3A_126], %swap3A_129 {strides = array<i32>} : memref<80x32xf32, #tpu.memory_space<vmem>>, vector<1x16xf32>,
          %scan3A_130 = arith.constant 2 : i32
          %scan3A_131 = arith.addi %scan3A_54, %scan3A_130 : i32
          %mul3A_132 = arith.constant 1 : i32
          %mul3A_133 = arith.muli %scan3A_131, %mul3A_132 : i32
          %add3A_134 = arith.constant 0 : i32
          %add3A_135 = arith.addi %add3A_134, %mul3A_133 : i32
          %get3A_136 = arith.index_cast %add3A_135 : i32 to index
          %get3A_137 = arith.constant 0 : index
          %get3A_138 = tpu.vector_load %arg16[%get3A_136, %get3A_137] {strides = array<i32>} : memref<80x32xf32, #tpu.memory_space<vmem>>, vector<1x16xf32>,
          %get3A_139 = vector.shape_cast %get3A_138 : vector<1x16xf32> to vector<16xf32>
          %get3A_140 = arith.index_cast %add3A_135 : i32 to index
          %get3A_141 = arith.constant 0 : index
          %get3A_142 = tpu.vector_load %arg17[%get3A_140, %get3A_141] {strides = array<i32>} : memref<80x32xf32, #tpu.memory_space<vmem>>, vector<1x16xf32>,
          %get3A_143 = vector.shape_cast %get3A_142 : vector<1x16xf32> to vector<16xf32>
          %add3A_144 = arith.addf %get3A_139, %get3A_143 : vector<16xf32>
          %max3A_145 = arith.constant 0.000000e+00 : f32
          %max3A_146 = vector.broadcast %max3A_145 : f32 to vector<16xf32>
          %max3A_147 = arith.maximumf %add3A_144, %max3A_146 : vector<16xf32>
          %swap3A_148 = arith.index_cast %add3A_135 : i32 to index
          %swap3A_149 = arith.constant 0 : index
          %swap3A_150 = tpu.vector_load %arg16[%swap3A_148, %swap3A_149] {strides = array<i32>} : memref<80x32xf32, #tpu.memory_space<vmem>>, vector<1x16xf32>,
          %swap3A_151 = vector.shape_cast %swap3A_150 : vector<1x16xf32> to vector<16xf32>
          %swap3A_152 = vector.shape_cast %max3A_147 : vector<16xf32> to vector<1x16xf32>
          tpu.vector_store %arg16[%swap3A_148, %swap3A_149], %swap3A_152 {strides = array<i32>} : memref<80x32xf32, #tpu.memory_space<vmem>>, vector<1x16xf32>,
          %get3A_153 = arith.index_cast %add3A_135 : i32 to index
          %get3A_154 = arith.constant 16 : index
          %get3A_155 = tpu.vector_load %arg16[%get3A_153, %get3A_154] {strides = array<i32>} : memref<80x32xf32, #tpu.memory_space<vmem>>, vector<1x16xf32>,
          %get3A_156 = vector.shape_cast %get3A_155 : vector<1x16xf32> to vector<16xf32>
          %get3A_157 = arith.index_cast %add3A_135 : i32 to index
          %get3A_158 = arith.constant 16 : index
          %get3A_159 = tpu.vector_load %arg17[%get3A_157, %get3A_158] {strides = array<i32>} : memref<80x32xf32, #tpu.memory_space<vmem>>, vector<1x16xf32>,
          %get3A_160 = vector.shape_cast %get3A_159 : vector<1x16xf32> to vector<16xf32>
          %add3A_161 = arith.addf %get3A_156, %get3A_160 : vector<16xf32>
          %max3A_162 = arith.constant 0.000000e+00 : f32
          %max3A_163 = vector.broadcast %max3A_162 : f32 to vector<16xf32>
          %max3A_164 = arith.maximumf %add3A_161, %max3A_163 : vector<16xf32>
          %swap3A_165 = arith.index_cast %add3A_135 : i32 to index
          %swap3A_166 = arith.constant 16 : index
          %swap3A_167 = tpu.vector_load %arg16[%swap3A_165, %swap3A_166] {strides = array<i32>} : memref<80x32xf32, #tpu.memory_space<vmem>>, vector<1x16xf32>,
          %swap3A_168 = vector.shape_cast %swap3A_167 : vector<1x16xf32> to vector<16xf32>
          %swap3A_169 = vector.shape_cast %max3A_164 : vector<16xf32> to vector<1x16xf32>
          tpu.vector_store %arg16[%swap3A_165, %swap3A_166], %swap3A_169 {strides = array<i32>} : memref<80x32xf32, #tpu.memory_space<vmem>>, vector<1x16xf32>,
          %scan3A_170 = arith.constant 3 : i32
          %scan3A_171 = arith.addi %scan3A_54, %scan3A_170 : i32
          %mul3A_172 = arith.constant 1 : i32
          %mul3A_173 = arith.muli %scan3A_171, %mul3A_172 : i32
          %add3A_174 = arith.constant 0 : i32
          %add3A_175 = arith.addi %add3A_174, %mul3A_173 : i32
          %get3A_176 = arith.index_cast %add3A_175 : i32 to index
          %get3A_177 = arith.constant 0 : index
          %get3A_178 = tpu.vector_load %arg16[%get3A_176, %get3A_177] {strides = array<i32>} : memref<80x32xf32, #tpu.memory_space<vmem>>, vector<1x16xf32>,
          %get3A_179 = vector.shape_cast %get3A_178 : vector<1x16xf32> to vector<16xf32>
          %get3A_180 = arith.index_cast %add3A_175 : i32 to index
          %get3A_181 = arith.constant 0 : index
          %get3A_182 = tpu.vector_load %arg17[%get3A_180, %get3A_181] {strides = array<i32>} : memref<80x32xf32, #tpu.memory_space<vmem>>, vector<1x16xf32>,
          %get3A_183 = vector.shape_cast %get3A_182 : vector<1x16xf32> to vector<16xf32>
          %add3A_184 = arith.addf %get3A_179, %get3A_183 : vector<16xf32>
          %max3A_185 = arith.constant 0.000000e+00 : f32
          %max3A_186 = vector.broadcast %max3A_185 : f32 to vector<16xf32>
          %max3A_187 = arith.maximumf %add3A_184, %max3A_186 : vector<16xf32>
          %swap3A_188 = arith.index_cast %add3A_175 : i32 to index
          %swap3A_189 = arith.constant 0 : index
          %swap3A_190 = tpu.vector_load %arg16[%swap3A_188, %swap3A_189] {strides = array<i32>} : memref<80x32xf32, #tpu.memory_space<vmem>>, vector<1x16xf32>,
          %swap3A_191 = vector.shape_cast %swap3A_190 : vector<1x16xf32> to vector<16xf32>
          %swap3A_192 = vector.shape_cast %max3A_187 : vector<16xf32> to vector<1x16xf32>
          tpu.vector_store %arg16[%swap3A_188, %swap3A_189], %swap3A_192 {strides = array<i32>} : memref<80x32xf32, #tpu.memory_space<vmem>>, vector<1x16xf32>,
          %get3A_193 = arith.index_cast %add3A_175 : i32 to index
          %get3A_194 = arith.constant 16 : index
          %get3A_195 = tpu.vector_load %arg16[%get3A_193, %get3A_194] {strides = array<i32>} : memref<80x32xf32, #tpu.memory_space<vmem>>, vector<1x16xf32>,
          %get3A_196 = vector.shape_cast %get3A_195 : vector<1x16xf32> to vector<16xf32>
          %get3A_197 = arith.index_cast %add3A_175 : i32 to index
          %get3A_198 = arith.constant 16 : index
          %get3A_199 = tpu.vector_load %arg17[%get3A_197, %get3A_198] {strides = array<i32>} : memref<80x32xf32, #tpu.memory_space<vmem>>, vector<1x16xf32>,
          %get3A_200 = vector.shape_cast %get3A_199 : vector<1x16xf32> to vector<16xf32>
          %add3A_201 = arith.addf %get3A_196, %get3A_200 : vector<16xf32>
          %max3A_202 = arith.constant 0.000000e+00 : f32
          %max3A_203 = vector.broadcast %max3A_202 : f32 to vector<16xf32>
          %max3A_204 = arith.maximumf %add3A_201, %max3A_203 : vector<16xf32>
          %swap3A_205 = arith.index_cast %add3A_175 : i32 to index
          %swap3A_206 = arith.constant 16 : index
          %swap3A_207 = tpu.vector_load %arg16[%swap3A_205, %swap3A_206] {strides = array<i32>} : memref<80x32xf32, #tpu.memory_space<vmem>>, vector<1x16xf32>,
          %swap3A_208 = vector.shape_cast %swap3A_207 : vector<1x16xf32> to vector<16xf32>
          %swap3A_209 = vector.shape_cast %max3A_204 : vector<16xf32> to vector<1x16xf32>
          tpu.vector_store %arg16[%swap3A_205, %swap3A_206], %swap3A_209 {strides = array<i32>} : memref<80x32xf32, #tpu.memory_space<vmem>>, vector<1x16xf32>,
        }
        %scan3A_53 = arith.constant 80 : i32
        "tpu.region"() ({
          %run_scoped3A = tpu.sem_alloc : memref<!tpu.dma_semaphore, #tpu.memory_space<semaphore_mem>>
          %dma_start3A_54 = arith.constant 0 : i32
          %dma_start3A_55 = arith.constant 0 : i32
          %dma_start3A_56 = tpu.memref_slice %arg12[%dma_start3A_54, %dma_start3A_55] : memref<50000x32xf32, #tpu.memory_space<vmem_shared>> -> memref<50000x32xf32, #tpu.memory_space<vmem_shared>>
          tpu.enqueue_indirect_dma source(%arg16 : memref<80x32xf32, #tpu.memory_space<vmem>>) target(%dma_start3A_56 : memref<50000x32xf32, #tpu.memory_space<vmem_shared>>) offsets(%arg14 : memref<80xi32, #tpu.memory_space<vmem>>) semaphore(%run_scoped3A : memref<!tpu.dma_semaphore, #tpu.memory_space<semaphore_mem>>) {add = true}
          %dma_wait3A_57 = arith.constant 0 : i32
          %dma_wait3A_58 = arith.constant 0 : i32
          %dma_wait3A_59 = tpu.memref_slice %arg12[%dma_wait3A_57, %dma_wait3A_58] : memref<50000x32xf32, #tpu.memory_space<vmem_shared>> -> memref<50000x32xf32, #tpu.memory_space<vmem_shared>>
          tpu.wait_indirect_dma semaphore(%run_scoped3A : memref<!tpu.dma_semaphore, #tpu.memory_space<semaphore_mem>>) src(%arg16 : memref<80x32xf32, #tpu.memory_space<vmem>>) dst(%dma_wait3A_59 : memref<50000x32xf32, #tpu.memory_space<vmem_shared>>)
          tpu.yield
        }) : () -> ()
      }
      %scan3A_20 = arith.constant 625 : i32
      %barrier3A_21 = arith.constant 0 : index
      tpu.barrier barrier_id(%barrier3A_21)
      %lt3A_22 = arith.constant 15 : i32
      %lt3A_23 = arith.cmpi slt, %arg1, %lt3A_22 : i32
      %convert_element_type3A_24 = arith.extui %lt3A_23 : i1 to i32
      %cond3A_25 = arith.constant 0 : i32
      %cond3A_26 = arith.cmpi ne, %convert_element_type3A_24, %cond3A_25 : i32
      scf.if %cond3A_26 {
        %mul3A_32 = arith.constant 3128 : i32
        %mul3A_33 = arith.muli %arg1, %mul3A_32 : i32
        %mul3A_34 = arith.constant 3128 : i32
        %mul3A_35 = arith.muli %arg1, %mul3A_34 : i32
        "tpu.region"() ({
          %run_scoped3A = tpu.sem_alloc : memref<!tpu.dma_semaphore, #tpu.memory_space<semaphore_mem>>
          %dma_start3A = arith.constant 0 : i32
          %dma_start3A_36 = tpu.memref_slice %arg11[%mul3A_35, %dma_start3A] : memref<50000x32xf32, #tpu.memory_space<hbm>> -> memref<3128x32xf32, #tpu.memory_space<hbm>>
          %dma_start3A_37 = arith.constant 0 : i32
          %dma_start3A_38 = tpu.memref_slice %arg12[%mul3A_33, %dma_start3A_37] : memref<50000x32xf32, #tpu.memory_space<vmem_shared>> -> memref<3128x32xf32, #tpu.memory_space<vmem_shared>>
          tpu.enqueue_dma source(%dma_start3A_38 : memref<3128x32xf32, #tpu.memory_space<vmem_shared>>) target(%dma_start3A_36 : memref<3128x32xf32, #tpu.memory_space<hbm>>) target_semaphore(%run_scoped3A : memref<!tpu.dma_semaphore, #tpu.memory_space<semaphore_mem>>)
          %dma_wait3A = arith.constant 0 : i32
          %dma_wait3A_39 = tpu.memref_slice %arg11[%mul3A_35, %dma_wait3A] : memref<50000x32xf32, #tpu.memory_space<hbm>> -> memref<3128x32xf32, #tpu.memory_space<hbm>>
          %dma_wait3A_40 = arith.constant 0 : i32
          %dma_wait3A_41 = tpu.memref_slice %arg12[%mul3A_33, %dma_wait3A_40] : memref<50000x32xf32, #tpu.memory_space<vmem_shared>> -> memref<3128x32xf32, #tpu.memory_space<vmem_shared>>
          tpu.wait_dma2 semaphore(%run_scoped3A : memref<!tpu.dma_semaphore, #tpu.memory_space<semaphore_mem>>) src(%dma_wait3A_41 : memref<3128x32xf32, #tpu.memory_space<vmem_shared>>) dst(%dma_wait3A_39 : memref<3128x32xf32, #tpu.memory_space<hbm>>)
          tpu.yield
        }) : () -> ()
      } else {
      }
      %eq3A_27 = arith.constant 15 : i32
      %eq3A_28 = arith.cmpi eq, %arg1, %eq3A_27 : i32
      %convert_element_type3A_29 = arith.extui %eq3A_28 : i1 to i32
      %cond3A_30 = arith.constant 0 : i32
      %cond3A_31 = arith.cmpi ne, %convert_element_type3A_29, %cond3A_30 : i32
      scf.if %cond3A_31 {
        "tpu.region"() ({
          %run_scoped3A = tpu.sem_alloc : memref<!tpu.dma_semaphore, #tpu.memory_space<semaphore_mem>>
          %dma_start3A = arith.constant 46920 : i32
          %dma_start3A_32 = arith.constant 0 : i32
          %dma_start3A_33 = tpu.memref_slice %arg11[%dma_start3A, %dma_start3A_32] : memref<50000x32xf32, #tpu.memory_space<hbm>> -> memref<3080x32xf32, #tpu.memory_space<hbm>>
          %dma_start3A_34 = arith.constant 46920 : i32
          %dma_start3A_35 = arith.constant 0 : i32
          %dma_start3A_36 = tpu.memref_slice %arg12[%dma_start3A_34, %dma_start3A_35] : memref<50000x32xf32, #tpu.memory_space<vmem_shared>> -> memref<3080x32xf32, #tpu.memory_space<vmem_shared>>
          tpu.enqueue_dma source(%dma_start3A_36 : memref<3080x32xf32, #tpu.memory_space<vmem_shared>>) target(%dma_start3A_33 : memref<3080x32xf32, #tpu.memory_space<hbm>>) target_semaphore(%run_scoped3A : memref<!tpu.dma_semaphore, #tpu.memory_space<semaphore_mem>>)
          %dma_wait3A = arith.constant 46920 : i32
          %dma_wait3A_37 = arith.constant 0 : i32
          %dma_wait3A_38 = tpu.memref_slice %arg11[%dma_wait3A, %dma_wait3A_37] : memref<50000x32xf32, #tpu.memory_space<hbm>> -> memref<3080x32xf32, #tpu.memory_space<hbm>>
          %dma_wait3A_39 = arith.constant 46920 : i32
          %dma_wait3A_40 = arith.constant 0 : i32
          %dma_wait3A_41 = tpu.memref_slice %arg12[%dma_wait3A_39, %dma_wait3A_40] : memref<50000x32xf32, #tpu.memory_space<vmem_shared>> -> memref<3080x32xf32, #tpu.memory_space<vmem_shared>>
          tpu.wait_dma2 semaphore(%run_scoped3A : memref<!tpu.dma_semaphore, #tpu.memory_space<semaphore_mem>>) src(%dma_wait3A_41 : memref<3080x32xf32, #tpu.memory_space<vmem_shared>>) dst(%dma_wait3A_38 : memref<3080x32xf32, #tpu.memory_space<hbm>>)
          tpu.yield
        }) : () -> ()
      } else {
      }
    } else {
    }
    return
  }
}

module attributes {stable_mosaic.version = 14 : i64} {
  func.func @_ea_body(%arg0: i32, %arg1: memref<8000x16xf32, #tpu.memory_space<vmem>>, %arg2: memref<16x64xf32, #tpu.memory_space<vmem>>, %arg3: memref<1x64xf32, #tpu.memory_space<vmem>>, %arg4: memref<8000x32xf32, #tpu.memory_space<vmem>>, %arg5: memref<8000x32xf32, #tpu.memory_space<vmem>>) attributes {dimension_semantics = [#tpu.dimension_semantics<arbitrary>], iteration_bounds = array<i64: 100>, scalar_prefetch = 0 : i64, scratch_operands = 0 : i64, tpu.core_type = #tpu.core_type<tc>, window_params = [{transform_indices = @transform_0, window_bounds = array<i64: 8000, 16>}, {pipeline_mode = #tpu.pipeline_mode<synchronous>, transform_indices = @transform_1, window_bounds = array<i64: 16, 64>}, {pipeline_mode = #tpu.pipeline_mode<synchronous>, transform_indices = @transform_2, window_bounds = array<i64: 1, 64>}, {transform_indices = @transform_3, window_bounds = array<i64: 8000, 32>}, {transform_indices = @transform_4, window_bounds = array<i64: 8000, 32>}]} {
    %get3A = arith.constant 0 : index
    %get3A_0 = arith.constant 0 : index
    %get3A_1 = vector.load %arg1[%get3A, %get3A_0] : memref<8000x16xf32, #tpu.memory_space<vmem>>, vector<8000x16xf32>
    %get3A_2 = arith.constant 0 : index
    %get3A_3 = arith.constant 0 : index
    %get3A_4 = vector.load %arg2[%get3A_2, %get3A_3] : memref<16x64xf32, #tpu.memory_space<vmem>>, vector<16x64xf32>
    %dot_general3A = arith.constant dense<0.000000e+00> : vector<8000x64xf32>
    %dot_general3A_5 = tpu.matmul %get3A_1, %get3A_4, %dot_general3A {dimension_numbers = #tpu.dot_dimension_numbers<[1], [0], [0], [1], [0, 0, 1, 1], [], []>, transpose_lhs_hint = false} : vector<8000x16xf32>, vector<16x64xf32>, vector<8000x64xf32> -> vector<8000x64xf32>
    %get3A_6 = arith.constant 0 : index
    %get3A_7 = arith.constant 0 : index
    %get3A_8 = vector.load %arg3[%get3A_6, %get3A_7] : memref<1x64xf32, #tpu.memory_space<vmem>>, vector<1x64xf32>
    %add3A = vector.broadcast %get3A_8 : vector<1x64xf32> to vector<8000x64xf32>
    %add3A_9 = arith.addf %dot_general3A_5, %add3A : vector<8000x64xf32>
    %slice3A = vector.extract_strided_slice %add3A_9 {offsets = [0, 0], sizes = [8000, 32], strides = [1, 1]} : vector<8000x64xf32> to vector<8000x32xf32>
    %swap3A = arith.constant 0 : index
    %swap3A_10 = arith.constant 0 : index
    %swap3A_11 = vector.load %arg4[%swap3A, %swap3A_10] : memref<8000x32xf32, #tpu.memory_space<vmem>>, vector<8000x32xf32>
    tpu.vector_store %arg4[%swap3A, %swap3A_10], %slice3A {strides = array<i32>} : memref<8000x32xf32, #tpu.memory_space<vmem>>, vector<8000x32xf32>,
    %slice3A_12 = vector.extract_strided_slice %add3A_9 {offsets = [0, 32], sizes = [8000, 32], strides = [1, 1]} : vector<8000x64xf32> to vector<8000x32xf32>
    %swap3A_13 = arith.constant 0 : index
    %swap3A_14 = arith.constant 0 : index
    %swap3A_15 = vector.load %arg5[%swap3A_13, %swap3A_14] : memref<8000x32xf32, #tpu.memory_space<vmem>>, vector<8000x32xf32>
    tpu.vector_store %arg5[%swap3A_13, %swap3A_14], %slice3A_12 {strides = array<i32>} : memref<8000x32xf32, #tpu.memory_space<vmem>>, vector<8000x32xf32>,
    return
  }
  func.func @transform_0(%arg0: i32) -> (i32, i32) {
    %c0_i32 = arith.constant 0 : i32
    %c0_i32_0 = arith.constant 0 : i32
    return %arg0, %c0_i32 : i32, i32
  }
  func.func @transform_1(%arg0: i32) -> (i32, i32) {
    %c0_i32 = arith.constant 0 : i32
    %c0_i32_0 = arith.constant 0 : i32
    %c0_i32_1 = arith.constant 0 : i32
    return %c0_i32, %c0_i32_0 : i32, i32
  }
  func.func @transform_2(%arg0: i32) -> (i32, i32) {
    %c0_i32 = arith.constant 0 : i32
    %c0_i32_0 = arith.constant 0 : i32
    %c0_i32_1 = arith.constant 0 : i32
    return %c0_i32, %c0_i32_0 : i32, i32
  }
  func.func @transform_3(%arg0: i32) -> (i32, i32) {
    %c0_i32 = arith.constant 0 : i32
    %c0_i32_0 = arith.constant 0 : i32
    return %arg0, %c0_i32 : i32, i32
  }
  func.func @transform_4(%arg0: i32) -> (i32, i32) {
    %c0_i32 = arith.constant 0 : i32
    %c0_i32_0 = arith.constant 0 : i32
    return %arg0, %c0_i32 : i32, i32
  }
}

module attributes {stable_mosaic.version = 14 : i64} {
  func.func @_enc_body(%arg0: i32, %arg1: memref<2000x128xf32, #tpu.memory_space<vmem>>, %arg2: memref<128x64xf32, #tpu.memory_space<vmem>>, %arg3: memref<1x64xf32, #tpu.memory_space<vmem>>, %arg4: memref<2000x32xf32, #tpu.memory_space<vmem>>, %arg5: memref<2000x32xf32, #tpu.memory_space<vmem>>) attributes {dimension_semantics = [#tpu.dimension_semantics<arbitrary>], iteration_bounds = array<i64: 25>, scalar_prefetch = 0 : i64, scratch_operands = 0 : i64, tpu.core_type = #tpu.core_type<tc>, window_params = [{transform_indices = @transform_0, window_bounds = array<i64: 2000, 128>}, {pipeline_mode = #tpu.pipeline_mode<synchronous>, transform_indices = @transform_1, window_bounds = array<i64: 128, 64>}, {pipeline_mode = #tpu.pipeline_mode<synchronous>, transform_indices = @transform_2, window_bounds = array<i64: 1, 64>}, {transform_indices = @transform_3, window_bounds = array<i64: 2000, 32>}, {transform_indices = @transform_4, window_bounds = array<i64: 2000, 32>}]} {
    %get3A = arith.constant 0 : index
    %get3A_0 = arith.constant 0 : index
    %get3A_1 = vector.load %arg1[%get3A, %get3A_0] : memref<2000x128xf32, #tpu.memory_space<vmem>>, vector<2000x128xf32>
    %get3A_2 = arith.constant 0 : index
    %get3A_3 = arith.constant 0 : index
    %get3A_4 = vector.load %arg2[%get3A_2, %get3A_3] : memref<128x64xf32, #tpu.memory_space<vmem>>, vector<128x64xf32>
    %dot_general3A = arith.constant dense<0.000000e+00> : vector<2000x64xf32>
    %dot_general3A_5 = tpu.matmul %get3A_1, %get3A_4, %dot_general3A {dimension_numbers = #tpu.dot_dimension_numbers<[1], [0], [0], [1], [0, 0, 1, 1], [], []>, transpose_lhs_hint = false} : vector<2000x128xf32>, vector<128x64xf32>, vector<2000x64xf32> -> vector<2000x64xf32>
    %get3A_6 = arith.constant 0 : index
    %get3A_7 = arith.constant 0 : index
    %get3A_8 = vector.load %arg3[%get3A_6, %get3A_7] : memref<1x64xf32, #tpu.memory_space<vmem>>, vector<1x64xf32>
    %add3A = vector.broadcast %get3A_8 : vector<1x64xf32> to vector<2000x64xf32>
    %add3A_9 = arith.addf %dot_general3A_5, %add3A : vector<2000x64xf32>
    %slice3A = vector.extract_strided_slice %add3A_9 {offsets = [0, 0], sizes = [2000, 32], strides = [1, 1]} : vector<2000x64xf32> to vector<2000x32xf32>
    %swap3A = arith.constant 0 : index
    %swap3A_10 = arith.constant 0 : index
    %swap3A_11 = vector.load %arg4[%swap3A, %swap3A_10] : memref<2000x32xf32, #tpu.memory_space<vmem>>, vector<2000x32xf32>
    tpu.vector_store %arg4[%swap3A, %swap3A_10], %slice3A {strides = array<i32>} : memref<2000x32xf32, #tpu.memory_space<vmem>>, vector<2000x32xf32>,
    %slice3A_12 = vector.extract_strided_slice %add3A_9 {offsets = [0, 32], sizes = [2000, 32], strides = [1, 1]} : vector<2000x64xf32> to vector<2000x32xf32>
    %swap3A_13 = arith.constant 0 : index
    %swap3A_14 = arith.constant 0 : index
    %swap3A_15 = vector.load %arg5[%swap3A_13, %swap3A_14] : memref<2000x32xf32, #tpu.memory_space<vmem>>, vector<2000x32xf32>
    tpu.vector_store %arg5[%swap3A_13, %swap3A_14], %slice3A_12 {strides = array<i32>} : memref<2000x32xf32, #tpu.memory_space<vmem>>, vector<2000x32xf32>,
    return
  }
  func.func @transform_0(%arg0: i32) -> (i32, i32) {
    %c0_i32 = arith.constant 0 : i32
    %c0_i32_0 = arith.constant 0 : i32
    return %arg0, %c0_i32 : i32, i32
  }
  func.func @transform_1(%arg0: i32) -> (i32, i32) {
    %c0_i32 = arith.constant 0 : i32
    %c0_i32_0 = arith.constant 0 : i32
    %c0_i32_1 = arith.constant 0 : i32
    return %c0_i32, %c0_i32_0 : i32, i32
  }
  func.func @transform_2(%arg0: i32) -> (i32, i32) {
    %c0_i32 = arith.constant 0 : i32
    %c0_i32_0 = arith.constant 0 : i32
    %c0_i32_1 = arith.constant 0 : i32
    return %c0_i32, %c0_i32_0 : i32, i32
  }
  func.func @transform_3(%arg0: i32) -> (i32, i32) {
    %c0_i32 = arith.constant 0 : i32
    %c0_i32_0 = arith.constant 0 : i32
    return %arg0, %c0_i32 : i32, i32
  }
  func.func @transform_4(%arg0: i32) -> (i32, i32) {
    %c0_i32 = arith.constant 0 : i32
    %c0_i32_0 = arith.constant 0 : i32
    return %arg0, %c0_i32 : i32, i32
  }
}

module attributes {stable_mosaic.version = 14 : i64} {
  func.func @_m0_body(%arg0: i32, %arg1: memref<2000x32xf32, #tpu.memory_space<vmem>>, %arg2: memref<2000x32xf32, #tpu.memory_space<vmem>>, %arg3: memref<2000x32xf32, #tpu.memory_space<vmem>>, %arg4: memref<2000x32xf32, #tpu.memory_space<vmem>>, %arg5: memref<1x1x2000xi32, #tpu.memory_space<vmem>>, %arg6: memref<2xf32, #tpu.memory_space<smem>>, %arg7: memref<64x64xf32, #tpu.memory_space<vmem>>, %arg8: memref<1x64xf32, #tpu.memory_space<vmem>>, %arg9: memref<64x64xf32, #tpu.memory_space<vmem>>, %arg10: memref<1x64xf32, #tpu.memory_space<vmem>>, %arg11: memref<64x64xf32, #tpu.memory_space<vmem>>, %arg12: memref<1x64xf32, #tpu.memory_space<vmem>>, %arg13: memref<64x64xf32, #tpu.memory_space<vmem>>, %arg14: memref<1x64xf32, #tpu.memory_space<vmem>>, %arg15: memref<2000x32xf32, #tpu.memory_space<vmem>>, %arg16: memref<2000x32xf32, #tpu.memory_space<vmem>>, %arg17: memref<2000x32xf32, #tpu.memory_space<vmem>>, %arg18: memref<2000x32xf32, #tpu.memory_space<vmem>>, %arg19: memref<128x128xf32, #tpu.memory_space<vmem>>) attributes {dimension_semantics = [#tpu.dimension_semantics<arbitrary>], iteration_bounds = array<i64: 25>, scalar_prefetch = 0 : i64, scratch_operands = 0 : i64, tpu.core_type = #tpu.core_type<tc>, window_params = [{transform_indices = @transform_0, window_bounds = array<i64: 2000, 32>}, {transform_indices = @transform_1, window_bounds = array<i64: 2000, 32>}, {transform_indices = @transform_2, window_bounds = array<i64: 2000, 32>}, {transform_indices = @transform_3, window_bounds = array<i64: 2000, 32>}, {transform_indices = @transform_4, window_bounds = array<i64: 1, 1, 2000>}, {transform_indices = @transform_5, window_bounds = array<i64: 2>}, {pipeline_mode = #tpu.pipeline_mode<synchronous>, transform_indices = @transform_6, window_bounds = array<i64: 64, 64>}, {pipeline_mode = #tpu.pipeline_mode<synchronous>, transform_indices = @transform_7, window_bounds = array<i64: 1, 64>}, {pipeline_mode = #tpu.pipeline_mode<synchronous>, transform_indices = @transform_8, window_bounds = array<i64: 64, 64>}, {pipeline_mode = #tpu.pipeline_mode<synchronous>, transform_indices = @transform_9, window_bounds = array<i64: 1, 64>}, {pipeline_mode = #tpu.pipeline_mode<synchronous>, transform_indices = @transform_10, window_bounds = array<i64: 64, 64>}, {pipeline_mode = #tpu.pipeline_mode<synchronous>, transform_indices = @transform_11, window_bounds = array<i64: 1, 64>}, {pipeline_mode = #tpu.pipeline_mode<synchronous>, transform_indices = @transform_12, window_bounds = array<i64: 64, 64>}, {pipeline_mode = #tpu.pipeline_mode<synchronous>, transform_indices = @transform_13, window_bounds = array<i64: 1, 64>}, {transform_indices = @transform_14, window_bounds = array<i64: 2000, 32>}, {transform_indices = @transform_15, window_bounds = array<i64: 2000, 32>}, {transform_indices = @transform_16, window_bounds = array<i64: 2000, 32>}, {transform_indices = @transform_17, window_bounds = array<i64: 2000, 32>}, {pipeline_mode = #tpu.pipeline_mode<synchronous>, transform_indices = @transform_18, window_bounds = array<i64: 128, 128>}]} {
    %get3A = arith.constant 0 : index
    %get3A_0 = arith.constant 0 : index
    %get3A_1 = vector.load %arg1[%get3A, %get3A_0] : memref<2000x32xf32, #tpu.memory_space<vmem>>, vector<2000x32xf32>
    %get3A_2 = arith.constant 0 : index
    %get3A_3 = arith.constant 0 : index
    %get3A_4 = vector.load %arg2[%get3A_2, %get3A_3] : memref<2000x32xf32, #tpu.memory_space<vmem>>, vector<2000x32xf32>
    %concatenate3A = tpu.concatenate %get3A_1, %get3A_4 in 1 : vector<2000x32xf32>, vector<2000x32xf32> -> vector<2000x64xf32>
    %get3A_5 = arith.constant 0 : index
    %get3A_6 = arith.constant 0 : index
    %get3A_7 = vector.load %arg3[%get3A_5, %get3A_6] : memref<2000x32xf32, #tpu.memory_space<vmem>>, vector<2000x32xf32>
    %get3A_8 = arith.constant 0 : index
    %get3A_9 = arith.constant 0 : index
    %get3A_10 = vector.load %arg4[%get3A_8, %get3A_9] : memref<2000x32xf32, #tpu.memory_space<vmem>>, vector<2000x32xf32>
    %concatenate3A_11 = tpu.concatenate %get3A_7, %get3A_10 in 1 : vector<2000x32xf32>, vector<2000x32xf32> -> vector<2000x64xf32>
    %get3A_12 = arith.constant 0 : index
    %get3A_13 = arith.constant 0 : index
    %get3A_14 = arith.constant 0 : index
    %get3A_15 = vector.load %arg5[%get3A_12, %get3A_13, %get3A_14] : memref<1x1x2000xi32, #tpu.memory_space<vmem>>, vector<1x1x2000xi32>
    %get3A_16 = vector.shape_cast %get3A_15 : vector<1x1x2000xi32> to vector<2000xi32>
    %iota3A = tpu.iota {dimensions = array<i32: 1>} : vector<1x128xi32>
    %broadcast_in_dim3A = vector.shape_cast %get3A_16 : vector<2000xi32> to vector<2000x1xi32>
    %eq3A = vector.broadcast %broadcast_in_dim3A : vector<2000x1xi32> to vector<2000x128xi32>
    %eq3A_17 = vector.broadcast %iota3A : vector<1x128xi32> to vector<2000x128xi32>
    %eq3A_18 = arith.cmpi eq, %eq3A, %eq3A_17 : vector<2000x128xi32>
    %convert_element_type3A = arith.extui %eq3A_18 : vector<2000x128xi1> to vector<2000x128xi32>
    %convert_element_type3A_19 = arith.sitofp %convert_element_type3A : vector<2000x128xi32> to vector<2000x128xf32>
    %get3A_20 = arith.constant 0 : index
    %get3A_21 = memref.load %arg6[%get3A_20] : memref<2xf32, #tpu.memory_space<smem>>
    %add3A = arith.constant 1.000000e+00 : f32
    %add3A_22 = arith.addf %add3A, %get3A_21 : f32
    %mul3A = vector.broadcast %add3A_22 : f32 to vector<2000x64xf32>
    %mul3A_23 = arith.mulf %mul3A, %concatenate3A : vector<2000x64xf32>
    %add3A_24 = arith.addf %mul3A_23, %concatenate3A_11 : vector<2000x64xf32>
    %get3A_25 = arith.constant 0 : index
    %get3A_26 = arith.constant 0 : index
    %get3A_27 = vector.load %arg7[%get3A_25, %get3A_26] : memref<64x64xf32, #tpu.memory_space<vmem>>, vector<64x64xf32>
    %dot_general3A = arith.constant dense<0.000000e+00> : vector<2000x64xf32>
    %dot_general3A_28 = tpu.matmul %add3A_24, %get3A_27, %dot_general3A {dimension_numbers = #tpu.dot_dimension_numbers<[1], [0], [0], [1], [0, 0, 1, 1], [], []>, transpose_lhs_hint = false} : vector<2000x64xf32>, vector<64x64xf32>, vector<2000x64xf32> -> vector<2000x64xf32>
    %get3A_29 = arith.constant 0 : index
    %get3A_30 = arith.constant 0 : index
    %get3A_31 = vector.load %arg8[%get3A_29, %get3A_30] : memref<1x64xf32, #tpu.memory_space<vmem>>, vector<1x64xf32>
    %add3A_32 = vector.broadcast %get3A_31 : vector<1x64xf32> to vector<2000x64xf32>
    %add3A_33 = arith.addf %dot_general3A_28, %add3A_32 : vector<2000x64xf32>
    %max3A = arith.constant 0.000000e+00 : f32
    %max3A_34 = vector.broadcast %max3A : f32 to vector<2000x64xf32>
    %max3A_35 = arith.maximumf %add3A_33, %max3A_34 : vector<2000x64xf32>
    %get3A_36 = arith.constant 0 : index
    %get3A_37 = arith.constant 0 : index
    %get3A_38 = vector.load %arg9[%get3A_36, %get3A_37] : memref<64x64xf32, #tpu.memory_space<vmem>>, vector<64x64xf32>
    %dot_general3A_39 = arith.constant dense<0.000000e+00> : vector<2000x64xf32>
    %dot_general3A_40 = tpu.matmul %max3A_35, %get3A_38, %dot_general3A_39 {dimension_numbers = #tpu.dot_dimension_numbers<[1], [0], [0], [1], [0, 0, 1, 1], [], []>, transpose_lhs_hint = false} : vector<2000x64xf32>, vector<64x64xf32>, vector<2000x64xf32> -> vector<2000x64xf32>
    %get3A_41 = arith.constant 0 : index
    %get3A_42 = arith.constant 0 : index
    %get3A_43 = vector.load %arg10[%get3A_41, %get3A_42] : memref<1x64xf32, #tpu.memory_space<vmem>>, vector<1x64xf32>
    %add3A_44 = vector.broadcast %get3A_43 : vector<1x64xf32> to vector<2000x64xf32>
    %add3A_45 = arith.addf %dot_general3A_40, %add3A_44 : vector<2000x64xf32>
    %max3A_46 = arith.constant 0.000000e+00 : f32
    %max3A_47 = vector.broadcast %max3A_46 : f32 to vector<2000x64xf32>
    %max3A_48 = arith.maximumf %add3A_45, %max3A_47 : vector<2000x64xf32>
    %slice3A = vector.extract_strided_slice %max3A_48 {offsets = [0, 0], sizes = [2000, 32], strides = [1, 1]} : vector<2000x64xf32> to vector<2000x32xf32>
    %swap3A = arith.constant 0 : index
    %swap3A_49 = arith.constant 0 : index
    %swap3A_50 = vector.load %arg15[%swap3A, %swap3A_49] : memref<2000x32xf32, #tpu.memory_space<vmem>>, vector<2000x32xf32>
    tpu.vector_store %arg15[%swap3A, %swap3A_49], %slice3A {strides = array<i32>} : memref<2000x32xf32, #tpu.memory_space<vmem>>, vector<2000x32xf32>,
    %slice3A_51 = vector.extract_strided_slice %max3A_48 {offsets = [0, 32], sizes = [2000, 32], strides = [1, 1]} : vector<2000x64xf32> to vector<2000x32xf32>
    %swap3A_52 = arith.constant 0 : index
    %swap3A_53 = arith.constant 0 : index
    %swap3A_54 = vector.load %arg16[%swap3A_52, %swap3A_53] : memref<2000x32xf32, #tpu.memory_space<vmem>>, vector<2000x32xf32>
    tpu.vector_store %arg16[%swap3A_52, %swap3A_53], %slice3A_51 {strides = array<i32>} : memref<2000x32xf32, #tpu.memory_space<vmem>>, vector<2000x32xf32>,
    %dot_general3A_55 = arith.constant dense<0.000000e+00> : vector<128x64xf32>
    %dot_general3A_56 = tpu.matmul %convert_element_type3A_19, %max3A_48, %dot_general3A_55 {dimension_numbers = #tpu.dot_dimension_numbers<[0], [0], [1], [1], [0, 1, 1, 1], [], []>, precision = #tpu.contract_precision<fp32>, transpose_lhs_hint = false} : vector<2000x128xf32>, vector<2000x64xf32>, vector<128x64xf32> -> vector<128x64xf32>
    %get3A_57 = arith.constant 1 : index
    %get3A_58 = memref.load %arg6[%get3A_57] : memref<2xf32, #tpu.memory_space<smem>>
    %add3A_59 = arith.constant 1.000000e+00 : f32
    %add3A_60 = arith.addf %add3A_59, %get3A_58 : f32
    %mul3A_61 = vector.broadcast %add3A_60 : f32 to vector<2000x64xf32>
    %mul3A_62 = arith.mulf %mul3A_61, %concatenate3A : vector<2000x64xf32>
    %add3A_63 = arith.addf %mul3A_62, %concatenate3A_11 : vector<2000x64xf32>
    %get3A_64 = arith.constant 0 : index
    %get3A_65 = arith.constant 0 : index
    %get3A_66 = vector.load %arg11[%get3A_64, %get3A_65] : memref<64x64xf32, #tpu.memory_space<vmem>>, vector<64x64xf32>
    %dot_general3A_67 = arith.constant dense<0.000000e+00> : vector<2000x64xf32>
    %dot_general3A_68 = tpu.matmul %add3A_63, %get3A_66, %dot_general3A_67 {dimension_numbers = #tpu.dot_dimension_numbers<[1], [0], [0], [1], [0, 0, 1, 1], [], []>, transpose_lhs_hint = false} : vector<2000x64xf32>, vector<64x64xf32>, vector<2000x64xf32> -> vector<2000x64xf32>
    %get3A_69 = arith.constant 0 : index
    %get3A_70 = arith.constant 0 : index
    %get3A_71 = vector.load %arg12[%get3A_69, %get3A_70] : memref<1x64xf32, #tpu.memory_space<vmem>>, vector<1x64xf32>
    %add3A_72 = vector.broadcast %get3A_71 : vector<1x64xf32> to vector<2000x64xf32>
    %add3A_73 = arith.addf %dot_general3A_68, %add3A_72 : vector<2000x64xf32>
    %max3A_74 = arith.constant 0.000000e+00 : f32
    %max3A_75 = vector.broadcast %max3A_74 : f32 to vector<2000x64xf32>
    %max3A_76 = arith.maximumf %add3A_73, %max3A_75 : vector<2000x64xf32>
    %get3A_77 = arith.constant 0 : index
    %get3A_78 = arith.constant 0 : index
    %get3A_79 = vector.load %arg13[%get3A_77, %get3A_78] : memref<64x64xf32, #tpu.memory_space<vmem>>, vector<64x64xf32>
    %dot_general3A_80 = arith.constant dense<0.000000e+00> : vector<2000x64xf32>
    %dot_general3A_81 = tpu.matmul %max3A_76, %get3A_79, %dot_general3A_80 {dimension_numbers = #tpu.dot_dimension_numbers<[1], [0], [0], [1], [0, 0, 1, 1], [], []>, transpose_lhs_hint = false} : vector<2000x64xf32>, vector<64x64xf32>, vector<2000x64xf32> -> vector<2000x64xf32>
    %get3A_82 = arith.constant 0 : index
    %get3A_83 = arith.constant 0 : index
    %get3A_84 = vector.load %arg14[%get3A_82, %get3A_83] : memref<1x64xf32, #tpu.memory_space<vmem>>, vector<1x64xf32>
    %add3A_85 = vector.broadcast %get3A_84 : vector<1x64xf32> to vector<2000x64xf32>
    %add3A_86 = arith.addf %dot_general3A_81, %add3A_85 : vector<2000x64xf32>
    %max3A_87 = arith.constant 0.000000e+00 : f32
    %max3A_88 = vector.broadcast %max3A_87 : f32 to vector<2000x64xf32>
    %max3A_89 = arith.maximumf %add3A_86, %max3A_88 : vector<2000x64xf32>
    %slice3A_90 = vector.extract_strided_slice %max3A_89 {offsets = [0, 0], sizes = [2000, 32], strides = [1, 1]} : vector<2000x64xf32> to vector<2000x32xf32>
    %swap3A_91 = arith.constant 0 : index
    %swap3A_92 = arith.constant 0 : index
    %swap3A_93 = vector.load %arg17[%swap3A_91, %swap3A_92] : memref<2000x32xf32, #tpu.memory_space<vmem>>, vector<2000x32xf32>
    tpu.vector_store %arg17[%swap3A_91, %swap3A_92], %slice3A_90 {strides = array<i32>} : memref<2000x32xf32, #tpu.memory_space<vmem>>, vector<2000x32xf32>,
    %slice3A_94 = vector.extract_strided_slice %max3A_89 {offsets = [0, 32], sizes = [2000, 32], strides = [1, 1]} : vector<2000x64xf32> to vector<2000x32xf32>
    %swap3A_95 = arith.constant 0 : index
    %swap3A_96 = arith.constant 0 : index
    %swap3A_97 = vector.load %arg18[%swap3A_95, %swap3A_96] : memref<2000x32xf32, #tpu.memory_space<vmem>>, vector<2000x32xf32>
    tpu.vector_store %arg18[%swap3A_95, %swap3A_96], %slice3A_94 {strides = array<i32>} : memref<2000x32xf32, #tpu.memory_space<vmem>>, vector<2000x32xf32>,
    %dot_general3A_98 = arith.constant dense<0.000000e+00> : vector<128x64xf32>
    %dot_general3A_99 = tpu.matmul %convert_element_type3A_19, %max3A_89, %dot_general3A_98 {dimension_numbers = #tpu.dot_dimension_numbers<[0], [0], [1], [1], [0, 1, 1, 1], [], []>, precision = #tpu.contract_precision<fp32>, transpose_lhs_hint = false} : vector<2000x128xf32>, vector<2000x64xf32>, vector<128x64xf32> -> vector<128x64xf32>
    %concatenate3A_100 = tpu.concatenate %dot_general3A_56, %dot_general3A_99 in 1 : vector<128x64xf32>, vector<128x64xf32> -> vector<128x128xf32>
    %eq3A_101 = arith.constant 0 : i32
    %eq3A_102 = arith.cmpi eq, %arg0, %eq3A_101 : i32
    %convert_element_type3A_103 = arith.extui %eq3A_102 : i1 to i32
    %cond3A = arith.constant 0 : i32
    %cond3A_104 = arith.cmpi ne, %convert_element_type3A_103, %cond3A : i32
    scf.if %cond3A_104 {
      %swap3A_109 = arith.constant 0 : index
      %swap3A_110 = arith.constant 0 : index
      %swap3A_111 = vector.load %arg19[%swap3A_109, %swap3A_110] : memref<128x128xf32, #tpu.memory_space<vmem>>, vector<128x128xf32>
      tpu.vector_store %arg19[%swap3A_109, %swap3A_110], %concatenate3A_100 {strides = array<i32>} : memref<128x128xf32, #tpu.memory_space<vmem>>, vector<128x128xf32>,
    } else {
    }
    %gt3A = arith.constant 0 : i32
    %gt3A_105 = arith.cmpi sgt, %arg0, %gt3A : i32
    %convert_element_type3A_106 = arith.extui %gt3A_105 : i1 to i32
    %cond3A_107 = arith.constant 0 : i32
    %cond3A_108 = arith.cmpi ne, %convert_element_type3A_106, %cond3A_107 : i32
    scf.if %cond3A_108 {
      %get3A_109 = arith.constant 0 : index
      %get3A_110 = arith.constant 0 : index
      %get3A_111 = vector.load %arg19[%get3A_109, %get3A_110] : memref<128x128xf32, #tpu.memory_space<vmem>>, vector<128x128xf32>
      %add3A_112 = arith.addf %get3A_111, %concatenate3A_100 : vector<128x128xf32>
      %swap3A_113 = arith.constant 0 : index
      %swap3A_114 = arith.constant 0 : index
      %swap3A_115 = vector.load %arg19[%swap3A_113, %swap3A_114] : memref<128x128xf32, #tpu.memory_space<vmem>>, vector<128x128xf32>
      tpu.vector_store %arg19[%swap3A_113, %swap3A_114], %add3A_112 {strides = array<i32>} : memref<128x128xf32, #tpu.memory_space<vmem>>, vector<128x128xf32>,
    } else {
    }
    return
  }
  func.func @transform_0(%arg0: i32) -> (i32, i32) {
    %c0_i32 = arith.constant 0 : i32
    %c0_i32_0 = arith.constant 0 : i32
    return %arg0, %c0_i32 : i32, i32
  }
  func.func @transform_1(%arg0: i32) -> (i32, i32) {
    %c0_i32 = arith.constant 0 : i32
    %c0_i32_0 = arith.constant 0 : i32
    return %arg0, %c0_i32 : i32, i32
  }
  func.func @transform_2(%arg0: i32) -> (i32, i32) {
    %c0_i32 = arith.constant 0 : i32
    %c0_i32_0 = arith.constant 0 : i32
    return %arg0, %c0_i32 : i32, i32
  }
  func.func @transform_3(%arg0: i32) -> (i32, i32) {
    %c0_i32 = arith.constant 0 : i32
    %c0_i32_0 = arith.constant 0 : i32
    return %arg0, %c0_i32 : i32, i32
  }
  func.func @transform_4(%arg0: i32) -> (i32, i32, i32) {
    %c0_i32 = arith.constant 0 : i32
    %c0_i32_0 = arith.constant 0 : i32
    %c0_i32_1 = arith.constant 0 : i32
    return %arg0, %c0_i32, %c0_i32_0 : i32, i32, i32
  }
  func.func @transform_5(%arg0: i32) -> i32 {
    %c0_i32 = arith.constant 0 : i32
    %c0_i32_0 = arith.constant 0 : i32
    return %c0_i32 : i32
  }
  func.func @transform_6(%arg0: i32) -> (i32, i32) {
    %c0_i32 = arith.constant 0 : i32
    %c0_i32_0 = arith.constant 0 : i32
    %c0_i32_1 = arith.constant 0 : i32
    return %c0_i32, %c0_i32_0 : i32, i32
  }
  func.func @transform_7(%arg0: i32) -> (i32, i32) {
    %c0_i32 = arith.constant 0 : i32
    %c0_i32_0 = arith.constant 0 : i32
    %c0_i32_1 = arith.constant 0 : i32
    return %c0_i32, %c0_i32_0 : i32, i32
  }
  func.func @transform_8(%arg0: i32) -> (i32, i32) {
    %c0_i32 = arith.constant 0 : i32
    %c0_i32_0 = arith.constant 0 : i32
    %c0_i32_1 = arith.constant 0 : i32
    return %c0_i32, %c0_i32_0 : i32, i32
  }
  func.func @transform_9(%arg0: i32) -> (i32, i32) {
    %c0_i32 = arith.constant 0 : i32
    %c0_i32_0 = arith.constant 0 : i32
    %c0_i32_1 = arith.constant 0 : i32
    return %c0_i32, %c0_i32_0 : i32, i32
  }
  func.func @transform_10(%arg0: i32) -> (i32, i32) {
    %c0_i32 = arith.constant 0 : i32
    %c0_i32_0 = arith.constant 0 : i32
    %c0_i32_1 = arith.constant 0 : i32
    return %c0_i32, %c0_i32_0 : i32, i32
  }
  func.func @transform_11(%arg0: i32) -> (i32, i32) {
    %c0_i32 = arith.constant 0 : i32
    %c0_i32_0 = arith.constant 0 : i32
    %c0_i32_1 = arith.constant 0 : i32
    return %c0_i32, %c0_i32_0 : i32, i32
  }
  func.func @transform_12(%arg0: i32) -> (i32, i32) {
    %c0_i32 = arith.constant 0 : i32
    %c0_i32_0 = arith.constant 0 : i32
    %c0_i32_1 = arith.constant 0 : i32
    return %c0_i32, %c0_i32_0 : i32, i32
  }
  func.func @transform_13(%arg0: i32) -> (i32, i32) {
    %c0_i32 = arith.constant 0 : i32
    %c0_i32_0 = arith.constant 0 : i32
    %c0_i32_1 = arith.constant 0 : i32
    return %c0_i32, %c0_i32_0 : i32, i32
  }
  func.func @transform_14(%arg0: i32) -> (i32, i32) {
    %c0_i32 = arith.constant 0 : i32
    %c0_i32_0 = arith.constant 0 : i32
    return %arg0, %c0_i32 : i32, i32
  }
  func.func @transform_15(%arg0: i32) -> (i32, i32) {
    %c0_i32 = arith.constant 0 : i32
    %c0_i32_0 = arith.constant 0 : i32
    return %arg0, %c0_i32 : i32, i32
  }
  func.func @transform_16(%arg0: i32) -> (i32, i32) {
    %c0_i32 = arith.constant 0 : i32
    %c0_i32_0 = arith.constant 0 : i32
    return %arg0, %c0_i32 : i32, i32
  }
  func.func @transform_17(%arg0: i32) -> (i32, i32) {
    %c0_i32 = arith.constant 0 : i32
    %c0_i32_0 = arith.constant 0 : i32
    return %arg0, %c0_i32 : i32, i32
  }
  func.func @transform_18(%arg0: i32) -> (i32, i32) {
    %c0_i32 = arith.constant 0 : i32
    %c0_i32_0 = arith.constant 0 : i32
    %c0_i32_1 = arith.constant 0 : i32
    return %c0_i32, %c0_i32_0 : i32, i32
  }
}

module attributes {stable_mosaic.version = 14 : i64} {
  func.func @_m1_body(%arg0: i32, %arg1: memref<2000x32xf32, #tpu.memory_space<vmem>>, %arg2: memref<2000x32xf32, #tpu.memory_space<vmem>>, %arg3: memref<2000x32xf32, #tpu.memory_space<vmem>>, %arg4: memref<2000x32xf32, #tpu.memory_space<vmem>>, %arg5: memref<2000x32xf32, #tpu.memory_space<vmem>>, %arg6: memref<2000x32xf32, #tpu.memory_space<vmem>>, %arg7: memref<2000x32xf32, #tpu.memory_space<vmem>>, %arg8: memref<2000x32xf32, #tpu.memory_space<vmem>>, %arg9: memref<1x1x2000xi32, #tpu.memory_space<vmem>>, %arg10: memref<2xf32, #tpu.memory_space<smem>>, %arg11: memref<64x64xf32, #tpu.memory_space<vmem>>, %arg12: memref<1x64xf32, #tpu.memory_space<vmem>>, %arg13: memref<64x64xf32, #tpu.memory_space<vmem>>, %arg14: memref<1x64xf32, #tpu.memory_space<vmem>>, %arg15: memref<64x64xf32, #tpu.memory_space<vmem>>, %arg16: memref<1x64xf32, #tpu.memory_space<vmem>>, %arg17: memref<64x64xf32, #tpu.memory_space<vmem>>, %arg18: memref<1x64xf32, #tpu.memory_space<vmem>>, %arg19: memref<128x128xf32, #tpu.memory_space<vmem>>) attributes {dimension_semantics = [#tpu.dimension_semantics<arbitrary>], iteration_bounds = array<i64: 25>, scalar_prefetch = 0 : i64, scratch_operands = 0 : i64, tpu.core_type = #tpu.core_type<tc>, window_params = [{transform_indices = @transform_0, window_bounds = array<i64: 2000, 32>}, {transform_indices = @transform_1, window_bounds = array<i64: 2000, 32>}, {transform_indices = @transform_2, window_bounds = array<i64: 2000, 32>}, {transform_indices = @transform_3, window_bounds = array<i64: 2000, 32>}, {transform_indices = @transform_4, window_bounds = array<i64: 2000, 32>}, {transform_indices = @transform_5, window_bounds = array<i64: 2000, 32>}, {transform_indices = @transform_6, window_bounds = array<i64: 2000, 32>}, {transform_indices = @transform_7, window_bounds = array<i64: 2000, 32>}, {transform_indices = @transform_8, window_bounds = array<i64: 1, 1, 2000>}, {transform_indices = @transform_9, window_bounds = array<i64: 2>}, {pipeline_mode = #tpu.pipeline_mode<synchronous>, transform_indices = @transform_10, window_bounds = array<i64: 64, 64>}, {pipeline_mode = #tpu.pipeline_mode<synchronous>, transform_indices = @transform_11, window_bounds = array<i64: 1, 64>}, {pipeline_mode = #tpu.pipeline_mode<synchronous>, transform_indices = @transform_12, window_bounds = array<i64: 64, 64>}, {pipeline_mode = #tpu.pipeline_mode<synchronous>, transform_indices = @transform_13, window_bounds = array<i64: 1, 64>}, {pipeline_mode = #tpu.pipeline_mode<synchronous>, transform_indices = @transform_14, window_bounds = array<i64: 64, 64>}, {pipeline_mode = #tpu.pipeline_mode<synchronous>, transform_indices = @transform_15, window_bounds = array<i64: 1, 64>}, {pipeline_mode = #tpu.pipeline_mode<synchronous>, transform_indices = @transform_16, window_bounds = array<i64: 64, 64>}, {pipeline_mode = #tpu.pipeline_mode<synchronous>, transform_indices = @transform_17, window_bounds = array<i64: 1, 64>}, {pipeline_mode = #tpu.pipeline_mode<synchronous>, transform_indices = @transform_18, window_bounds = array<i64: 128, 128>}]} {
    %get3A = arith.constant 0 : index
    %get3A_0 = arith.constant 0 : index
    %get3A_1 = arith.constant 0 : index
    %get3A_2 = vector.load %arg9[%get3A, %get3A_0, %get3A_1] : memref<1x1x2000xi32, #tpu.memory_space<vmem>>, vector<1x1x2000xi32>
    %get3A_3 = vector.shape_cast %get3A_2 : vector<1x1x2000xi32> to vector<2000xi32>
    %iota3A = tpu.iota {dimensions = array<i32: 1>} : vector<1x128xi32>
    %broadcast_in_dim3A = vector.shape_cast %get3A_3 : vector<2000xi32> to vector<2000x1xi32>
    %eq3A = vector.broadcast %broadcast_in_dim3A : vector<2000x1xi32> to vector<2000x128xi32>
    %eq3A_4 = vector.broadcast %iota3A : vector<1x128xi32> to vector<2000x128xi32>
    %eq3A_5 = arith.cmpi eq, %eq3A, %eq3A_4 : vector<2000x128xi32>
    %convert_element_type3A = arith.extui %eq3A_5 : vector<2000x128xi1> to vector<2000x128xi32>
    %convert_element_type3A_6 = arith.sitofp %convert_element_type3A : vector<2000x128xi32> to vector<2000x128xf32>
    %get3A_7 = arith.constant 0 : index
    %get3A_8 = arith.constant 0 : index
    %get3A_9 = vector.load %arg1[%get3A_7, %get3A_8] : memref<2000x32xf32, #tpu.memory_space<vmem>>, vector<2000x32xf32>
    %get3A_10 = arith.constant 0 : index
    %get3A_11 = arith.constant 0 : index
    %get3A_12 = vector.load %arg2[%get3A_10, %get3A_11] : memref<2000x32xf32, #tpu.memory_space<vmem>>, vector<2000x32xf32>
    %concatenate3A = tpu.concatenate %get3A_9, %get3A_12 in 1 : vector<2000x32xf32>, vector<2000x32xf32> -> vector<2000x64xf32>
    %get3A_13 = arith.constant 0 : index
    %get3A_14 = arith.constant 0 : index
    %get3A_15 = vector.load %arg3[%get3A_13, %get3A_14] : memref<2000x32xf32, #tpu.memory_space<vmem>>, vector<2000x32xf32>
    %get3A_16 = arith.constant 0 : index
    %get3A_17 = arith.constant 0 : index
    %get3A_18 = vector.load %arg4[%get3A_16, %get3A_17] : memref<2000x32xf32, #tpu.memory_space<vmem>>, vector<2000x32xf32>
    %concatenate3A_19 = tpu.concatenate %get3A_15, %get3A_18 in 1 : vector<2000x32xf32>, vector<2000x32xf32> -> vector<2000x64xf32>
    %get3A_20 = arith.constant 0 : index
    %get3A_21 = memref.load %arg10[%get3A_20] : memref<2xf32, #tpu.memory_space<smem>>
    %add3A = arith.constant 1.000000e+00 : f32
    %add3A_22 = arith.addf %add3A, %get3A_21 : f32
    %mul3A = vector.broadcast %add3A_22 : f32 to vector<2000x64xf32>
    %mul3A_23 = arith.mulf %mul3A, %concatenate3A : vector<2000x64xf32>
    %add3A_24 = arith.addf %mul3A_23, %concatenate3A_19 : vector<2000x64xf32>
    %get3A_25 = arith.constant 0 : index
    %get3A_26 = arith.constant 0 : index
    %get3A_27 = vector.load %arg11[%get3A_25, %get3A_26] : memref<64x64xf32, #tpu.memory_space<vmem>>, vector<64x64xf32>
    %dot_general3A = arith.constant dense<0.000000e+00> : vector<2000x64xf32>
    %dot_general3A_28 = tpu.matmul %add3A_24, %get3A_27, %dot_general3A {dimension_numbers = #tpu.dot_dimension_numbers<[1], [0], [0], [1], [0, 0, 1, 1], [], []>, transpose_lhs_hint = false} : vector<2000x64xf32>, vector<64x64xf32>, vector<2000x64xf32> -> vector<2000x64xf32>
    %get3A_29 = arith.constant 0 : index
    %get3A_30 = arith.constant 0 : index
    %get3A_31 = vector.load %arg12[%get3A_29, %get3A_30] : memref<1x64xf32, #tpu.memory_space<vmem>>, vector<1x64xf32>
    %add3A_32 = vector.broadcast %get3A_31 : vector<1x64xf32> to vector<2000x64xf32>
    %add3A_33 = arith.addf %dot_general3A_28, %add3A_32 : vector<2000x64xf32>
    %max3A = arith.constant 0.000000e+00 : f32
    %max3A_34 = vector.broadcast %max3A : f32 to vector<2000x64xf32>
    %max3A_35 = arith.maximumf %add3A_33, %max3A_34 : vector<2000x64xf32>
    %get3A_36 = arith.constant 0 : index
    %get3A_37 = arith.constant 0 : index
    %get3A_38 = vector.load %arg13[%get3A_36, %get3A_37] : memref<64x64xf32, #tpu.memory_space<vmem>>, vector<64x64xf32>
    %dot_general3A_39 = arith.constant dense<0.000000e+00> : vector<2000x64xf32>
    %dot_general3A_40 = tpu.matmul %max3A_35, %get3A_38, %dot_general3A_39 {dimension_numbers = #tpu.dot_dimension_numbers<[1], [0], [0], [1], [0, 0, 1, 1], [], []>, transpose_lhs_hint = false} : vector<2000x64xf32>, vector<64x64xf32>, vector<2000x64xf32> -> vector<2000x64xf32>
    %get3A_41 = arith.constant 0 : index
    %get3A_42 = arith.constant 0 : index
    %get3A_43 = vector.load %arg14[%get3A_41, %get3A_42] : memref<1x64xf32, #tpu.memory_space<vmem>>, vector<1x64xf32>
    %add3A_44 = vector.broadcast %get3A_43 : vector<1x64xf32> to vector<2000x64xf32>
    %add3A_45 = arith.addf %dot_general3A_40, %add3A_44 : vector<2000x64xf32>
    %dot_general3A_46 = arith.constant dense<0.000000e+00> : vector<128x64xf32>
    %dot_general3A_47 = tpu.matmul %convert_element_type3A_6, %add3A_45, %dot_general3A_46 {dimension_numbers = #tpu.dot_dimension_numbers<[0], [0], [1], [1], [0, 1, 1, 1], [], []>, precision = #tpu.contract_precision<fp32>, transpose_lhs_hint = false} : vector<2000x128xf32>, vector<2000x64xf32>, vector<128x64xf32> -> vector<128x64xf32>
    %get3A_48 = arith.constant 0 : index
    %get3A_49 = arith.constant 0 : index
    %get3A_50 = vector.load %arg5[%get3A_48, %get3A_49] : memref<2000x32xf32, #tpu.memory_space<vmem>>, vector<2000x32xf32>
    %get3A_51 = arith.constant 0 : index
    %get3A_52 = arith.constant 0 : index
    %get3A_53 = vector.load %arg6[%get3A_51, %get3A_52] : memref<2000x32xf32, #tpu.memory_space<vmem>>, vector<2000x32xf32>
    %concatenate3A_54 = tpu.concatenate %get3A_50, %get3A_53 in 1 : vector<2000x32xf32>, vector<2000x32xf32> -> vector<2000x64xf32>
    %get3A_55 = arith.constant 0 : index
    %get3A_56 = arith.constant 0 : index
    %get3A_57 = vector.load %arg7[%get3A_55, %get3A_56] : memref<2000x32xf32, #tpu.memory_space<vmem>>, vector<2000x32xf32>
    %get3A_58 = arith.constant 0 : index
    %get3A_59 = arith.constant 0 : index
    %get3A_60 = vector.load %arg8[%get3A_58, %get3A_59] : memref<2000x32xf32, #tpu.memory_space<vmem>>, vector<2000x32xf32>
    %concatenate3A_61 = tpu.concatenate %get3A_57, %get3A_60 in 1 : vector<2000x32xf32>, vector<2000x32xf32> -> vector<2000x64xf32>
    %get3A_62 = arith.constant 1 : index
    %get3A_63 = memref.load %arg10[%get3A_62] : memref<2xf32, #tpu.memory_space<smem>>
    %add3A_64 = arith.constant 1.000000e+00 : f32
    %add3A_65 = arith.addf %add3A_64, %get3A_63 : f32
    %mul3A_66 = vector.broadcast %add3A_65 : f32 to vector<2000x64xf32>
    %mul3A_67 = arith.mulf %mul3A_66, %concatenate3A_54 : vector<2000x64xf32>
    %add3A_68 = arith.addf %mul3A_67, %concatenate3A_61 : vector<2000x64xf32>
    %get3A_69 = arith.constant 0 : index
    %get3A_70 = arith.constant 0 : index
    %get3A_71 = vector.load %arg15[%get3A_69, %get3A_70] : memref<64x64xf32, #tpu.memory_space<vmem>>, vector<64x64xf32>
    %dot_general3A_72 = arith.constant dense<0.000000e+00> : vector<2000x64xf32>
    %dot_general3A_73 = tpu.matmul %add3A_68, %get3A_71, %dot_general3A_72 {dimension_numbers = #tpu.dot_dimension_numbers<[1], [0], [0], [1], [0, 0, 1, 1], [], []>, transpose_lhs_hint = false} : vector<2000x64xf32>, vector<64x64xf32>, vector<2000x64xf32> -> vector<2000x64xf32>
    %get3A_74 = arith.constant 0 : index
    %get3A_75 = arith.constant 0 : index
    %get3A_76 = vector.load %arg16[%get3A_74, %get3A_75] : memref<1x64xf32, #tpu.memory_space<vmem>>, vector<1x64xf32>
    %add3A_77 = vector.broadcast %get3A_76 : vector<1x64xf32> to vector<2000x64xf32>
    %add3A_78 = arith.addf %dot_general3A_73, %add3A_77 : vector<2000x64xf32>
    %max3A_79 = arith.constant 0.000000e+00 : f32
    %max3A_80 = vector.broadcast %max3A_79 : f32 to vector<2000x64xf32>
    %max3A_81 = arith.maximumf %add3A_78, %max3A_80 : vector<2000x64xf32>
    %get3A_82 = arith.constant 0 : index
    %get3A_83 = arith.constant 0 : index
    %get3A_84 = vector.load %arg17[%get3A_82, %get3A_83] : memref<64x64xf32, #tpu.memory_space<vmem>>, vector<64x64xf32>
    %dot_general3A_85 = arith.constant dense<0.000000e+00> : vector<2000x64xf32>
    %dot_general3A_86 = tpu.matmul %max3A_81, %get3A_84, %dot_general3A_85 {dimension_numbers = #tpu.dot_dimension_numbers<[1], [0], [0], [1], [0, 0, 1, 1], [], []>, transpose_lhs_hint = false} : vector<2000x64xf32>, vector<64x64xf32>, vector<2000x64xf32> -> vector<2000x64xf32>
    %get3A_87 = arith.constant 0 : index
    %get3A_88 = arith.constant 0 : index
    %get3A_89 = vector.load %arg18[%get3A_87, %get3A_88] : memref<1x64xf32, #tpu.memory_space<vmem>>, vector<1x64xf32>
    %add3A_90 = vector.broadcast %get3A_89 : vector<1x64xf32> to vector<2000x64xf32>
    %add3A_91 = arith.addf %dot_general3A_86, %add3A_90 : vector<2000x64xf32>
    %dot_general3A_92 = arith.constant dense<0.000000e+00> : vector<128x64xf32>
    %dot_general3A_93 = tpu.matmul %convert_element_type3A_6, %add3A_91, %dot_general3A_92 {dimension_numbers = #tpu.dot_dimension_numbers<[0], [0], [1], [1], [0, 1, 1, 1], [], []>, precision = #tpu.contract_precision<fp32>, transpose_lhs_hint = false} : vector<2000x128xf32>, vector<2000x64xf32>, vector<128x64xf32> -> vector<128x64xf32>
    %concatenate3A_94 = tpu.concatenate %dot_general3A_47, %dot_general3A_93 in 1 : vector<128x64xf32>, vector<128x64xf32> -> vector<128x128xf32>
    %eq3A_95 = arith.constant 0 : i32
    %eq3A_96 = arith.cmpi eq, %arg0, %eq3A_95 : i32
    %convert_element_type3A_97 = arith.extui %eq3A_96 : i1 to i32
    %cond3A = arith.constant 0 : i32
    %cond3A_98 = arith.cmpi ne, %convert_element_type3A_97, %cond3A : i32
    scf.if %cond3A_98 {
      %swap3A = arith.constant 0 : index
      %swap3A_103 = arith.constant 0 : index
      %swap3A_104 = vector.load %arg19[%swap3A, %swap3A_103] : memref<128x128xf32, #tpu.memory_space<vmem>>, vector<128x128xf32>
      tpu.vector_store %arg19[%swap3A, %swap3A_103], %concatenate3A_94 {strides = array<i32>} : memref<128x128xf32, #tpu.memory_space<vmem>>, vector<128x128xf32>,
    } else {
    }
    %gt3A = arith.constant 0 : i32
    %gt3A_99 = arith.cmpi sgt, %arg0, %gt3A : i32
    %convert_element_type3A_100 = arith.extui %gt3A_99 : i1 to i32
    %cond3A_101 = arith.constant 0 : i32
    %cond3A_102 = arith.cmpi ne, %convert_element_type3A_100, %cond3A_101 : i32
    scf.if %cond3A_102 {
      %get3A_103 = arith.constant 0 : index
      %get3A_104 = arith.constant 0 : index
      %get3A_105 = vector.load %arg19[%get3A_103, %get3A_104] : memref<128x128xf32, #tpu.memory_space<vmem>>, vector<128x128xf32>
      %add3A_106 = arith.addf %get3A_105, %concatenate3A_94 : vector<128x128xf32>
      %swap3A = arith.constant 0 : index
      %swap3A_107 = arith.constant 0 : index
      %swap3A_108 = vector.load %arg19[%swap3A, %swap3A_107] : memref<128x128xf32, #tpu.memory_space<vmem>>, vector<128x128xf32>
      tpu.vector_store %arg19[%swap3A, %swap3A_107], %add3A_106 {strides = array<i32>} : memref<128x128xf32, #tpu.memory_space<vmem>>, vector<128x128xf32>,
    } else {
    }
    return
  }
  func.func @transform_0(%arg0: i32) -> (i32, i32) {
    %c0_i32 = arith.constant 0 : i32
    %c0_i32_0 = arith.constant 0 : i32
    return %arg0, %c0_i32 : i32, i32
  }
  func.func @transform_1(%arg0: i32) -> (i32, i32) {
    %c0_i32 = arith.constant 0 : i32
    %c0_i32_0 = arith.constant 0 : i32
    return %arg0, %c0_i32 : i32, i32
  }
  func.func @transform_2(%arg0: i32) -> (i32, i32) {
    %c0_i32 = arith.constant 0 : i32
    %c0_i32_0 = arith.constant 0 : i32
    return %arg0, %c0_i32 : i32, i32
  }
  func.func @transform_3(%arg0: i32) -> (i32, i32) {
    %c0_i32 = arith.constant 0 : i32
    %c0_i32_0 = arith.constant 0 : i32
    return %arg0, %c0_i32 : i32, i32
  }
  func.func @transform_4(%arg0: i32) -> (i32, i32) {
    %c0_i32 = arith.constant 0 : i32
    %c0_i32_0 = arith.constant 0 : i32
    return %arg0, %c0_i32 : i32, i32
  }
  func.func @transform_5(%arg0: i32) -> (i32, i32) {
    %c0_i32 = arith.constant 0 : i32
    %c0_i32_0 = arith.constant 0 : i32
    return %arg0, %c0_i32 : i32, i32
  }
  func.func @transform_6(%arg0: i32) -> (i32, i32) {
    %c0_i32 = arith.constant 0 : i32
    %c0_i32_0 = arith.constant 0 : i32
    return %arg0, %c0_i32 : i32, i32
  }
  func.func @transform_7(%arg0: i32) -> (i32, i32) {
    %c0_i32 = arith.constant 0 : i32
    %c0_i32_0 = arith.constant 0 : i32
    return %arg0, %c0_i32 : i32, i32
  }
  func.func @transform_8(%arg0: i32) -> (i32, i32, i32) {
    %c0_i32 = arith.constant 0 : i32
    %c0_i32_0 = arith.constant 0 : i32
    %c0_i32_1 = arith.constant 0 : i32
    return %arg0, %c0_i32, %c0_i32_0 : i32, i32, i32
  }
  func.func @transform_9(%arg0: i32) -> i32 {
    %c0_i32 = arith.constant 0 : i32
    %c0_i32_0 = arith.constant 0 : i32
    return %c0_i32 : i32
  }
  func.func @transform_10(%arg0: i32) -> (i32, i32) {
    %c0_i32 = arith.constant 0 : i32
    %c0_i32_0 = arith.constant 0 : i32
    %c0_i32_1 = arith.constant 0 : i32
    return %c0_i32, %c0_i32_0 : i32, i32
  }
  func.func @transform_11(%arg0: i32) -> (i32, i32) {
    %c0_i32 = arith.constant 0 : i32
    %c0_i32_0 = arith.constant 0 : i32
    %c0_i32_1 = arith.constant 0 : i32
    return %c0_i32, %c0_i32_0 : i32, i32
  }
  func.func @transform_12(%arg0: i32) -> (i32, i32) {
    %c0_i32 = arith.constant 0 : i32
    %c0_i32_0 = arith.constant 0 : i32
    %c0_i32_1 = arith.constant 0 : i32
    return %c0_i32, %c0_i32_0 : i32, i32
  }
  func.func @transform_13(%arg0: i32) -> (i32, i32) {
    %c0_i32 = arith.constant 0 : i32
    %c0_i32_0 = arith.constant 0 : i32
    %c0_i32_1 = arith.constant 0 : i32
    return %c0_i32, %c0_i32_0 : i32, i32
  }
  func.func @transform_14(%arg0: i32) -> (i32, i32) {
    %c0_i32 = arith.constant 0 : i32
    %c0_i32_0 = arith.constant 0 : i32
    %c0_i32_1 = arith.constant 0 : i32
    return %c0_i32, %c0_i32_0 : i32, i32
  }
  func.func @transform_15(%arg0: i32) -> (i32, i32) {
    %c0_i32 = arith.constant 0 : i32
    %c0_i32_0 = arith.constant 0 : i32
    %c0_i32_1 = arith.constant 0 : i32
    return %c0_i32, %c0_i32_0 : i32, i32
  }
  func.func @transform_16(%arg0: i32) -> (i32, i32) {
    %c0_i32 = arith.constant 0 : i32
    %c0_i32_0 = arith.constant 0 : i32
    %c0_i32_1 = arith.constant 0 : i32
    return %c0_i32, %c0_i32_0 : i32, i32
  }
  func.func @transform_17(%arg0: i32) -> (i32, i32) {
    %c0_i32 = arith.constant 0 : i32
    %c0_i32_0 = arith.constant 0 : i32
    %c0_i32_1 = arith.constant 0 : i32
    return %c0_i32, %c0_i32_0 : i32, i32
  }
  func.func @transform_18(%arg0: i32) -> (i32, i32) {
    %c0_i32 = arith.constant 0 : i32
    %c0_i32_0 = arith.constant 0 : i32
    %c0_i32_1 = arith.constant 0 : i32
    return %c0_i32, %c0_i32_0 : i32, i32
  }
}

module attributes {stable_mosaic.version = 14 : i64} {
  func.func @_head_body(%arg0: memref<128x128xf32, #tpu.memory_space<vmem>>, %arg1: memref<128x128xf32, #tpu.memory_space<vmem>>, %arg2: memref<128x64xf32, #tpu.memory_space<vmem>>, %arg3: memref<1x64xf32, #tpu.memory_space<vmem>>, %arg4: memref<1x64xf32, #tpu.memory_space<vmem>>, %arg5: memref<1x64xf32, #tpu.memory_space<vmem>>, %arg6: memref<64x64xf32, #tpu.memory_space<vmem>>, %arg7: memref<1x64xf32, #tpu.memory_space<vmem>>, %arg8: memref<1x64xf32, #tpu.memory_space<vmem>>, %arg9: memref<1x64xf32, #tpu.memory_space<vmem>>, %arg10: memref<128x64xf32, #tpu.memory_space<vmem>>, %arg11: memref<1x64xf32, #tpu.memory_space<vmem>>, %arg12: memref<1x64xf32, #tpu.memory_space<vmem>>, %arg13: memref<1x64xf32, #tpu.memory_space<vmem>>, %arg14: memref<64x64xf32, #tpu.memory_space<vmem>>, %arg15: memref<1x64xf32, #tpu.memory_space<vmem>>, %arg16: memref<1x64xf32, #tpu.memory_space<vmem>>, %arg17: memref<1x64xf32, #tpu.memory_space<vmem>>, %arg18: memref<64x10xf32, #tpu.memory_space<vmem>>, %arg19: memref<1x10xf32, #tpu.memory_space<vmem>>, %arg20: memref<128x10xf32, #tpu.memory_space<vmem>>, %arg21: memref<128x64xf32, #tpu.memory_space<vmem>>, %arg22: memref<128x64xf32, #tpu.memory_space<vmem>>) attributes {dimension_semantics = [], scalar_prefetch = 0 : i64, scratch_operands = 0 : i64, tpu.core_type = #tpu.core_type<tc>} {
    %get3A = arith.constant 0 : index
    %get3A_0 = arith.constant 0 : index
    %get3A_1 = vector.load %arg0[%get3A, %get3A_0] : memref<128x128xf32, #tpu.memory_space<vmem>>, vector<128x64xf32>
    %get3A_2 = arith.constant 0 : index
    %get3A_3 = arith.constant 0 : index
    %get3A_4 = vector.load %arg1[%get3A_2, %get3A_3] : memref<128x128xf32, #tpu.memory_space<vmem>>, vector<128x64xf32>
    %concatenate3A = tpu.concatenate %get3A_1, %get3A_4 in 1 : vector<128x64xf32>, vector<128x64xf32> -> vector<128x128xf32>
    %get3A_5 = arith.constant 0 : index
    %get3A_6 = arith.constant 64 : index
    %get3A_7 = vector.load %arg0[%get3A_5, %get3A_6] : memref<128x128xf32, #tpu.memory_space<vmem>>, vector<128x64xf32>
    %get3A_8 = arith.constant 0 : index
    %get3A_9 = arith.constant 64 : index
    %get3A_10 = vector.load %arg1[%get3A_8, %get3A_9] : memref<128x128xf32, #tpu.memory_space<vmem>>, vector<128x64xf32>
    %concatenate3A_11 = tpu.concatenate %get3A_7, %get3A_10 in 1 : vector<128x64xf32>, vector<128x64xf32> -> vector<128x128xf32>
    %get3A_12 = arith.constant 0 : index
    %get3A_13 = arith.constant 0 : index
    %get3A_14 = vector.load %arg2[%get3A_12, %get3A_13] : memref<128x64xf32, #tpu.memory_space<vmem>>, vector<128x64xf32>
    %dot_general3A = arith.constant dense<0.000000e+00> : vector<128x64xf32>
    %dot_general3A_15 = tpu.matmul %concatenate3A_11, %get3A_14, %dot_general3A {dimension_numbers = #tpu.dot_dimension_numbers<[1], [0], [0], [1], [0, 0, 1, 1], [], []>, transpose_lhs_hint = false} : vector<128x128xf32>, vector<128x64xf32>, vector<128x64xf32> -> vector<128x64xf32>
    %get3A_16 = arith.constant 0 : index
    %get3A_17 = arith.constant 0 : index
    %get3A_18 = vector.load %arg3[%get3A_16, %get3A_17] : memref<1x64xf32, #tpu.memory_space<vmem>>, vector<1x64xf32>
    %add3A = vector.broadcast %get3A_18 : vector<1x64xf32> to vector<128x64xf32>
    %add3A_19 = arith.addf %dot_general3A_15, %add3A : vector<128x64xf32>
    %get3A_20 = arith.constant 0 : index
    %get3A_21 = arith.constant 0 : index
    %get3A_22 = vector.load %arg4[%get3A_20, %get3A_21] : memref<1x64xf32, #tpu.memory_space<vmem>>, vector<1x64xf32>
    %get3A_23 = arith.constant 0 : index
    %get3A_24 = arith.constant 0 : index
    %get3A_25 = vector.load %arg5[%get3A_23, %get3A_24] : memref<1x64xf32, #tpu.memory_space<vmem>>, vector<1x64xf32>
    %reduce_sum3A = arith.constant dense<0.000000e+00> : vector<64xf32>
    %reduce_sum3A_26 = vector.multi_reduction <add>, %add3A_19, %reduce_sum3A [0] : vector<128x64xf32> to vector<64xf32>
    %div3A = arith.constant 1.280000e+02 : f32
    %div3A_27 = vector.broadcast %div3A : f32 to vector<64xf32>
    %div3A_28 = arith.divf %reduce_sum3A_26, %div3A_27 : vector<64xf32>
    %jit3A = arith.constant 0 : i32
    %reduce_sum3A_29 = arith.constant dense<0.000000e+00> : vector<64xf32>
    %reduce_sum3A_30 = vector.multi_reduction <add>, %add3A_19, %reduce_sum3A_29 [0] : vector<128x64xf32> to vector<64xf32>
    %broadcast_in_dim3A = vector.shape_cast %reduce_sum3A_30 : vector<64xf32> to vector<1x64xf32>
    %div3A_31 = arith.constant 1.280000e+02 : f32
    %div3A_32 = vector.broadcast %div3A_31 : f32 to vector<1x64xf32>
    %div3A_33 = arith.divf %broadcast_in_dim3A, %div3A_32 : vector<1x64xf32>
    %sub3A = vector.broadcast %div3A_33 : vector<1x64xf32> to vector<128x64xf32>
    %sub3A_34 = arith.subf %add3A_19, %sub3A : vector<128x64xf32>
    %square3A = arith.mulf %sub3A_34, %sub3A_34 : vector<128x64xf32>
    %convert_element_type3A = arith.sitofp %jit3A : i32 to f32
    %sub3A_35 = arith.constant 1.280000e+02 : f32
    %sub3A_36 = arith.subf %sub3A_35, %convert_element_type3A : f32
    %reduce_sum3A_37 = arith.constant dense<0.000000e+00> : vector<64xf32>
    %reduce_sum3A_38 = vector.multi_reduction <add>, %square3A, %reduce_sum3A_37 [0] : vector<128x64xf32> to vector<64xf32>
    %div3A_39 = vector.broadcast %sub3A_36 : f32 to vector<64xf32>
    %div3A_40 = arith.divf %reduce_sum3A_38, %div3A_39 : vector<64xf32>
    %gt3A = arith.constant 0.000000e+00 : f32
    %gt3A_41 = arith.cmpf ogt, %sub3A_36, %gt3A : f32
    %jit3A_42 = arith.constant 0x7FC00000 : f32
    %broadcast_in_dim3A_43 = vector.broadcast %jit3A_42 : f32 to vector<64xf32>
    %select_n3A = arith.select %gt3A_41, %div3A_40, %broadcast_in_dim3A_43 : vector<64xf32>
    %broadcast_in_dim3A_44 = vector.shape_cast %div3A_28 : vector<64xf32> to vector<1x64xf32>
    %sub3A_45 = vector.broadcast %broadcast_in_dim3A_44 : vector<1x64xf32> to vector<128x64xf32>
    %sub3A_46 = arith.subf %add3A_19, %sub3A_45 : vector<128x64xf32>
    %add3A_47 = arith.constant 9.99999974E-6 : f32
    %add3A_48 = vector.broadcast %add3A_47 : f32 to vector<64xf32>
    %add3A_49 = arith.addf %select_n3A, %add3A_48 : vector<64xf32>
    %sqrt3A = math.sqrt %add3A_49 : vector<64xf32>
    %broadcast_in_dim3A_50 = vector.shape_cast %sqrt3A : vector<64xf32> to vector<1x64xf32>
    %div3A_51 = vector.broadcast %broadcast_in_dim3A_50 : vector<1x64xf32> to vector<128x64xf32>
    %div3A_52 = arith.divf %sub3A_46, %div3A_51 : vector<128x64xf32>
    %mul3A = vector.broadcast %get3A_22 : vector<1x64xf32> to vector<128x64xf32>
    %mul3A_53 = arith.mulf %div3A_52, %mul3A : vector<128x64xf32>
    %add3A_54 = vector.broadcast %get3A_25 : vector<1x64xf32> to vector<128x64xf32>
    %add3A_55 = arith.addf %mul3A_53, %add3A_54 : vector<128x64xf32>
    %get3A_56 = arith.constant 0 : index
    %get3A_57 = arith.constant 0 : index
    %get3A_58 = vector.load %arg6[%get3A_56, %get3A_57] : memref<64x64xf32, #tpu.memory_space<vmem>>, vector<64x64xf32>
    %dot_general3A_59 = arith.constant dense<0.000000e+00> : vector<128x64xf32>
    %dot_general3A_60 = tpu.matmul %add3A_55, %get3A_58, %dot_general3A_59 {dimension_numbers = #tpu.dot_dimension_numbers<[1], [0], [0], [1], [0, 0, 1, 1], [], []>, transpose_lhs_hint = false} : vector<128x64xf32>, vector<64x64xf32>, vector<128x64xf32> -> vector<128x64xf32>
    %get3A_61 = arith.constant 0 : index
    %get3A_62 = arith.constant 0 : index
    %get3A_63 = vector.load %arg7[%get3A_61, %get3A_62] : memref<1x64xf32, #tpu.memory_space<vmem>>, vector<1x64xf32>
    %add3A_64 = vector.broadcast %get3A_63 : vector<1x64xf32> to vector<128x64xf32>
    %add3A_65 = arith.addf %dot_general3A_60, %add3A_64 : vector<128x64xf32>
    %get3A_66 = arith.constant 0 : index
    %get3A_67 = arith.constant 0 : index
    %get3A_68 = vector.load %arg8[%get3A_66, %get3A_67] : memref<1x64xf32, #tpu.memory_space<vmem>>, vector<1x64xf32>
    %get3A_69 = arith.constant 0 : index
    %get3A_70 = arith.constant 0 : index
    %get3A_71 = vector.load %arg9[%get3A_69, %get3A_70] : memref<1x64xf32, #tpu.memory_space<vmem>>, vector<1x64xf32>
    %reduce_sum3A_72 = arith.constant dense<0.000000e+00> : vector<64xf32>
    %reduce_sum3A_73 = vector.multi_reduction <add>, %add3A_65, %reduce_sum3A_72 [0] : vector<128x64xf32> to vector<64xf32>
    %div3A_74 = arith.constant 1.280000e+02 : f32
    %div3A_75 = vector.broadcast %div3A_74 : f32 to vector<64xf32>
    %div3A_76 = arith.divf %reduce_sum3A_73, %div3A_75 : vector<64xf32>
    %jit3A_77 = arith.constant 0 : i32
    %reduce_sum3A_78 = arith.constant dense<0.000000e+00> : vector<64xf32>
    %reduce_sum3A_79 = vector.multi_reduction <add>, %add3A_65, %reduce_sum3A_78 [0] : vector<128x64xf32> to vector<64xf32>
    %broadcast_in_dim3A_80 = vector.shape_cast %reduce_sum3A_79 : vector<64xf32> to vector<1x64xf32>
    %div3A_81 = arith.constant 1.280000e+02 : f32
    %div3A_82 = vector.broadcast %div3A_81 : f32 to vector<1x64xf32>
    %div3A_83 = arith.divf %broadcast_in_dim3A_80, %div3A_82 : vector<1x64xf32>
    %sub3A_84 = vector.broadcast %div3A_83 : vector<1x64xf32> to vector<128x64xf32>
    %sub3A_85 = arith.subf %add3A_65, %sub3A_84 : vector<128x64xf32>
    %square3A_86 = arith.mulf %sub3A_85, %sub3A_85 : vector<128x64xf32>
    %convert_element_type3A_87 = arith.sitofp %jit3A_77 : i32 to f32
    %sub3A_88 = arith.constant 1.280000e+02 : f32
    %sub3A_89 = arith.subf %sub3A_88, %convert_element_type3A_87 : f32
    %reduce_sum3A_90 = arith.constant dense<0.000000e+00> : vector<64xf32>
    %reduce_sum3A_91 = vector.multi_reduction <add>, %square3A_86, %reduce_sum3A_90 [0] : vector<128x64xf32> to vector<64xf32>
    %div3A_92 = vector.broadcast %sub3A_89 : f32 to vector<64xf32>
    %div3A_93 = arith.divf %reduce_sum3A_91, %div3A_92 : vector<64xf32>
    %gt3A_94 = arith.constant 0.000000e+00 : f32
    %gt3A_95 = arith.cmpf ogt, %sub3A_89, %gt3A_94 : f32
    %jit3A_96 = arith.constant 0x7FC00000 : f32
    %broadcast_in_dim3A_97 = vector.broadcast %jit3A_96 : f32 to vector<64xf32>
    %select_n3A_98 = arith.select %gt3A_95, %div3A_93, %broadcast_in_dim3A_97 : vector<64xf32>
    %broadcast_in_dim3A_99 = vector.shape_cast %div3A_76 : vector<64xf32> to vector<1x64xf32>
    %sub3A_100 = vector.broadcast %broadcast_in_dim3A_99 : vector<1x64xf32> to vector<128x64xf32>
    %sub3A_101 = arith.subf %add3A_65, %sub3A_100 : vector<128x64xf32>
    %add3A_102 = arith.constant 9.99999974E-6 : f32
    %add3A_103 = vector.broadcast %add3A_102 : f32 to vector<64xf32>
    %add3A_104 = arith.addf %select_n3A_98, %add3A_103 : vector<64xf32>
    %sqrt3A_105 = math.sqrt %add3A_104 : vector<64xf32>
    %broadcast_in_dim3A_106 = vector.shape_cast %sqrt3A_105 : vector<64xf32> to vector<1x64xf32>
    %div3A_107 = vector.broadcast %broadcast_in_dim3A_106 : vector<1x64xf32> to vector<128x64xf32>
    %div3A_108 = arith.divf %sub3A_101, %div3A_107 : vector<128x64xf32>
    %mul3A_109 = vector.broadcast %get3A_68 : vector<1x64xf32> to vector<128x64xf32>
    %mul3A_110 = arith.mulf %div3A_108, %mul3A_109 : vector<128x64xf32>
    %add3A_111 = vector.broadcast %get3A_71 : vector<1x64xf32> to vector<128x64xf32>
    %add3A_112 = arith.addf %mul3A_110, %add3A_111 : vector<128x64xf32>
    %max3A = arith.constant 0.000000e+00 : f32
    %max3A_113 = vector.broadcast %max3A : f32 to vector<128x64xf32>
    %max3A_114 = arith.maximumf %add3A_112, %max3A_113 : vector<128x64xf32>
    %get3A_115 = arith.constant 0 : index
    %get3A_116 = arith.constant 0 : index
    %get3A_117 = vector.load %arg10[%get3A_115, %get3A_116] : memref<128x64xf32, #tpu.memory_space<vmem>>, vector<128x64xf32>
    %dot_general3A_118 = arith.constant dense<0.000000e+00> : vector<128x64xf32>
    %dot_general3A_119 = tpu.matmul %concatenate3A, %get3A_117, %dot_general3A_118 {dimension_numbers = #tpu.dot_dimension_numbers<[1], [0], [0], [1], [0, 0, 1, 1], [], []>, transpose_lhs_hint = false} : vector<128x128xf32>, vector<128x64xf32>, vector<128x64xf32> -> vector<128x64xf32>
    %get3A_120 = arith.constant 0 : index
    %get3A_121 = arith.constant 0 : index
    %get3A_122 = vector.load %arg11[%get3A_120, %get3A_121] : memref<1x64xf32, #tpu.memory_space<vmem>>, vector<1x64xf32>
    %add3A_123 = vector.broadcast %get3A_122 : vector<1x64xf32> to vector<128x64xf32>
    %add3A_124 = arith.addf %dot_general3A_119, %add3A_123 : vector<128x64xf32>
    %get3A_125 = arith.constant 0 : index
    %get3A_126 = arith.constant 0 : index
    %get3A_127 = vector.load %arg12[%get3A_125, %get3A_126] : memref<1x64xf32, #tpu.memory_space<vmem>>, vector<1x64xf32>
    %get3A_128 = arith.constant 0 : index
    %get3A_129 = arith.constant 0 : index
    %get3A_130 = vector.load %arg13[%get3A_128, %get3A_129] : memref<1x64xf32, #tpu.memory_space<vmem>>, vector<1x64xf32>
    %reduce_sum3A_131 = arith.constant dense<0.000000e+00> : vector<64xf32>
    %reduce_sum3A_132 = vector.multi_reduction <add>, %add3A_124, %reduce_sum3A_131 [0] : vector<128x64xf32> to vector<64xf32>
    %div3A_133 = arith.constant 1.280000e+02 : f32
    %div3A_134 = vector.broadcast %div3A_133 : f32 to vector<64xf32>
    %div3A_135 = arith.divf %reduce_sum3A_132, %div3A_134 : vector<64xf32>
    %jit3A_136 = arith.constant 0 : i32
    %reduce_sum3A_137 = arith.constant dense<0.000000e+00> : vector<64xf32>
    %reduce_sum3A_138 = vector.multi_reduction <add>, %add3A_124, %reduce_sum3A_137 [0] : vector<128x64xf32> to vector<64xf32>
    %broadcast_in_dim3A_139 = vector.shape_cast %reduce_sum3A_138 : vector<64xf32> to vector<1x64xf32>
    %div3A_140 = arith.constant 1.280000e+02 : f32
    %div3A_141 = vector.broadcast %div3A_140 : f32 to vector<1x64xf32>
    %div3A_142 = arith.divf %broadcast_in_dim3A_139, %div3A_141 : vector<1x64xf32>
    %sub3A_143 = vector.broadcast %div3A_142 : vector<1x64xf32> to vector<128x64xf32>
    %sub3A_144 = arith.subf %add3A_124, %sub3A_143 : vector<128x64xf32>
    %square3A_145 = arith.mulf %sub3A_144, %sub3A_144 : vector<128x64xf32>
    %convert_element_type3A_146 = arith.sitofp %jit3A_136 : i32 to f32
    %sub3A_147 = arith.constant 1.280000e+02 : f32
    %sub3A_148 = arith.subf %sub3A_147, %convert_element_type3A_146 : f32
    %reduce_sum3A_149 = arith.constant dense<0.000000e+00> : vector<64xf32>
    %reduce_sum3A_150 = vector.multi_reduction <add>, %square3A_145, %reduce_sum3A_149 [0] : vector<128x64xf32> to vector<64xf32>
    %div3A_151 = vector.broadcast %sub3A_148 : f32 to vector<64xf32>
    %div3A_152 = arith.divf %reduce_sum3A_150, %div3A_151 : vector<64xf32>
    %gt3A_153 = arith.constant 0.000000e+00 : f32
    %gt3A_154 = arith.cmpf ogt, %sub3A_148, %gt3A_153 : f32
    %jit3A_155 = arith.constant 0x7FC00000 : f32
    %broadcast_in_dim3A_156 = vector.broadcast %jit3A_155 : f32 to vector<64xf32>
    %select_n3A_157 = arith.select %gt3A_154, %div3A_152, %broadcast_in_dim3A_156 : vector<64xf32>
    %broadcast_in_dim3A_158 = vector.shape_cast %div3A_135 : vector<64xf32> to vector<1x64xf32>
    %sub3A_159 = vector.broadcast %broadcast_in_dim3A_158 : vector<1x64xf32> to vector<128x64xf32>
    %sub3A_160 = arith.subf %add3A_124, %sub3A_159 : vector<128x64xf32>
    %add3A_161 = arith.constant 9.99999974E-6 : f32
    %add3A_162 = vector.broadcast %add3A_161 : f32 to vector<64xf32>
    %add3A_163 = arith.addf %select_n3A_157, %add3A_162 : vector<64xf32>
    %sqrt3A_164 = math.sqrt %add3A_163 : vector<64xf32>
    %broadcast_in_dim3A_165 = vector.shape_cast %sqrt3A_164 : vector<64xf32> to vector<1x64xf32>
    %div3A_166 = vector.broadcast %broadcast_in_dim3A_165 : vector<1x64xf32> to vector<128x64xf32>
    %div3A_167 = arith.divf %sub3A_160, %div3A_166 : vector<128x64xf32>
    %mul3A_168 = vector.broadcast %get3A_127 : vector<1x64xf32> to vector<128x64xf32>
    %mul3A_169 = arith.mulf %div3A_167, %mul3A_168 : vector<128x64xf32>
    %add3A_170 = vector.broadcast %get3A_130 : vector<1x64xf32> to vector<128x64xf32>
    %add3A_171 = arith.addf %mul3A_169, %add3A_170 : vector<128x64xf32>
    %get3A_172 = arith.constant 0 : index
    %get3A_173 = arith.constant 0 : index
    %get3A_174 = vector.load %arg14[%get3A_172, %get3A_173] : memref<64x64xf32, #tpu.memory_space<vmem>>, vector<64x64xf32>
    %dot_general3A_175 = arith.constant dense<0.000000e+00> : vector<128x64xf32>
    %dot_general3A_176 = tpu.matmul %add3A_171, %get3A_174, %dot_general3A_175 {dimension_numbers = #tpu.dot_dimension_numbers<[1], [0], [0], [1], [0, 0, 1, 1], [], []>, transpose_lhs_hint = false} : vector<128x64xf32>, vector<64x64xf32>, vector<128x64xf32> -> vector<128x64xf32>
    %get3A_177 = arith.constant 0 : index
    %get3A_178 = arith.constant 0 : index
    %get3A_179 = vector.load %arg15[%get3A_177, %get3A_178] : memref<1x64xf32, #tpu.memory_space<vmem>>, vector<1x64xf32>
    %add3A_180 = vector.broadcast %get3A_179 : vector<1x64xf32> to vector<128x64xf32>
    %add3A_181 = arith.addf %dot_general3A_176, %add3A_180 : vector<128x64xf32>
    %get3A_182 = arith.constant 0 : index
    %get3A_183 = arith.constant 0 : index
    %get3A_184 = vector.load %arg16[%get3A_182, %get3A_183] : memref<1x64xf32, #tpu.memory_space<vmem>>, vector<1x64xf32>
    %get3A_185 = arith.constant 0 : index
    %get3A_186 = arith.constant 0 : index
    %get3A_187 = vector.load %arg17[%get3A_185, %get3A_186] : memref<1x64xf32, #tpu.memory_space<vmem>>, vector<1x64xf32>
    %reduce_sum3A_188 = arith.constant dense<0.000000e+00> : vector<64xf32>
    %reduce_sum3A_189 = vector.multi_reduction <add>, %add3A_181, %reduce_sum3A_188 [0] : vector<128x64xf32> to vector<64xf32>
    %div3A_190 = arith.constant 1.280000e+02 : f32
    %div3A_191 = vector.broadcast %div3A_190 : f32 to vector<64xf32>
    %div3A_192 = arith.divf %reduce_sum3A_189, %div3A_191 : vector<64xf32>
    %jit3A_193 = arith.constant 0 : i32
    %reduce_sum3A_194 = arith.constant dense<0.000000e+00> : vector<64xf32>
    %reduce_sum3A_195 = vector.multi_reduction <add>, %add3A_181, %reduce_sum3A_194 [0] : vector<128x64xf32> to vector<64xf32>
    %broadcast_in_dim3A_196 = vector.shape_cast %reduce_sum3A_195 : vector<64xf32> to vector<1x64xf32>
    %div3A_197 = arith.constant 1.280000e+02 : f32
    %div3A_198 = vector.broadcast %div3A_197 : f32 to vector<1x64xf32>
    %div3A_199 = arith.divf %broadcast_in_dim3A_196, %div3A_198 : vector<1x64xf32>
    %sub3A_200 = vector.broadcast %div3A_199 : vector<1x64xf32> to vector<128x64xf32>
    %sub3A_201 = arith.subf %add3A_181, %sub3A_200 : vector<128x64xf32>
    %square3A_202 = arith.mulf %sub3A_201, %sub3A_201 : vector<128x64xf32>
    %convert_element_type3A_203 = arith.sitofp %jit3A_193 : i32 to f32
    %sub3A_204 = arith.constant 1.280000e+02 : f32
    %sub3A_205 = arith.subf %sub3A_204, %convert_element_type3A_203 : f32
    %reduce_sum3A_206 = arith.constant dense<0.000000e+00> : vector<64xf32>
    %reduce_sum3A_207 = vector.multi_reduction <add>, %square3A_202, %reduce_sum3A_206 [0] : vector<128x64xf32> to vector<64xf32>
    %div3A_208 = vector.broadcast %sub3A_205 : f32 to vector<64xf32>
    %div3A_209 = arith.divf %reduce_sum3A_207, %div3A_208 : vector<64xf32>
    %gt3A_210 = arith.constant 0.000000e+00 : f32
    %gt3A_211 = arith.cmpf ogt, %sub3A_205, %gt3A_210 : f32
    %jit3A_212 = arith.constant 0x7FC00000 : f32
    %broadcast_in_dim3A_213 = vector.broadcast %jit3A_212 : f32 to vector<64xf32>
    %select_n3A_214 = arith.select %gt3A_211, %div3A_209, %broadcast_in_dim3A_213 : vector<64xf32>
    %broadcast_in_dim3A_215 = vector.shape_cast %div3A_192 : vector<64xf32> to vector<1x64xf32>
    %sub3A_216 = vector.broadcast %broadcast_in_dim3A_215 : vector<1x64xf32> to vector<128x64xf32>
    %sub3A_217 = arith.subf %add3A_181, %sub3A_216 : vector<128x64xf32>
    %add3A_218 = arith.constant 9.99999974E-6 : f32
    %add3A_219 = vector.broadcast %add3A_218 : f32 to vector<64xf32>
    %add3A_220 = arith.addf %select_n3A_214, %add3A_219 : vector<64xf32>
    %sqrt3A_221 = math.sqrt %add3A_220 : vector<64xf32>
    %broadcast_in_dim3A_222 = vector.shape_cast %sqrt3A_221 : vector<64xf32> to vector<1x64xf32>
    %div3A_223 = vector.broadcast %broadcast_in_dim3A_222 : vector<1x64xf32> to vector<128x64xf32>
    %div3A_224 = arith.divf %sub3A_217, %div3A_223 : vector<128x64xf32>
    %mul3A_225 = vector.broadcast %get3A_184 : vector<1x64xf32> to vector<128x64xf32>
    %mul3A_226 = arith.mulf %div3A_224, %mul3A_225 : vector<128x64xf32>
    %add3A_227 = vector.broadcast %get3A_187 : vector<1x64xf32> to vector<128x64xf32>
    %add3A_228 = arith.addf %mul3A_226, %add3A_227 : vector<128x64xf32>
    %max3A_229 = arith.constant 0.000000e+00 : f32
    %max3A_230 = vector.broadcast %max3A_229 : f32 to vector<128x64xf32>
    %max3A_231 = arith.maximumf %add3A_228, %max3A_230 : vector<128x64xf32>
    %add3A_232 = arith.addf %max3A_231, %max3A_114 : vector<128x64xf32>
    %get3A_233 = arith.constant 0 : index
    %get3A_234 = arith.constant 0 : index
    %get3A_235 = vector.load %arg18[%get3A_233, %get3A_234] : memref<64x10xf32, #tpu.memory_space<vmem>>, vector<64x10xf32>
    %dot_general3A_236 = arith.constant dense<0.000000e+00> : vector<128x10xf32>
    %dot_general3A_237 = tpu.matmul %add3A_232, %get3A_235, %dot_general3A_236 {dimension_numbers = #tpu.dot_dimension_numbers<[1], [0], [0], [1], [0, 0, 1, 1], [], []>, transpose_lhs_hint = false} : vector<128x64xf32>, vector<64x10xf32>, vector<128x10xf32> -> vector<128x10xf32>
    %get3A_238 = arith.constant 0 : index
    %get3A_239 = arith.constant 0 : index
    %get3A_240 = vector.load %arg19[%get3A_238, %get3A_239] : memref<1x10xf32, #tpu.memory_space<vmem>>, vector<1x10xf32>
    %add3A_241 = vector.broadcast %get3A_240 : vector<1x10xf32> to vector<128x10xf32>
    %add3A_242 = arith.addf %dot_general3A_237, %add3A_241 : vector<128x10xf32>
    %swap3A = arith.constant 0 : index
    %swap3A_243 = arith.constant 0 : index
    %swap3A_244 = vector.load %arg20[%swap3A, %swap3A_243] : memref<128x10xf32, #tpu.memory_space<vmem>>, vector<128x10xf32>
    tpu.vector_store %arg20[%swap3A, %swap3A_243], %add3A_242 {strides = array<i32>} : memref<128x10xf32, #tpu.memory_space<vmem>>, vector<128x10xf32>,
    %swap3A_245 = arith.constant 0 : index
    %swap3A_246 = arith.constant 0 : index
    %swap3A_247 = vector.load %arg21[%swap3A_245, %swap3A_246] : memref<128x64xf32, #tpu.memory_space<vmem>>, vector<128x64xf32>
    tpu.vector_store %arg21[%swap3A_245, %swap3A_246], %max3A_231 {strides = array<i32>} : memref<128x64xf32, #tpu.memory_space<vmem>>, vector<128x64xf32>,
    %swap3A_248 = arith.constant 0 : index
    %swap3A_249 = arith.constant 0 : index
    %swap3A_250 = vector.load %arg22[%swap3A_248, %swap3A_249] : memref<128x64xf32, #tpu.memory_space<vmem>>, vector<128x64xf32>
    tpu.vector_store %arg22[%swap3A_248, %swap3A_249], %max3A_114 {strides = array<i32>} : memref<128x64xf32, #tpu.memory_space<vmem>>, vector<128x64xf32>,
    return
  }
}

</mosaic_0001>

<sc_bundles>
// kernel: gather_offload_async_start.1
scs
__scs_entry_jumppad:
0x0: {  	(pc) =	sbr.rel $0x88, $3  }
0x1: {  	(tag) =	ssettag $0x0;
	lr =	simm.s32 $0x1  }
0x2: {  	[smem:$0x3F73] =	sst lr;
	_ =	strace $0xD0000000  }
0x3: {  	_ = 	snop  }
0x4: {  	_ = 	snop  }
0x5: {  	_ = 	snop  }
0x6: {  	_ = 	snop  }
0x7: {  	_ = 	snop  }
__scs_overlays_trampoline_lowered:
0x8: {  	[smem:$0x3F82] =	sst s0  }
0x9: {  	[smem:$0x3F83] =	sst s1  }
0xa: {  	[smem:$0x3F84] =	sst s2  }
0xb: {  	[smem:$0x3F85] =	sst s3  }
0xc: {  	[smem:$0x3F86] =	sst s4  }
0xd: {  	[smem:$0x3F87] =	sst s5  }
0xe: {  	[smem:$0x3F88] =	sst s6  }
0xf: {  	[smem:$0x3F89] =	sst s7  }
0x10: {  	[smem:$0x3F8A] =	sst s8  }
0x11: {  	[smem:$0x3F8B] =	sst s9;
	s0 =	simm.s32 @!p0 $0x0  }
0x12: {  	s1 =	sld [smem:$0x3F71];
	s0 =	simm.s32 @p0 $0x1  }
0x13: {  	[smem:$0x3F8C] =	sst s0;
	s0 =	simm.s32 @!p1 $0x0  }
0x14: {  	s2 =	sld [smem:$0x3F70];
	s0 =	simm.s32 @p1 $0x1  }
0x15: {  	[smem:$0x3F8D] =	sst s0;
	s0 =	simm.s32 @!p2 $0x0  }
0x16: {  	s3 =	sld [smem:$0x3FDB];
	s0 =	simm.s32 @p2 $0x1  }
0x17: {  	s4 =	simm.s32 $0x1BF5;
	[smem:$0x3F8F] =	sst s0  }
0x18: {  	s0 =	sld [smem:$0x3F72];
	_ =	swait.ge [sflag:s4], $0x0  }
0x19: {  	s7 =	sld [smem:$0x3F73]  }
0x1a: {  	s8 =	sadd.s32 $0xFFFFE003, lr  }
0x1b: {  	s9 =	sadd.s32 $0xFFFFFEF7, lr;
	s5 =	simm.s32 $0xFFFFFFFF;
	p2 =	slt.u32 s8, $0xFFFFF086  }
0x1c: {  	p1 =	slt.u32 s9, $0xF7A;
	s5 =	simm.s32 @!p2 $0x0  }
0x1d: {  	s5 =	simm.s32 @p1 $0x1;
	p0 =	seq.s32 s7, s2  }
0x1e: {  	s7 =	smul.u32 @!p0 $0xF7A, s2;
	p2 =	seq.s32 @!p0 s5, $0x0  }
0x1f: {  	s9 =	smul.u32 $0xF7A, s1;
	s8 =	simm.s32 @!p0 $0x1BF5;
	p2 =	por !p2, p0  }
0x20: {  	[sflag:s8] =	ssyncset.s32 @!p0 $0xFFFFF086;
	s6 =	sadd.s32 @!p0 s3, s7;
	s7 =	simm.s32 @!p0 $0x108  }
0x21: {  	s3 =	sadd.s32 s3, s9;
	s6 =	sadd.s32 @!p0 $0x88, s6;
	s7 =	simm.s32 @p2 $0x1082  }
0x22: {  	[simem:s7], [sflag:s8] =	dma.local @!p0 [hbm:s6], $0xF7A  }
0x23: {  	s9 =	sor.u32 $0xD0000000, s2;
	s6 =	simm.s32 $0x108;
	_ =	swait.ge @!p0 [sflag:s8], $0x0  }
0x24: {  	s3 =	sadd.s32 $0x88, s3;
	s6 =	simm.s32 @!p1 $0x1082;
	[sflag:s4] =	ssyncset.s32 $0xFFFFF086  }
0x25: {  	[simem:s6], [sflag:s4] =	dma.local [hbm:s3], $0xF7A  }
0x26: {  	[smem:$0x3F73] =	sst s1;
	(tag) =	ssettag s2;
	_ =	strace s9  }
0x27: {  	s1 =	sld [smem:$0x3F83]  }
0x28: {  	s2 =	sld [smem:$0x3F84]  }
0x29: {  	s4 =	sld [smem:$0x3F86]  }
0x2a: {  	p0 =	seq.s32 s5, $0x0;
	s5 =	sld [smem:$0x3F87]  }
0x2b: {  	s6 =	sld [smem:$0x3F88]  }
0x2c: {  	s7 =	sld [smem:$0x3F89]  }
0x2d: {  	s3 =	simm.s32 $0x108;
	s8 =	sld [smem:$0x3F8A]  }
0x2e: {  	s3 =	simm.s32 @!p0 $0x1082;
	s9 =	sld [smem:$0x3F8B]  }
0x2f: {  	lr =	sadd.s32 s0, s3;
	s0 =	sld [smem:$0x3F82]  }
0x30: {  	s3 =	sld [smem:$0x3F85]  }
0x31: {  	[smem:$0x3F8E] =	sst s10  }
0x32: {  	s10 =	sld [smem:$0x3F8C];
	_ =	sdelay $0x3  }
0x33: {  	p0 =	seq.s32 s10, $0x1;
	s10 =	sld [smem:$0x3F8E];
	_ =	sdelay $0x3  }
0x34: {  	[smem:$0x3F8E] =	sst s10  }
0x35: {  	s10 =	sld [smem:$0x3F8D];
	_ =	sdelay $0x3  }
0x36: {  	p1 =	seq.s32 s10, $0x1;
	s10 =	sld [smem:$0x3F8E];
	_ =	sdelay $0x3  }
0x37: {  	[smem:$0x3F8E] =	sst s10  }
0x38: {  	s10 =	sld [smem:$0x3F8F]  }
0x39: {  	_ = 	snop;
	(pc) =	sbr.ind lr, $3  }
0x3a: {  	_ = 	snop  }
0x3b: {  	_ = 	snop  }
0x3c: {  	p2 =	seq.s32 s10, $0x1;
	s10 =	sld [smem:$0x3F8E]  }
0x3d: {  	_ =	shalt  }
0x3e: {  	_ =	shalt  }
0x3f: {  	_ =	shalt  }
0x40: {  	_ =	shalt  }
0x41: {  	_ =	shalt  }
0x42: {  	_ =	shalt  }
0x43: {  	_ =	shalt  }
0x44: {  	_ =	shalt  }
0x45: {  	_ =	shalt  }
0x46: {  	_ =	shalt  }
0x47: {  	_ =	shalt  }
0x48: {  	_ =	shalt  }
0x49: {  	_ =	shalt  }
0x4a: {  	_ =	shalt  }
0x4b: {  	_ =	shalt  }
0x4c: {  	_ =	shalt  }
0x4d: {  	_ =	shalt  }
0x4e: {  	_ =	shalt  }
0x4f: {  	_ =	shalt  }
0x50: {  	_ =	shalt  }
0x51: {  	_ =	shalt  }
0x52: {  	_ =	shalt  }
0x53: {  	_ =	shalt  }
0x54: {  	_ =	shalt  }
0x55: {  	_ =	shalt  }
0x56: {  	_ =	shalt  }
0x57: {  	_ =	shalt  }
0x58: {  	_ =	shalt  }
0x59: {  	_ =	shalt  }
0x5a: {  	_ =	shalt  }
0x5b: {  	_ =	shalt  }
0x5c: {  	_ =	shalt  }
0x5d: {  	_ =	shalt  }
0x5e: {  	_ =	shalt  }
0x5f: {  	_ =	shalt  }
0x60: {  	_ =	shalt  }
0x61: {  	_ =	shalt  }
0x62: {  	_ =	shalt  }
0x63: {  	_ =	shalt  }
0x64: {  	_ =	shalt  }
0x65: {  	_ =	shalt  }
0x66: {  	_ =	shalt  }
0x67: {  	_ =	shalt  }
0x68: {  	_ =	shalt  }
0x69: {  	_ =	shalt  }
0x6a: {  	_ =	shalt  }
0x6b: {  	_ =	shalt  }
0x6c: {  	_ =	shalt  }
0x6d: {  	_ =	shalt  }
0x6e: {  	_ =	shalt  }
0x6f: {  	_ =	shalt  }
0x70: {  	_ =	shalt  }
0x71: {  	_ =	shalt  }
0x72: {  	_ =	shalt  }
0x73: {  	_ =	shalt  }
0x74: {  	_ =	shalt  }
0x75: {  	_ =	shalt  }
0x76: {  	_ =	shalt  }
0x77: {  	_ =	shalt  }
0x78: {  	_ =	shalt  }
0x79: {  	_ =	shalt  }
0x7a: {  	_ =	shalt  }
0x7b: {  	_ =	shalt  }
0x7c: {  	_ =	shalt  }
0x7d: {  	_ =	shalt  }
0x7e: {  	_ =	shalt  }
0x7f: {  	_ =	shalt  }
0x80: {  	_ =	shalt  }
0x81: {  	_ =	shalt  }
0x82: {  	_ =	shalt  }
0x83: {  	_ =	shalt  }
0x84: {  	_ =	shalt  }
0x85: {  	_ =	shalt  }
0x86: {  	_ =	shalt  }
0x87: {  	_ =	shalt  }
.Lfunc_end0:
.L_simem_size_0:
called_computation.1_lowered:
.L_overlay_start_0:
0x88: {  	s2 =	sld [smem:$0x3FD9]  }
0x89: {  	s3 =	sld [smem:$0x3FFE];
	_ =	sdelay $0x1  }
0x8a: {  	s1 =	srdreg.scid  }
0x8b: {  	s0 =	sand.u32 $0x1, s1  }
0x8c: {  	s16 =	sshll.u32 s0, $0xA;
	s2 =	sadd.s32 s3, s2  }
0x8d: {  	s2 =	sadd.s32 s2, s16  }
0x8e: {  	[smem:$0x3F9A] =	sst s2  }
0x8f: {  	_ = 	snop  }
0x90: {  	(tm) =	ssettm $0x1  }
0x91: {  	s17 =	sld [smem:$0x3FFB];
	_ =	sdelay $0x3  }
0x92: {  	_ =	strace s17  }
0x93: {  	s2 =	sld [smem:$0x3FFC];
	_ =	sdelay $0x3  }
0x94: {  	_ =	strace s2  }
0x95: {  	s2 =	sld [smem:$0x3FFD];
	_ =	sdelay $0x3  }
0x96: {  	_ =	strace s2  }
0x97: {  	_ =	strace $0x8FFFFFFF  }
0x98: {  	s18 =	sld [smem:$0x3FDB];
	_ =	sdelay $0x1  }
0x99: {  	s19 =	simm.s32 $_scs_section_size  }
0x9a: {  	s4 =	simm.s32 $_size__tile_overlayer_lowered;
	s5 =	simm.s32 $_tile_overlayer_lowered  }
0x9b: {  	s22 =	simm.s32 $0x1BFF;
	s21 =	sshll.u32 s5, $0x1;
	s2 =	sadd.s32 s19, s18  }
0x9c: {  	s6 =	simm.s32 $0x0;
	s20 =	sshll.u32 s4, $0x1;
	s4 =	sadd.s32 s21, s2  }
0x9d: {  	[timem:s6], [sflag:s22] =	dma.local [hbm:s4], s20  }
0x9e: {  	_ =	swait.ge [sflag:s22], s20  }
0x9f: {  	s3 =	ssub.s32 $0x0, s20;
	[sflag:s22] =	ssyncset.done $0x0  }
0xa0: {  	[sflag:s22] =	ssyncadd.s32 s3;
	_ =	sdelay $0x1  }
0xa1: {  	s23 =	simm.s32 $0x1B8B  }
0xa2: {  	_ =	swait.ge [sflag:s23], $0x1  }
0xa3: {  	[sflag:s23] =	ssyncset.done $0x0  }
0xa4: {  	s25 =	simm.s32 $0x1B8E;
	s24 =	sld [smem:$0x3FFE];
	[sflag:s23] =	ssyncadd.s32 $0xFFFFFFFF  }
0xa5: {  	s26 =	simm.s32 $execute0_lowered;
	[smem:$0x3FD2] =	sst s25  }
0xa6: {  	s4 =	sshll.u32 s26, $0x1;
	_ =	strace $0x80000046;
	[dreg:$0x1] =	wrdreg $0xFFFFFFFF  }
0xa7: {  	s28 =	simm.s32 $_size_execute0_lowered;
	s2 =	sadd.s32 s2, s4;
	[dreg:$0x0] =	wrdreg $0x0  }
0xa8: {  	s4 =	sshll.u32 s28, $0x1;
	[dreg:$0x2] =	wrdreg s2  }
0xa9: {  	[dreg:$0x3] =	wrdreg s4  }
0xaa: {  	[dreg:$0x4] =	wrdreg $0xC0  }
0xab: {  	_ =	task [dreg:s6], $0x5FFFF  }
0xac: {  	[dreg:$0x1] =	wrdreg $0xFFFFFFFF  }
0xad: {  	[dreg:$0x0] =	wrdreg $0x60  }
0xae: {  	[dreg:$0x2] =	wrdreg s24  }
0xaf: {  	[dreg:$0x3] =	wrdreg $0xA  }
0xb0: {  	_ =	task.clear_ibuf [dreg:s6], $0x4FFFF;
	_ =	strace $0x90000046  }
0xb1: {  	s29 =	simm.s32 $0xA;
	_ =	strace $0x80000048  }
0xb2: {  	_ =	swait.ge [sflag:s29], $0x1  }
0xb3: {  	[sflag:s29] =	ssyncadd.s32 $0xFFFFFFFF  }
0xb4: {  	_ =	strace $0x90000048  }
0xb5: {  	_ =	sfence  }
0xb6: {  	s30 =	sld [smem:$0x0];
	_ =	sdelay $0x2  }
0xb7: {  	s31 =	sshll.u32 s1, $0xD;
	s1 =	sshrl.u32 s1, $0x2  }
0xb8: {  	s3 =	sand.u32 $0x4000, s31;
	s1 =	sadd.s32 s1, s30  }
0xb9: {  	s0 =	sor.u32 s3, s0;
	s1 =	sshll.u32 s1, $0x11  }
0xba: {  	s0 =	sor.u32 s1, s0  }
0xbb: {  	s0 =	sadd.s32 $0x8F2B, s0  }
0xbc: {  	[sflag:s0] =	ssyncadd.remote.s32 $0x1  }
0xbd: {  	_ =	sfence.sel $0xFFFF  }
0xbe: {  	[dreg:$0x0] =	wrdreg $0xFFFFFFFF;
	(pc) =	sbr.abs _section_cstart, $3  }
0xbf: {  	[dreg:$0x1] =	wrdreg $0xFFFFFFFF  }
0xc0: {  	_ =	task.clear_ibuf [dreg:s6], $0x2FFFF;
	_ =	strace $0x9FFFFFFF  }
0xc1: {  	(tm) =	ssettm $0x7FFFFFFF  }
tec
execute0_lowered:
.L_overlay_start_1:
0x0: {  	(tag) =	ssettag $0x1  }
0x1: {  	s8 =	rddreg [dreg:$0x0];
	s1 =	stileid.u32  }
0x2: {  	s2 =	srdreg.scid;
	s0 =	rddreg [dreg:$0x1]  }
0x3: {  	_ =	strace $0x80000047;
	s5 =	simm.s32 $0x1;
	s9 =	simm.s32 $0x1  }
0x4: {  	s10 =	simm.s32 $0x3;
	s2 =	sand.u32 $0x1, s2;
	s3 =	sshll.u32 s1, $0x1  }
0x5: {  	s13 =	simm.s32 $0x0;
	s12 =	simm.s32 $0x0;
	s6 =	sor.u32 s3, s2  }
0x6: {  	[sflag:s5] =	ssyncpa.u1 $0x0;
	s2 =	sadd.s32 $0x1FE00, s8;
	s4 =	smul.u32 $0x4E20, s6  }
0x7: {  	s3 =	sadd.s32 $0x50E00, s8;
	p0 =	slt.u32 s6, $0x9;
	s6 =	simm.s32 $0x9C400  }
.Ltmp0:
0x8: {  	s6 =	simm.s32 @!p0 $0x0;
	s7 =	ssub.s32 $0xC3500, s4;
	(pc) =	sbr.rel .LBB2_1-.Ltmp0, $4  }
0x9: {  	s9 =	simm.s32 @!p0 $0x0;
	p0 =	sne.s32 s7, s6;
	s7 =	simm.s32 $0x1  }
0xa: {  	s8 =	sadd.s32 $0x86C600, s8;
	s6 =	simm.s32 $0x2;
	s7 =	simm.s32 @!p0 $0x0  }
0xb: {  	s11 =	smov.u32 s4;
	[sflag:s6] =	ssyncpa.u1 $0x0;
	s7 =	sadd.s32 s9, s7  }
0xc: {  	vm0 =	vmmov $0xffff;
	[sflag:s10] =	ssyncpa.u1 $0x0;
	s10 =	simm.s32 $0x0;
	s9 =	sadd.s32 $0x1, s7  }
.LBB2_4:
0xd: {  	v2 =	vnsel vm1, $0x0, v2  }
0xe: {  	vm1 =	vgt.s32 v0, $0x0;
	v2 =	vmin.u32 v2, $0xC34FF  }
0xf: {  	v0 =	vnsel vm1, $0x0, v0  }
0x10: {  	v0 =	vmin.u32 v0, $0xC34FF  }
0x11: {  	[tilespmem:s18], [sflag:$0x1] =	stream.indirect_vreg.gather [hbm4b:s2+s10], $0x1, v1, vm0, $0x4038;
	[tilespmem:$0x13880] =	vst v63  }
0x12: {  	(ifvalue) =	ssetifvalue $0x7FFFFFFF  }
0x13: {  	[tilespmem:s15], [sflag:$0x1] =	stream.indirect_vreg.gather [hbm4b:s2+s10], $0x1, v2, vm0, $0x4038;
	[tilespmem:$0x13880] =	vst v63  }
0x14: {  	s29 =	sadd.s32 $0x10, s15;
	(ifvalue) =	ssetifvalue $0x7FFFFFFF  }
0x15: {  	[tilespmem:s29], [sflag:$0x1] =	stream.indirect_vreg.gather [hbm4b:s2+s10], $0x1, v0, vm0, $0x4038;
	[tilespmem:$0x13880] =	vst v63  }
0x16: {  	_ =	swait.ge [sflag:s5], $0x4E20  }
0x17: {  	s30 =	sshrl.u32 s13, $0x3;
	[sflag:s5] =	ssyncset.done $0x0  }
0x18: {  	s31 =	sand.u32 $0x7, s13;
	s15 =	sadd.s32 s8, s30;
	[sflag:s5] =	ssyncadd.s32 $0xFFFFB1E0  }
0x19: {  	[hbm4b:s15+s31] =	stream.linear.scatter [tilespmem:s14], [sflag:$0x3], $0x4E20, $0x38;
	[tilespmem:$0x13880] =	vst v63  }
.LBB2_5:
0x1a: {  	s15 =	sadd.s32 $0x9C400, s11  }
0x1b: {  	p1 =	sgt.s32 s15, $0xC34FF  }
0x1c: {  	s15 =	smov.u32 @p1 s4;
	p1 =	sne.s32 s12, s9  }
.Ltmp1:
0x1d: {  	p0 =	slt.u32 s12, $0x2;
	(pc) =	sbr.rel @!p1 .LBB2_6-.Ltmp1, $4  }
0x1e: {  	s14 =	simm.s32 @!p0 $0x3  }
0x1f: {  	_ =	swait.ge @!p0 [sflag:s14], $0x4E20  }
0x20: {  	s16 =	sadd.s32 $0x1, s12;
	s13 =	smov.u32 s11;
	[sflag:s14] =	ssyncset.done @!p0 $0x0  }
0x21: {  	s12 =	smov.u32 s16;
	s11 =	smov.u32 s15;
	[sflag:s14] =	ssyncadd.s32 @!p0 $0xFFFFB1E0  }
.LBB2_1:
0x22: {  	p0 =	sge.u32 s12, s7  }
0x23: {  	s14 =	sxor.u32 @!p0 $0x1, s12  }
0x24: {  	s14 =	smul.u32 @!p0 $0x13880, s14  }
0x25: {  	s31 =	sadd.s32 $0xFFFFFFFF, s12;
	s15 =	sshrl.u32 @!p0 s11, $0x3  }
0x26: {  	s16 =	sand.u32 @!p0 $0x7, s11;
	s15 =	sadd.s32 @!p0 s3, s15;
	s14 =	sshra.s32 @!p0 s14, $0x2  }
0x27: {  	[tilespmem:s14], [sflag:$0x2] =	stream.linear.gather @!p0 [hbm4b:s15+s16], $0x4E20, $0x38;
	[tilespmem:$0x13880] =	vst v63  }
0x28: {  	p0 =	sge.u32 s31, s7  }
.Ltmp2:
0x29: {  	_ = 	snop;
	(pc) =	sbr.rel @p0 .LBB2_5-.Ltmp2, $1  }
0x2a: {  	_ =	sdelay $0x3  }
0x2b: {  	s14 =	sand.u32 $0x1, s12  }
0x2c: {  	_ =	swait.ge [sflag:s6], $0x4E20;
	p0 =	seq.s32 s14, $0x1;
	s14 =	simm.s32 $0x4E20  }
0x2d: {  	[sflag:s6] =	ssyncset.done $0x0;
	s14 =	simm.s32 @!p0 $0x0  }
0x2e: {  	[sflag:s6] =	ssyncadd.s32 $0xFFFFB1E0;
	(ifvalue) =	ssetifvalue $0x7FFFFFFF;
	v0 =	vld.msk [tilespmem:s14+$0x0 ss:$0x1], $0xffff;
	_ =	sdelay $0x4  }
0x2f: {  	s15 =	sadd.s32 $0x10, s14;
	vm1 =	vgt.s32 v0, $0x0  }
0x30: {  	v2 =	vld.msk [tilespmem:s15+$0x0 ss:$0x1], $0xffff;
	v1 =	vnsel vm1, $0x0, v0  }
0x31: {  	v1 =	vmin.u32 v1, $0xC34FF;
	_ =	sdelay $0x2  }
0x32: {  	s17 =	simm.s32 $0x20;
	s14 =	sadd.s32 $0x9C40, s14;
	s16 =	sadd.s32 $0x10, s15  }
0x33: {  	s15 =	sadd.s32 $0x10, s14;
	s18 =	smov.u32 s14;
	v0 =	vld.msk [tilespmem:s16+$0x0 ss:$0x1], $0xffff;
	vm1 =	vgt.s32 v2, $0x0;
	(ifvalue) =	ssetifvalue $0x7FFFFFFF  }
.LBB2_3:
0x34: {  	[tilespmem:s18], [sflag:$0x1] =	stream.indirect_vreg.gather [hbm4b:s2+s10], $0x1, v1, vm0, $0x4038;
	[tilespmem:$0x13880] =	vst v63  }
0x35: {  	s17 =	sadd.s32 $0x10, s17  }
0x36: {  	v2 =	vnsel vm1, $0x0, v2;
	p0 =	slt.u32 s17, $0x4E10  }
.Ltmp3:
0x37: {  	s18 =	smov.u32 s15;
	v1 =	vmin.u32 v2, $0xC34FF;
	(pc) =	sbr.rel @p0 .LBB2_3-.Ltmp3, $3  }
0x38: {  	_ =	sdelay $0x1  }
0x39: {  	s16 =	sadd.s32 $0x10, s16  }
0x3a: {  	vm1 =	vgt.s32 v0, $0x0;
	s15 =	sadd.s32 $0x10, s15;
	v2 =	vmov v0;
	(ifvalue) =	ssetifvalue $0x7FFFFFFF;
	v0 =	vld.msk [tilespmem:s16+$0x0 ss:$0x1], $0xffff  }
.Ltmp4:
0x3b: {  	_ = 	snop;
	(pc) =	sbr.rel .LBB2_4-.Ltmp4, $1  }
0x3c: {  	_ =	sdelay $0x3  }
.LBB2_6:
0x3d: {  	_ =	sfence.sel $0x180000  }
0x3e: {  	s2 =	simm.s32 $0x2;
	[bflag:$0x0] =	sbarrier.arrive $0xFFFF  }
0x3f: {  	s30 =	simm.s32 $0x3;
	[sflag:s2] =	ssyncpa.u1 $0x1  }
0x40: {  	s31 =	simm.s32 $0x1;
	[sflag:s30] =	ssyncpa.u1 $0x1  }
0x41: {  	[sflag:s31] =	ssyncpa.u1 $0x1  }
0x42: {  	p0 =	sne.s32 s1, $0x0;
	_ =	strace $0x90000047  }
0x43: {  	s0 =	sadd.s32 @!p0 $0x100000, s0;
	[bflag:$0x2] =	sbarrier.arrive $0xFFFF  }
0x44: {  	[sflag:s0] =	ssyncadd.tile.s32 @!p0 $0x1;
	_ =	shalt  }
.Lfunc_end2:
_tile_overlayer_lowered:
.L_overlay_start_2:
0x45: {  	(tag) =	ssettag $0x2  }
0x46: {  	s0 =	rddreg [dreg:$0x0];
	s2 =	stileid.u32  }
0x47: {  	s1 =	rddreg [dreg:$0x1];
	p0 =	sne.s32 s2, $0x0  }
0x48: {  	s3 =	rddreg [dreg:$0x2];
	[bflag:$0x3] =	sbarrier.arrive $0xFFFF;
	s2 =	simm.s32 @!p0 $0x1C01  }
0x49: {  	[timem:s3], [sflag:s2] =	dma.local @!p0 [hbm:s0], s1  }
0x4a: {  	s0 =	simm.s32 @!p0 $0x1  }
0x4b: {  	_ =	swait.ge @!p0 [sflag:s0], s1  }
0x4c: {  	s1 =	ssub.s32 @!p0 $0x0, s1;
	[sflag:s0] =	ssyncset.done @!p0 $0x0  }
0x4d: {  	[sflag:s0] =	ssyncadd.s32 @!p0 s1  }
0x4e: {  	[bflag:$0x3] =	sbarrier.arrive $0xFFFF  }
0x4f: {  	_ =	shalt  }

// kernel: gather_offload_async_start
scs
__scs_entry_jumppad:
0x0: {  	(pc) =	sbr.rel $0x88, $3  }
0x1: {  	(tag) =	ssettag $0x0;
	lr =	simm.s32 $0x1  }
0x2: {  	[smem:$0x3F73] =	sst lr;
	_ =	strace $0xD0000000  }
0x3: {  	_ = 	snop  }
0x4: {  	_ = 	snop  }
0x5: {  	_ = 	snop  }
0x6: {  	_ = 	snop  }
0x7: {  	_ = 	snop  }
__scs_overlays_trampoline_lowered:
0x8: {  	[smem:$0x3F82] =	sst s0  }
0x9: {  	[smem:$0x3F83] =	sst s1  }
0xa: {  	[smem:$0x3F84] =	sst s2  }
0xb: {  	[smem:$0x3F85] =	sst s3  }
0xc: {  	[smem:$0x3F86] =	sst s4  }
0xd: {  	[smem:$0x3F87] =	sst s5  }
0xe: {  	[smem:$0x3F88] =	sst s6  }
0xf: {  	[smem:$0x3F89] =	sst s7  }
0x10: {  	[smem:$0x3F8A] =	sst s8  }
0x11: {  	[smem:$0x3F8B] =	sst s9;
	s0 =	simm.s32 @!p0 $0x0  }
0x12: {  	s1 =	sld [smem:$0x3F71];
	s0 =	simm.s32 @p0 $0x1  }
0x13: {  	[smem:$0x3F8C] =	sst s0;
	s0 =	simm.s32 @!p1 $0x0  }
0x14: {  	s2 =	sld [smem:$0x3F70];
	s0 =	simm.s32 @p1 $0x1  }
0x15: {  	[smem:$0x3F8D] =	sst s0;
	s0 =	simm.s32 @!p2 $0x0  }
0x16: {  	s3 =	sld [smem:$0x3FDB];
	s0 =	simm.s32 @p2 $0x1  }
0x17: {  	s4 =	simm.s32 $0x1BF5;
	[smem:$0x3F8F] =	sst s0  }
0x18: {  	s0 =	sld [smem:$0x3F72];
	_ =	swait.ge [sflag:s4], $0x0  }
0x19: {  	s7 =	sld [smem:$0x3F73]  }
0x1a: {  	s8 =	sadd.s32 $0xFFFFE003, lr  }
0x1b: {  	s9 =	sadd.s32 $0xFFFFFEF7, lr;
	s5 =	simm.s32 $0xFFFFFFFF;
	p2 =	slt.u32 s8, $0xFFFFF086  }
0x1c: {  	p1 =	slt.u32 s9, $0xF7A;
	s5 =	simm.s32 @!p2 $0x0  }
0x1d: {  	s5 =	simm.s32 @p1 $0x1;
	p0 =	seq.s32 s7, s2  }
0x1e: {  	s7 =	smul.u32 @!p0 $0xF7A, s2;
	p2 =	seq.s32 @!p0 s5, $0x0  }
0x1f: {  	s9 =	smul.u32 $0xF7A, s1;
	s8 =	simm.s32 @!p0 $0x1BF5;
	p2 =	por !p2, p0  }
0x20: {  	[sflag:s8] =	ssyncset.s32 @!p0 $0xFFFFF086;
	s6 =	sadd.s32 @!p0 s3, s7;
	s7 =	simm.s32 @!p0 $0x108  }
0x21: {  	s3 =	sadd.s32 s3, s9;
	s6 =	sadd.s32 @!p0 $0x88, s6;
	s7 =	simm.s32 @p2 $0x1082  }
0x22: {  	[simem:s7], [sflag:s8] =	dma.local @!p0 [hbm:s6], $0xF7A  }
0x23: {  	s9 =	sor.u32 $0xD0000000, s2;
	s6 =	simm.s32 $0x108;
	_ =	swait.ge @!p0 [sflag:s8], $0x0  }
0x24: {  	s3 =	sadd.s32 $0x88, s3;
	s6 =	simm.s32 @!p1 $0x1082;
	[sflag:s4] =	ssyncset.s32 $0xFFFFF086  }
0x25: {  	[simem:s6], [sflag:s4] =	dma.local [hbm:s3], $0xF7A  }
0x26: {  	[smem:$0x3F73] =	sst s1;
	(tag) =	ssettag s2;
	_ =	strace s9  }
0x27: {  	s1 =	sld [smem:$0x3F83]  }
0x28: {  	s2 =	sld [smem:$0x3F84]  }
0x29: {  	s4 =	sld [smem:$0x3F86]  }
0x2a: {  	p0 =	seq.s32 s5, $0x0;
	s5 =	sld [smem:$0x3F87]  }
0x2b: {  	s6 =	sld [smem:$0x3F88]  }
0x2c: {  	s7 =	sld [smem:$0x3F89]  }
0x2d: {  	s3 =	simm.s32 $0x108;
	s8 =	sld [smem:$0x3F8A]  }
0x2e: {  	s3 =	simm.s32 @!p0 $0x1082;
	s9 =	sld [smem:$0x3F8B]  }
0x2f: {  	lr =	sadd.s32 s0, s3;
	s0 =	sld [smem:$0x3F82]  }
0x30: {  	s3 =	sld [smem:$0x3F85]  }
0x31: {  	[smem:$0x3F8E] =	sst s10  }
0x32: {  	s10 =	sld [smem:$0x3F8C];
	_ =	sdelay $0x3  }
0x33: {  	p0 =	seq.s32 s10, $0x1;
	s10 =	sld [smem:$0x3F8E];
	_ =	sdelay $0x3  }
0x34: {  	[smem:$0x3F8E] =	sst s10  }
0x35: {  	s10 =	sld [smem:$0x3F8D];
	_ =	sdelay $0x3  }
0x36: {  	p1 =	seq.s32 s10, $0x1;
	s10 =	sld [smem:$0x3F8E];
	_ =	sdelay $0x3  }
0x37: {  	[smem:$0x3F8E] =	sst s10  }
0x38: {  	s10 =	sld [smem:$0x3F8F]  }
0x39: {  	_ = 	snop;
	(pc) =	sbr.ind lr, $3  }
0x3a: {  	_ = 	snop  }
0x3b: {  	_ = 	snop  }
0x3c: {  	p2 =	seq.s32 s10, $0x1;
	s10 =	sld [smem:$0x3F8E]  }
0x3d: {  	_ =	shalt  }
0x3e: {  	_ =	shalt  }
0x3f: {  	_ =	shalt  }
0x40: {  	_ =	shalt  }
0x41: {  	_ =	shalt  }
0x42: {  	_ =	shalt  }
0x43: {  	_ =	shalt  }
0x44: {  	_ =	shalt  }
0x45: {  	_ =	shalt  }
0x46: {  	_ =	shalt  }
0x47: {  	_ =	shalt  }
0x48: {  	_ =	shalt  }
0x49: {  	_ =	shalt  }
0x4a: {  	_ =	shalt  }
0x4b: {  	_ =	shalt  }
0x4c: {  	_ =	shalt  }
0x4d: {  	_ =	shalt  }
0x4e: {  	_ =	shalt  }
0x4f: {  	_ =	shalt  }
0x50: {  	_ =	shalt  }
0x51: {  	_ =	shalt  }
0x52: {  	_ =	shalt  }
0x53: {  	_ =	shalt  }
0x54: {  	_ =	shalt  }
0x55: {  	_ =	shalt  }
0x56: {  	_ =	shalt  }
0x57: {  	_ =	shalt  }
0x58: {  	_ =	shalt  }
0x59: {  	_ =	shalt  }
0x5a: {  	_ =	shalt  }
0x5b: {  	_ =	shalt  }
0x5c: {  	_ =	shalt  }
0x5d: {  	_ =	shalt  }
0x5e: {  	_ =	shalt  }
0x5f: {  	_ =	shalt  }
0x60: {  	_ =	shalt  }
0x61: {  	_ =	shalt  }
0x62: {  	_ =	shalt  }
0x63: {  	_ =	shalt  }
0x64: {  	_ =	shalt  }
0x65: {  	_ =	shalt  }
0x66: {  	_ =	shalt  }
0x67: {  	_ =	shalt  }
0x68: {  	_ =	shalt  }
0x69: {  	_ =	shalt  }
0x6a: {  	_ =	shalt  }
0x6b: {  	_ =	shalt  }
0x6c: {  	_ =	shalt  }
0x6d: {  	_ =	shalt  }
0x6e: {  	_ =	shalt  }
0x6f: {  	_ =	shalt  }
0x70: {  	_ =	shalt  }
0x71: {  	_ =	shalt  }
0x72: {  	_ =	shalt  }
0x73: {  	_ =	shalt  }
0x74: {  	_ =	shalt  }
0x75: {  	_ =	shalt  }
0x76: {  	_ =	shalt  }
0x77: {  	_ =	shalt  }
0x78: {  	_ =	shalt  }
0x79: {  	_ =	shalt  }
0x7a: {  	_ =	shalt  }
0x7b: {  	_ =	shalt  }
0x7c: {  	_ =	shalt  }
0x7d: {  	_ =	shalt  }
0x7e: {  	_ =	shalt  }
0x7f: {  	_ =	shalt  }
0x80: {  	_ =	shalt  }
0x81: {  	_ =	shalt  }
0x82: {  	_ =	shalt  }
0x83: {  	_ =	shalt  }
0x84: {  	_ =	shalt  }
0x85: {  	_ =	shalt  }
0x86: {  	_ =	shalt  }
0x87: {  	_ =	shalt  }
.Lfunc_end0:
.L_simem_size_0:
called_computation_lowered:
.L_overlay_start_0:
0x88: {  	s2 =	sld [smem:$0x3FD9]  }
0x89: {  	s3 =	sld [smem:$0x3FFE];
	_ =	sdelay $0x1  }
0x8a: {  	s1 =	srdreg.scid  }
0x8b: {  	s0 =	sand.u32 $0x1, s1  }
0x8c: {  	s17 =	sshll.u32 s0, $0xA;
	s2 =	sadd.s32 s3, s2  }
0x8d: {  	s2 =	sadd.s32 s2, s17  }
0x8e: {  	[smem:$0x3F9A] =	sst s2  }
0x8f: {  	_ = 	snop  }
0x90: {  	(tm) =	ssettm $0x1  }
0x91: {  	s18 =	sld [smem:$0x3FFB];
	_ =	sdelay $0x3  }
0x92: {  	_ =	strace s18  }
0x93: {  	s2 =	sld [smem:$0x3FFC];
	_ =	sdelay $0x3  }
0x94: {  	_ =	strace s2  }
0x95: {  	s2 =	sld [smem:$0x3FFD];
	_ =	sdelay $0x3  }
0x96: {  	_ =	strace s2  }
0x97: {  	_ =	strace $0x8FFFFFFF  }
0x98: {  	s19 =	sld [smem:$0x3FDB];
	_ =	sdelay $0x1  }
0x99: {  	s20 =	simm.s32 $_scs_section_size  }
0x9a: {  	s4 =	simm.s32 $_size__tile_overlayer_lowered;
	s5 =	simm.s32 $_tile_overlayer_lowered  }
0x9b: {  	s6 =	simm.s32 $0x1BFF;
	s21 =	sshll.u32 s5, $0x1;
	s3 =	sadd.s32 s20, s19  }
0x9c: {  	s22 =	simm.s32 $0x0;
	s4 =	sshll.u32 s4, $0x1;
	s5 =	sadd.s32 s21, s3  }
0x9d: {  	[timem:s22], [sflag:s6] =	dma.local [hbm:s5], s4  }
0x9e: {  	_ =	swait.ge [sflag:s6], s4  }
0x9f: {  	s4 =	ssub.s32 $0x0, s4;
	[sflag:s6] =	ssyncset.done $0x0  }
0xa0: {  	[sflag:s6] =	ssyncadd.s32 s4;
	_ =	sdelay $0x1  }
0xa1: {  	s23 =	simm.s32 $0x1B8B  }
0xa2: {  	_ =	swait.ge [sflag:s23], $0x1  }
0xa3: {  	[sflag:s23] =	ssyncset.done $0x0  }
0xa4: {  	[sflag:s23] =	ssyncadd.s32 $0xFFFFFFFF  }
0xa5: {  	s4 =	sld [smem:$0x0]  }
0xa6: {  	s5 =	sand.u32 $0xFFFFFFFE, s1  }
0xa7: {  	p0 =	sne.s32 s1, s5  }
0xa8: {  	s5 =	sshll.u32 @p0 s5, $0xE  }
0xa9: {  	s5 =	sadd.s32 @p0 $0x11B8D, s5;
	s6 =	sshll.u32 @p0 s4, $0x11  }
0xaa: {  	s5 =	sor.u32 @p0 s6, s5  }
0xab: {  	[sflag:s5] =	ssyncadd.remote.s32 @p0 $0x1;
	_ =	sdelay $0x1  }
0xac: {  	s5 =	simm.s32 @p0 $0x1B8D  }
0xad: {  	_ =	swait.eq @p0 [sflag:s5], $0x1  }
0xae: {  	[sflag:s5] =	ssyncadd.s32 @p0 $0xFFFFFFFF  }
0xaf: {  	s6 =	sshll.u32 @!p0 s1, $0xE  }
0xb0: {  	s6 =	sor.u32 @!p0 $0x4000, s6;
	s5 =	simm.s32 @!p0 $0x1B8D  }
0xb1: {  	s4 =	sshll.u32 @!p0 s4, $0x11;
	s6 =	sadd.s32 @!p0 $0x11B8D, s6;
	_ =	swait.eq @!p0 [sflag:s5], $0x1  }
0xb2: {  	s4 =	sor.u32 @!p0 s4, s6;
	[sflag:s5] =	ssyncadd.s32 @!p0 $0xFFFFFFFF  }
0xb3: {  	s25 =	simm.s32 $0x1B8E;
	s24 =	sld [smem:$0x3FFE];
	[sflag:s4] =	ssyncadd.remote.s32 @!p0 $0x1  }
0xb4: {  	s26 =	simm.s32 $execute0_lowered;
	[smem:$0x3FD2] =	sst s25  }
0xb5: {  	s5 =	sshll.u32 s26, $0x1;
	_ =	strace $0x80000049;
	[dreg:$0x1] =	wrdreg $0xFFFFFFFF  }
0xb6: {  	s28 =	simm.s32 $_size_execute0_lowered;
	s3 =	sadd.s32 s3, s5;
	[dreg:$0x0] =	wrdreg $0x0  }
0xb7: {  	s5 =	sshll.u32 s28, $0x1;
	[dreg:$0x2] =	wrdreg s3  }
0xb8: {  	[dreg:$0x3] =	wrdreg s5  }
0xb9: {  	[dreg:$0x4] =	wrdreg $0xC0  }
0xba: {  	_ =	task [dreg:s22], $0x5FFFF  }
0xbb: {  	[dreg:$0x1] =	wrdreg $0xFFFFFFFF  }
0xbc: {  	[dreg:$0x0] =	wrdreg $0x60  }
0xbd: {  	[dreg:$0x2] =	wrdreg s24  }
0xbe: {  	[dreg:$0x3] =	wrdreg $0x9  }
0xbf: {  	_ =	task.clear_ibuf [dreg:s22], $0x4FFFF;
	_ =	strace $0x90000049  }
0xc0: {  	s29 =	simm.s32 $0x9;
	_ =	strace $0x8000004B  }
0xc1: {  	_ =	swait.ge [sflag:s29], $0x1  }
0xc2: {  	[sflag:s29] =	ssyncadd.s32 $0xFFFFFFFF  }
0xc3: {  	_ =	strace $0x9000004B  }
0xc4: {  	_ =	sfence  }
0xc5: {  	s30 =	sld [smem:$0x0];
	_ =	sdelay $0x2  }
0xc6: {  	s31 =	sshll.u32 s1, $0xD;
	s1 =	sshrl.u32 s1, $0x2  }
0xc7: {  	s4 =	sand.u32 $0x4000, s31;
	s1 =	sadd.s32 s1, s30  }
0xc8: {  	s0 =	sor.u32 s4, s0;
	s1 =	sshll.u32 s1, $0x11  }
0xc9: {  	s0 =	sor.u32 s1, s0  }
0xca: {  	s0 =	sadd.s32 $0x8F2B, s0  }
0xcb: {  	[sflag:s0] =	ssyncadd.remote.s32 $0x1  }
0xcc: {  	_ =	sfence.sel $0xFFFF  }
0xcd: {  	[dreg:$0x0] =	wrdreg $0xFFFFFFFF;
	(pc) =	sbr.abs _section_cstart, $3  }
0xce: {  	[dreg:$0x1] =	wrdreg $0xFFFFFFFF  }
0xcf: {  	_ =	task.clear_ibuf [dreg:s22], $0x2FFFF;
	_ =	strace $0x9FFFFFFF  }
0xd0: {  	(tm) =	ssettm $0x7FFFFFFF  }
0xd1: {  	_ =	shalt  }
tec
execute0_lowered:
.L_overlay_start_1:
0x0: {  	(tag) =	ssettag $0x1  }
0x1: {  	s8 =	rddreg [dreg:$0x0];
	s1 =	stileid.u32  }
0x2: {  	s2 =	srdreg.scid;
	s0 =	rddreg [dreg:$0x1]  }
0x3: {  	_ =	strace $0x8000004A;
	s5 =	simm.s32 $0x1;
	s9 =	simm.s32 $0x1  }
0x4: {  	s10 =	simm.s32 $0x3;
	s2 =	sand.u32 $0x1, s2;
	s3 =	sshll.u32 s1, $0x1  }
0x5: {  	s13 =	simm.s32 $0x0;
	s12 =	simm.s32 $0x0;
	s6 =	sor.u32 s3, s2  }
0x6: {  	[sflag:s5] =	ssyncpa.u1 $0x0;
	s2 =	sadd.s32 $0x7600, s8;
	s4 =	smul.u32 $0x4E20, s6  }
0x7: {  	s3 =	sadd.s32 $0x50E00, s8;
	p0 =	slt.u32 s6, $0x9;
	s6 =	simm.s32 $0x9C400  }
.Ltmp0:
0x8: {  	s6 =	simm.s32 @!p0 $0x0;
	s7 =	ssub.s32 $0xC3500, s4;
	(pc) =	sbr.rel .LBB2_1-.Ltmp0, $4  }
0x9: {  	s9 =	simm.s32 @!p0 $0x0;
	p0 =	sne.s32 s7, s6;
	s7 =	simm.s32 $0x1  }
0xa: {  	s8 =	sadd.s32 $0x884E00, s8;
	s6 =	simm.s32 $0x2;
	s7 =	simm.s32 @!p0 $0x0  }
0xb: {  	s11 =	smov.u32 s4;
	[sflag:s6] =	ssyncpa.u1 $0x0;
	s7 =	sadd.s32 s9, s7  }
0xc: {  	vm0 =	vmmov $0xffff;
	[sflag:s10] =	ssyncpa.u1 $0x0;
	s10 =	simm.s32 $0x0;
	s9 =	sadd.s32 $0x1, s7  }
.LBB2_4:
0xd: {  	v2 =	vnsel vm1, $0x0, v2  }
0xe: {  	vm1 =	vgt.s32 v0, $0x0;
	v2 =	vmin.u32 v2, $0xC34FF  }
0xf: {  	v0 =	vnsel vm1, $0x0, v0  }
0x10: {  	v0 =	vmin.u32 v0, $0xC34FF  }
0x11: {  	[tilespmem:s18], [sflag:$0x1] =	stream.indirect_vreg.gather [hbm4b:s2+s10], $0x1, v1, vm0, $0x4038;
	[tilespmem:$0x13880] =	vst v63  }
0x12: {  	(ifvalue) =	ssetifvalue $0x7FFFFFFF  }
0x13: {  	[tilespmem:s15], [sflag:$0x1] =	stream.indirect_vreg.gather [hbm4b:s2+s10], $0x1, v2, vm0, $0x4038;
	[tilespmem:$0x13880] =	vst v63  }
0x14: {  	s29 =	sadd.s32 $0x10, s15;
	(ifvalue) =	ssetifvalue $0x7FFFFFFF  }
0x15: {  	[tilespmem:s29], [sflag:$0x1] =	stream.indirect_vreg.gather [hbm4b:s2+s10], $0x1, v0, vm0, $0x4038;
	[tilespmem:$0x13880] =	vst v63  }
0x16: {  	_ =	swait.ge [sflag:s5], $0x4E20  }
0x17: {  	s30 =	sshrl.u32 s13, $0x3;
	[sflag:s5] =	ssyncset.done $0x0  }
0x18: {  	s31 =	sand.u32 $0x7, s13;
	s15 =	sadd.s32 s8, s30;
	[sflag:s5] =	ssyncadd.s32 $0xFFFFB1E0  }
0x19: {  	[hbm4b:s15+s31] =	stream.linear.scatter [tilespmem:s14], [sflag:$0x3], $0x4E20, $0x38;
	[tilespmem:$0x13880] =	vst v63  }
.LBB2_5:
0x1a: {  	s15 =	sadd.s32 $0x9C400, s11  }
0x1b: {  	p1 =	sgt.s32 s15, $0xC34FF  }
0x1c: {  	s15 =	smov.u32 @p1 s4;
	p1 =	sne.s32 s12, s9  }
.Ltmp1:
0x1d: {  	p0 =	slt.u32 s12, $0x2;
	(pc) =	sbr.rel @!p1 .LBB2_6-.Ltmp1, $4  }
0x1e: {  	s14 =	simm.s32 @!p0 $0x3  }
0x1f: {  	_ =	swait.ge @!p0 [sflag:s14], $0x4E20  }
0x20: {  	s16 =	sadd.s32 $0x1, s12;
	s13 =	smov.u32 s11;
	[sflag:s14] =	ssyncset.done @!p0 $0x0  }
0x21: {  	s12 =	smov.u32 s16;
	s11 =	smov.u32 s15;
	[sflag:s14] =	ssyncadd.s32 @!p0 $0xFFFFB1E0  }
.LBB2_1:
0x22: {  	p0 =	sge.u32 s12, s7  }
0x23: {  	s14 =	sxor.u32 @!p0 $0x1, s12  }
0x24: {  	s14 =	smul.u32 @!p0 $0x13880, s14  }
0x25: {  	s31 =	sadd.s32 $0xFFFFFFFF, s12;
	s15 =	sshrl.u32 @!p0 s11, $0x3  }
0x26: {  	s16 =	sand.u32 @!p0 $0x7, s11;
	s15 =	sadd.s32 @!p0 s3, s15;
	s14 =	sshra.s32 @!p0 s14, $0x2  }
0x27: {  	[tilespmem:s14], [sflag:$0x2] =	stream.linear.gather @!p0 [hbm4b:s15+s16], $0x4E20, $0x38;
	[tilespmem:$0x13880] =	vst v63  }
0x28: {  	p0 =	sge.u32 s31, s7  }
.Ltmp2:
0x29: {  	_ = 	snop;
	(pc) =	sbr.rel @p0 .LBB2_5-.Ltmp2, $1  }
0x2a: {  	_ =	sdelay $0x3  }
0x2b: {  	s14 =	sand.u32 $0x1, s12  }
0x2c: {  	_ =	swait.ge [sflag:s6], $0x4E20;
	p0 =	seq.s32 s14, $0x1;
	s14 =	simm.s32 $0x4E20  }
0x2d: {  	[sflag:s6] =	ssyncset.done $0x0;
	s14 =	simm.s32 @!p0 $0x0  }
0x2e: {  	[sflag:s6] =	ssyncadd.s32 $0xFFFFB1E0;
	(ifvalue) =	ssetifvalue $0x7FFFFFFF;
	v0 =	vld.msk [tilespmem:s14+$0x0 ss:$0x1], $0xffff;
	_ =	sdelay $0x4  }
0x2f: {  	s15 =	sadd.s32 $0x10, s14;
	vm1 =	vgt.s32 v0, $0x0  }
0x30: {  	v2 =	vld.msk [tilespmem:s15+$0x0 ss:$0x1], $0xffff;
	v1 =	vnsel vm1, $0x0, v0  }
0x31: {  	v1 =	vmin.u32 v1, $0xC34FF;
	_ =	sdelay $0x2  }
0x32: {  	s17 =	simm.s32 $0x20;
	s14 =	sadd.s32 $0x9C40, s14;
	s16 =	sadd.s32 $0x10, s15  }
0x33: {  	s15 =	sadd.s32 $0x10, s14;
	s18 =	smov.u32 s14;
	v0 =	vld.msk [tilespmem:s16+$0x0 ss:$0x1], $0xffff;
	vm1 =	vgt.s32 v2, $0x0;
	(ifvalue) =	ssetifvalue $0x7FFFFFFF  }
.LBB2_3:
0x34: {  	[tilespmem:s18], [sflag:$0x1] =	stream.indirect_vreg.gather [hbm4b:s2+s10], $0x1, v1, vm0, $0x4038;
	[tilespmem:$0x13880] =	vst v63  }
0x35: {  	s17 =	sadd.s32 $0x10, s17  }
0x36: {  	v2 =	vnsel vm1, $0x0, v2;
	p0 =	slt.u32 s17, $0x4E10  }
.Ltmp3:
0x37: {  	s18 =	smov.u32 s15;
	v1 =	vmin.u32 v2, $0xC34FF;
	(pc) =	sbr.rel @p0 .LBB2_3-.Ltmp3, $3  }
0x38: {  	_ =	sdelay $0x1  }
0x39: {  	s16 =	sadd.s32 $0x10, s16  }
0x3a: {  	vm1 =	vgt.s32 v0, $0x0;
	s15 =	sadd.s32 $0x10, s15;
	v2 =	vmov v0;
	(ifvalue) =	ssetifvalue $0x7FFFFFFF;
	v0 =	vld.msk [tilespmem:s16+$0x0 ss:$0x1], $0xffff  }
.Ltmp4:
0x3b: {  	_ = 	snop;
	(pc) =	sbr.rel .LBB2_4-.Ltmp4, $1  }
0x3c: {  	_ =	sdelay $0x3  }
.LBB2_6:
0x3d: {  	_ =	sfence.sel $0x180000  }
0x3e: {  	s2 =	simm.s32 $0x2;
	[bflag:$0x0] =	sbarrier.arrive $0xFFFF  }
0x3f: {  	s30 =	simm.s32 $0x3;
	[sflag:s2] =	ssyncpa.u1 $0x1  }
0x40: {  	s31 =	simm.s32 $0x1;
	[sflag:s30] =	ssyncpa.u1 $0x1  }
0x41: {  	[sflag:s31] =	ssyncpa.u1 $0x1  }
0x42: {  	p0 =	sne.s32 s1, $0x0;
	_ =	strace $0x9000004A  }
0x43: {  	s0 =	sadd.s32 @!p0 $0x100000, s0;
	[bflag:$0x2] =	sbarrier.arrive $0xFFFF  }
0x44: {  	[sflag:s0] =	ssyncadd.tile.s32 @!p0 $0x1;
	_ =	shalt  }
.Lfunc_end2:
_tile_overlayer_lowered:
.L_overlay_start_2:
0x45: {  	(tag) =	ssettag $0x2  }
0x46: {  	s0 =	rddreg [dreg:$0x0];
	s2 =	stileid.u32  }
0x47: {  	s1 =	rddreg [dreg:$0x1];
	p0 =	sne.s32 s2, $0x0  }
0x48: {  	s3 =	rddreg [dreg:$0x2];
	[bflag:$0x3] =	sbarrier.arrive $0xFFFF;
	s2 =	simm.s32 @!p0 $0x1C01  }
0x49: {  	[timem:s3], [sflag:s2] =	dma.local @!p0 [hbm:s0], s1  }
0x4a: {  	s0 =	simm.s32 @!p0 $0x1  }
0x4b: {  	_ =	swait.ge @!p0 [sflag:s0], s1  }
0x4c: {  	s1 =	ssub.s32 @!p0 $0x0, s1;
	[sflag:s0] =	ssyncset.done @!p0 $0x0  }
0x4d: {  	[sflag:s0] =	ssyncadd.s32 @!p0 s1  }
0x4e: {  	[bflag:$0x3] =	sbarrier.arrive $0xFFFF  }
0x4f: {  	_ =	shalt  }

// kernel: kernel.10.cloned.1.call-start
scs
__scs_entry_jumppad:
0x0: {  	(pc) =	sbr.rel $0x88, $3  }
0x1: {  	(tag) =	ssettag $0x0;
	lr =	simm.s32 $0x1  }
0x2: {  	[smem:$0x3F73] =	sst lr;
	_ =	strace $0xD0000000  }
0x3: {  	_ = 	snop  }
0x4: {  	_ = 	snop  }
0x5: {  	_ = 	snop  }
0x6: {  	_ = 	snop  }
0x7: {  	_ = 	snop  }
__scs_overlays_trampoline_lowered:
0x8: {  	[smem:$0x3F82] =	sst s0  }
0x9: {  	[smem:$0x3F83] =	sst s1  }
0xa: {  	[smem:$0x3F84] =	sst s2  }
0xb: {  	[smem:$0x3F85] =	sst s3  }
0xc: {  	[smem:$0x3F86] =	sst s4  }
0xd: {  	[smem:$0x3F87] =	sst s5  }
0xe: {  	[smem:$0x3F88] =	sst s6  }
0xf: {  	[smem:$0x3F89] =	sst s7  }
0x10: {  	[smem:$0x3F8A] =	sst s8  }
0x11: {  	[smem:$0x3F8B] =	sst s9;
	s0 =	simm.s32 @!p0 $0x0  }
0x12: {  	s1 =	sld [smem:$0x3F71];
	s0 =	simm.s32 @p0 $0x1  }
0x13: {  	[smem:$0x3F8C] =	sst s0;
	s0 =	simm.s32 @!p1 $0x0  }
0x14: {  	s2 =	sld [smem:$0x3F70];
	s0 =	simm.s32 @p1 $0x1  }
0x15: {  	[smem:$0x3F8D] =	sst s0;
	s0 =	simm.s32 @!p2 $0x0  }
0x16: {  	s3 =	sld [smem:$0x3FDB];
	s0 =	simm.s32 @p2 $0x1  }
0x17: {  	s4 =	simm.s32 $0x1BF5;
	[smem:$0x3F8F] =	sst s0  }
0x18: {  	s0 =	sld [smem:$0x3F72];
	_ =	swait.ge [sflag:s4], $0x0  }
0x19: {  	s7 =	sld [smem:$0x3F73]  }
0x1a: {  	s8 =	sadd.s32 $0xFFFFE003, lr  }
0x1b: {  	s9 =	sadd.s32 $0xFFFFFEF7, lr;
	s5 =	simm.s32 $0xFFFFFFFF;
	p2 =	slt.u32 s8, $0xFFFFF086  }
0x1c: {  	p1 =	slt.u32 s9, $0xF7A;
	s5 =	simm.s32 @!p2 $0x0  }
0x1d: {  	s5 =	simm.s32 @p1 $0x1;
	p0 =	seq.s32 s7, s2  }
0x1e: {  	s7 =	smul.u32 @!p0 $0xF7A, s2;
	p2 =	seq.s32 @!p0 s5, $0x0  }
0x1f: {  	s9 =	smul.u32 $0xF7A, s1;
	s8 =	simm.s32 @!p0 $0x1BF5;
	p2 =	por !p2, p0  }
0x20: {  	[sflag:s8] =	ssyncset.s32 @!p0 $0xFFFFF086;
	s6 =	sadd.s32 @!p0 s3, s7;
	s7 =	simm.s32 @!p0 $0x108  }
0x21: {  	s3 =	sadd.s32 s3, s9;
	s6 =	sadd.s32 @!p0 $0x88, s6;
	s7 =	simm.s32 @p2 $0x1082  }
0x22: {  	[simem:s7], [sflag:s8] =	dma.local @!p0 [hbm:s6], $0xF7A  }
0x23: {  	s9 =	sor.u32 $0xD0000000, s2;
	s6 =	simm.s32 $0x108;
	_ =	swait.ge @!p0 [sflag:s8], $0x0  }
0x24: {  	s3 =	sadd.s32 $0x88, s3;
	s6 =	simm.s32 @!p1 $0x1082;
	[sflag:s4] =	ssyncset.s32 $0xFFFFF086  }
0x25: {  	[simem:s6], [sflag:s4] =	dma.local [hbm:s3], $0xF7A  }
0x26: {  	[smem:$0x3F73] =	sst s1;
	(tag) =	ssettag s2;
	_ =	strace s9  }
0x27: {  	s1 =	sld [smem:$0x3F83]  }
0x28: {  	s2 =	sld [smem:$0x3F84]  }
0x29: {  	s4 =	sld [smem:$0x3F86]  }
0x2a: {  	p0 =	seq.s32 s5, $0x0;
	s5 =	sld [smem:$0x3F87]  }
0x2b: {  	s6 =	sld [smem:$0x3F88]  }
0x2c: {  	s7 =	sld [smem:$0x3F89]  }
0x2d: {  	s3 =	simm.s32 $0x108;
	s8 =	sld [smem:$0x3F8A]  }
0x2e: {  	s3 =	simm.s32 @!p0 $0x1082;
	s9 =	sld [smem:$0x3F8B]  }
0x2f: {  	lr =	sadd.s32 s0, s3;
	s0 =	sld [smem:$0x3F82]  }
0x30: {  	s3 =	sld [smem:$0x3F85]  }
0x31: {  	[smem:$0x3F8E] =	sst s10  }
0x32: {  	s10 =	sld [smem:$0x3F8C];
	_ =	sdelay $0x3  }
0x33: {  	p0 =	seq.s32 s10, $0x1;
	s10 =	sld [smem:$0x3F8E];
	_ =	sdelay $0x3  }
0x34: {  	[smem:$0x3F8E] =	sst s10  }
0x35: {  	s10 =	sld [smem:$0x3F8D];
	_ =	sdelay $0x3  }
0x36: {  	p1 =	seq.s32 s10, $0x1;
	s10 =	sld [smem:$0x3F8E];
	_ =	sdelay $0x3  }
0x37: {  	[smem:$0x3F8E] =	sst s10  }
0x38: {  	s10 =	sld [smem:$0x3F8F]  }
0x39: {  	_ = 	snop;
	(pc) =	sbr.ind lr, $3  }
0x3a: {  	_ = 	snop  }
0x3b: {  	_ = 	snop  }
0x3c: {  	p2 =	seq.s32 s10, $0x1;
	s10 =	sld [smem:$0x3F8E]  }
0x3d: {  	_ =	shalt  }
0x3e: {  	_ =	shalt  }
0x3f: {  	_ =	shalt  }
0x40: {  	_ =	shalt  }
0x41: {  	_ =	shalt  }
0x42: {  	_ =	shalt  }
0x43: {  	_ =	shalt  }
0x44: {  	_ =	shalt  }
0x45: {  	_ =	shalt  }
0x46: {  	_ =	shalt  }
0x47: {  	_ =	shalt  }
0x48: {  	_ =	shalt  }
0x49: {  	_ =	shalt  }
0x4a: {  	_ =	shalt  }
0x4b: {  	_ =	shalt  }
0x4c: {  	_ =	shalt  }
0x4d: {  	_ =	shalt  }
0x4e: {  	_ =	shalt  }
0x4f: {  	_ =	shalt  }
0x50: {  	_ =	shalt  }
0x51: {  	_ =	shalt  }
0x52: {  	_ =	shalt  }
0x53: {  	_ =	shalt  }
0x54: {  	_ =	shalt  }
0x55: {  	_ =	shalt  }
0x56: {  	_ =	shalt  }
0x57: {  	_ =	shalt  }
0x58: {  	_ =	shalt  }
0x59: {  	_ =	shalt  }
0x5a: {  	_ =	shalt  }
0x5b: {  	_ =	shalt  }
0x5c: {  	_ =	shalt  }
0x5d: {  	_ =	shalt  }
0x5e: {  	_ =	shalt  }
0x5f: {  	_ =	shalt  }
0x60: {  	_ =	shalt  }
0x61: {  	_ =	shalt  }
0x62: {  	_ =	shalt  }
0x63: {  	_ =	shalt  }
0x64: {  	_ =	shalt  }
0x65: {  	_ =	shalt  }
0x66: {  	_ =	shalt  }
0x67: {  	_ =	shalt  }
0x68: {  	_ =	shalt  }
0x69: {  	_ =	shalt  }
0x6a: {  	_ =	shalt  }
0x6b: {  	_ =	shalt  }
0x6c: {  	_ =	shalt  }
0x6d: {  	_ =	shalt  }
0x6e: {  	_ =	shalt  }
0x6f: {  	_ =	shalt  }
0x70: {  	_ =	shalt  }
0x71: {  	_ =	shalt  }
0x72: {  	_ =	shalt  }
0x73: {  	_ =	shalt  }
0x74: {  	_ =	shalt  }
0x75: {  	_ =	shalt  }
0x76: {  	_ =	shalt  }
0x77: {  	_ =	shalt  }
0x78: {  	_ =	shalt  }
0x79: {  	_ =	shalt  }
0x7a: {  	_ =	shalt  }
0x7b: {  	_ =	shalt  }
0x7c: {  	_ =	shalt  }
0x7d: {  	_ =	shalt  }
0x7e: {  	_ =	shalt  }
0x7f: {  	_ =	shalt  }
0x80: {  	_ =	shalt  }
0x81: {  	_ =	shalt  }
0x82: {  	_ =	shalt  }
0x83: {  	_ =	shalt  }
0x84: {  	_ =	shalt  }
0x85: {  	_ =	shalt  }
0x86: {  	_ =	shalt  }
0x87: {  	_ =	shalt  }
.Lfunc_end0:
.L_simem_size_0:
called_computation.2_lowered:
.L_overlay_start_0:
0x88: {  	s2 =	sld [smem:$0x3FD9]  }
0x89: {  	s3 =	sld [smem:$0x3FFE];
	_ =	sdelay $0x1  }
0x8a: {  	s1 =	srdreg.scid  }
0x8b: {  	s0 =	sand.u32 $0x1, s1  }
0x8c: {  	s16 =	sshll.u32 s0, $0xA;
	s2 =	sadd.s32 s3, s2  }
0x8d: {  	s2 =	sadd.s32 s2, s16  }
0x8e: {  	[smem:$0x3F9A] =	sst s2  }
0x8f: {  	_ = 	snop  }
0x90: {  	(tm) =	ssettm $0x1  }
0x91: {  	s17 =	sld [smem:$0x3FFB];
	_ =	sdelay $0x3  }
0x92: {  	_ =	strace s17  }
0x93: {  	s2 =	sld [smem:$0x3FFC];
	_ =	sdelay $0x3  }
0x94: {  	_ =	strace s2  }
0x95: {  	s2 =	sld [smem:$0x3FFD];
	_ =	sdelay $0x3  }
0x96: {  	_ =	strace s2  }
0x97: {  	_ =	strace $0x8FFFFFFF  }
0x98: {  	s18 =	sld [smem:$0x3FDB];
	_ =	sdelay $0x1  }
0x99: {  	s19 =	simm.s32 $_scs_section_size  }
0x9a: {  	s4 =	simm.s32 $_size__tile_overlayer_lowered;
	s5 =	simm.s32 $_tile_overlayer_lowered  }
0x9b: {  	s22 =	simm.s32 $0x1BFF;
	s21 =	sshll.u32 s5, $0x1;
	s2 =	sadd.s32 s19, s18  }
0x9c: {  	s6 =	simm.s32 $0x0;
	s20 =	sshll.u32 s4, $0x1;
	s4 =	sadd.s32 s21, s2  }
0x9d: {  	[timem:s6], [sflag:s22] =	dma.local [hbm:s4], s20  }
0x9e: {  	_ =	swait.ge [sflag:s22], s20  }
0x9f: {  	s3 =	ssub.s32 $0x0, s20;
	[sflag:s22] =	ssyncset.done $0x0  }
0xa0: {  	[sflag:s22] =	ssyncadd.s32 s3;
	_ =	sdelay $0x1  }
0xa1: {  	s23 =	simm.s32 $0x1B8B  }
0xa2: {  	_ =	swait.ge [sflag:s23], $0x1  }
0xa3: {  	[sflag:s23] =	ssyncset.done $0x0  }
0xa4: {  	s25 =	simm.s32 $0x1B8E;
	s24 =	sld [smem:$0x3FFE];
	[sflag:s23] =	ssyncadd.s32 $0xFFFFFFFF  }
0xa5: {  	s26 =	simm.s32 $execute0_lowered;
	[smem:$0x3FD2] =	sst s25  }
0xa6: {  	s4 =	sshll.u32 s26, $0x1;
	_ =	strace $0x8000004C;
	[dreg:$0x1] =	wrdreg $0xFFFFFFFF  }
0xa7: {  	s28 =	simm.s32 $_size_execute0_lowered;
	s2 =	sadd.s32 s2, s4;
	[dreg:$0x0] =	wrdreg $0x0  }
0xa8: {  	s4 =	sshll.u32 s28, $0x1;
	[dreg:$0x2] =	wrdreg s2  }
0xa9: {  	[dreg:$0x3] =	wrdreg s4  }
0xaa: {  	[dreg:$0x4] =	wrdreg $0xC0  }
0xab: {  	_ =	task [dreg:s6], $0x5FFFF  }
0xac: {  	[dreg:$0x1] =	wrdreg $0xFFFFFFFF  }
0xad: {  	[dreg:$0x0] =	wrdreg $0x60  }
0xae: {  	[dreg:$0x2] =	wrdreg s24  }
0xaf: {  	[dreg:$0x3] =	wrdreg $0x0  }
0xb0: {  	[dreg:$0x4] =	wrdreg $0x9  }
0xb1: {  	_ =	task.clear_ibuf [dreg:s6], $0x5FFFF;
	_ =	strace $0x9000004C  }
0xb2: {  	s29 =	simm.s32 $0x9;
	_ =	strace $0x8000004E  }
0xb3: {  	_ =	swait.ge [sflag:s29], $0x1  }
0xb4: {  	[sflag:s29] =	ssyncadd.s32 $0xFFFFFFFF  }
0xb5: {  	_ =	strace $0x9000004E  }
0xb6: {  	_ =	sfence  }
0xb7: {  	s30 =	sld [smem:$0x0];
	_ =	sdelay $0x2  }
0xb8: {  	s31 =	sshll.u32 s1, $0xD;
	s1 =	sshrl.u32 s1, $0x2  }
0xb9: {  	s3 =	sand.u32 $0x4000, s31;
	s1 =	sadd.s32 s1, s30  }
0xba: {  	s0 =	sor.u32 s3, s0;
	s1 =	sshll.u32 s1, $0x11  }
0xbb: {  	s0 =	sor.u32 s1, s0  }
0xbc: {  	s0 =	sadd.s32 $0x8F2B, s0  }
0xbd: {  	[sflag:s0] =	ssyncadd.remote.s32 $0x1  }
0xbe: {  	_ =	sfence.sel $0xFFFF  }
0xbf: {  	[dreg:$0x0] =	wrdreg $0xFFFFFFFF;
	(pc) =	sbr.abs _section_cstart, $3  }
0xc0: {  	[dreg:$0x1] =	wrdreg $0xFFFFFFFF  }
0xc1: {  	_ =	task.clear_ibuf [dreg:s6], $0x2FFFF;
	_ =	strace $0x9FFFFFFF  }
0xc2: {  	(tm) =	ssettm $0x7FFFFFFF  }
0xc3: {  	_ =	shalt  }
tec
execute0_lowered:
.L_overlay_start_1:
0x0: {  	(tag) =	ssettag $0x1  }
0x1: {  	s0 =	rddreg [dreg:$0x0]  }
0x2: {  	s1 =	rddreg [dreg:$0x1]  }
0x3: {  	s2 =	simm.s32 $0x0;
	s19 =	stileid.u32;
	s4 =	srdreg.scid  }
0x4: {  	s22 =	simm.s32 $0x186A0;
	s28 =	simm.s32 $0x19190;
	s29 =	simm.s32 $0x1  }
0x5: {  	s30 =	simm.s32 $0x18790;
	[smem:$0x7FF] =	sst s2;
	s3 =	sadd.s32 $0x83B800, s0  }
0x6: {  	s31 =	simm.s32 $0x0;
	s5 =	sadd.s32 $0x80AA00, s0;
	s6 =	sadd.s32 $0x376A00, s0  }
0x7: {  	s7 =	sadd.s32 $0x69600, s0;
	s8 =	sadd.s32 $0x884E00, s0;
	s13 =	smul.u32 $0x18700, s19  }
0x8: {  	s9 =	sadd.s32 $0x86C600, s0;
	s10 =	sadd.s32 $0x38600, s0;
	s14 =	smul.u32 $0x61C00, s19  }
0x9: {  	s4 =	sand.u32 $0x1, s4;
	s17 =	sadd.s32 $0x16E900, s1;
	s25 =	sadd.s32 $0x8CB320, s0  }
0xa: {  	s11 =	sadd.s32 $0x50E00, s0;
	p1 =	seq.s32 s19, $0xF;
	_ =	strace $0x8000004D  }
0xb: {  	s12 =	ssub.s32 $0x2, s4;
	p0 =	seq.s32 s4, $0x1;
	[dreg:$0x4] =	wrdreg s25  }
0xc: {  	s25 =	simm.s32 $0x18740;
	s15 =	sshrl.u32 s13, $0x3;
	s16 =	sshrl.u32 s12, $0x1  }
0xd: {  	s23 =	sshrl.u32 s14, $0x2;
	s14 =	sadd.s32 s13, s1;
	s15 =	sadd.s32 s15, s0  }
0xe: {  	s16 =	ssub.s32 s12, s16;
	s4 =	sadd.s32 s23, s1;
	s12 =	smul.u32 $0xC350, s19  }
.Ltmp0:
0xf: {  	s0 =	sadd.s32 $0x35320, s0;
	s23 =	simm.s32 $0x2;
	(pc) =	sbr.rel .LBB2_1-.Ltmp0, $4  }
0x10: {  	s24 =	sadd.s32 $0x89D600, s15;
	s26 =	sadd.s32 $0x7600, s15;
	[dreg:$0x6] =	wrdreg s0  }
0x11: {  	s18 =	smax.u32 s16, $0x1;
	s0 =	sshll.u32 @!p1 s19, $0x6;
	[dreg:$0x3] =	wrdreg s24  }
0x12: {  	s19 =	sshrl.u32 @p1 s17, $0x3;
	s21 =	sshrl.u32 @!p1 s4, $0x3;
	[dreg:$0x5] =	wrdreg s26  }
0x13: {  	s20 =	sor.u32 @!p1 $0x1C02, s0;
	s24 =	simm.s32 $0x186F0;
	s26 =	simm.s32 $0x50  }
.LBB2_12:
0x14: {  	s31 =	sadd.s32 $0x1, s31  }
0x15: {  	p2 =	sne.s32 s31, s18  }
.Ltmp1:
0x16: {  	_ = 	snop;
	(pc) =	sbr.rel @!p2 .LBB2_13-.Ltmp1, $1  }
0x17: {  	_ =	sdelay $0x3  }
.LBB2_1:
.Ltmp2:
0x18: {  	(pc) =	sbr.rel @!p0 .LBB2_2-.Ltmp2, $2  }
0x19: {  	_ =	sdelay $0x2  }
0x1a: {  	s0 =	sshrl.u32 @!p1 s14, $0x3  }
0x1b: {  	s4 =	simm.s32 @p1 $0x1FC2  }
0x1c: {  	[spmem:s19], [sflag:s4] =	dma.local @p1 [hbm:s11], $0x3020  }
0x1d: {  	s4 =	simm.s32 @p1 $0x2  }
0x1e: {  	_ =	swait.ge @p1 [sflag:s4], $0x3020  }
0x1f: {  	[sflag:s4] =	ssyncset.done @p1 $0x0  }
0x20: {  	[sflag:s4] =	ssyncadd.s32 @p1 $0xFFFFCFE0;
	s4 =	simm.s32 @!p1 $0x2  }
0x21: {  	[spmem:s21], [sflag:s20] =	dma.local @!p1 [hbm:s11], $0x30E0  }
0x22: {  	_ =	swait.ge @!p1 [sflag:s4], $0x30E0  }
0x23: {  	[sflag:s4] =	ssyncset.done @!p1 $0x0  }
0x24: {  	[sflag:s4] =	ssyncadd.s32 @!p1 $0xFFFFCF20  }
0x25: {  	s4 =	simm.s32 $0x0;
	[bflag:$0x0] =	sbarrier.arrive $0xFFFF  }
.LBB2_8:
0x26: {  	s13 =	smul.u32 $0x50, s4;
	_ =	sdelay $0x1  }
0x27: {  	s13 =	sadd.s32 s12, s13  }
0x28: {  	s13 =	sshrl.u32 s13, $0x3  }
0x29: {  	s15 =	sadd.s32 s8, s13  }
0x2a: {  	[tilespmem:s22], [sflag:$0x2] =	stream.linear.gather [hbm4b:s15+s2], $0x50, $0x38;
	[tilespmem:$0x19B90] =	vst v63  }
0x2b: {  	_ =	swait.ge [sflag:s23], $0x50  }
0x2c: {  	[sflag:s23] =	ssyncset.done $0x0  }
0x2d: {  	s17 =	sadd.s32 s9, s13;
	[sflag:s23] =	ssyncadd.s32 $0xFFFFFFB0  }
0x2e: {  	[tilespmem:s24], [sflag:$0x2] =	stream.linear.gather [hbm4b:s17+s2], $0x50, $0x38;
	[tilespmem:$0x19B90] =	vst v63  }
0x2f: {  	_ =	swait.ge [sflag:s23], $0x50  }
0x30: {  	[sflag:s23] =	ssyncset.done $0x0  }
0x31: {  	s13 =	sadd.s32 s10, s13;
	[sflag:s23] =	ssyncadd.s32 $0xFFFFFFB0  }
0x32: {  	[tilespmem:s25], [sflag:$0x2] =	stream.linear.gather [hbm4b:s13+s2], $0x50, $0x38;
	[tilespmem:$0x19B90] =	vst v63  }
0x33: {  	_ =	swait.ge [sflag:s23], $0x50  }
0x34: {  	[sflag:s23] =	ssyncset.done $0x0  }
0x35: {  	[sflag:s23] =	ssyncadd.s32 $0xFFFFFFB0  }
0x36: {  	[tilespmem:s28], [sflag:$0x1] =	stream.indirect.gather [hbm4b:s7+s26], $0x20, s25, s26, $0xb8;
	[tilespmem:$0x19B90] =	vst v63  }
0x37: {  	_ =	swait.ge [sflag:s29], $0xA00  }
0x38: {  	[sflag:s29] =	ssyncset.done $0x0  }
0x39: {  	[sflag:s29] =	ssyncadd.s32 $0xFFFFF600  }
0x3a: {  	[tilespmem:s30], [sflag:$0x1] =	stream.indirect.gather [hbm4b:s5+s26], $0x20, s22, s26, $0xb8;
	[tilespmem:$0x19B90] =	vst v63  }
0x3b: {  	_ =	swait.ge [sflag:s29], $0xA00  }
0x3c: {  	[sflag:s29] =	ssyncset.done $0x0  }
0x3d: {  	s13 =	simm.s32 $0x187D0;
	[sflag:s29] =	ssyncadd.s32 $0xFFFFF600  }
0x3e: {  	s15 =	simm.s32 $0x191D0;
	v0 =	vld [tilespmem:s13+$0xFFFFFFC0]  }
0x3f: {  	v1 =	vld [tilespmem:s15+$0xFFFFFFC0];
	_ =	sdelay $0x4  }
0x40: {  	v0 =	vadd.f32 v1, v0;
	_ =	sdelay $0x1  }
0x41: {  	v0 =	vmax.f32 v0, $0.0e+00  }
0x42: {  	[tilespmem:s13+$0xFFFFFFC0] =	vst v0;
	v0 =	vld [tilespmem:s13+$0xFFFFFFD0]  }
0x43: {  	v1 =	vld [tilespmem:s15+$0xFFFFFFD0];
	_ =	sdelay $0x4  }
0x44: {  	v0 =	vadd.f32 v1, v0;
	_ =	sdelay $0x1  }
0x45: {  	v0 =	vmax.f32 v0, $0.0e+00  }
0x46: {  	[tilespmem:s13+$0xFFFFFFD0] =	vst v0;
	v0 =	vld [tilespmem:s13+$0xFFFFFFE0]  }
0x47: {  	v1 =	vld [tilespmem:s15+$0xFFFFFFE0];
	_ =	sdelay $0x4  }
0x48: {  	v0 =	vadd.f32 v1, v0;
	_ =	sdelay $0x1  }
0x49: {  	v0 =	vmax.f32 v0, $0.0e+00  }
0x4a: {  	[tilespmem:s13+$0xFFFFFFE0] =	vst v0;
	v0 =	vld [tilespmem:s13+$0xFFFFFFF0]  }
0x4b: {  	v1 =	vld [tilespmem:s15+$0xFFFFFFF0];
	_ =	sdelay $0x4  }
0x4c: {  	v0 =	vadd.f32 v1, v0;
	_ =	sdelay $0x1  }
0x4d: {  	v0 =	vmax.f32 v0, $0.0e+00  }
0x4e: {  	[tilespmem:s13+$0xFFFFFFF0] =	vst v0;
	v0 =	vld [tilespmem:s13+$0x0]  }
0x4f: {  	v1 =	vld [tilespmem:s15+$0x0];
	_ =	sdelay $0x4  }
0x50: {  	v0 =	vadd.f32 v1, v0;
	_ =	sdelay $0x1  }
0x51: {  	v0 =	vmax.f32 v0, $0.0e+00  }
0x52: {  	[tilespmem:s13+$0x0] =	vst v0;
	v0 =	vld [tilespmem:s13+$0x10]  }
0x53: {  	v1 =	vld [tilespmem:s15+$0x10];
	_ =	sdelay $0x4  }
0x54: {  	v0 =	vadd.f32 v1, v0;
	_ =	sdelay $0x1  }
0x55: {  	v0 =	vmax.f32 v0, $0.0e+00  }
0x56: {  	[tilespmem:s13+$0x10] =	vst v0;
	v0 =	vld [tilespmem:s13+$0x20]  }
0x57: {  	v1 =	vld [tilespmem:s15+$0x20];
	_ =	sdelay $0x4  }
0x58: {  	v0 =	vadd.f32 v1, v0;
	_ =	sdelay $0x1  }
0x59: {  	v0 =	vmax.f32 v0, $0.0e+00  }
0x5a: {  	[tilespmem:s13+$0x20] =	vst v0;
	v0 =	vld [tilespmem:s13+$0x30]  }
0x5b: {  	v1 =	vld [tilespmem:s15+$0x30];
	_ =	sdelay $0x4  }
0x5c: {  	v0 =	vadd.f32 v1, v0;
	_ =	sdelay $0x1  }
0x5d: {  	s16 =	simm.s32 $0x0;
	s17 =	simm.s32 $0x18850;
	v0 =	vmax.f32 v0, $0.0e+00  }
.LBB2_9:
0x5e: {  	v1 =	vld [tilespmem:s17+$0xFFFFFFC0];
	[tilespmem:s13+$0x30] =	vst v0;
	s15 =	sadd.s32 $0x80, s15;
	s13 =	smov.u32 s17  }
0x5f: {  	s16 =	sadd.s32 $0x4, s16;
	v0 =	vld [tilespmem:s15+$0xFFFFFFC0]  }
0x60: {  	p2 =	slt.u32 s16, $0x4C;
	_ =	sdelay $0x3  }
0x61: {  	v0 =	vadd.f32 v0, v1;
	_ =	sdelay $0x1  }
0x62: {  	v0 =	vmax.f32 v0, $0.0e+00  }
0x63: {  	[tilespmem:s17+$0xFFFFFFC0] =	vst v0;
	v0 =	vld [tilespmem:s17+$0xFFFFFFD0]  }
0x64: {  	v1 =	vld [tilespmem:s15+$0xFFFFFFD0];
	_ =	sdelay $0x4  }
0x65: {  	v0 =	vadd.f32 v1, v0;
	_ =	sdelay $0x1  }
0x66: {  	v0 =	vmax.f32 v0, $0.0e+00  }
0x67: {  	[tilespmem:s17+$0xFFFFFFD0] =	vst v0;
	v0 =	vld [tilespmem:s17+$0xFFFFFFE0]  }
0x68: {  	v1 =	vld [tilespmem:s15+$0xFFFFFFE0];
	_ =	sdelay $0x4  }
0x69: {  	v0 =	vadd.f32 v1, v0;
	_ =	sdelay $0x1  }
0x6a: {  	v0 =	vmax.f32 v0, $0.0e+00  }
0x6b: {  	[tilespmem:s17+$0xFFFFFFE0] =	vst v0;
	v0 =	vld [tilespmem:s17+$0xFFFFFFF0]  }
0x6c: {  	v1 =	vld [tilespmem:s15+$0xFFFFFFF0];
	_ =	sdelay $0x4  }
0x6d: {  	v0 =	vadd.f32 v1, v0;
	_ =	sdelay $0x1  }
0x6e: {  	v0 =	vmax.f32 v0, $0.0e+00  }
0x6f: {  	[tilespmem:s17+$0xFFFFFFF0] =	vst v0;
	v0 =	vld [tilespmem:s17+$0x0]  }
0x70: {  	v1 =	vld [tilespmem:s15+$0x0];
	_ =	sdelay $0x4  }
0x71: {  	v0 =	vadd.f32 v1, v0;
	_ =	sdelay $0x1  }
0x72: {  	v0 =	vmax.f32 v0, $0.0e+00  }
0x73: {  	[tilespmem:s17+$0x0] =	vst v0;
	v0 =	vld [tilespmem:s17+$0x10]  }
0x74: {  	v1 =	vld [tilespmem:s15+$0x10];
	_ =	sdelay $0x4  }
0x75: {  	v0 =	vadd.f32 v1, v0;
	_ =	sdelay $0x1  }
0x76: {  	v0 =	vmax.f32 v0, $0.0e+00  }
0x77: {  	[tilespmem:s17+$0x10] =	vst v0;
	v0 =	vld [tilespmem:s17+$0x20]  }
0x78: {  	v1 =	vld [tilespmem:s15+$0x20];
	_ =	sdelay $0x4  }
0x79: {  	v0 =	vadd.f32 v1, v0;
	_ =	sdelay $0x1  }
0x7a: {  	v0 =	vmax.f32 v0, $0.0e+00  }
0x7b: {  	[tilespmem:s17+$0x20] =	vst v0;
	v0 =	vld [tilespmem:s17+$0x30]  }
0x7c: {  	v1 =	vld [tilespmem:s15+$0x30];
	_ =	sdelay $0x2  }
.Ltmp3:
0x7d: {  	(pc) =	sbr.rel @p2 .LBB2_9-.Ltmp3, $3  }
0x7e: {  	_ = 	snop  }
0x7f: {  	v0 =	vadd.f32 v1, v0;
	_ =	sdelay $0x1  }
0x80: {  	s17 =	sadd.s32 $0x80, s17;
	v0 =	vmax.f32 v0, $0.0e+00  }
0x81: {  	s4 =	sadd.s32 $0x1, s4  }
0x82: {  	p2 =	sne.s32 s4, $0x271  }
.Ltmp4:
0x83: {  	[tilespmem:s13+$0x30] =	vst v0;
	(pc) =	sbr.rel @p2 .LBB2_8-.Ltmp4, $4  }
0x84: {  	[spmem:s1] =	stream.indirect.scatter.add.f32 [tilespmem:s30], [sflag:$0x2], $0x20, s24, s26, $0xb8;
	[tilespmem:$0x19B90] =	vst v63  }
0x85: {  	_ =	swait.ge [sflag:s23], $0xA00  }
0x86: {  	[sflag:s23] =	ssyncset.done $0x0  }
0x87: {  	[sflag:s23] =	ssyncadd.s32 $0xFFFFF600  }
0x88: {  	[bflag:$0x0] =	sbarrier.arrive $0xFFFF  }
0x89: {  	s4 =	simm.s32 @p1 $0x1FC2;
	s13 =	rddreg [dreg:$0x6]  }
0x8a: {  	[hbm:s13], [sflag:s4] =	dma.local @p1 [spmem:s19], $0x3020  }
0x8b: {  	s4 =	simm.s32 @p1 $0x2  }
0x8c: {  	_ =	swait.ge @p1 [sflag:s4], $0x3020  }
0x8d: {  	[sflag:s4] =	ssyncset.done @p1 $0x0  }
0x8e: {  	[sflag:s4] =	ssyncadd.s32 @p1 $0xFFFFCFE0;
	s4 =	rddreg [dreg:$0x5]  }
0x8f: {  	[hbm:s4], [sflag:s20] =	dma.local @!p1 [spmem:s0], $0x30E0  }
.Ltmp5:
0x90: {  	_ = 	snop;
	(pc) =	sbr.rel .LBB2_12-.Ltmp5, $4  }
0x91: {  	s0 =	simm.s32 @!p1 $0x2  }
0x92: {  	_ =	swait.ge @!p1 [sflag:s0], $0x30E0  }
0x93: {  	[sflag:s0] =	ssyncset.done @!p1 $0x0  }
0x94: {  	[sflag:s0] =	ssyncadd.s32 @!p1 $0xFFFFCF20  }
.LBB2_2:
0x95: {  	s4 =	simm.s32 @p1 $0x1FC2  }
0x96: {  	[spmem:s19], [sflag:s4] =	dma.local @p1 [hbm:s11], $0x3020  }
0x97: {  	s4 =	simm.s32 @p1 $0x2  }
0x98: {  	_ =	swait.ge @p1 [sflag:s4], $0x3020  }
0x99: {  	[sflag:s4] =	ssyncset.done @p1 $0x0  }
0x9a: {  	[sflag:s4] =	ssyncadd.s32 @p1 $0xFFFFCFE0;
	s4 =	simm.s32 @!p1 $0x2  }
0x9b: {  	[spmem:s21], [sflag:s20] =	dma.local @!p1 [hbm:s11], $0x30E0  }
0x9c: {  	_ =	swait.ge @!p1 [sflag:s4], $0x30E0  }
0x9d: {  	[sflag:s4] =	ssyncset.done @!p1 $0x0  }
0x9e: {  	[sflag:s4] =	ssyncadd.s32 @!p1 $0xFFFFCF20  }
0x9f: {  	s4 =	simm.s32 $0x0;
	[bflag:$0x0] =	sbarrier.arrive $0xFFFF  }
.LBB2_3:
0xa0: {  	s13 =	smul.u32 $0x50, s4;
	_ =	sdelay $0x1  }
0xa1: {  	s13 =	sadd.s32 s12, s13  }
0xa2: {  	s13 =	sshrl.u32 s13, $0x3  }
0xa3: {  	s15 =	sadd.s32 s8, s13  }
0xa4: {  	[tilespmem:s22], [sflag:$0x2] =	stream.linear.gather [hbm4b:s15+s2], $0x50, $0x38;
	[tilespmem:$0x19B90] =	vst v63  }
0xa5: {  	_ =	swait.ge [sflag:s23], $0x50  }
0xa6: {  	[sflag:s23] =	ssyncset.done $0x0  }
0xa7: {  	s17 =	sadd.s32 s9, s13;
	[sflag:s23] =	ssyncadd.s32 $0xFFFFFFB0  }
0xa8: {  	[tilespmem:s24], [sflag:$0x2] =	stream.linear.gather [hbm4b:s17+s2], $0x50, $0x38;
	[tilespmem:$0x19B90] =	vst v63  }
0xa9: {  	_ =	swait.ge [sflag:s23], $0x50  }
0xaa: {  	[sflag:s23] =	ssyncset.done $0x0  }
0xab: {  	s13 =	sadd.s32 s10, s13;
	[sflag:s23] =	ssyncadd.s32 $0xFFFFFFB0  }
0xac: {  	[tilespmem:s25], [sflag:$0x2] =	stream.linear.gather [hbm4b:s13+s2], $0x50, $0x38;
	[tilespmem:$0x19B90] =	vst v63  }
0xad: {  	_ =	swait.ge [sflag:s23], $0x50  }
0xae: {  	[sflag:s23] =	ssyncset.done $0x0  }
0xaf: {  	[sflag:s23] =	ssyncadd.s32 $0xFFFFFFB0  }
0xb0: {  	[tilespmem:s28], [sflag:$0x1] =	stream.indirect.gather [hbm4b:s6+s26], $0x20, s25, s26, $0xb8;
	[tilespmem:$0x19B90] =	vst v63  }
0xb1: {  	_ =	swait.ge [sflag:s29], $0xA00  }
0xb2: {  	[sflag:s29] =	ssyncset.done $0x0  }
0xb3: {  	[sflag:s29] =	ssyncadd.s32 $0xFFFFF600  }
0xb4: {  	[tilespmem:s30], [sflag:$0x1] =	stream.indirect.gather [hbm4b:s3+s26], $0x20, s22, s26, $0xb8;
	[tilespmem:$0x19B90] =	vst v63  }
0xb5: {  	_ =	swait.ge [sflag:s29], $0xA00  }
0xb6: {  	[sflag:s29] =	ssyncset.done $0x0  }
0xb7: {  	s13 =	simm.s32 $0x187D0;
	[sflag:s29] =	ssyncadd.s32 $0xFFFFF600  }
0xb8: {  	s15 =	simm.s32 $0x191D0;
	v0 =	vld [tilespmem:s13+$0xFFFFFFC0]  }
0xb9: {  	v1 =	vld [tilespmem:s15+$0xFFFFFFC0];
	_ =	sdelay $0x4  }
0xba: {  	v0 =	vadd.f32 v1, v0;
	_ =	sdelay $0x1  }
0xbb: {  	v0 =	vmax.f32 v0, $0.0e+00  }
0xbc: {  	[tilespmem:s13+$0xFFFFFFC0] =	vst v0;
	v0 =	vld [tilespmem:s13+$0xFFFFFFD0]  }
0xbd: {  	v1 =	vld [tilespmem:s15+$0xFFFFFFD0];
	_ =	sdelay $0x4  }
0xbe: {  	v0 =	vadd.f32 v1, v0;
	_ =	sdelay $0x1  }
0xbf: {  	v0 =	vmax.f32 v0, $0.0e+00  }
0xc0: {  	[tilespmem:s13+$0xFFFFFFD0] =	vst v0;
	v0 =	vld [tilespmem:s13+$0xFFFFFFE0]  }
0xc1: {  	v1 =	vld [tilespmem:s15+$0xFFFFFFE0];
	_ =	sdelay $0x4  }
0xc2: {  	v0 =	vadd.f32 v1, v0;
	_ =	sdelay $0x1  }
0xc3: {  	v0 =	vmax.f32 v0, $0.0e+00  }
0xc4: {  	[tilespmem:s13+$0xFFFFFFE0] =	vst v0;
	v0 =	vld [tilespmem:s13+$0xFFFFFFF0]  }
0xc5: {  	v1 =	vld [tilespmem:s15+$0xFFFFFFF0];
	_ =	sdelay $0x4  }
0xc6: {  	v0 =	vadd.f32 v1, v0;
	_ =	sdelay $0x1  }
0xc7: {  	v0 =	vmax.f32 v0, $0.0e+00  }
0xc8: {  	[tilespmem:s13+$0xFFFFFFF0] =	vst v0;
	v0 =	vld [tilespmem:s13+$0x0]  }
0xc9: {  	v1 =	vld [tilespmem:s15+$0x0];
	_ =	sdelay $0x4  }
0xca: {  	v0 =	vadd.f32 v1, v0;
	_ =	sdelay $0x1  }
0xcb: {  	v0 =	vmax.f32 v0, $0.0e+00  }
0xcc: {  	[tilespmem:s13+$0x0] =	vst v0;
	v0 =	vld [tilespmem:s13+$0x10]  }
0xcd: {  	v1 =	vld [tilespmem:s15+$0x10];
	_ =	sdelay $0x4  }
0xce: {  	v0 =	vadd.f32 v1, v0;
	_ =	sdelay $0x1  }
0xcf: {  	v0 =	vmax.f32 v0, $0.0e+00  }
0xd0: {  	[tilespmem:s13+$0x10] =	vst v0;
	v0 =	vld [tilespmem:s13+$0x20]  }
0xd1: {  	v1 =	vld [tilespmem:s15+$0x20];
	_ =	sdelay $0x4  }
0xd2: {  	v0 =	vadd.f32 v1, v0;
	_ =	sdelay $0x1  }
0xd3: {  	v0 =	vmax.f32 v0, $0.0e+00  }
0xd4: {  	[tilespmem:s13+$0x20] =	vst v0;
	v0 =	vld [tilespmem:s13+$0x30]  }
0xd5: {  	v1 =	vld [tilespmem:s15+$0x30];
	_ =	sdelay $0x4  }
0xd6: {  	v0 =	vadd.f32 v1, v0;
	_ =	sdelay $0x1  }
0xd7: {  	s16 =	simm.s32 $0x0;
	s17 =	simm.s32 $0x18850;
	v0 =	vmax.f32 v0, $0.0e+00  }
.LBB2_4:
0xd8: {  	v1 =	vld [tilespmem:s17+$0xFFFFFFC0];
	[tilespmem:s13+$0x30] =	vst v0;
	s15 =	sadd.s32 $0x80, s15;
	s13 =	smov.u32 s17  }
0xd9: {  	s16 =	sadd.s32 $0x4, s16;
	v0 =	vld [tilespmem:s15+$0xFFFFFFC0]  }
0xda: {  	p2 =	slt.u32 s16, $0x4C;
	_ =	sdelay $0x3  }
0xdb: {  	v0 =	vadd.f32 v0, v1;
	_ =	sdelay $0x1  }
0xdc: {  	v0 =	vmax.f32 v0, $0.0e+00  }
0xdd: {  	[tilespmem:s17+$0xFFFFFFC0] =	vst v0;
	v0 =	vld [tilespmem:s17+$0xFFFFFFD0]  }
0xde: {  	v1 =	vld [tilespmem:s15+$0xFFFFFFD0];
	_ =	sdelay $0x4  }
0xdf: {  	v0 =	vadd.f32 v1, v0;
	_ =	sdelay $0x1  }
0xe0: {  	v0 =	vmax.f32 v0, $0.0e+00  }
0xe1: {  	[tilespmem:s17+$0xFFFFFFD0] =	vst v0;
	v0 =	vld [tilespmem:s17+$0xFFFFFFE0]  }
0xe2: {  	v1 =	vld [tilespmem:s15+$0xFFFFFFE0];
	_ =	sdelay $0x4  }
0xe3: {  	v0 =	vadd.f32 v1, v0;
	_ =	sdelay $0x1  }
0xe4: {  	v0 =	vmax.f32 v0, $0.0e+00  }
0xe5: {  	[tilespmem:s17+$0xFFFFFFE0] =	vst v0;
	v0 =	vld [tilespmem:s17+$0xFFFFFFF0]  }
0xe6: {  	v1 =	vld [tilespmem:s15+$0xFFFFFFF0];
	_ =	sdelay $0x4  }
0xe7: {  	v0 =	vadd.f32 v1, v0;
	_ =	sdelay $0x1  }
0xe8: {  	v0 =	vmax.f32 v0, $0.0e+00  }
0xe9: {  	[tilespmem:s17+$0xFFFFFFF0] =	vst v0;
	v0 =	vld [tilespmem:s17+$0x0]  }
0xea: {  	v1 =	vld [tilespmem:s15+$0x0];
	_ =	sdelay $0x4  }
0xeb: {  	v0 =	vadd.f32 v1, v0;
	_ =	sdelay $0x1  }
0xec: {  	v0 =	vmax.f32 v0, $0.0e+00  }
0xed: {  	[tilespmem:s17+$0x0] =	vst v0;
	v0 =	vld [tilespmem:s17+$0x10]  }
0xee: {  	v1 =	vld [tilespmem:s15+$0x10];
	_ =	sdelay $0x4  }
0xef: {  	v0 =	vadd.f32 v1, v0;
	_ =	sdelay $0x1  }
0xf0: {  	v0 =	vmax.f32 v0, $0.0e+00  }
0xf1: {  	[tilespmem:s17+$0x10] =	vst v0;
	v0 =	vld [tilespmem:s17+$0x20]  }
0xf2: {  	v1 =	vld [tilespmem:s15+$0x20];
	_ =	sdelay $0x4  }
0xf3: {  	v0 =	vadd.f32 v1, v0;
	_ =	sdelay $0x1  }
0xf4: {  	v0 =	vmax.f32 v0, $0.0e+00  }
0xf5: {  	[tilespmem:s17+$0x20] =	vst v0;
	v0 =	vld [tilespmem:s17+$0x30]  }
0xf6: {  	v1 =	vld [tilespmem:s15+$0x30];
	_ =	sdelay $0x2  }
.Ltmp6:
0xf7: {  	(pc) =	sbr.rel @p2 .LBB2_4-.Ltmp6, $3  }
0xf8: {  	_ = 	snop  }
0xf9: {  	v0 =	vadd.f32 v1, v0;
	_ =	sdelay $0x1  }
0xfa: {  	s17 =	sadd.s32 $0x80, s17;
	v0 =	vmax.f32 v0, $0.0e+00  }
0xfb: {  	s4 =	sadd.s32 $0x1, s4  }
0xfc: {  	p2 =	sne.s32 s4, $0x271  }
.Ltmp7:
0xfd: {  	[tilespmem:s13+$0x30] =	vst v0;
	(pc) =	sbr.rel @p2 .LBB2_3-.Ltmp7, $4  }
0xfe: {  	[spmem:s1] =	stream.indirect.scatter.add.f32 [tilespmem:s30], [sflag:$0x2], $0x20, s24, s26, $0xb8;
	[tilespmem:$0x19B90] =	vst v63  }
0xff: {  	_ =	swait.ge [sflag:s23], $0xA00  }
0x100: {  	[sflag:s23] =	ssyncset.done $0x0  }
0x101: {  	[sflag:s23] =	ssyncadd.s32 $0xFFFFF600  }
0x102: {  	[bflag:$0x0] =	sbarrier.arrive $0xFFFF  }
0x103: {  	s4 =	simm.s32 @p1 $0x1FC2;
	s13 =	rddreg [dreg:$0x4]  }
0x104: {  	[hbm:s13], [sflag:s4] =	dma.local @p1 [spmem:s19], $0x3020  }
0x105: {  	s4 =	simm.s32 @p1 $0x2  }
0x106: {  	_ =	swait.ge @p1 [sflag:s4], $0x3020  }
0x107: {  	[sflag:s4] =	ssyncset.done @p1 $0x0  }
0x108: {  	[sflag:s4] =	ssyncadd.s32 @p1 $0xFFFFCFE0;
	s4 =	rddreg [dreg:$0x3]  }
0x109: {  	[hbm:s4], [sflag:s20] =	dma.local @!p1 [spmem:s0], $0x30E0  }
.Ltmp8:
0x10a: {  	_ = 	snop;
	(pc) =	sbr.rel .LBB2_12-.Ltmp8, $4  }
0x10b: {  	s0 =	simm.s32 @!p1 $0x2  }
0x10c: {  	_ =	swait.ge @!p1 [sflag:s0], $0x30E0  }
0x10d: {  	[sflag:s0] =	ssyncset.done @!p1 $0x0  }
0x10e: {  	[sflag:s0] =	ssyncadd.s32 @!p1 $0xFFFFCF20  }
.LBB2_13:
0x10f: {  	_ =	sfence.sel $0x180000  }
0x110: {  	[bflag:$0x0] =	sbarrier.arrive $0xFFFF  }
0x111: {  	_ =	strace $0x9000004D  }
0x112: {  	s0 =	stileid.u32;
	[bflag:$0x2] =	sbarrier.arrive $0xFFFF  }
0x113: {  	p0 =	sne.s32 s0, $0x0;
	s0 =	rddreg [dreg:$0x2]  }
0x114: {  	s0 =	sadd.s32 @!p0 $0x100000, s0  }
0x115: {  	[sflag:s0] =	ssyncadd.tile.s32 @!p0 $0x1;
	_ =	shalt  }
.Lfunc_end2:
_tile_overlayer_lowered:
.L_overlay_start_2:
0x116: {  	(tag) =	ssettag $0x2  }
0x117: {  	s0 =	rddreg [dreg:$0x0];
	s2 =	stileid.u32  }
0x118: {  	s1 =	rddreg [dreg:$0x1];
	p0 =	sne.s32 s2, $0x0  }
0x119: {  	s3 =	rddreg [dreg:$0x2];
	[bflag:$0x3] =	sbarrier.arrive $0xFFFF;
	s2 =	simm.s32 @!p0 $0x1C02  }
0x11a: {  	[timem:s3], [sflag:s2] =	dma.local @!p0 [hbm:s0], s1  }
0x11b: {  	s0 =	simm.s32 @!p0 $0x2  }
0x11c: {  	_ =	swait.ge @!p0 [sflag:s0], s1  }
0x11d: {  	s1 =	ssub.s32 @!p0 $0x0, s1;
	[sflag:s0] =	ssyncset.done @!p0 $0x0  }
0x11e: {  	[sflag:s0] =	ssyncadd.s32 @!p0 s1  }
0x11f: {  	[bflag:$0x3] =	sbarrier.arrive $0xFFFF  }
0x120: {  	_ =	shalt  }

// kernel: kernel.13.cloned.1.call-start
scs
__scs_entry_jumppad:
0x0: {  	(pc) =	sbr.rel $0x88, $3  }
0x1: {  	(tag) =	ssettag $0x0;
	lr =	simm.s32 $0x1  }
0x2: {  	[smem:$0x3F73] =	sst lr;
	_ =	strace $0xD0000000  }
0x3: {  	_ = 	snop  }
0x4: {  	_ = 	snop  }
0x5: {  	_ = 	snop  }
0x6: {  	_ = 	snop  }
0x7: {  	_ = 	snop  }
__scs_overlays_trampoline_lowered:
0x8: {  	[smem:$0x3F82] =	sst s0  }
0x9: {  	[smem:$0x3F83] =	sst s1  }
0xa: {  	[smem:$0x3F84] =	sst s2  }
0xb: {  	[smem:$0x3F85] =	sst s3  }
0xc: {  	[smem:$0x3F86] =	sst s4  }
0xd: {  	[smem:$0x3F87] =	sst s5  }
0xe: {  	[smem:$0x3F88] =	sst s6  }
0xf: {  	[smem:$0x3F89] =	sst s7  }
0x10: {  	[smem:$0x3F8A] =	sst s8  }
0x11: {  	[smem:$0x3F8B] =	sst s9;
	s0 =	simm.s32 @!p0 $0x0  }
0x12: {  	s1 =	sld [smem:$0x3F71];
	s0 =	simm.s32 @p0 $0x1  }
0x13: {  	[smem:$0x3F8C] =	sst s0;
	s0 =	simm.s32 @!p1 $0x0  }
0x14: {  	s2 =	sld [smem:$0x3F70];
	s0 =	simm.s32 @p1 $0x1  }
0x15: {  	[smem:$0x3F8D] =	sst s0;
	s0 =	simm.s32 @!p2 $0x0  }
0x16: {  	s3 =	sld [smem:$0x3FDB];
	s0 =	simm.s32 @p2 $0x1  }
0x17: {  	s4 =	simm.s32 $0x1BF5;
	[smem:$0x3F8F] =	sst s0  }
0x18: {  	s0 =	sld [smem:$0x3F72];
	_ =	swait.ge [sflag:s4], $0x0  }
0x19: {  	s7 =	sld [smem:$0x3F73]  }
0x1a: {  	s8 =	sadd.s32 $0xFFFFE003, lr  }
0x1b: {  	s9 =	sadd.s32 $0xFFFFFEF7, lr;
	s5 =	simm.s32 $0xFFFFFFFF;
	p2 =	slt.u32 s8, $0xFFFFF086  }
0x1c: {  	p1 =	slt.u32 s9, $0xF7A;
	s5 =	simm.s32 @!p2 $0x0  }
0x1d: {  	s5 =	simm.s32 @p1 $0x1;
	p0 =	seq.s32 s7, s2  }
0x1e: {  	s7 =	smul.u32 @!p0 $0xF7A, s2;
	p2 =	seq.s32 @!p0 s5, $0x0  }
0x1f: {  	s9 =	smul.u32 $0xF7A, s1;
	s8 =	simm.s32 @!p0 $0x1BF5;
	p2 =	por !p2, p0  }
0x20: {  	[sflag:s8] =	ssyncset.s32 @!p0 $0xFFFFF086;
	s6 =	sadd.s32 @!p0 s3, s7;
	s7 =	simm.s32 @!p0 $0x108  }
0x21: {  	s3 =	sadd.s32 s3, s9;
	s6 =	sadd.s32 @!p0 $0x88, s6;
	s7 =	simm.s32 @p2 $0x1082  }
0x22: {  	[simem:s7], [sflag:s8] =	dma.local @!p0 [hbm:s6], $0xF7A  }
0x23: {  	s9 =	sor.u32 $0xD0000000, s2;
	s6 =	simm.s32 $0x108;
	_ =	swait.ge @!p0 [sflag:s8], $0x0  }
0x24: {  	s3 =	sadd.s32 $0x88, s3;
	s6 =	simm.s32 @!p1 $0x1082;
	[sflag:s4] =	ssyncset.s32 $0xFFFFF086  }
0x25: {  	[simem:s6], [sflag:s4] =	dma.local [hbm:s3], $0xF7A  }
0x26: {  	[smem:$0x3F73] =	sst s1;
	(tag) =	ssettag s2;
	_ =	strace s9  }
0x27: {  	s1 =	sld [smem:$0x3F83]  }
0x28: {  	s2 =	sld [smem:$0x3F84]  }
0x29: {  	s4 =	sld [smem:$0x3F86]  }
0x2a: {  	p0 =	seq.s32 s5, $0x0;
	s5 =	sld [smem:$0x3F87]  }
0x2b: {  	s6 =	sld [smem:$0x3F88]  }
0x2c: {  	s7 =	sld [smem:$0x3F89]  }
0x2d: {  	s3 =	simm.s32 $0x108;
	s8 =	sld [smem:$0x3F8A]  }
0x2e: {  	s3 =	simm.s32 @!p0 $0x1082;
	s9 =	sld [smem:$0x3F8B]  }
0x2f: {  	lr =	sadd.s32 s0, s3;
	s0 =	sld [smem:$0x3F82]  }
0x30: {  	s3 =	sld [smem:$0x3F85]  }
0x31: {  	[smem:$0x3F8E] =	sst s10  }
0x32: {  	s10 =	sld [smem:$0x3F8C];
	_ =	sdelay $0x3  }
0x33: {  	p0 =	seq.s32 s10, $0x1;
	s10 =	sld [smem:$0x3F8E];
	_ =	sdelay $0x3  }
0x34: {  	[smem:$0x3F8E] =	sst s10  }
0x35: {  	s10 =	sld [smem:$0x3F8D];
	_ =	sdelay $0x3  }
0x36: {  	p1 =	seq.s32 s10, $0x1;
	s10 =	sld [smem:$0x3F8E];
	_ =	sdelay $0x3  }
0x37: {  	[smem:$0x3F8E] =	sst s10  }
0x38: {  	s10 =	sld [smem:$0x3F8F]  }
0x39: {  	_ = 	snop;
	(pc) =	sbr.ind lr, $3  }
0x3a: {  	_ = 	snop  }
0x3b: {  	_ = 	snop  }
0x3c: {  	p2 =	seq.s32 s10, $0x1;
	s10 =	sld [smem:$0x3F8E]  }
0x3d: {  	_ =	shalt  }
0x3e: {  	_ =	shalt  }
0x3f: {  	_ =	shalt  }
0x40: {  	_ =	shalt  }
0x41: {  	_ =	shalt  }
0x42: {  	_ =	shalt  }
0x43: {  	_ =	shalt  }
0x44: {  	_ =	shalt  }
0x45: {  	_ =	shalt  }
0x46: {  	_ =	shalt  }
0x47: {  	_ =	shalt  }
0x48: {  	_ =	shalt  }
0x49: {  	_ =	shalt  }
0x4a: {  	_ =	shalt  }
0x4b: {  	_ =	shalt  }
0x4c: {  	_ =	shalt  }
0x4d: {  	_ =	shalt  }
0x4e: {  	_ =	shalt  }
0x4f: {  	_ =	shalt  }
0x50: {  	_ =	shalt  }
0x51: {  	_ =	shalt  }
0x52: {  	_ =	shalt  }
0x53: {  	_ =	shalt  }
0x54: {  	_ =	shalt  }
0x55: {  	_ =	shalt  }
0x56: {  	_ =	shalt  }
0x57: {  	_ =	shalt  }
0x58: {  	_ =	shalt  }
0x59: {  	_ =	shalt  }
0x5a: {  	_ =	shalt  }
0x5b: {  	_ =	shalt  }
0x5c: {  	_ =	shalt  }
0x5d: {  	_ =	shalt  }
0x5e: {  	_ =	shalt  }
0x5f: {  	_ =	shalt  }
0x60: {  	_ =	shalt  }
0x61: {  	_ =	shalt  }
0x62: {  	_ =	shalt  }
0x63: {  	_ =	shalt  }
0x64: {  	_ =	shalt  }
0x65: {  	_ =	shalt  }
0x66: {  	_ =	shalt  }
0x67: {  	_ =	shalt  }
0x68: {  	_ =	shalt  }
0x69: {  	_ =	shalt  }
0x6a: {  	_ =	shalt  }
0x6b: {  	_ =	shalt  }
0x6c: {  	_ =	shalt  }
0x6d: {  	_ =	shalt  }
0x6e: {  	_ =	shalt  }
0x6f: {  	_ =	shalt  }
0x70: {  	_ =	shalt  }
0x71: {  	_ =	shalt  }
0x72: {  	_ =	shalt  }
0x73: {  	_ =	shalt  }
0x74: {  	_ =	shalt  }
0x75: {  	_ =	shalt  }
0x76: {  	_ =	shalt  }
0x77: {  	_ =	shalt  }
0x78: {  	_ =	shalt  }
0x79: {  	_ =	shalt  }
0x7a: {  	_ =	shalt  }
0x7b: {  	_ =	shalt  }
0x7c: {  	_ =	shalt  }
0x7d: {  	_ =	shalt  }
0x7e: {  	_ =	shalt  }
0x7f: {  	_ =	shalt  }
0x80: {  	_ =	shalt  }
0x81: {  	_ =	shalt  }
0x82: {  	_ =	shalt  }
0x83: {  	_ =	shalt  }
0x84: {  	_ =	shalt  }
0x85: {  	_ =	shalt  }
0x86: {  	_ =	shalt  }
0x87: {  	_ =	shalt  }
.Lfunc_end0:
.L_simem_size_0:
called_computation.3_lowered:
.L_overlay_start_0:
0x88: {  	s2 =	sld [smem:$0x3FD9]  }
0x89: {  	s3 =	sld [smem:$0x3FFE];
	_ =	sdelay $0x1  }
0x8a: {  	s1 =	srdreg.scid  }
0x8b: {  	s0 =	sand.u32 $0x1, s1  }
0x8c: {  	s17 =	sshll.u32 s0, $0xA;
	s2 =	sadd.s32 s3, s2  }
0x8d: {  	s2 =	sadd.s32 s2, s17  }
0x8e: {  	[smem:$0x3F9A] =	sst s2  }
0x8f: {  	_ = 	snop  }
0x90: {  	(tm) =	ssettm $0x1  }
0x91: {  	s18 =	sld [smem:$0x3FFB];
	_ =	sdelay $0x3  }
0x92: {  	_ =	strace s18  }
0x93: {  	s2 =	sld [smem:$0x3FFC];
	_ =	sdelay $0x3  }
0x94: {  	_ =	strace s2  }
0x95: {  	s2 =	sld [smem:$0x3FFD];
	_ =	sdelay $0x3  }
0x96: {  	_ =	strace s2  }
0x97: {  	_ =	strace $0x8FFFFFFF  }
0x98: {  	s19 =	sld [smem:$0x3FDB];
	_ =	sdelay $0x1  }
0x99: {  	s20 =	simm.s32 $_scs_section_size  }
0x9a: {  	s4 =	simm.s32 $_size__tile_overlayer_lowered;
	s5 =	simm.s32 $_tile_overlayer_lowered  }
0x9b: {  	s6 =	simm.s32 $0x1BFF;
	s21 =	sshll.u32 s5, $0x1;
	s3 =	sadd.s32 s20, s19  }
0x9c: {  	s22 =	simm.s32 $0x0;
	s4 =	sshll.u32 s4, $0x1;
	s5 =	sadd.s32 s21, s3  }
0x9d: {  	[timem:s22], [sflag:s6] =	dma.local [hbm:s5], s4  }
0x9e: {  	_ =	swait.ge [sflag:s6], s4  }
0x9f: {  	s4 =	ssub.s32 $0x0, s4;
	[sflag:s6] =	ssyncset.done $0x0  }
0xa0: {  	[sflag:s6] =	ssyncadd.s32 s4;
	_ =	sdelay $0x1  }
0xa1: {  	s23 =	simm.s32 $0x1B8B  }
0xa2: {  	_ =	swait.ge [sflag:s23], $0x1  }
0xa3: {  	[sflag:s23] =	ssyncset.done $0x0  }
0xa4: {  	[sflag:s23] =	ssyncadd.s32 $0xFFFFFFFF  }
0xa5: {  	s4 =	sld [smem:$0x0]  }
0xa6: {  	s5 =	sand.u32 $0xFFFFFFFE, s1  }
0xa7: {  	p0 =	sne.s32 s1, s5  }
0xa8: {  	s5 =	sshll.u32 @p0 s5, $0xE  }
0xa9: {  	s5 =	sadd.s32 @p0 $0x11B8D, s5;
	s6 =	sshll.u32 @p0 s4, $0x11  }
0xaa: {  	s5 =	sor.u32 @p0 s6, s5  }
0xab: {  	[sflag:s5] =	ssyncadd.remote.s32 @p0 $0x1;
	_ =	sdelay $0x1  }
0xac: {  	s5 =	simm.s32 @p0 $0x1B8D  }
0xad: {  	_ =	swait.eq @p0 [sflag:s5], $0x1  }
0xae: {  	[sflag:s5] =	ssyncadd.s32 @p0 $0xFFFFFFFF  }
0xaf: {  	s6 =	sshll.u32 @!p0 s1, $0xE  }
0xb0: {  	s6 =	sor.u32 @!p0 $0x4000, s6;
	s5 =	simm.s32 @!p0 $0x1B8D  }
0xb1: {  	s4 =	sshll.u32 @!p0 s4, $0x11;
	s6 =	sadd.s32 @!p0 $0x11B8D, s6;
	_ =	swait.eq @!p0 [sflag:s5], $0x1  }
0xb2: {  	s4 =	sor.u32 @!p0 s4, s6;
	[sflag:s5] =	ssyncadd.s32 @!p0 $0xFFFFFFFF  }
0xb3: {  	s25 =	simm.s32 $0x1B8E;
	s24 =	sld [smem:$0x3FFE];
	[sflag:s4] =	ssyncadd.remote.s32 @!p0 $0x1  }
0xb4: {  	s26 =	simm.s32 $execute0_lowered;
	[smem:$0x3FD2] =	sst s25  }
0xb5: {  	s5 =	sshll.u32 s26, $0x1;
	_ =	strace $0x80000052;
	[dreg:$0x1] =	wrdreg $0xFFFFFFFF  }
0xb6: {  	s28 =	simm.s32 $_size_execute0_lowered;
	s3 =	sadd.s32 s3, s5;
	[dreg:$0x0] =	wrdreg $0x0  }
0xb7: {  	s5 =	sshll.u32 s28, $0x1;
	[dreg:$0x2] =	wrdreg s3  }
0xb8: {  	[dreg:$0x3] =	wrdreg s5  }
0xb9: {  	[dreg:$0x4] =	wrdreg $0xC0  }
0xba: {  	_ =	task [dreg:s22], $0x5FFFF  }
0xbb: {  	[dreg:$0x1] =	wrdreg $0xFFFFFFFF  }
0xbc: {  	[dreg:$0x0] =	wrdreg $0x60  }
0xbd: {  	[dreg:$0x2] =	wrdreg s24  }
0xbe: {  	[dreg:$0x3] =	wrdreg $0x0  }
0xbf: {  	[dreg:$0x4] =	wrdreg $0x9  }
0xc0: {  	_ =	task.clear_ibuf [dreg:s22], $0x5FFFF;
	_ =	strace $0x90000052  }
0xc1: {  	s29 =	simm.s32 $0x9;
	_ =	strace $0x80000054  }
0xc2: {  	_ =	swait.ge [sflag:s29], $0x1  }
0xc3: {  	[sflag:s29] =	ssyncadd.s32 $0xFFFFFFFF  }
0xc4: {  	_ =	strace $0x90000054  }
0xc5: {  	_ =	sfence  }
0xc6: {  	s30 =	sld [smem:$0x0];
	_ =	sdelay $0x2  }
0xc7: {  	s31 =	sshll.u32 s1, $0xD;
	s1 =	sshrl.u32 s1, $0x2  }
0xc8: {  	s4 =	sand.u32 $0x4000, s31;
	s1 =	sadd.s32 s1, s30  }
0xc9: {  	s0 =	sor.u32 s4, s0;
	s1 =	sshll.u32 s1, $0x11  }
0xca: {  	s0 =	sor.u32 s1, s0  }
0xcb: {  	s0 =	sadd.s32 $0x8F2B, s0  }
0xcc: {  	[sflag:s0] =	ssyncadd.remote.s32 $0x1  }
0xcd: {  	_ =	sfence.sel $0xFFFF  }
0xce: {  	[dreg:$0x0] =	wrdreg $0xFFFFFFFF;
	(pc) =	sbr.abs _section_cstart, $3  }
0xcf: {  	[dreg:$0x1] =	wrdreg $0xFFFFFFFF  }
0xd0: {  	_ =	task.clear_ibuf [dreg:s22], $0x2FFFF;
	_ =	strace $0x9FFFFFFF  }
0xd1: {  	(tm) =	ssettm $0x7FFFFFFF  }
tec
execute0_lowered:
.L_overlay_start_1:
0x0: {  	(tag) =	ssettag $0x1  }
0x1: {  	s0 =	rddreg [dreg:$0x0]  }
0x2: {  	s1 =	rddreg [dreg:$0x1]  }
0x3: {  	s2 =	simm.s32 $0x0;
	s19 =	stileid.u32;
	s4 =	srdreg.scid  }
0x4: {  	s22 =	simm.s32 $0x186A0;
	s28 =	simm.s32 $0x19190;
	s29 =	simm.s32 $0x1  }
0x5: {  	s30 =	simm.s32 $0x18790;
	[smem:$0x7FF] =	sst s2;
	s3 =	sadd.s32 $0x960E00, s0  }
0x6: {  	s5 =	sadd.s32 $0x930000, s0;
	s6 =	sadd.s32 $0x376A00, s0;
	s7 =	sadd.s32 $0x69600, s0  }
0x7: {  	s31 =	simm.s32 $0x0;
	s8 =	sadd.s32 $0x884E00, s0;
	s9 =	sadd.s32 $0x86C600, s0  }
0x8: {  	s13 =	smul.u32 $0x18700, s19;
	s4 =	sand.u32 $0x1, s4;
	s10 =	sadd.s32 $0x38600, s0  }
0x9: {  	s11 =	sadd.s32 $0x50E00, s0;
	s16 =	smul.u32 $0x61C00, s19;
	s25 =	sadd.s32 $0x9F0720, s0  }
0xa: {  	p1 =	seq.s32 s19, $0xF;
	_ =	strace $0x80000053;
	s12 =	ssub.s32 $0x2, s4  }
0xb: {  	p0 =	seq.s32 s4, $0x1;
	[dreg:$0x4] =	wrdreg s25;
	s25 =	simm.s32 $0x18740  }
0xc: {  	s14 =	sshrl.u32 s13, $0x3;
	s15 =	sshrl.u32 s12, $0x1;
	s23 =	sshrl.u32 s16, $0x2  }
0xd: {  	s16 =	sadd.s32 $0x16E900, s1;
	s14 =	sadd.s32 s14, s0;
	s17 =	ssub.s32 s12, s15  }
0xe: {  	s12 =	smul.u32 $0xC350, s19;
	s4 =	sadd.s32 s23, s1;
	s15 =	sadd.s32 s13, s1  }
.Ltmp0:
0xf: {  	s0 =	sadd.s32 $0x9BF920, s0;
	s23 =	simm.s32 $0x2;
	(pc) =	sbr.rel .LBB2_1-.Ltmp0, $4  }
0x10: {  	s24 =	sadd.s32 $0x9C2A00, s14;
	s26 =	sadd.s32 $0x991C00, s14;
	[dreg:$0x6] =	wrdreg s0  }
0x11: {  	s18 =	smax.u32 s17, $0x1;
	s0 =	sshll.u32 @!p1 s19, $0x6;
	[dreg:$0x3] =	wrdreg s24  }
0x12: {  	s19 =	sshrl.u32 @p1 s16, $0x3;
	s21 =	sshrl.u32 @!p1 s4, $0x3;
	[dreg:$0x5] =	wrdreg s26  }
0x13: {  	s20 =	sor.u32 @!p1 $0x1C02, s0;
	s24 =	simm.s32 $0x186F0;
	s26 =	simm.s32 $0x50  }
.LBB2_12:
0x14: {  	s31 =	sadd.s32 $0x1, s31  }
0x15: {  	p2 =	sne.s32 s31, s18  }
.Ltmp1:
0x16: {  	_ = 	snop;
	(pc) =	sbr.rel @!p2 .LBB2_13-.Ltmp1, $1  }
0x17: {  	_ =	sdelay $0x3  }
.LBB2_1:
.Ltmp2:
0x18: {  	(pc) =	sbr.rel @!p0 .LBB2_2-.Ltmp2, $2  }
0x19: {  	_ =	sdelay $0x2  }
0x1a: {  	s0 =	sshrl.u32 @!p1 s15, $0x3  }
0x1b: {  	s4 =	simm.s32 @p1 $0x1FC2  }
0x1c: {  	[spmem:s19], [sflag:s4] =	dma.local @p1 [hbm:s11], $0x3020  }
0x1d: {  	s4 =	simm.s32 @p1 $0x2  }
0x1e: {  	_ =	swait.ge @p1 [sflag:s4], $0x3020  }
0x1f: {  	[sflag:s4] =	ssyncset.done @p1 $0x0  }
0x20: {  	[sflag:s4] =	ssyncadd.s32 @p1 $0xFFFFCFE0;
	s4 =	simm.s32 @!p1 $0x2  }
0x21: {  	[spmem:s21], [sflag:s20] =	dma.local @!p1 [hbm:s11], $0x30E0  }
0x22: {  	_ =	swait.ge @!p1 [sflag:s4], $0x30E0  }
0x23: {  	[sflag:s4] =	ssyncset.done @!p1 $0x0  }
0x24: {  	[sflag:s4] =	ssyncadd.s32 @!p1 $0xFFFFCF20  }
0x25: {  	s4 =	simm.s32 $0x0;
	[bflag:$0x0] =	sbarrier.arrive $0xFFFF  }
.LBB2_8:
0x26: {  	s13 =	smul.u32 $0x50, s4;
	_ =	sdelay $0x1  }
0x27: {  	s13 =	sadd.s32 s12, s13  }
0x28: {  	s13 =	sshrl.u32 s13, $0x3  }
0x29: {  	s14 =	sadd.s32 s8, s13  }
0x2a: {  	[tilespmem:s22], [sflag:$0x2] =	stream.linear.gather [hbm4b:s14+s2], $0x50, $0x38;
	[tilespmem:$0x19B90] =	vst v63  }
0x2b: {  	_ =	swait.ge [sflag:s23], $0x50  }
0x2c: {  	[sflag:s23] =	ssyncset.done $0x0  }
0x2d: {  	s17 =	sadd.s32 s9, s13;
	[sflag:s23] =	ssyncadd.s32 $0xFFFFFFB0  }
0x2e: {  	[tilespmem:s24], [sflag:$0x2] =	stream.linear.gather [hbm4b:s17+s2], $0x50, $0x38;
	[tilespmem:$0x19B90] =	vst v63  }
0x2f: {  	_ =	swait.ge [sflag:s23], $0x50  }
0x30: {  	[sflag:s23] =	ssyncset.done $0x0  }
0x31: {  	s13 =	sadd.s32 s10, s13;
	[sflag:s23] =	ssyncadd.s32 $0xFFFFFFB0  }
0x32: {  	[tilespmem:s25], [sflag:$0x2] =	stream.linear.gather [hbm4b:s13+s2], $0x50, $0x38;
	[tilespmem:$0x19B90] =	vst v63  }
0x33: {  	_ =	swait.ge [sflag:s23], $0x50  }
0x34: {  	[sflag:s23] =	ssyncset.done $0x0  }
0x35: {  	[sflag:s23] =	ssyncadd.s32 $0xFFFFFFB0  }
0x36: {  	[tilespmem:s28], [sflag:$0x1] =	stream.indirect.gather [hbm4b:s7+s26], $0x20, s25, s26, $0xb8;
	[tilespmem:$0x19B90] =	vst v63  }
0x37: {  	_ =	swait.ge [sflag:s29], $0xA00  }
0x38: {  	[sflag:s29] =	ssyncset.done $0x0  }
0x39: {  	[sflag:s29] =	ssyncadd.s32 $0xFFFFF600  }
0x3a: {  	[tilespmem:s30], [sflag:$0x1] =	stream.indirect.gather [hbm4b:s5+s26], $0x20, s22, s26, $0xb8;
	[tilespmem:$0x19B90] =	vst v63  }
0x3b: {  	_ =	swait.ge [sflag:s29], $0xA00  }
0x3c: {  	[sflag:s29] =	ssyncset.done $0x0  }
0x3d: {  	s13 =	simm.s32 $0x187D0;
	[sflag:s29] =	ssyncadd.s32 $0xFFFFF600  }
0x3e: {  	s14 =	simm.s32 $0x191D0;
	v0 =	vld [tilespmem:s13+$0xFFFFFFC0]  }
0x3f: {  	v1 =	vld [tilespmem:s14+$0xFFFFFFC0];
	_ =	sdelay $0x4  }
0x40: {  	v0 =	vadd.f32 v1, v0;
	_ =	sdelay $0x1  }
0x41: {  	v0 =	vmax.f32 v0, $0.0e+00  }
0x42: {  	[tilespmem:s13+$0xFFFFFFC0] =	vst v0;
	v0 =	vld [tilespmem:s13+$0xFFFFFFD0]  }
0x43: {  	v1 =	vld [tilespmem:s14+$0xFFFFFFD0];
	_ =	sdelay $0x4  }
0x44: {  	v0 =	vadd.f32 v1, v0;
	_ =	sdelay $0x1  }
0x45: {  	v0 =	vmax.f32 v0, $0.0e+00  }
0x46: {  	[tilespmem:s13+$0xFFFFFFD0] =	vst v0;
	v0 =	vld [tilespmem:s13+$0xFFFFFFE0]  }
0x47: {  	v1 =	vld [tilespmem:s14+$0xFFFFFFE0];
	_ =	sdelay $0x4  }
0x48: {  	v0 =	vadd.f32 v1, v0;
	_ =	sdelay $0x1  }
0x49: {  	v0 =	vmax.f32 v0, $0.0e+00  }
0x4a: {  	[tilespmem:s13+$0xFFFFFFE0] =	vst v0;
	v0 =	vld [tilespmem:s13+$0xFFFFFFF0]  }
0x4b: {  	v1 =	vld [tilespmem:s14+$0xFFFFFFF0];
	_ =	sdelay $0x4  }
0x4c: {  	v0 =	vadd.f32 v1, v0;
	_ =	sdelay $0x1  }
0x4d: {  	v0 =	vmax.f32 v0, $0.0e+00  }
0x4e: {  	[tilespmem:s13+$0xFFFFFFF0] =	vst v0;
	v0 =	vld [tilespmem:s13+$0x0]  }
0x4f: {  	v1 =	vld [tilespmem:s14+$0x0];
	_ =	sdelay $0x4  }
0x50: {  	v0 =	vadd.f32 v1, v0;
	_ =	sdelay $0x1  }
0x51: {  	v0 =	vmax.f32 v0, $0.0e+00  }
0x52: {  	[tilespmem:s13+$0x0] =	vst v0;
	v0 =	vld [tilespmem:s13+$0x10]  }
0x53: {  	v1 =	vld [tilespmem:s14+$0x10];
	_ =	sdelay $0x4  }
0x54: {  	v0 =	vadd.f32 v1, v0;
	_ =	sdelay $0x1  }
0x55: {  	v0 =	vmax.f32 v0, $0.0e+00  }
0x56: {  	[tilespmem:s13+$0x10] =	vst v0;
	v0 =	vld [tilespmem:s13+$0x20]  }
0x57: {  	v1 =	vld [tilespmem:s14+$0x20];
	_ =	sdelay $0x4  }
0x58: {  	v0 =	vadd.f32 v1, v0;
	_ =	sdelay $0x1  }
0x59: {  	v0 =	vmax.f32 v0, $0.0e+00  }
0x5a: {  	[tilespmem:s13+$0x20] =	vst v0;
	v0 =	vld [tilespmem:s13+$0x30]  }
0x5b: {  	v1 =	vld [tilespmem:s14+$0x30];
	_ =	sdelay $0x4  }
0x5c: {  	v0 =	vadd.f32 v1, v0;
	_ =	sdelay $0x1  }
0x5d: {  	s16 =	simm.s32 $0x0;
	s17 =	simm.s32 $0x18850;
	v0 =	vmax.f32 v0, $0.0e+00  }
.LBB2_9:
0x5e: {  	v1 =	vld [tilespmem:s17+$0xFFFFFFC0];
	[tilespmem:s13+$0x30] =	vst v0;
	s14 =	sadd.s32 $0x80, s14;
	s13 =	smov.u32 s17  }
0x5f: {  	s16 =	sadd.s32 $0x4, s16;
	v0 =	vld [tilespmem:s14+$0xFFFFFFC0]  }
0x60: {  	p2 =	slt.u32 s16, $0x4C;
	_ =	sdelay $0x3  }
0x61: {  	v0 =	vadd.f32 v0, v1;
	_ =	sdelay $0x1  }
0x62: {  	v0 =	vmax.f32 v0, $0.0e+00  }
0x63: {  	[tilespmem:s17+$0xFFFFFFC0] =	vst v0;
	v0 =	vld [tilespmem:s17+$0xFFFFFFD0]  }
0x64: {  	v1 =	vld [tilespmem:s14+$0xFFFFFFD0];
	_ =	sdelay $0x4  }
0x65: {  	v0 =	vadd.f32 v1, v0;
	_ =	sdelay $0x1  }
0x66: {  	v0 =	vmax.f32 v0, $0.0e+00  }
0x67: {  	[tilespmem:s17+$0xFFFFFFD0] =	vst v0;
	v0 =	vld [tilespmem:s17+$0xFFFFFFE0]  }
0x68: {  	v1 =	vld [tilespmem:s14+$0xFFFFFFE0];
	_ =	sdelay $0x4  }
0x69: {  	v0 =	vadd.f32 v1, v0;
	_ =	sdelay $0x1  }
0x6a: {  	v0 =	vmax.f32 v0, $0.0e+00  }
0x6b: {  	[tilespmem:s17+$0xFFFFFFE0] =	vst v0;
	v0 =	vld [tilespmem:s17+$0xFFFFFFF0]  }
0x6c: {  	v1 =	vld [tilespmem:s14+$0xFFFFFFF0];
	_ =	sdelay $0x4  }
0x6d: {  	v0 =	vadd.f32 v1, v0;
	_ =	sdelay $0x1  }
0x6e: {  	v0 =	vmax.f32 v0, $0.0e+00  }
0x6f: {  	[tilespmem:s17+$0xFFFFFFF0] =	vst v0;
	v0 =	vld [tilespmem:s17+$0x0]  }
0x70: {  	v1 =	vld [tilespmem:s14+$0x0];
	_ =	sdelay $0x4  }
0x71: {  	v0 =	vadd.f32 v1, v0;
	_ =	sdelay $0x1  }
0x72: {  	v0 =	vmax.f32 v0, $0.0e+00  }
0x73: {  	[tilespmem:s17+$0x0] =	vst v0;
	v0 =	vld [tilespmem:s17+$0x10]  }
0x74: {  	v1 =	vld [tilespmem:s14+$0x10];
	_ =	sdelay $0x4  }
0x75: {  	v0 =	vadd.f32 v1, v0;
	_ =	sdelay $0x1  }
0x76: {  	v0 =	vmax.f32 v0, $0.0e+00  }
0x77: {  	[tilespmem:s17+$0x10] =	vst v0;
	v0 =	vld [tilespmem:s17+$0x20]  }
0x78: {  	v1 =	vld [tilespmem:s14+$0x20];
	_ =	sdelay $0x4  }
0x79: {  	v0 =	vadd.f32 v1, v0;
	_ =	sdelay $0x1  }
0x7a: {  	v0 =	vmax.f32 v0, $0.0e+00  }
0x7b: {  	[tilespmem:s17+$0x20] =	vst v0;
	v0 =	vld [tilespmem:s17+$0x30]  }
0x7c: {  	v1 =	vld [tilespmem:s14+$0x30];
	_ =	sdelay $0x2  }
.Ltmp3:
0x7d: {  	(pc) =	sbr.rel @p2 .LBB2_9-.Ltmp3, $3  }
0x7e: {  	_ = 	snop  }
0x7f: {  	v0 =	vadd.f32 v1, v0;
	_ =	sdelay $0x1  }
0x80: {  	s17 =	sadd.s32 $0x80, s17;
	v0 =	vmax.f32 v0, $0.0e+00  }
0x81: {  	s4 =	sadd.s32 $0x1, s4  }
0x82: {  	p2 =	sne.s32 s4, $0x271  }
.Ltmp4:
0x83: {  	[tilespmem:s13+$0x30] =	vst v0;
	(pc) =	sbr.rel @p2 .LBB2_8-.Ltmp4, $4  }
0x84: {  	[spmem:s1] =	stream.indirect.scatter.add.f32 [tilespmem:s30], [sflag:$0x2], $0x20, s24, s26, $0xb8;
	[tilespmem:$0x19B90] =	vst v63  }
0x85: {  	_ =	swait.ge [sflag:s23], $0xA00  }
0x86: {  	[sflag:s23] =	ssyncset.done $0x0  }
0x87: {  	[sflag:s23] =	ssyncadd.s32 $0xFFFFF600  }
0x88: {  	[bflag:$0x0] =	sbarrier.arrive $0xFFFF  }
0x89: {  	s4 =	simm.s32 @p1 $0x1FC2;
	s13 =	rddreg [dreg:$0x6]  }
0x8a: {  	[hbm:s13], [sflag:s4] =	dma.local @p1 [spmem:s19], $0x3020  }
0x8b: {  	s4 =	simm.s32 @p1 $0x2  }
0x8c: {  	_ =	swait.ge @p1 [sflag:s4], $0x3020  }
0x8d: {  	[sflag:s4] =	ssyncset.done @p1 $0x0  }
0x8e: {  	[sflag:s4] =	ssyncadd.s32 @p1 $0xFFFFCFE0;
	s4 =	rddreg [dreg:$0x5]  }
0x8f: {  	[hbm:s4], [sflag:s20] =	dma.local @!p1 [spmem:s0], $0x30E0  }
.Ltmp5:
0x90: {  	_ = 	snop;
	(pc) =	sbr.rel .LBB2_12-.Ltmp5, $4  }
0x91: {  	s0 =	simm.s32 @!p1 $0x2  }
0x92: {  	_ =	swait.ge @!p1 [sflag:s0], $0x30E0  }
0x93: {  	[sflag:s0] =	ssyncset.done @!p1 $0x0  }
0x94: {  	[sflag:s0] =	ssyncadd.s32 @!p1 $0xFFFFCF20  }
.LBB2_2:
0x95: {  	s4 =	simm.s32 @p1 $0x1FC2  }
0x96: {  	[spmem:s19], [sflag:s4] =	dma.local @p1 [hbm:s11], $0x3020  }
0x97: {  	s4 =	simm.s32 @p1 $0x2  }
0x98: {  	_ =	swait.ge @p1 [sflag:s4], $0x3020  }
0x99: {  	[sflag:s4] =	ssyncset.done @p1 $0x0  }
0x9a: {  	[sflag:s4] =	ssyncadd.s32 @p1 $0xFFFFCFE0;
	s4 =	simm.s32 @!p1 $0x2  }
0x9b: {  	[spmem:s21], [sflag:s20] =	dma.local @!p1 [hbm:s11], $0x30E0  }
0x9c: {  	_ =	swait.ge @!p1 [sflag:s4], $0x30E0  }
0x9d: {  	[sflag:s4] =	ssyncset.done @!p1 $0x0  }
0x9e: {  	[sflag:s4] =	ssyncadd.s32 @!p1 $0xFFFFCF20  }
0x9f: {  	s4 =	simm.s32 $0x0;
	[bflag:$0x0] =	sbarrier.arrive $0xFFFF  }
.LBB2_3:
0xa0: {  	s13 =	smul.u32 $0x50, s4;
	_ =	sdelay $0x1  }
0xa1: {  	s13 =	sadd.s32 s12, s13  }
0xa2: {  	s13 =	sshrl.u32 s13, $0x3  }
0xa3: {  	s14 =	sadd.s32 s8, s13  }
0xa4: {  	[tilespmem:s22], [sflag:$0x2] =	stream.linear.gather [hbm4b:s14+s2], $0x50, $0x38;
	[tilespmem:$0x19B90] =	vst v63  }
0xa5: {  	_ =	swait.ge [sflag:s23], $0x50  }
0xa6: {  	[sflag:s23] =	ssyncset.done $0x0  }
0xa7: {  	s17 =	sadd.s32 s9, s13;
	[sflag:s23] =	ssyncadd.s32 $0xFFFFFFB0  }
0xa8: {  	[tilespmem:s24], [sflag:$0x2] =	stream.linear.gather [hbm4b:s17+s2], $0x50, $0x38;
	[tilespmem:$0x19B90] =	vst v63  }
0xa9: {  	_ =	swait.ge [sflag:s23], $0x50  }
0xaa: {  	[sflag:s23] =	ssyncset.done $0x0  }
0xab: {  	s13 =	sadd.s32 s10, s13;
	[sflag:s23] =	ssyncadd.s32 $0xFFFFFFB0  }
0xac: {  	[tilespmem:s25], [sflag:$0x2] =	stream.linear.gather [hbm4b:s13+s2], $0x50, $0x38;
	[tilespmem:$0x19B90] =	vst v63  }
0xad: {  	_ =	swait.ge [sflag:s23], $0x50  }
0xae: {  	[sflag:s23] =	ssyncset.done $0x0  }
0xaf: {  	[sflag:s23] =	ssyncadd.s32 $0xFFFFFFB0  }
0xb0: {  	[tilespmem:s28], [sflag:$0x1] =	stream.indirect.gather [hbm4b:s6+s26], $0x20, s25, s26, $0xb8;
	[tilespmem:$0x19B90] =	vst v63  }
0xb1: {  	_ =	swait.ge [sflag:s29], $0xA00  }
0xb2: {  	[sflag:s29] =	ssyncset.done $0x0  }
0xb3: {  	[sflag:s29] =	ssyncadd.s32 $0xFFFFF600  }
0xb4: {  	[tilespmem:s30], [sflag:$0x1] =	stream.indirect.gather [hbm4b:s3+s26], $0x20, s22, s26, $0xb8;
	[tilespmem:$0x19B90] =	vst v63  }
0xb5: {  	_ =	swait.ge [sflag:s29], $0xA00  }
0xb6: {  	[sflag:s29] =	ssyncset.done $0x0  }
0xb7: {  	s13 =	simm.s32 $0x187D0;
	[sflag:s29] =	ssyncadd.s32 $0xFFFFF600  }
0xb8: {  	s14 =	simm.s32 $0x191D0;
	v0 =	vld [tilespmem:s13+$0xFFFFFFC0]  }
0xb9: {  	v1 =	vld [tilespmem:s14+$0xFFFFFFC0];
	_ =	sdelay $0x4  }
0xba: {  	v0 =	vadd.f32 v1, v0;
	_ =	sdelay $0x1  }
0xbb: {  	v0 =	vmax.f32 v0, $0.0e+00  }
0xbc: {  	[tilespmem:s13+$0xFFFFFFC0] =	vst v0;
	v0 =	vld [tilespmem:s13+$0xFFFFFFD0]  }
0xbd: {  	v1 =	vld [tilespmem:s14+$0xFFFFFFD0];
	_ =	sdelay $0x4  }
0xbe: {  	v0 =	vadd.f32 v1, v0;
	_ =	sdelay $0x1  }
0xbf: {  	v0 =	vmax.f32 v0, $0.0e+00  }
0xc0: {  	[tilespmem:s13+$0xFFFFFFD0] =	vst v0;
	v0 =	vld [tilespmem:s13+$0xFFFFFFE0]  }
0xc1: {  	v1 =	vld [tilespmem:s14+$0xFFFFFFE0];
	_ =	sdelay $0x4  }
0xc2: {  	v0 =	vadd.f32 v1, v0;
	_ =	sdelay $0x1  }
0xc3: {  	v0 =	vmax.f32 v0, $0.0e+00  }
0xc4: {  	[tilespmem:s13+$0xFFFFFFE0] =	vst v0;
	v0 =	vld [tilespmem:s13+$0xFFFFFFF0]  }
0xc5: {  	v1 =	vld [tilespmem:s14+$0xFFFFFFF0];
	_ =	sdelay $0x4  }
0xc6: {  	v0 =	vadd.f32 v1, v0;
	_ =	sdelay $0x1  }
0xc7: {  	v0 =	vmax.f32 v0, $0.0e+00  }
0xc8: {  	[tilespmem:s13+$0xFFFFFFF0] =	vst v0;
	v0 =	vld [tilespmem:s13+$0x0]  }
0xc9: {  	v1 =	vld [tilespmem:s14+$0x0];
	_ =	sdelay $0x4  }
0xca: {  	v0 =	vadd.f32 v1, v0;
	_ =	sdelay $0x1  }
0xcb: {  	v0 =	vmax.f32 v0, $0.0e+00  }
0xcc: {  	[tilespmem:s13+$0x0] =	vst v0;
	v0 =	vld [tilespmem:s13+$0x10]  }
0xcd: {  	v1 =	vld [tilespmem:s14+$0x10];
	_ =	sdelay $0x4  }
0xce: {  	v0 =	vadd.f32 v1, v0;
	_ =	sdelay $0x1  }
0xcf: {  	v0 =	vmax.f32 v0, $0.0e+00  }
0xd0: {  	[tilespmem:s13+$0x10] =	vst v0;
	v0 =	vld [tilespmem:s13+$0x20]  }
0xd1: {  	v1 =	vld [tilespmem:s14+$0x20];
	_ =	sdelay $0x4  }
0xd2: {  	v0 =	vadd.f32 v1, v0;
	_ =	sdelay $0x1  }
0xd3: {  	v0 =	vmax.f32 v0, $0.0e+00  }
0xd4: {  	[tilespmem:s13+$0x20] =	vst v0;
	v0 =	vld [tilespmem:s13+$0x30]  }
0xd5: {  	v1 =	vld [tilespmem:s14+$0x30];
	_ =	sdelay $0x4  }
0xd6: {  	v0 =	vadd.f32 v1, v0;
	_ =	sdelay $0x1  }
0xd7: {  	s16 =	simm.s32 $0x0;
	s17 =	simm.s32 $0x18850;
	v0 =	vmax.f32 v0, $0.0e+00  }
.LBB2_4:
0xd8: {  	v1 =	vld [tilespmem:s17+$0xFFFFFFC0];
	[tilespmem:s13+$0x30] =	vst v0;
	s14 =	sadd.s32 $0x80, s14;
	s13 =	smov.u32 s17  }
0xd9: {  	s16 =	sadd.s32 $0x4, s16;
	v0 =	vld [tilespmem:s14+$0xFFFFFFC0]  }
0xda: {  	p2 =	slt.u32 s16, $0x4C;
	_ =	sdelay $0x3  }
0xdb: {  	v0 =	vadd.f32 v0, v1;
	_ =	sdelay $0x1  }
0xdc: {  	v0 =	vmax.f32 v0, $0.0e+00  }
0xdd: {  	[tilespmem:s17+$0xFFFFFFC0] =	vst v0;
	v0 =	vld [tilespmem:s17+$0xFFFFFFD0]  }
0xde: {  	v1 =	vld [tilespmem:s14+$0xFFFFFFD0];
	_ =	sdelay $0x4  }
0xdf: {  	v0 =	vadd.f32 v1, v0;
	_ =	sdelay $0x1  }
0xe0: {  	v0 =	vmax.f32 v0, $0.0e+00  }
0xe1: {  	[tilespmem:s17+$0xFFFFFFD0] =	vst v0;
	v0 =	vld [tilespmem:s17+$0xFFFFFFE0]  }
0xe2: {  	v1 =	vld [tilespmem:s14+$0xFFFFFFE0];
	_ =	sdelay $0x4  }
0xe3: {  	v0 =	vadd.f32 v1, v0;
	_ =	sdelay $0x1  }
0xe4: {  	v0 =	vmax.f32 v0, $0.0e+00  }
0xe5: {  	[tilespmem:s17+$0xFFFFFFE0] =	vst v0;
	v0 =	vld [tilespmem:s17+$0xFFFFFFF0]  }
0xe6: {  	v1 =	vld [tilespmem:s14+$0xFFFFFFF0];
	_ =	sdelay $0x4  }
0xe7: {  	v0 =	vadd.f32 v1, v0;
	_ =	sdelay $0x1  }
0xe8: {  	v0 =	vmax.f32 v0, $0.0e+00  }
0xe9: {  	[tilespmem:s17+$0xFFFFFFF0] =	vst v0;
	v0 =	vld [tilespmem:s17+$0x0]  }
0xea: {  	v1 =	vld [tilespmem:s14+$0x0];
	_ =	sdelay $0x4  }
0xeb: {  	v0 =	vadd.f32 v1, v0;
	_ =	sdelay $0x1  }
0xec: {  	v0 =	vmax.f32 v0, $0.0e+00  }
0xed: {  	[tilespmem:s17+$0x0] =	vst v0;
	v0 =	vld [tilespmem:s17+$0x10]  }
0xee: {  	v1 =	vld [tilespmem:s14+$0x10];
	_ =	sdelay $0x4  }
0xef: {  	v0 =	vadd.f32 v1, v0;
	_ =	sdelay $0x1  }
0xf0: {  	v0 =	vmax.f32 v0, $0.0e+00  }
0xf1: {  	[tilespmem:s17+$0x10] =	vst v0;
	v0 =	vld [tilespmem:s17+$0x20]  }
0xf2: {  	v1 =	vld [tilespmem:s14+$0x20];
	_ =	sdelay $0x4  }
0xf3: {  	v0 =	vadd.f32 v1, v0;
	_ =	sdelay $0x1  }
0xf4: {  	v0 =	vmax.f32 v0, $0.0e+00  }
0xf5: {  	[tilespmem:s17+$0x20] =	vst v0;
	v0 =	vld [tilespmem:s17+$0x30]  }
0xf6: {  	v1 =	vld [tilespmem:s14+$0x30];
	_ =	sdelay $0x2  }
.Ltmp6:
0xf7: {  	(pc) =	sbr.rel @p2 .LBB2_4-.Ltmp6, $3  }
0xf8: {  	_ = 	snop  }
0xf9: {  	v0 =	vadd.f32 v1, v0;
	_ =	sdelay $0x1  }
0xfa: {  	s17 =	sadd.s32 $0x80, s17;
	v0 =	vmax.f32 v0, $0.0e+00  }
0xfb: {  	s4 =	sadd.s32 $0x1, s4  }
0xfc: {  	p2 =	sne.s32 s4, $0x271  }
.Ltmp7:
0xfd: {  	[tilespmem:s13+$0x30] =	vst v0;
	(pc) =	sbr.rel @p2 .LBB2_3-.Ltmp7, $4  }
0xfe: {  	[spmem:s1] =	stream.indirect.scatter.add.f32 [tilespmem:s30], [sflag:$0x2], $0x20, s24, s26, $0xb8;
	[tilespmem:$0x19B90] =	vst v63  }
0xff: {  	_ =	swait.ge [sflag:s23], $0xA00  }
0x100: {  	[sflag:s23] =	ssyncset.done $0x0  }
0x101: {  	[sflag:s23] =	ssyncadd.s32 $0xFFFFF600  }
0x102: {  	[bflag:$0x0] =	sbarrier.arrive $0xFFFF  }
0x103: {  	s4 =	simm.s32 @p1 $0x1FC2;
	s13 =	rddreg [dreg:$0x4]  }
0x104: {  	[hbm:s13], [sflag:s4] =	dma.local @p1 [spmem:s19], $0x3020  }
0x105: {  	s4 =	simm.s32 @p1 $0x2  }
0x106: {  	_ =	swait.ge @p1 [sflag:s4], $0x3020  }
0x107: {  	[sflag:s4] =	ssyncset.done @p1 $0x0  }
0x108: {  	[sflag:s4] =	ssyncadd.s32 @p1 $0xFFFFCFE0;
	s4 =	rddreg [dreg:$0x3]  }
0x109: {  	[hbm:s4], [sflag:s20] =	dma.local @!p1 [spmem:s0], $0x30E0  }
.Ltmp8:
0x10a: {  	_ = 	snop;
	(pc) =	sbr.rel .LBB2_12-.Ltmp8, $4  }
0x10b: {  	s0 =	simm.s32 @!p1 $0x2  }
0x10c: {  	_ =	swait.ge @!p1 [sflag:s0], $0x30E0  }
0x10d: {  	[sflag:s0] =	ssyncset.done @!p1 $0x0  }
0x10e: {  	[sflag:s0] =	ssyncadd.s32 @!p1 $0xFFFFCF20  }
.LBB2_13:
0x10f: {  	_ =	sfence.sel $0x180000  }
0x110: {  	[bflag:$0x0] =	sbarrier.arrive $0xFFFF  }
0x111: {  	_ =	strace $0x90000053  }
0x112: {  	s0 =	stileid.u32;
	[bflag:$0x2] =	sbarrier.arrive $0xFFFF  }
0x113: {  	p0 =	sne.s32 s0, $0x0;
	s0 =	rddreg [dreg:$0x2]  }
0x114: {  	s0 =	sadd.s32 @!p0 $0x100000, s0  }
0x115: {  	[sflag:s0] =	ssyncadd.tile.s32 @!p0 $0x1;
	_ =	shalt  }
.Lfunc_end2:
_tile_overlayer_lowered:
.L_overlay_start_2:
0x116: {  	(tag) =	ssettag $0x2  }
0x117: {  	s0 =	rddreg [dreg:$0x0];
	s2 =	stileid.u32  }
0x118: {  	s1 =	rddreg [dreg:$0x1];
	p0 =	sne.s32 s2, $0x0  }
0x119: {  	s3 =	rddreg [dreg:$0x2];
	[bflag:$0x3] =	sbarrier.arrive $0xFFFF;
	s2 =	simm.s32 @!p0 $0x1C02  }
0x11a: {  	[timem:s3], [sflag:s2] =	dma.local @!p0 [hbm:s0], s1  }
0x11b: {  	s0 =	simm.s32 @!p0 $0x2  }
0x11c: {  	_ =	swait.ge @!p0 [sflag:s0], s1  }
0x11d: {  	s1 =	ssub.s32 @!p0 $0x0, s1;
	[sflag:s0] =	ssyncset.done @!p0 $0x0  }
0x11e: {  	[sflag:s0] =	ssyncadd.s32 @!p0 s1  }
0x11f: {  	[bflag:$0x3] =	sbarrier.arrive $0xFFFF  }
0x120: {  	_ =	shalt  }

// kernel: kernel.16.cloned.1.call-start
scs
__scs_entry_jumppad:
0x0: {  	(pc) =	sbr.rel $0x88, $3  }
0x1: {  	(tag) =	ssettag $0x0;
	lr =	simm.s32 $0x1  }
0x2: {  	[smem:$0x3F73] =	sst lr;
	_ =	strace $0xD0000000  }
0x3: {  	_ = 	snop  }
0x4: {  	_ = 	snop  }
0x5: {  	_ = 	snop  }
0x6: {  	_ = 	snop  }
0x7: {  	_ = 	snop  }
__scs_overlays_trampoline_lowered:
0x8: {  	[smem:$0x3F82] =	sst s0  }
0x9: {  	[smem:$0x3F83] =	sst s1  }
0xa: {  	[smem:$0x3F84] =	sst s2  }
0xb: {  	[smem:$0x3F85] =	sst s3  }
0xc: {  	[smem:$0x3F86] =	sst s4  }
0xd: {  	[smem:$0x3F87] =	sst s5  }
0xe: {  	[smem:$0x3F88] =	sst s6  }
0xf: {  	[smem:$0x3F89] =	sst s7  }
0x10: {  	[smem:$0x3F8A] =	sst s8  }
0x11: {  	[smem:$0x3F8B] =	sst s9;
	s0 =	simm.s32 @!p0 $0x0  }
0x12: {  	s1 =	sld [smem:$0x3F71];
	s0 =	simm.s32 @p0 $0x1  }
0x13: {  	[smem:$0x3F8C] =	sst s0;
	s0 =	simm.s32 @!p1 $0x0  }
0x14: {  	s2 =	sld [smem:$0x3F70];
	s0 =	simm.s32 @p1 $0x1  }
0x15: {  	[smem:$0x3F8D] =	sst s0;
	s0 =	simm.s32 @!p2 $0x0  }
0x16: {  	s3 =	sld [smem:$0x3FDB];
	s0 =	simm.s32 @p2 $0x1  }
0x17: {  	s4 =	simm.s32 $0x1BF5;
	[smem:$0x3F8F] =	sst s0  }
0x18: {  	s0 =	sld [smem:$0x3F72];
	_ =	swait.ge [sflag:s4], $0x0  }
0x19: {  	s7 =	sld [smem:$0x3F73]  }
0x1a: {  	s8 =	sadd.s32 $0xFFFFE003, lr  }
0x1b: {  	s9 =	sadd.s32 $0xFFFFFEF7, lr;
	s5 =	simm.s32 $0xFFFFFFFF;
	p2 =	slt.u32 s8, $0xFFFFF086  }
0x1c: {  	p1 =	slt.u32 s9, $0xF7A;
	s5 =	simm.s32 @!p2 $0x0  }
0x1d: {  	s5 =	simm.s32 @p1 $0x1;
	p0 =	seq.s32 s7, s2  }
0x1e: {  	s7 =	smul.u32 @!p0 $0xF7A, s2;
	p2 =	seq.s32 @!p0 s5, $0x0  }
0x1f: {  	s9 =	smul.u32 $0xF7A, s1;
	s8 =	simm.s32 @!p0 $0x1BF5;
	p2 =	por !p2, p0  }
0x20: {  	[sflag:s8] =	ssyncset.s32 @!p0 $0xFFFFF086;
	s6 =	sadd.s32 @!p0 s3, s7;
	s7 =	simm.s32 @!p0 $0x108  }
0x21: {  	s3 =	sadd.s32 s3, s9;
	s6 =	sadd.s32 @!p0 $0x88, s6;
	s7 =	simm.s32 @p2 $0x1082  }
0x22: {  	[simem:s7], [sflag:s8] =	dma.local @!p0 [hbm:s6], $0xF7A  }
0x23: {  	s9 =	sor.u32 $0xD0000000, s2;
	s6 =	simm.s32 $0x108;
	_ =	swait.ge @!p0 [sflag:s8], $0x0  }
0x24: {  	s3 =	sadd.s32 $0x88, s3;
	s6 =	simm.s32 @!p1 $0x1082;
	[sflag:s4] =	ssyncset.s32 $0xFFFFF086  }
0x25: {  	[simem:s6], [sflag:s4] =	dma.local [hbm:s3], $0xF7A  }
0x26: {  	[smem:$0x3F73] =	sst s1;
	(tag) =	ssettag s2;
	_ =	strace s9  }
0x27: {  	s1 =	sld [smem:$0x3F83]  }
0x28: {  	s2 =	sld [smem:$0x3F84]  }
0x29: {  	s4 =	sld [smem:$0x3F86]  }
0x2a: {  	p0 =	seq.s32 s5, $0x0;
	s5 =	sld [smem:$0x3F87]  }
0x2b: {  	s6 =	sld [smem:$0x3F88]  }
0x2c: {  	s7 =	sld [smem:$0x3F89]  }
0x2d: {  	s3 =	simm.s32 $0x108;
	s8 =	sld [smem:$0x3F8A]  }
0x2e: {  	s3 =	simm.s32 @!p0 $0x1082;
	s9 =	sld [smem:$0x3F8B]  }
0x2f: {  	lr =	sadd.s32 s0, s3;
	s0 =	sld [smem:$0x3F82]  }
0x30: {  	s3 =	sld [smem:$0x3F85]  }
0x31: {  	[smem:$0x3F8E] =	sst s10  }
0x32: {  	s10 =	sld [smem:$0x3F8C];
	_ =	sdelay $0x3  }
0x33: {  	p0 =	seq.s32 s10, $0x1;
	s10 =	sld [smem:$0x3F8E];
	_ =	sdelay $0x3  }
0x34: {  	[smem:$0x3F8E] =	sst s10  }
0x35: {  	s10 =	sld [smem:$0x3F8D];
	_ =	sdelay $0x3  }
0x36: {  	p1 =	seq.s32 s10, $0x1;
	s10 =	sld [smem:$0x3F8E];
	_ =	sdelay $0x3  }
0x37: {  	[smem:$0x3F8E] =	sst s10  }
0x38: {  	s10 =	sld [smem:$0x3F8F]  }
0x39: {  	_ = 	snop;
	(pc) =	sbr.ind lr, $3  }
0x3a: {  	_ = 	snop  }
0x3b: {  	_ = 	snop  }
0x3c: {  	p2 =	seq.s32 s10, $0x1;
	s10 =	sld [smem:$0x3F8E]  }
0x3d: {  	_ =	shalt  }
0x3e: {  	_ =	shalt  }
0x3f: {  	_ =	shalt  }
0x40: {  	_ =	shalt  }
0x41: {  	_ =	shalt  }
0x42: {  	_ =	shalt  }
0x43: {  	_ =	shalt  }
0x44: {  	_ =	shalt  }
0x45: {  	_ =	shalt  }
0x46: {  	_ =	shalt  }
0x47: {  	_ =	shalt  }
0x48: {  	_ =	shalt  }
0x49: {  	_ =	shalt  }
0x4a: {  	_ =	shalt  }
0x4b: {  	_ =	shalt  }
0x4c: {  	_ =	shalt  }
0x4d: {  	_ =	shalt  }
0x4e: {  	_ =	shalt  }
0x4f: {  	_ =	shalt  }
0x50: {  	_ =	shalt  }
0x51: {  	_ =	shalt  }
0x52: {  	_ =	shalt  }
0x53: {  	_ =	shalt  }
0x54: {  	_ =	shalt  }
0x55: {  	_ =	shalt  }
0x56: {  	_ =	shalt  }
0x57: {  	_ =	shalt  }
0x58: {  	_ =	shalt  }
0x59: {  	_ =	shalt  }
0x5a: {  	_ =	shalt  }
0x5b: {  	_ =	shalt  }
0x5c: {  	_ =	shalt  }
0x5d: {  	_ =	shalt  }
0x5e: {  	_ =	shalt  }
0x5f: {  	_ =	shalt  }
0x60: {  	_ =	shalt  }
0x61: {  	_ =	shalt  }
0x62: {  	_ =	shalt  }
0x63: {  	_ =	shalt  }
0x64: {  	_ =	shalt  }
0x65: {  	_ =	shalt  }
0x66: {  	_ =	shalt  }
0x67: {  	_ =	shalt  }
0x68: {  	_ =	shalt  }
0x69: {  	_ =	shalt  }
0x6a: {  	_ =	shalt  }
0x6b: {  	_ =	shalt  }
0x6c: {  	_ =	shalt  }
0x6d: {  	_ =	shalt  }
0x6e: {  	_ =	shalt  }
0x6f: {  	_ =	shalt  }
0x70: {  	_ =	shalt  }
0x71: {  	_ =	shalt  }
0x72: {  	_ =	shalt  }
0x73: {  	_ =	shalt  }
0x74: {  	_ =	shalt  }
0x75: {  	_ =	shalt  }
0x76: {  	_ =	shalt  }
0x77: {  	_ =	shalt  }
0x78: {  	_ =	shalt  }
0x79: {  	_ =	shalt  }
0x7a: {  	_ =	shalt  }
0x7b: {  	_ =	shalt  }
0x7c: {  	_ =	shalt  }
0x7d: {  	_ =	shalt  }
0x7e: {  	_ =	shalt  }
0x7f: {  	_ =	shalt  }
0x80: {  	_ =	shalt  }
0x81: {  	_ =	shalt  }
0x82: {  	_ =	shalt  }
0x83: {  	_ =	shalt  }
0x84: {  	_ =	shalt  }
0x85: {  	_ =	shalt  }
0x86: {  	_ =	shalt  }
0x87: {  	_ =	shalt  }
.Lfunc_end0:
.L_simem_size_0:
called_computation.4_lowered:
.L_overlay_start_0:
0x88: {  	s2 =	sld [smem:$0x3FD9]  }
0x89: {  	s3 =	sld [smem:$0x3FFE];
	_ =	sdelay $0x1  }
0x8a: {  	s1 =	srdreg.scid  }
0x8b: {  	s0 =	sand.u32 $0x1, s1  }
0x8c: {  	s16 =	sshll.u32 s0, $0xA;
	s2 =	sadd.s32 s3, s2  }
0x8d: {  	s2 =	sadd.s32 s2, s16  }
0x8e: {  	[smem:$0x3F9A] =	sst s2  }
0x8f: {  	_ = 	snop  }
0x90: {  	(tm) =	ssettm $0x1  }
0x91: {  	s17 =	sld [smem:$0x3FFB];
	_ =	sdelay $0x3  }
0x92: {  	_ =	strace s17  }
0x93: {  	s2 =	sld [smem:$0x3FFC];
	_ =	sdelay $0x3  }
0x94: {  	_ =	strace s2  }
0x95: {  	s2 =	sld [smem:$0x3FFD];
	_ =	sdelay $0x3  }
0x96: {  	_ =	strace s2  }
0x97: {  	_ =	strace $0x8FFFFFFF  }
0x98: {  	s18 =	sld [smem:$0x3FDB];
	_ =	sdelay $0x1  }
0x99: {  	s19 =	simm.s32 $_scs_section_size  }
0x9a: {  	s4 =	simm.s32 $_size__tile_overlayer_lowered;
	s5 =	simm.s32 $_tile_overlayer_lowered  }
0x9b: {  	s22 =	simm.s32 $0x1BFF;
	s21 =	sshll.u32 s5, $0x1;
	s2 =	sadd.s32 s19, s18  }
0x9c: {  	s6 =	simm.s32 $0x0;
	s20 =	sshll.u32 s4, $0x1;
	s4 =	sadd.s32 s21, s2  }
0x9d: {  	[timem:s6], [sflag:s22] =	dma.local [hbm:s4], s20  }
0x9e: {  	_ =	swait.ge [sflag:s22], s20  }
0x9f: {  	s3 =	ssub.s32 $0x0, s20;
	[sflag:s22] =	ssyncset.done $0x0  }
0xa0: {  	[sflag:s22] =	ssyncadd.s32 s3;
	_ =	sdelay $0x1  }
0xa1: {  	s23 =	simm.s32 $0x1B8B  }
0xa2: {  	_ =	swait.ge [sflag:s23], $0x1  }
0xa3: {  	[sflag:s23] =	ssyncset.done $0x0  }
0xa4: {  	s25 =	simm.s32 $0x1B8E;
	s24 =	sld [smem:$0x3FFE];
	[sflag:s23] =	ssyncadd.s32 $0xFFFFFFFF  }
0xa5: {  	s26 =	simm.s32 $execute0_lowered;
	[smem:$0x3FD2] =	sst s25  }
0xa6: {  	s4 =	sshll.u32 s26, $0x1;
	_ =	strace $0x8000004F;
	[dreg:$0x1] =	wrdreg $0xFFFFFFFF  }
0xa7: {  	s28 =	simm.s32 $_size_execute0_lowered;
	s2 =	sadd.s32 s2, s4;
	[dreg:$0x0] =	wrdreg $0x0  }
0xa8: {  	s4 =	sshll.u32 s28, $0x1;
	[dreg:$0x2] =	wrdreg s2  }
0xa9: {  	[dreg:$0x3] =	wrdreg s4  }
0xaa: {  	[dreg:$0x4] =	wrdreg $0xC0  }
0xab: {  	_ =	task [dreg:s6], $0x5FFFF  }
0xac: {  	[dreg:$0x1] =	wrdreg $0xFFFFFFFF  }
0xad: {  	[dreg:$0x0] =	wrdreg $0x60  }
0xae: {  	[dreg:$0x2] =	wrdreg s24  }
0xaf: {  	[dreg:$0x3] =	wrdreg $0x0  }
0xb0: {  	[dreg:$0x4] =	wrdreg $0xA  }
0xb1: {  	_ =	task.clear_ibuf [dreg:s6], $0x5FFFF;
	_ =	strace $0x9000004F  }
0xb2: {  	s29 =	simm.s32 $0xA;
	_ =	strace $0x80000051  }
0xb3: {  	_ =	swait.ge [sflag:s29], $0x1  }
0xb4: {  	[sflag:s29] =	ssyncadd.s32 $0xFFFFFFFF  }
0xb5: {  	_ =	strace $0x90000051  }
0xb6: {  	_ =	sfence  }
0xb7: {  	s30 =	sld [smem:$0x0];
	_ =	sdelay $0x2  }
0xb8: {  	s31 =	sshll.u32 s1, $0xD;
	s1 =	sshrl.u32 s1, $0x2  }
0xb9: {  	s3 =	sand.u32 $0x4000, s31;
	s1 =	sadd.s32 s1, s30  }
0xba: {  	s0 =	sor.u32 s3, s0;
	s1 =	sshll.u32 s1, $0x11  }
0xbb: {  	s0 =	sor.u32 s1, s0  }
0xbc: {  	s0 =	sadd.s32 $0x8F2B, s0  }
0xbd: {  	[sflag:s0] =	ssyncadd.remote.s32 $0x1  }
0xbe: {  	_ =	sfence.sel $0xFFFF  }
0xbf: {  	[dreg:$0x0] =	wrdreg $0xFFFFFFFF;
	(pc) =	sbr.abs _section_cstart, $3  }
0xc0: {  	[dreg:$0x1] =	wrdreg $0xFFFFFFFF  }
0xc1: {  	_ =	task.clear_ibuf [dreg:s6], $0x2FFFF;
	_ =	strace $0x9FFFFFFF  }
0xc2: {  	(tm) =	ssettm $0x7FFFFFFF  }
0xc3: {  	_ =	shalt  }
tec
execute0_lowered:
.L_overlay_start_1:
0x0: {  	(tag) =	ssettag $0x1  }
0x1: {  	s0 =	rddreg [dreg:$0x0]  }
0x2: {  	s1 =	rddreg [dreg:$0x1]  }
0x3: {  	s2 =	simm.s32 $0x0;
	s19 =	stileid.u32;
	s4 =	srdreg.scid  }
0x4: {  	s22 =	simm.s32 $0x186A0;
	s28 =	simm.s32 $0x19190;
	s29 =	simm.s32 $0x1  }
0x5: {  	s30 =	simm.s32 $0x18790;
	[smem:$0x7FF] =	sst s2;
	s3 =	sadd.s32 $0x89D600, s0  }
0x6: {  	s5 =	sadd.s32 $0x7600, s0;
	s6 =	sadd.s32 $0x376A00, s0;
	s7 =	sadd.s32 $0x69600, s0  }
0x7: {  	s31 =	simm.s32 $0x0;
	s8 =	sadd.s32 $0x884E00, s0;
	s9 =	sadd.s32 $0x86C600, s0  }
0x8: {  	s13 =	smul.u32 $0x18700, s19;
	s4 =	sand.u32 $0x1, s4;
	s10 =	sadd.s32 $0x38600, s0  }
0x9: {  	s11 =	sadd.s32 $0x50E00, s0;
	s16 =	smul.u32 $0x61C00, s19;
	s25 =	sadd.s32 $0x92CF20, s0  }
0xa: {  	p1 =	seq.s32 s19, $0xF;
	_ =	strace $0x80000050;
	s12 =	ssub.s32 $0x2, s4  }
0xb: {  	p0 =	seq.s32 s4, $0x1;
	[dreg:$0x4] =	wrdreg s25;
	s25 =	simm.s32 $0x18740  }
0xc: {  	s14 =	sshrl.u32 s13, $0x3;
	s15 =	sshrl.u32 s12, $0x1;
	s23 =	sshrl.u32 s16, $0x2  }
0xd: {  	s16 =	sadd.s32 $0x16E900, s1;
	s14 =	sadd.s32 s14, s0;
	s17 =	ssub.s32 s12, s15  }
0xe: {  	s12 =	smul.u32 $0xC350, s19;
	s4 =	sadd.s32 s23, s1;
	s15 =	sadd.s32 s13, s1  }
.Ltmp0:
0xf: {  	s0 =	sadd.s32 $0x8FC120, s0;
	s23 =	simm.s32 $0x2;
	(pc) =	sbr.rel .LBB2_1-.Ltmp0, $4  }
0x10: {  	s24 =	sadd.s32 $0x8FF200, s14;
	s26 =	sadd.s32 $0x8CE400, s14;
	[dreg:$0x6] =	wrdreg s0  }
0x11: {  	s18 =	smax.u32 s17, $0x1;
	s0 =	sshll.u32 @!p1 s19, $0x6;
	[dreg:$0x3] =	wrdreg s24  }
0x12: {  	s19 =	sshrl.u32 @p1 s16, $0x3;
	s21 =	sshrl.u32 @!p1 s4, $0x3;
	[dreg:$0x5] =	wrdreg s26  }
0x13: {  	s20 =	sor.u32 @!p1 $0x1C02, s0;
	s24 =	simm.s32 $0x186F0;
	s26 =	simm.s32 $0x50  }
.LBB2_12:
0x14: {  	s31 =	sadd.s32 $0x1, s31  }
0x15: {  	p2 =	sne.s32 s31, s18  }
.Ltmp1:
0x16: {  	_ = 	snop;
	(pc) =	sbr.rel @!p2 .LBB2_13-.Ltmp1, $1  }
0x17: {  	_ =	sdelay $0x3  }
.LBB2_1:
.Ltmp2:
0x18: {  	(pc) =	sbr.rel @!p0 .LBB2_2-.Ltmp2, $2  }
0x19: {  	_ =	sdelay $0x2  }
0x1a: {  	s0 =	sshrl.u32 @!p1 s15, $0x3  }
0x1b: {  	s4 =	simm.s32 @p1 $0x1FC2  }
0x1c: {  	[spmem:s19], [sflag:s4] =	dma.local @p1 [hbm:s11], $0x3020  }
0x1d: {  	s4 =	simm.s32 @p1 $0x2  }
0x1e: {  	_ =	swait.ge @p1 [sflag:s4], $0x3020  }
0x1f: {  	[sflag:s4] =	ssyncset.done @p1 $0x0  }
0x20: {  	[sflag:s4] =	ssyncadd.s32 @p1 $0xFFFFCFE0;
	s4 =	simm.s32 @!p1 $0x2  }
0x21: {  	[spmem:s21], [sflag:s20] =	dma.local @!p1 [hbm:s11], $0x30E0  }
0x22: {  	_ =	swait.ge @!p1 [sflag:s4], $0x30E0  }
0x23: {  	[sflag:s4] =	ssyncset.done @!p1 $0x0  }
0x24: {  	[sflag:s4] =	ssyncadd.s32 @!p1 $0xFFFFCF20  }
0x25: {  	s4 =	simm.s32 $0x0;
	[bflag:$0x0] =	sbarrier.arrive $0xFFFF  }
.LBB2_8:
0x26: {  	s13 =	smul.u32 $0x50, s4;
	_ =	sdelay $0x1  }
0x27: {  	s13 =	sadd.s32 s12, s13  }
0x28: {  	s13 =	sshrl.u32 s13, $0x3  }
0x29: {  	s14 =	sadd.s32 s8, s13  }
0x2a: {  	[tilespmem:s22], [sflag:$0x2] =	stream.linear.gather [hbm4b:s14+s2], $0x50, $0x38;
	[tilespmem:$0x19B90] =	vst v63  }
0x2b: {  	_ =	swait.ge [sflag:s23], $0x50  }
0x2c: {  	[sflag:s23] =	ssyncset.done $0x0  }
0x2d: {  	s17 =	sadd.s32 s9, s13;
	[sflag:s23] =	ssyncadd.s32 $0xFFFFFFB0  }
0x2e: {  	[tilespmem:s24], [sflag:$0x2] =	stream.linear.gather [hbm4b:s17+s2], $0x50, $0x38;
	[tilespmem:$0x19B90] =	vst v63  }
0x2f: {  	_ =	swait.ge [sflag:s23], $0x50  }
0x30: {  	[sflag:s23] =	ssyncset.done $0x0  }
0x31: {  	s13 =	sadd.s32 s10, s13;
	[sflag:s23] =	ssyncadd.s32 $0xFFFFFFB0  }
0x32: {  	[tilespmem:s25], [sflag:$0x2] =	stream.linear.gather [hbm4b:s13+s2], $0x50, $0x38;
	[tilespmem:$0x19B90] =	vst v63  }
0x33: {  	_ =	swait.ge [sflag:s23], $0x50  }
0x34: {  	[sflag:s23] =	ssyncset.done $0x0  }
0x35: {  	[sflag:s23] =	ssyncadd.s32 $0xFFFFFFB0  }
0x36: {  	[tilespmem:s28], [sflag:$0x1] =	stream.indirect.gather [hbm4b:s7+s26], $0x20, s25, s26, $0xb8;
	[tilespmem:$0x19B90] =	vst v63  }
0x37: {  	_ =	swait.ge [sflag:s29], $0xA00  }
0x38: {  	[sflag:s29] =	ssyncset.done $0x0  }
0x39: {  	[sflag:s29] =	ssyncadd.s32 $0xFFFFF600  }
0x3a: {  	[tilespmem:s30], [sflag:$0x1] =	stream.indirect.gather [hbm4b:s5+s26], $0x20, s22, s26, $0xb8;
	[tilespmem:$0x19B90] =	vst v63  }
0x3b: {  	_ =	swait.ge [sflag:s29], $0xA00  }
0x3c: {  	[sflag:s29] =	ssyncset.done $0x0  }
0x3d: {  	s13 =	simm.s32 $0x187D0;
	[sflag:s29] =	ssyncadd.s32 $0xFFFFF600  }
0x3e: {  	s14 =	simm.s32 $0x191D0;
	v0 =	vld [tilespmem:s13+$0xFFFFFFC0]  }
0x3f: {  	v1 =	vld [tilespmem:s14+$0xFFFFFFC0];
	_ =	sdelay $0x4  }
0x40: {  	v0 =	vadd.f32 v1, v0;
	_ =	sdelay $0x1  }
0x41: {  	v0 =	vmax.f32 v0, $0.0e+00  }
0x42: {  	[tilespmem:s13+$0xFFFFFFC0] =	vst v0;
	v0 =	vld [tilespmem:s13+$0xFFFFFFD0]  }
0x43: {  	v1 =	vld [tilespmem:s14+$0xFFFFFFD0];
	_ =	sdelay $0x4  }
0x44: {  	v0 =	vadd.f32 v1, v0;
	_ =	sdelay $0x1  }
0x45: {  	v0 =	vmax.f32 v0, $0.0e+00  }
0x46: {  	[tilespmem:s13+$0xFFFFFFD0] =	vst v0;
	v0 =	vld [tilespmem:s13+$0xFFFFFFE0]  }
0x47: {  	v1 =	vld [tilespmem:s14+$0xFFFFFFE0];
	_ =	sdelay $0x4  }
0x48: {  	v0 =	vadd.f32 v1, v0;
	_ =	sdelay $0x1  }
0x49: {  	v0 =	vmax.f32 v0, $0.0e+00  }
0x4a: {  	[tilespmem:s13+$0xFFFFFFE0] =	vst v0;
	v0 =	vld [tilespmem:s13+$0xFFFFFFF0]  }
0x4b: {  	v1 =	vld [tilespmem:s14+$0xFFFFFFF0];
	_ =	sdelay $0x4  }
0x4c: {  	v0 =	vadd.f32 v1, v0;
	_ =	sdelay $0x1  }
0x4d: {  	v0 =	vmax.f32 v0, $0.0e+00  }
0x4e: {  	[tilespmem:s13+$0xFFFFFFF0] =	vst v0;
	v0 =	vld [tilespmem:s13+$0x0]  }
0x4f: {  	v1 =	vld [tilespmem:s14+$0x0];
	_ =	sdelay $0x4  }
0x50: {  	v0 =	vadd.f32 v1, v0;
	_ =	sdelay $0x1  }
0x51: {  	v0 =	vmax.f32 v0, $0.0e+00  }
0x52: {  	[tilespmem:s13+$0x0] =	vst v0;
	v0 =	vld [tilespmem:s13+$0x10]  }
0x53: {  	v1 =	vld [tilespmem:s14+$0x10];
	_ =	sdelay $0x4  }
0x54: {  	v0 =	vadd.f32 v1, v0;
	_ =	sdelay $0x1  }
0x55: {  	v0 =	vmax.f32 v0, $0.0e+00  }
0x56: {  	[tilespmem:s13+$0x10] =	vst v0;
	v0 =	vld [tilespmem:s13+$0x20]  }
0x57: {  	v1 =	vld [tilespmem:s14+$0x20];
	_ =	sdelay $0x4  }
0x58: {  	v0 =	vadd.f32 v1, v0;
	_ =	sdelay $0x1  }
0x59: {  	v0 =	vmax.f32 v0, $0.0e+00  }
0x5a: {  	[tilespmem:s13+$0x20] =	vst v0;
	v0 =	vld [tilespmem:s13+$0x30]  }
0x5b: {  	v1 =	vld [tilespmem:s14+$0x30];
	_ =	sdelay $0x4  }
0x5c: {  	v0 =	vadd.f32 v1, v0;
	_ =	sdelay $0x1  }
0x5d: {  	s16 =	simm.s32 $0x0;
	s17 =	simm.s32 $0x18850;
	v0 =	vmax.f32 v0, $0.0e+00  }
.LBB2_9:
0x5e: {  	v1 =	vld [tilespmem:s17+$0xFFFFFFC0];
	[tilespmem:s13+$0x30] =	vst v0;
	s14 =	sadd.s32 $0x80, s14;
	s13 =	smov.u32 s17  }
0x5f: {  	s16 =	sadd.s32 $0x4, s16;
	v0 =	vld [tilespmem:s14+$0xFFFFFFC0]  }
0x60: {  	p2 =	slt.u32 s16, $0x4C;
	_ =	sdelay $0x3  }
0x61: {  	v0 =	vadd.f32 v0, v1;
	_ =	sdelay $0x1  }
0x62: {  	v0 =	vmax.f32 v0, $0.0e+00  }
0x63: {  	[tilespmem:s17+$0xFFFFFFC0] =	vst v0;
	v0 =	vld [tilespmem:s17+$0xFFFFFFD0]  }
0x64: {  	v1 =	vld [tilespmem:s14+$0xFFFFFFD0];
	_ =	sdelay $0x4  }
0x65: {  	v0 =	vadd.f32 v1, v0;
	_ =	sdelay $0x1  }
0x66: {  	v0 =	vmax.f32 v0, $0.0e+00  }
0x67: {  	[tilespmem:s17+$0xFFFFFFD0] =	vst v0;
	v0 =	vld [tilespmem:s17+$0xFFFFFFE0]  }
0x68: {  	v1 =	vld [tilespmem:s14+$0xFFFFFFE0];
	_ =	sdelay $0x4  }
0x69: {  	v0 =	vadd.f32 v1, v0;
	_ =	sdelay $0x1  }
0x6a: {  	v0 =	vmax.f32 v0, $0.0e+00  }
0x6b: {  	[tilespmem:s17+$0xFFFFFFE0] =	vst v0;
	v0 =	vld [tilespmem:s17+$0xFFFFFFF0]  }
0x6c: {  	v1 =	vld [tilespmem:s14+$0xFFFFFFF0];
	_ =	sdelay $0x4  }
0x6d: {  	v0 =	vadd.f32 v1, v0;
	_ =	sdelay $0x1  }
0x6e: {  	v0 =	vmax.f32 v0, $0.0e+00  }
0x6f: {  	[tilespmem:s17+$0xFFFFFFF0] =	vst v0;
	v0 =	vld [tilespmem:s17+$0x0]  }
0x70: {  	v1 =	vld [tilespmem:s14+$0x0];
	_ =	sdelay $0x4  }
0x71: {  	v0 =	vadd.f32 v1, v0;
	_ =	sdelay $0x1  }
0x72: {  	v0 =	vmax.f32 v0, $0.0e+00  }
0x73: {  	[tilespmem:s17+$0x0] =	vst v0;
	v0 =	vld [tilespmem:s17+$0x10]  }
0x74: {  	v1 =	vld [tilespmem:s14+$0x10];
	_ =	sdelay $0x4  }
0x75: {  	v0 =	vadd.f32 v1, v0;
	_ =	sdelay $0x1  }
0x76: {  	v0 =	vmax.f32 v0, $0.0e+00  }
0x77: {  	[tilespmem:s17+$0x10] =	vst v0;
	v0 =	vld [tilespmem:s17+$0x20]  }
0x78: {  	v1 =	vld [tilespmem:s14+$0x20];
	_ =	sdelay $0x4  }
0x79: {  	v0 =	vadd.f32 v1, v0;
	_ =	sdelay $0x1  }
0x7a: {  	v0 =	vmax.f32 v0, $0.0e+00  }
0x7b: {  	[tilespmem:s17+$0x20] =	vst v0;
	v0 =	vld [tilespmem:s17+$0x30]  }
0x7c: {  	v1 =	vld [tilespmem:s14+$0x30];
	_ =	sdelay $0x2  }
.Ltmp3:
0x7d: {  	(pc) =	sbr.rel @p2 .LBB2_9-.Ltmp3, $3  }
0x7e: {  	_ = 	snop  }
0x7f: {  	v0 =	vadd.f32 v1, v0;
	_ =	sdelay $0x1  }
0x80: {  	s17 =	sadd.s32 $0x80, s17;
	v0 =	vmax.f32 v0, $0.0e+00  }
0x81: {  	s4 =	sadd.s32 $0x1, s4  }
0x82: {  	p2 =	sne.s32 s4, $0x271  }
.Ltmp4:
0x83: {  	[tilespmem:s13+$0x30] =	vst v0;
	(pc) =	sbr.rel @p2 .LBB2_8-.Ltmp4, $4  }
0x84: {  	[spmem:s1] =	stream.indirect.scatter.add.f32 [tilespmem:s30], [sflag:$0x2], $0x20, s24, s26, $0xb8;
	[tilespmem:$0x19B90] =	vst v63  }
0x85: {  	_ =	swait.ge [sflag:s23], $0xA00  }
0x86: {  	[sflag:s23] =	ssyncset.done $0x0  }
0x87: {  	[sflag:s23] =	ssyncadd.s32 $0xFFFFF600  }
0x88: {  	[bflag:$0x0] =	sbarrier.arrive $0xFFFF  }
0x89: {  	s4 =	simm.s32 @p1 $0x1FC2;
	s13 =	rddreg [dreg:$0x6]  }
0x8a: {  	[hbm:s13], [sflag:s4] =	dma.local @p1 [spmem:s19], $0x3020  }
0x8b: {  	s4 =	simm.s32 @p1 $0x2  }
0x8c: {  	_ =	swait.ge @p1 [sflag:s4], $0x3020  }
0x8d: {  	[sflag:s4] =	ssyncset.done @p1 $0x0  }
0x8e: {  	[sflag:s4] =	ssyncadd.s32 @p1 $0xFFFFCFE0;
	s4 =	rddreg [dreg:$0x5]  }
0x8f: {  	[hbm:s4], [sflag:s20] =	dma.local @!p1 [spmem:s0], $0x30E0  }
.Ltmp5:
0x90: {  	_ = 	snop;
	(pc) =	sbr.rel .LBB2_12-.Ltmp5, $4  }
0x91: {  	s0 =	simm.s32 @!p1 $0x2  }
0x92: {  	_ =	swait.ge @!p1 [sflag:s0], $0x30E0  }
0x93: {  	[sflag:s0] =	ssyncset.done @!p1 $0x0  }
0x94: {  	[sflag:s0] =	ssyncadd.s32 @!p1 $0xFFFFCF20  }
.LBB2_2:
0x95: {  	s4 =	simm.s32 @p1 $0x1FC2  }
0x96: {  	[spmem:s19], [sflag:s4] =	dma.local @p1 [hbm:s11], $0x3020  }
0x97: {  	s4 =	simm.s32 @p1 $0x2  }
0x98: {  	_ =	swait.ge @p1 [sflag:s4], $0x3020  }
0x99: {  	[sflag:s4] =	ssyncset.done @p1 $0x0  }
0x9a: {  	[sflag:s4] =	ssyncadd.s32 @p1 $0xFFFFCFE0;
	s4 =	simm.s32 @!p1 $0x2  }
0x9b: {  	[spmem:s21], [sflag:s20] =	dma.local @!p1 [hbm:s11], $0x30E0  }
0x9c: {  	_ =	swait.ge @!p1 [sflag:s4], $0x30E0  }
0x9d: {  	[sflag:s4] =	ssyncset.done @!p1 $0x0  }
0x9e: {  	[sflag:s4] =	ssyncadd.s32 @!p1 $0xFFFFCF20  }
0x9f: {  	s4 =	simm.s32 $0x0;
	[bflag:$0x0] =	sbarrier.arrive $0xFFFF  }
.LBB2_3:
0xa0: {  	s13 =	smul.u32 $0x50, s4;
	_ =	sdelay $0x1  }
0xa1: {  	s13 =	sadd.s32 s12, s13  }
0xa2: {  	s13 =	sshrl.u32 s13, $0x3  }
0xa3: {  	s14 =	sadd.s32 s8, s13  }
0xa4: {  	[tilespmem:s22], [sflag:$0x2] =	stream.linear.gather [hbm4b:s14+s2], $0x50, $0x38;
	[tilespmem:$0x19B90] =	vst v63  }
0xa5: {  	_ =	swait.ge [sflag:s23], $0x50  }
0xa6: {  	[sflag:s23] =	ssyncset.done $0x0  }
0xa7: {  	s17 =	sadd.s32 s9, s13;
	[sflag:s23] =	ssyncadd.s32 $0xFFFFFFB0  }
0xa8: {  	[tilespmem:s24], [sflag:$0x2] =	stream.linear.gather [hbm4b:s17+s2], $0x50, $0x38;
	[tilespmem:$0x19B90] =	vst v63  }
0xa9: {  	_ =	swait.ge [sflag:s23], $0x50  }
0xaa: {  	[sflag:s23] =	ssyncset.done $0x0  }
0xab: {  	s13 =	sadd.s32 s10, s13;
	[sflag:s23] =	ssyncadd.s32 $0xFFFFFFB0  }
0xac: {  	[tilespmem:s25], [sflag:$0x2] =	stream.linear.gather [hbm4b:s13+s2], $0x50, $0x38;
	[tilespmem:$0x19B90] =	vst v63  }
0xad: {  	_ =	swait.ge [sflag:s23], $0x50  }
0xae: {  	[sflag:s23] =	ssyncset.done $0x0  }
0xaf: {  	[sflag:s23] =	ssyncadd.s32 $0xFFFFFFB0  }
0xb0: {  	[tilespmem:s28], [sflag:$0x1] =	stream.indirect.gather [hbm4b:s6+s26], $0x20, s25, s26, $0xb8;
	[tilespmem:$0x19B90] =	vst v63  }
0xb1: {  	_ =	swait.ge [sflag:s29], $0xA00  }
0xb2: {  	[sflag:s29] =	ssyncset.done $0x0  }
0xb3: {  	[sflag:s29] =	ssyncadd.s32 $0xFFFFF600  }
0xb4: {  	[tilespmem:s30], [sflag:$0x1] =	stream.indirect.gather [hbm4b:s3+s26], $0x20, s22, s26, $0xb8;
	[tilespmem:$0x19B90] =	vst v63  }
0xb5: {  	_ =	swait.ge [sflag:s29], $0xA00  }
0xb6: {  	[sflag:s29] =	ssyncset.done $0x0  }
0xb7: {  	s13 =	simm.s32 $0x187D0;
	[sflag:s29] =	ssyncadd.s32 $0xFFFFF600  }
0xb8: {  	s14 =	simm.s32 $0x191D0;
	v0 =	vld [tilespmem:s13+$0xFFFFFFC0]  }
0xb9: {  	v1 =	vld [tilespmem:s14+$0xFFFFFFC0];
	_ =	sdelay $0x4  }
0xba: {  	v0 =	vadd.f32 v1, v0;
	_ =	sdelay $0x1  }
0xbb: {  	v0 =	vmax.f32 v0, $0.0e+00  }
0xbc: {  	[tilespmem:s13+$0xFFFFFFC0] =	vst v0;
	v0 =	vld [tilespmem:s13+$0xFFFFFFD0]  }
0xbd: {  	v1 =	vld [tilespmem:s14+$0xFFFFFFD0];
	_ =	sdelay $0x4  }
0xbe: {  	v0 =	vadd.f32 v1, v0;
	_ =	sdelay $0x1  }
0xbf: {  	v0 =	vmax.f32 v0, $0.0e+00  }
0xc0: {  	[tilespmem:s13+$0xFFFFFFD0] =	vst v0;
	v0 =	vld [tilespmem:s13+$0xFFFFFFE0]  }
0xc1: {  	v1 =	vld [tilespmem:s14+$0xFFFFFFE0];
	_ =	sdelay $0x4  }
0xc2: {  	v0 =	vadd.f32 v1, v0;
	_ =	sdelay $0x1  }
0xc3: {  	v0 =	vmax.f32 v0, $0.0e+00  }
0xc4: {  	[tilespmem:s13+$0xFFFFFFE0] =	vst v0;
	v0 =	vld [tilespmem:s13+$0xFFFFFFF0]  }
0xc5: {  	v1 =	vld [tilespmem:s14+$0xFFFFFFF0];
	_ =	sdelay $0x4  }
0xc6: {  	v0 =	vadd.f32 v1, v0;
	_ =	sdelay $0x1  }
0xc7: {  	v0 =	vmax.f32 v0, $0.0e+00  }
0xc8: {  	[tilespmem:s13+$0xFFFFFFF0] =	vst v0;
	v0 =	vld [tilespmem:s13+$0x0]  }
0xc9: {  	v1 =	vld [tilespmem:s14+$0x0];
	_ =	sdelay $0x4  }
0xca: {  	v0 =	vadd.f32 v1, v0;
	_ =	sdelay $0x1  }
0xcb: {  	v0 =	vmax.f32 v0, $0.0e+00  }
0xcc: {  	[tilespmem:s13+$0x0] =	vst v0;
	v0 =	vld [tilespmem:s13+$0x10]  }
0xcd: {  	v1 =	vld [tilespmem:s14+$0x10];
	_ =	sdelay $0x4  }
0xce: {  	v0 =	vadd.f32 v1, v0;
	_ =	sdelay $0x1  }
0xcf: {  	v0 =	vmax.f32 v0, $0.0e+00  }
0xd0: {  	[tilespmem:s13+$0x10] =	vst v0;
	v0 =	vld [tilespmem:s13+$0x20]  }
0xd1: {  	v1 =	vld [tilespmem:s14+$0x20];
	_ =	sdelay $0x4  }
0xd2: {  	v0 =	vadd.f32 v1, v0;
	_ =	sdelay $0x1  }
0xd3: {  	v0 =	vmax.f32 v0, $0.0e+00  }
0xd4: {  	[tilespmem:s13+$0x20] =	vst v0;
	v0 =	vld [tilespmem:s13+$0x30]  }
0xd5: {  	v1 =	vld [tilespmem:s14+$0x30];
	_ =	sdelay $0x4  }
0xd6: {  	v0 =	vadd.f32 v1, v0;
	_ =	sdelay $0x1  }
0xd7: {  	s16 =	simm.s32 $0x0;
	s17 =	simm.s32 $0x18850;
	v0 =	vmax.f32 v0, $0.0e+00  }
.LBB2_4:
0xd8: {  	v1 =	vld [tilespmem:s17+$0xFFFFFFC0];
	[tilespmem:s13+$0x30] =	vst v0;
	s14 =	sadd.s32 $0x80, s14;
	s13 =	smov.u32 s17  }
0xd9: {  	s16 =	sadd.s32 $0x4, s16;
	v0 =	vld [tilespmem:s14+$0xFFFFFFC0]  }
0xda: {  	p2 =	slt.u32 s16, $0x4C;
	_ =	sdelay $0x3  }
0xdb: {  	v0 =	vadd.f32 v0, v1;
	_ =	sdelay $0x1  }
0xdc: {  	v0 =	vmax.f32 v0, $0.0e+00  }
0xdd: {  	[tilespmem:s17+$0xFFFFFFC0] =	vst v0;
	v0 =	vld [tilespmem:s17+$0xFFFFFFD0]  }
0xde: {  	v1 =	vld [tilespmem:s14+$0xFFFFFFD0];
	_ =	sdelay $0x4  }
0xdf: {  	v0 =	vadd.f32 v1, v0;
	_ =	sdelay $0x1  }
0xe0: {  	v0 =	vmax.f32 v0, $0.0e+00  }
0xe1: {  	[tilespmem:s17+$0xFFFFFFD0] =	vst v0;
	v0 =	vld [tilespmem:s17+$0xFFFFFFE0]  }
0xe2: {  	v1 =	vld [tilespmem:s14+$0xFFFFFFE0];
	_ =	sdelay $0x4  }
0xe3: {  	v0 =	vadd.f32 v1, v0;
	_ =	sdelay $0x1  }
0xe4: {  	v0 =	vmax.f32 v0, $0.0e+00  }
0xe5: {  	[tilespmem:s17+$0xFFFFFFE0] =	vst v0;
	v0 =	vld [tilespmem:s17+$0xFFFFFFF0]  }
0xe6: {  	v1 =	vld [tilespmem:s14+$0xFFFFFFF0];
	_ =	sdelay $0x4  }
0xe7: {  	v0 =	vadd.f32 v1, v0;
	_ =	sdelay $0x1  }
0xe8: {  	v0 =	vmax.f32 v0, $0.0e+00  }
0xe9: {  	[tilespmem:s17+$0xFFFFFFF0] =	vst v0;
	v0 =	vld [tilespmem:s17+$0x0]  }
0xea: {  	v1 =	vld [tilespmem:s14+$0x0];
	_ =	sdelay $0x4  }
0xeb: {  	v0 =	vadd.f32 v1, v0;
	_ =	sdelay $0x1  }
0xec: {  	v0 =	vmax.f32 v0, $0.0e+00  }
0xed: {  	[tilespmem:s17+$0x0] =	vst v0;
	v0 =	vld [tilespmem:s17+$0x10]  }
0xee: {  	v1 =	vld [tilespmem:s14+$0x10];
	_ =	sdelay $0x4  }
0xef: {  	v0 =	vadd.f32 v1, v0;
	_ =	sdelay $0x1  }
0xf0: {  	v0 =	vmax.f32 v0, $0.0e+00  }
0xf1: {  	[tilespmem:s17+$0x10] =	vst v0;
	v0 =	vld [tilespmem:s17+$0x20]  }
0xf2: {  	v1 =	vld [tilespmem:s14+$0x20];
	_ =	sdelay $0x4  }
0xf3: {  	v0 =	vadd.f32 v1, v0;
	_ =	sdelay $0x1  }
0xf4: {  	v0 =	vmax.f32 v0, $0.0e+00  }
0xf5: {  	[tilespmem:s17+$0x20] =	vst v0;
	v0 =	vld [tilespmem:s17+$0x30]  }
0xf6: {  	v1 =	vld [tilespmem:s14+$0x30];
	_ =	sdelay $0x2  }
.Ltmp6:
0xf7: {  	(pc) =	sbr.rel @p2 .LBB2_4-.Ltmp6, $3  }
0xf8: {  	_ = 	snop  }
0xf9: {  	v0 =	vadd.f32 v1, v0;
	_ =	sdelay $0x1  }
0xfa: {  	s17 =	sadd.s32 $0x80, s17;
	v0 =	vmax.f32 v0, $0.0e+00  }
0xfb: {  	s4 =	sadd.s32 $0x1, s4  }
0xfc: {  	p2 =	sne.s32 s4, $0x271  }
.Ltmp7:
0xfd: {  	[tilespmem:s13+$0x30] =	vst v0;
	(pc) =	sbr.rel @p2 .LBB2_3-.Ltmp7, $4  }
0xfe: {  	[spmem:s1] =	stream.indirect.scatter.add.f32 [tilespmem:s30], [sflag:$0x2], $0x20, s24, s26, $0xb8;
	[tilespmem:$0x19B90] =	vst v63  }
0xff: {  	_ =	swait.ge [sflag:s23], $0xA00  }
0x100: {  	[sflag:s23] =	ssyncset.done $0x0  }
0x101: {  	[sflag:s23] =	ssyncadd.s32 $0xFFFFF600  }
0x102: {  	[bflag:$0x0] =	sbarrier.arrive $0xFFFF  }
0x103: {  	s4 =	simm.s32 @p1 $0x1FC2;
	s13 =	rddreg [dreg:$0x4]  }
0x104: {  	[hbm:s13], [sflag:s4] =	dma.local @p1 [spmem:s19], $0x3020  }
0x105: {  	s4 =	simm.s32 @p1 $0x2  }
0x106: {  	_ =	swait.ge @p1 [sflag:s4], $0x3020  }
0x107: {  	[sflag:s4] =	ssyncset.done @p1 $0x0  }
0x108: {  	[sflag:s4] =	ssyncadd.s32 @p1 $0xFFFFCFE0;
	s4 =	rddreg [dreg:$0x3]  }
0x109: {  	[hbm:s4], [sflag:s20] =	dma.local @!p1 [spmem:s0], $0x30E0  }
.Ltmp8:
0x10a: {  	_ = 	snop;
	(pc) =	sbr.rel .LBB2_12-.Ltmp8, $4  }
0x10b: {  	s0 =	simm.s32 @!p1 $0x2  }
0x10c: {  	_ =	swait.ge @!p1 [sflag:s0], $0x30E0  }
0x10d: {  	[sflag:s0] =	ssyncset.done @!p1 $0x0  }
0x10e: {  	[sflag:s0] =	ssyncadd.s32 @!p1 $0xFFFFCF20  }
.LBB2_13:
0x10f: {  	_ =	sfence.sel $0x180000  }
0x110: {  	[bflag:$0x0] =	sbarrier.arrive $0xFFFF  }
0x111: {  	_ =	strace $0x90000050  }
0x112: {  	s0 =	stileid.u32;
	[bflag:$0x2] =	sbarrier.arrive $0xFFFF  }
0x113: {  	p0 =	sne.s32 s0, $0x0;
	s0 =	rddreg [dreg:$0x2]  }
0x114: {  	s0 =	sadd.s32 @!p0 $0x100000, s0  }
0x115: {  	[sflag:s0] =	ssyncadd.tile.s32 @!p0 $0x1;
	_ =	shalt  }
.Lfunc_end2:
_tile_overlayer_lowered:
.L_overlay_start_2:
0x116: {  	(tag) =	ssettag $0x2  }
0x117: {  	s0 =	rddreg [dreg:$0x0];
	s2 =	stileid.u32  }
0x118: {  	s1 =	rddreg [dreg:$0x1];
	p0 =	sne.s32 s2, $0x0  }
0x119: {  	s3 =	rddreg [dreg:$0x2];
	[bflag:$0x3] =	sbarrier.arrive $0xFFFF;
	s2 =	simm.s32 @!p0 $0x1C02  }
0x11a: {  	[timem:s3], [sflag:s2] =	dma.local @!p0 [hbm:s0], s1  }
0x11b: {  	s0 =	simm.s32 @!p0 $0x2  }
0x11c: {  	_ =	swait.ge @!p0 [sflag:s0], s1  }
0x11d: {  	s1 =	ssub.s32 @!p0 $0x0, s1;
	[sflag:s0] =	ssyncset.done @!p0 $0x0  }
0x11e: {  	[sflag:s0] =	ssyncadd.s32 @!p0 s1  }
0x11f: {  	[bflag:$0x3] =	sbarrier.arrive $0xFFFF  }
0x120: {  	_ =	shalt  }

</sc_bundles>
